<compile_context>
chip_gen: v7x
topology: tpu7x:2x2x1
jax: 0.10.2.dev20260603
libtpu: 0.0.44.dev20260713+nightly
codegen_flags: <defaults>
</compile_context>

<pallas_src>
import functools

import jax
import jax.numpy as jnp
from jax import lax
from jax.experimental import pallas as pl
from jax.experimental.pallas import tpu as pltpu
from jax.experimental.pallas import tpu_sc as plsc

N = 50000
DF = 128
H = 64
HH = 32
E = 800000
B = 32
L = 2

NC = 2
NS = 16
K = 128
NBUF = 4

NCH = 392
IB = 28
NG = NCH // IB
E_PAD = NS * K * NCH
N_ACC = 51200
ROWS_PER_TILE = N_ACC // NS
ZCHUNKS = ROWS_PER_TILE // K

_LRELU_SLOPE = 0.01
_BN_SCALE = 1.0 / (1.0 + 1e-5) ** 0.5


def _lrelu(x):
    return jnp.where(x >= 0, x, _LRELU_SLOPE * x)



def _sc_segsum_layer(h_item, h_user, eidx_iu, eidx_ui):
    mesh = plsc.VectorSubcoreMesh(core_axis_name="c", subcore_axis_name="s",
                                  num_cores=NC, num_subcores=NS)

    @functools.partial(
        pl.kernel,
        out_type=[
            jax.ShapeDtypeStruct((NC, N_ACC, HH), jnp.float32),
            jax.ShapeDtypeStruct((NC, N_ACC, HH), jnp.float32),
        ],
        mesh=mesh,
        compiler_params=pltpu.CompilerParams(use_tc_tiling_on_sc=False),
        scratch_types=[
            pltpu.VMEM((IB, K), jnp.int32),
            pltpu.VMEM((IB, K), jnp.int32),
            pltpu.VMEM((NBUF, K, HH), jnp.float32),
            pltpu.VMEM((K, HH), jnp.float32),
            pltpu.VMEM_SHARED((N_ACC, HH), jnp.float32),
            pltpu.SemaphoreType.DMA((NBUF,)),
        ],
    )
    def ksc(h_item_r, h_user_r, eiu_r, eui_r, mu_out, mi_out,
            sidx, didx, rows, zbuf, acc, gsems):
        c = lax.axis_index("c")
        s = lax.axis_index("s")

        def _zb(i, carry):
            zbuf[i, pl.ds(0, 16)] = jnp.zeros((16,), jnp.float32)
            zbuf[i, pl.ds(16, 16)] = jnp.zeros((16,), jnp.float32)
            return carry
        lax.fori_loop(0, K, _zb, 0)

        def zero_acc():
            def _zc(k_, carry):
                row0 = s * ROWS_PER_TILE + k_ * K
                pltpu.sync_copy(zbuf, acc.at[pl.ds(row0, K)])
                return carry
            lax.fori_loop(0, ZCHUNKS, _zc, 0)

        def do_rel(tbl, edges, out):
            zero_acc()
            plsc.subcore_barrier()

            def start_gather(jj, b):
                pltpu.async_copy(tbl.at[c].at[sidx.at[jj]], rows.at[b],
                                 gsems.at[b])

            def wait_gather(b):
                pltpu.make_async_copy(tbl.at[c].at[sidx.at[0]], rows.at[b],
                                      gsems.at[b]).wait()

            def group(g, carry):
                pltpu.sync_copy(edges.at[0, s, pl.ds(g * IB, IB)], sidx)
                pltpu.sync_copy(edges.at[1, s, pl.ds(g * IB, IB)], didx)
                for b in range(NBUF):
                    start_gather(b, b)

                def ring(r, carry2):
                    for b in range(NBUF):
                        jj = r * NBUF + b
                        wait_gather(b)
                        pltpu.sync_copy(rows.at[b], acc.at[didx.at[jj]],
                                        add=True)

                        @pl.when(jj + NBUF < IB)
                        def _():
                            start_gather(jj + NBUF, b)
                    return carry2
                lax.fori_loop(0, IB // NBUF, ring, 0)
                return carry
            lax.fori_loop(0, NG, group, 0)

            plsc.subcore_barrier()
            row0 = s * ROWS_PER_TILE
            pltpu.sync_copy(acc.at[pl.ds(row0, ROWS_PER_TILE)],
                            out.at[c, pl.ds(row0, ROWS_PER_TILE)])
            plsc.subcore_barrier()

        do_rel(h_item_r, eiu_r, mu_out)
        do_rel(h_user_r, eui_r, mi_out)

    return ksc(h_item, h_user, eidx_iu, eidx_ui)



_R = 2000
_G = N // _R


def _split_store(h, out_ref):
    out_ref[0] = h[:, :HH]
    out_ref[1] = h[:, HH:]


def _tc_proj(x_item, x_user, Wi, bi, Wu, bu, gi, bbi, gu, bbu):
    def body(xi_ref, xu_ref, wi_ref, bi_ref, wu_ref, bu_ref,
             gi_ref, bbi_ref, gu_ref, bbu_ref, hi_ref, hu_ref):
        hi = jnp.dot(xi_ref[...], wi_ref[...], preferred_element_type=jnp.float32)
        hi = hi + bi_ref[...][None, :]
        hi = hi * (gi_ref[...] * _BN_SCALE)[None, :] + bbi_ref[...][None, :]
        _split_store(_lrelu(hi), hi_ref)
        hu = jnp.dot(xu_ref[...], wu_ref[...], preferred_element_type=jnp.float32)
        hu = hu + bu_ref[...][None, :]
        hu = hu * (gu_ref[...] * _BN_SCALE)[None, :] + bbu_ref[...][None, :]
        _split_store(_lrelu(hu), hu_ref)

    row_spec = pl.BlockSpec((_R, DF), lambda i: (i, 0))
    w_spec = pl.BlockSpec((DF, H), lambda i: (0, 0))
    v_spec = pl.BlockSpec((H,), lambda i: (0,))
    out_spec = pl.BlockSpec((NC, _R, HH), lambda i: (0, i, 0))
    return pl.pallas_call(
        body,
        grid=(_G,),
        in_specs=[row_spec, row_spec, w_spec, v_spec, w_spec, v_spec,
                  v_spec, v_spec, v_spec, v_spec],
        out_specs=[out_spec, out_spec],
        out_shape=[jax.ShapeDtypeStruct((NC, N, HH), jnp.float32)] * 2,
    )(x_item, x_user, Wi, bi, Wu, bu, gi, bbi, gu, bbu)



def _tc_conv(mu, mi, h_item, h_user,
             cWiu, cbiu, rWiu, cWui, cbui, rWui, gi, bbi, gu, bbu):
    def body(mu_ref, mi_ref, hi_ref, hu_ref,
             cWiu_ref, cbiu_ref, rWiu_ref, cWui_ref, cbui_ref, rWui_ref,
             gi_ref, bbi_ref, gu_ref, bbu_ref, hi_o, hu_o):
        dot = functools.partial(jnp.dot, preferred_element_type=jnp.float32)
        cWiu_ = cWiu_ref[...]
        rWiu_ = rWiu_ref[...]
        cWui_ = cWui_ref[...]
        rWui_ = rWui_ref[...]
        out_u = (dot(mu_ref[0], cWiu_[:HH]) + dot(mu_ref[1], cWiu_[HH:])
                 + dot(hu_ref[0], rWiu_[:HH]) + dot(hu_ref[1], rWiu_[HH:])
                 + cbiu_ref[...][None, :])
        out_u = _lrelu(out_u * (gu_ref[...] * _BN_SCALE)[None, :]
                       + bbu_ref[...][None, :])
        _split_store(out_u, hu_o)
        out_i = (dot(mi_ref[0], cWui_[:HH]) + dot(mi_ref[1], cWui_[HH:])
                 + dot(hi_ref[0], rWui_[:HH]) + dot(hi_ref[1], rWui_[HH:])
                 + cbui_ref[...][None, :])
        out_i = _lrelu(out_i * (gi_ref[...] * _BN_SCALE)[None, :]
                       + bbi_ref[...][None, :])
        _split_store(out_i, hi_o)

    m_spec = pl.BlockSpec((NC, _R, HH), lambda i: (0, i, 0))
    h_spec = pl.BlockSpec((NC, _R, HH), lambda i: (0, i, 0))
    w_spec = pl.BlockSpec((H, H), lambda i: (0, 0))
    v_spec = pl.BlockSpec((H,), lambda i: (0,))
    return pl.pallas_call(
        body,
        grid=(_G,),
        in_specs=[m_spec, m_spec, h_spec, h_spec,
                  w_spec, v_spec, w_spec, w_spec, v_spec, w_spec,
                  v_spec, v_spec, v_spec, v_spec],
        out_specs=[h_spec, h_spec],
        out_shape=[jax.ShapeDtypeStruct((NC, N, HH), jnp.float32)] * 2,
    )(mu, mi, h_item, h_user,
      cWiu, cbiu, rWiu, cWui, cbui, rWui, gi, bbi, gu, bbu)



def _tc_pool_mlp(h_item, h_user, batch_item2, batch_user2,
                 mlp_W, mlp_b, lin_W, lin_b):
    NEG = -3.0e38

    def body(hi_ref, hu_ref, bi_ref, bu_ref,
             mlpW_ref, mlpb_ref, linW_ref, linb_ref,
             out_ref, sum_i, max_i, sum_u, max_u):
        step = pl.program_id(0)

        @pl.when(step == 0)
        def _():
            sum_i[...] = jnp.zeros((B, H + 8), jnp.float32)
            sum_u[...] = jnp.zeros((B, H + 8), jnp.float32)
            max_i[...] = jnp.full((B, H), NEG, jnp.float32)
            max_u[...] = jnp.full((B, H), NEG, jnp.float32)

        iota_b = lax.broadcasted_iota(jnp.int32, (1, B), 1)

        def accumulate(h_ref, b_ref, sum_ref, max_ref):
            h = jnp.concatenate([h_ref[0], h_ref[1]], axis=1)
            bids = b_ref[...]
            oh = (bids == iota_b).astype(jnp.float32)
            hx = jnp.concatenate(
                [h, jnp.ones((_R, 8), jnp.float32)], axis=1)
            sum_ref[...] += lax.dot_general(
                oh, hx, (((0,), (0,)), ((), ())),
                preferred_element_type=jnp.float32,
                precision=lax.Precision.HIGHEST)
            bmin = b_ref[0, 0]
            bmax = b_ref[_R - 1, 0]
            for b in range(B):
                @pl.when((bmin <= b) & (b <= bmax))
                def _():
                    mrow = jnp.max(jnp.where(bids == b, h, NEG), axis=0)
                    max_ref[b, :] = jnp.maximum(max_ref[b, :], mrow)

        accumulate(hi_ref, bi_ref, sum_i, max_i)
        accumulate(hu_ref, bu_ref, sum_u, max_u)

        @pl.when(step == _G - 1)
        def _():
            def finish(sum_ref, max_ref):
                cnt = sum_ref[:, H:H + 1]
                mean = sum_ref[:, :H] / jnp.maximum(cnt, 1.0)
                mean = jnp.where(cnt > 0, mean, 0.0)
                mx = jnp.where(cnt > 0, max_ref[...], 0.0)
                return mean, mx
            mean_i, mx_i = finish(sum_i, max_i)
            mean_u, mx_u = finish(sum_u, max_u)
            rep = jnp.concatenate([mean_i, mx_i, mean_u, mx_u], axis=1)
            hid = jnp.dot(rep, mlpW_ref[...], preferred_element_type=jnp.float32)
            hid = hid + mlpb_ref[...][None, :]
            out = (jnp.dot(hid, linW_ref[...],
                           preferred_element_type=jnp.float32)
                   + linb_ref[...][None, :])
            out_ref[...] = out

    h_spec = pl.BlockSpec((NC, _R, HH), lambda i: (0, i, 0))
    b_spec = pl.BlockSpec((_R, 1), lambda i: (i, 0))
    return pl.pallas_call(
        body,
        grid=(_G,),
        in_specs=[h_spec, h_spec, b_spec, b_spec,
                  pl.BlockSpec((4 * H, H), lambda i: (0, 0)),
                  pl.BlockSpec((H,), lambda i: (0,)),
                  pl.BlockSpec((H, 1), lambda i: (0, 0)),
                  pl.BlockSpec((1,), lambda i: (0,))],
        out_specs=pl.BlockSpec((B, 1), lambda i: (0, 0)),
        out_shape=jax.ShapeDtypeStruct((B, 1), jnp.float32),
        scratch_shapes=[pltpu.VMEM((B, H + 8), jnp.float32),
                        pltpu.VMEM((B, H), jnp.float32),
                        pltpu.VMEM((B, H + 8), jnp.float32),
                        pltpu.VMEM((B, H), jnp.float32)],
    )(h_item, h_user, batch_item2, batch_user2,
      mlp_W, mlp_b, lin_W, lin_b)



def _pad_edges(edge_index):
    pad = E_PAD - E
    src = jnp.concatenate([edge_index[0], jnp.zeros((pad,), jnp.int32)])
    dst = jnp.concatenate([edge_index[1], jnp.full((pad,), N, jnp.int32)])
    return jnp.stack([src.reshape(NS, NCH, K), dst.reshape(NS, NCH, K)])


def kernel(x_item, x_user, edge_index_item_user, edge_index_user_item,
           batch_item, batch_user,
           proj_W_item, proj_b_item, proj_W_user, proj_b_user,
           bn_g_item, bn_b_item, bn_g_user, bn_b_user,
           convW_iu, convb_iu, rootW_iu,
           convW_ui, convb_ui, rootW_ui,
           mlp_W, mlp_b, lin_W, lin_b):
    eidx_iu = _pad_edges(edge_index_item_user)
    eidx_ui = _pad_edges(edge_index_user_item)

    h_item, h_user = _tc_proj(
        x_item, x_user, proj_W_item, proj_b_item, proj_W_user, proj_b_user,
        bn_g_item, bn_b_item, bn_g_user, bn_b_user)

    for l in range(L):
        mu, mi = _sc_segsum_layer(h_item, h_user, eidx_iu, eidx_ui)
        h_item, h_user = _tc_conv(
            mu, mi, h_item, h_user,
            convW_iu[l], convb_iu[l], rootW_iu[l],
            convW_ui[l], convb_ui[l], rootW_ui[l],
            bn_g_item, bn_b_item, bn_g_user, bn_b_user)

    batch_item2 = batch_item.reshape(N, 1)
    batch_user2 = batch_user.reshape(N, 1)
    return _tc_pool_mlp(h_item, h_user, batch_item2, batch_user2,
                        mlp_W, mlp_b, lin_W, lin_b)

# --- scband reference (transcript-rebuilt; emitter-appended) ---
"""Pipeline reference for scband-hetero-gnn-graph-conv-55327768707100 (READ-ONLY COPY).

The authoritative reference and input builder live on the scoring server;
editing this copy changes nothing except your own understanding.
"""

import jax, jax.numpy as jnp
import numpy as np

N = 50000
DF = 128
H = 64
E = 800000
B = 32
L = 2


def setup_inputs(seed: int = 0) -> dict:
    key = jax.random.key(seed)
    ks = jax.random.split(key, 16)

    def nrm(k, shape, s=0.05):
        return jax.random.normal(k, shape, dtype=jnp.float32) * s

    inp = {}
    inp['x_item'] = jax.random.normal(ks[0], (N, DF), dtype=jnp.float32)
    inp['x_user'] = jax.random.normal(ks[1], (N, DF), dtype=jnp.float32)
    inp['edge_index_item_user'] = jax.random.randint(ks[2], (2, E), 0, N, dtype=jnp.int32)
    inp['edge_index_user_item'] = jax.random.randint(ks[3], (2, E), 0, N, dtype=jnp.int32)
    inp['batch_item'] = jnp.sort(jax.random.randint(ks[4], (N,), 0, B, dtype=jnp.int32))
    inp['batch_user'] = jnp.sort(jax.random.randint(ks[5], (N,), 0, B, dtype=jnp.int32))
    inp['proj_W_item'] = nrm(ks[6], (DF, H))
    inp['proj_b_item'] = jnp.zeros((H,), jnp.float32)
    inp['proj_W_user'] = nrm(ks[7], (DF, H))
    inp['proj_b_user'] = jnp.zeros((H,), jnp.float32)
    inp['bn_g_item'] = jnp.ones((H,), jnp.float32)
    inp['bn_b_item'] = jnp.zeros((H,), jnp.float32)
    inp['bn_g_user'] = jnp.ones((H,), jnp.float32)
    inp['bn_b_user'] = jnp.zeros((H,), jnp.float32)
    inp['convW_iu'] = nrm(ks[8], (L, H, H))
    inp['convb_iu'] = jnp.zeros((L, H), jnp.float32)
    inp['rootW_iu'] = nrm(ks[9], (L, H, H))
    inp['convW_ui'] = nrm(ks[10], (L, H, H))
    inp['convb_ui'] = jnp.zeros((L, H), jnp.float32)
    inp['rootW_ui'] = nrm(ks[11], (L, H, H))
    inp['mlp_W'] = nrm(ks[12], (4 * H, H))
    inp['mlp_b'] = jnp.zeros((H,), jnp.float32)
    inp['lin_W'] = nrm(ks[13], (H, 1))
    inp['lin_b'] = jnp.zeros((1,), jnp.float32)
    return inp


def _bn(x, g, b):
    # eval-mode BatchNorm with running_mean=0, running_var=1
    return x * (g / jnp.sqrt(1.0 + 1e-5)) + b


def _lrelu(x):
    return jnp.where(x >= 0, x, 0.01 * x)


def _pool(h, batch):
    cnt = jax.ops.segment_sum(jnp.ones((h.shape[0],), jnp.float32), batch, num_segments=B)
    s = jax.ops.segment_sum(h, batch, num_segments=B)
    mean = s / jnp.maximum(cnt, 1.0)[:, None]
    mean = jnp.where(cnt[:, None] > 0, mean, 0.0)
    mx = jax.ops.segment_max(h, batch, num_segments=B)
    mx = jnp.where(cnt[:, None] > 0, mx, 0.0)
    return jnp.concatenate([mean, mx], axis=1)


def reference(x_item, x_user, edge_index_item_user, edge_index_user_item,
              batch_item, batch_user,
              proj_W_item, proj_b_item, proj_W_user, proj_b_user,
              bn_g_item, bn_b_item, bn_g_user, bn_b_user,
              convW_iu, convb_iu, rootW_iu,
              convW_ui, convb_ui, rootW_ui,
              mlp_W, mlp_b, lin_W, lin_b):
    # per-type projection + shared BN + leaky relu (eval: dropout = identity)
    h_item = _lrelu(_bn(x_item @ proj_W_item + proj_b_item, bn_g_item, bn_b_item))
    h_user = _lrelu(_bn(x_user @ proj_W_user + proj_b_user, bn_g_user, bn_b_user))
    for l in range(L):
        # GraphConv per relation: lin_rel(sum-aggregated src msgs) + lin_root(dst)
        msg_u = jax.ops.segment_sum(h_item[edge_index_item_user[0]], edge_index_item_user[1], num_segments=N)
        out_user = msg_u @ convW_iu[l] + convb_iu[l] + h_user @ rootW_iu[l]
        msg_i = jax.ops.segment_sum(h_user[edge_index_user_item[0]], edge_index_user_item[1], num_segments=N)
        out_item = msg_i @ convW_ui[l] + convb_ui[l] + h_item @ rootW_ui[l]
        h_item = _lrelu(_bn(out_item, bn_g_item, bn_b_item))
        h_user = _lrelu(_bn(out_user, bn_g_user, bn_b_user))
    # mean||max pooling per node type, node types sorted: [item, user]
    rep = jnp.concatenate([_pool(h_item, batch_item), _pool(h_user, batch_user)], axis=1)
    hid = rep @ mlp_W + mlp_b
    return hid @ lin_W + lin_b

if __name__ == "__main__":
    import jax
    _d = setup_inputs()
    print(jax.jit(kernel)(*tuple(_d.values())))

</pallas_src>

<mosaic_0001>
#map = affine_map<(d0, d1) -> (0, 0, 0)>
#map1 = affine_map<(d0, d1) -> (0, 0, 0, 0)>
module attributes {stable_mosaic.version = 14 : i64} {
  func.func @ksc(%arg0: i32, %arg1: i32, %arg2: memref<2x50000x32xf32, #tpu.memory_space<hbm>>, %arg3: memref<2x50000x32xf32, #tpu.memory_space<hbm>>, %arg4: memref<2x16x392x128xi32, #tpu.memory_space<hbm>>, %arg5: memref<2x16x392x128xi32, #tpu.memory_space<hbm>>, %arg6: memref<2x51200x32xf32, #tpu.memory_space<hbm>>, %arg7: memref<2x51200x32xf32, #tpu.memory_space<hbm>>, %arg8: memref<28x128xi32, #tpu.memory_space<vmem>>, %arg9: memref<28x128xi32, #tpu.memory_space<vmem>>, %arg10: memref<4x128x32xf32, #tpu.memory_space<vmem>>, %arg11: memref<128x32xf32, #tpu.memory_space<vmem>>, %arg12: memref<51200x32xf32, #tpu.memory_space<vmem_shared>>, %arg13: memref<4x!tpu.dma_semaphore, #tpu.memory_space<semaphore_mem>>) attributes {dimension_semantics = [#tpu.dimension_semantics<core_parallel>, #tpu.dimension_semantics<subcore_parallel>], iteration_bounds = array<i64: 2, 16>, scalar_prefetch = 0 : i64, scratch_operands = 6 : i64, tpu.core_type = #tpu.core_type<sc_vector_subcore>, window_params = [{transform_indices = #map}, {transform_indices = #map}, {transform_indices = #map1}, {transform_indices = #map1}, {transform_indices = #map}, {transform_indices = #map}]} {
    %scan3A = arith.constant 0 : i32
    %scan3A_0 = arith.constant 0 : i32
    %scan3A_1 = arith.constant 128 : i32
    %scan3A_2 = arith.addi %scan3A_0, %scan3A_1 : i32
    %scan3A_3 = arith.constant 1 : i32
    scf.for %scan3A_37 = %scan3A_0 to %scan3A_2 step %scan3A_3  : i32 {
      %broadcast_in_dim3A = arith.constant 0.000000e+00 : f32
      %broadcast_in_dim3A_38 = vector.broadcast %broadcast_in_dim3A : f32 to vector<16xf32>
      %swap3A = arith.index_cast %scan3A_37 : i32 to index
      %swap3A_39 = arith.constant 0 : index
      %swap3A_40 = tpu.vector_load %arg11[%swap3A, %swap3A_39] {strides = array<i32>} : memref<128x32xf32, #tpu.memory_space<vmem>>, vector<1x16xf32>,
      %swap3A_41 = vector.shape_cast %swap3A_40 : vector<1x16xf32> to vector<16xf32>
      %swap3A_42 = vector.shape_cast %broadcast_in_dim3A_38 : vector<16xf32> to vector<1x16xf32>
      tpu.vector_store %arg11[%swap3A, %swap3A_39], %swap3A_42 {strides = array<i32>} : memref<128x32xf32, #tpu.memory_space<vmem>>, vector<1x16xf32>,
      %broadcast_in_dim3A_43 = arith.constant 0.000000e+00 : f32
      %broadcast_in_dim3A_44 = vector.broadcast %broadcast_in_dim3A_43 : f32 to vector<16xf32>
      %swap3A_45 = arith.index_cast %scan3A_37 : i32 to index
      %swap3A_46 = arith.constant 16 : index
      %swap3A_47 = tpu.vector_load %arg11[%swap3A_45, %swap3A_46] {strides = array<i32>} : memref<128x32xf32, #tpu.memory_space<vmem>>, vector<1x16xf32>,
      %swap3A_48 = vector.shape_cast %swap3A_47 : vector<1x16xf32> to vector<16xf32>
      %swap3A_49 = vector.shape_cast %broadcast_in_dim3A_44 : vector<16xf32> to vector<1x16xf32>
      tpu.vector_store %arg11[%swap3A_45, %swap3A_46], %swap3A_49 {strides = array<i32>} : memref<128x32xf32, #tpu.memory_space<vmem>>, vector<1x16xf32>,
    }
    %scan3A_4 = arith.constant 128 : i32
    %scan3A_5 = arith.constant 0 : i32
    %scan3A_6 = arith.constant 0 : i32
    %scan3A_7 = arith.constant 25 : i32
    %scan3A_8 = arith.addi %scan3A_6, %scan3A_7 : i32
    %scan3A_9 = arith.constant 1 : i32
    scf.for %scan3A_37 = %scan3A_6 to %scan3A_8 step %scan3A_9  : i32 {
      %mul3A_38 = arith.constant 3200 : i32
      %mul3A_39 = arith.muli %arg1, %mul3A_38 : i32
      %mul3A_40 = arith.constant 128 : i32
      %mul3A_41 = arith.muli %scan3A_37, %mul3A_40 : i32
      %add3A = arith.addi %mul3A_39, %mul3A_41 : i32
      "tpu.region"() ({
        %run_scoped3A = tpu.sem_alloc : memref<!tpu.dma_semaphore, #tpu.memory_space<semaphore_mem>>
        %dma_start3A = arith.constant 0 : i32
        %dma_start3A_42 = tpu.memref_slice %arg12[%add3A, %dma_start3A] : memref<51200x32xf32, #tpu.memory_space<vmem_shared>> -> memref<128x32xf32, #tpu.memory_space<vmem_shared>>
        %dma_start3A_43 = arith.constant 0 : i32
        %dma_start3A_44 = tpu.memref_slice %arg12[%add3A, %dma_start3A_43] : memref<51200x32xf32, #tpu.memory_space<vmem_shared>> -> memref<128x32xf32, #tpu.memory_space<vmem_shared>>
        tpu.enqueue_dma source(%arg11 : memref<128x32xf32, #tpu.memory_space<vmem>>) target(%dma_start3A_44 : memref<128x32xf32, #tpu.memory_space<vmem_shared>>) target_semaphore(%run_scoped3A : memref<!tpu.dma_semaphore, #tpu.memory_space<semaphore_mem>>)
        %dma_wait3A = arith.constant 0 : i32
        %dma_wait3A_45 = tpu.memref_slice %arg12[%add3A, %dma_wait3A] : memref<51200x32xf32, #tpu.memory_space<vmem_shared>> -> memref<128x32xf32, #tpu.memory_space<vmem_shared>>
        %dma_wait3A_46 = arith.constant 0 : i32
        %dma_wait3A_47 = tpu.memref_slice %arg12[%add3A, %dma_wait3A_46] : memref<51200x32xf32, #tpu.memory_space<vmem_shared>> -> memref<128x32xf32, #tpu.memory_space<vmem_shared>>
        tpu.wait_dma2 semaphore(%run_scoped3A : memref<!tpu.dma_semaphore, #tpu.memory_space<semaphore_mem>>) src(%arg11 : memref<128x32xf32, #tpu.memory_space<vmem>>) dst(%dma_wait3A_47 : memref<128x32xf32, #tpu.memory_space<vmem_shared>>)
        tpu.yield
      }) : () -> ()
    }
    %scan3A_10 = arith.constant 25 : i32
    %barrier3A = arith.constant 0 : index
    tpu.barrier barrier_id(%barrier3A)
    %scan3A_11 = arith.constant 0 : i32
    %scan3A_12 = arith.constant 0 : i32
    %scan3A_13 = arith.constant 14 : i32
    %scan3A_14 = arith.addi %scan3A_12, %scan3A_13 : i32
    %scan3A_15 = arith.constant 1 : i32
    scf.for %scan3A_37 = %scan3A_12 to %scan3A_14 step %scan3A_15  : i32 {
      %mul3A_38 = arith.constant 28 : i32
      %mul3A_39 = arith.muli %scan3A_37, %mul3A_38 : i32
      %run_scoped3A = arith.constant 0 : i32
      "tpu.region"() ({
        %run_scoped3A_124 = tpu.sem_alloc : memref<!tpu.dma_semaphore, #tpu.memory_space<semaphore_mem>>
        %dma_start3A_125 = arith.constant 0 : i32
        %dma_start3A_126 = tpu.memref_slice %arg4[%run_scoped3A, %arg1, %mul3A_39, %dma_start3A_125] : memref<2x16x392x128xi32, #tpu.memory_space<hbm>> -> memref<1x1x28x128xi32, #tpu.memory_space<hbm>>
        %dma_start3A_127 = tpu.memref_squeeze %dma_start3A_126 : memref<1x1x28x128xi32, #tpu.memory_space<hbm>> -> memref<28x128xi32, #tpu.memory_space<hbm>>
        %dma_start3A_128 = arith.constant 0 : i32
        %dma_start3A_129 = tpu.memref_slice %arg4[%run_scoped3A, %arg1, %mul3A_39, %dma_start3A_128] : memref<2x16x392x128xi32, #tpu.memory_space<hbm>> -> memref<1x1x28x128xi32, #tpu.memory_space<hbm>>
        %dma_start3A_130 = tpu.memref_squeeze %dma_start3A_129 : memref<1x1x28x128xi32, #tpu.memory_space<hbm>> -> memref<28x128xi32, #tpu.memory_space<hbm>>
        tpu.enqueue_dma source(%dma_start3A_130 : memref<28x128xi32, #tpu.memory_space<hbm>>) target(%arg8 : memref<28x128xi32, #tpu.memory_space<vmem>>) target_semaphore(%run_scoped3A_124 : memref<!tpu.dma_semaphore, #tpu.memory_space<semaphore_mem>>)
        %dma_wait3A = arith.constant 0 : i32
        %dma_wait3A_131 = tpu.memref_slice %arg4[%run_scoped3A, %arg1, %mul3A_39, %dma_wait3A] : memref<2x16x392x128xi32, #tpu.memory_space<hbm>> -> memref<1x1x28x128xi32, #tpu.memory_space<hbm>>
        %dma_wait3A_132 = tpu.memref_squeeze %dma_wait3A_131 : memref<1x1x28x128xi32, #tpu.memory_space<hbm>> -> memref<28x128xi32, #tpu.memory_space<hbm>>
        %dma_wait3A_133 = arith.constant 0 : i32
        %dma_wait3A_134 = tpu.memref_slice %arg4[%run_scoped3A, %arg1, %mul3A_39, %dma_wait3A_133] : memref<2x16x392x128xi32, #tpu.memory_space<hbm>> -> memref<1x1x28x128xi32, #tpu.memory_space<hbm>>
        %dma_wait3A_135 = tpu.memref_squeeze %dma_wait3A_134 : memref<1x1x28x128xi32, #tpu.memory_space<hbm>> -> memref<28x128xi32, #tpu.memory_space<hbm>>
        tpu.wait_dma2 semaphore(%run_scoped3A_124 : memref<!tpu.dma_semaphore, #tpu.memory_space<semaphore_mem>>) src(%dma_wait3A_135 : memref<28x128xi32, #tpu.memory_space<hbm>>) dst(%arg8 : memref<28x128xi32, #tpu.memory_space<vmem>>)
        tpu.yield
      }) : () -> ()
      %mul3A_40 = arith.constant 28 : i32
      %mul3A_41 = arith.muli %scan3A_37, %mul3A_40 : i32
      %run_scoped3A_42 = arith.constant 1 : i32
      "tpu.region"() ({
        %run_scoped3A_124 = tpu.sem_alloc : memref<!tpu.dma_semaphore, #tpu.memory_space<semaphore_mem>>
        %dma_start3A_125 = arith.constant 0 : i32
        %dma_start3A_126 = tpu.memref_slice %arg4[%run_scoped3A_42, %arg1, %mul3A_41, %dma_start3A_125] : memref<2x16x392x128xi32, #tpu.memory_space<hbm>> -> memref<1x1x28x128xi32, #tpu.memory_space<hbm>>
        %dma_start3A_127 = tpu.memref_squeeze %dma_start3A_126 : memref<1x1x28x128xi32, #tpu.memory_space<hbm>> -> memref<28x128xi32, #tpu.memory_space<hbm>>
        %dma_start3A_128 = arith.constant 0 : i32
        %dma_start3A_129 = tpu.memref_slice %arg4[%run_scoped3A_42, %arg1, %mul3A_41, %dma_start3A_128] : memref<2x16x392x128xi32, #tpu.memory_space<hbm>> -> memref<1x1x28x128xi32, #tpu.memory_space<hbm>>
        %dma_start3A_130 = tpu.memref_squeeze %dma_start3A_129 : memref<1x1x28x128xi32, #tpu.memory_space<hbm>> -> memref<28x128xi32, #tpu.memory_space<hbm>>
        tpu.enqueue_dma source(%dma_start3A_130 : memref<28x128xi32, #tpu.memory_space<hbm>>) target(%arg9 : memref<28x128xi32, #tpu.memory_space<vmem>>) target_semaphore(%run_scoped3A_124 : memref<!tpu.dma_semaphore, #tpu.memory_space<semaphore_mem>>)
        %dma_wait3A = arith.constant 0 : i32
        %dma_wait3A_131 = tpu.memref_slice %arg4[%run_scoped3A_42, %arg1, %mul3A_41, %dma_wait3A] : memref<2x16x392x128xi32, #tpu.memory_space<hbm>> -> memref<1x1x28x128xi32, #tpu.memory_space<hbm>>
        %dma_wait3A_132 = tpu.memref_squeeze %dma_wait3A_131 : memref<1x1x28x128xi32, #tpu.memory_space<hbm>> -> memref<28x128xi32, #tpu.memory_space<hbm>>
        %dma_wait3A_133 = arith.constant 0 : i32
        %dma_wait3A_134 = tpu.memref_slice %arg4[%run_scoped3A_42, %arg1, %mul3A_41, %dma_wait3A_133] : memref<2x16x392x128xi32, #tpu.memory_space<hbm>> -> memref<1x1x28x128xi32, #tpu.memory_space<hbm>>
        %dma_wait3A_135 = tpu.memref_squeeze %dma_wait3A_134 : memref<1x1x28x128xi32, #tpu.memory_space<hbm>> -> memref<28x128xi32, #tpu.memory_space<hbm>>
        tpu.wait_dma2 semaphore(%run_scoped3A_124 : memref<!tpu.dma_semaphore, #tpu.memory_space<semaphore_mem>>) src(%dma_wait3A_135 : memref<28x128xi32, #tpu.memory_space<hbm>>) dst(%arg9 : memref<28x128xi32, #tpu.memory_space<vmem>>)
        tpu.yield
      }) : () -> ()
      %dma_start3A = arith.constant 0 : i32
      %dma_start3A_43 = arith.constant 0 : i32
      %dma_start3A_44 = arith.constant 0 : i32
      %dma_start3A_45 = arith.constant 0 : i32
      %dma_start3A_46 = arith.constant 0 : i32
      %dma_start3A_47 = tpu.memref_slice %arg10[%dma_start3A_43, %dma_start3A_45, %dma_start3A_46] : memref<4x128x32xf32, #tpu.memory_space<vmem>> -> memref<1x128x32xf32, #tpu.memory_space<vmem>>
      %dma_start3A_48 = tpu.memref_squeeze %dma_start3A_47 : memref<1x128x32xf32, #tpu.memory_space<vmem>> -> memref<128x32xf32, #tpu.memory_space<vmem>>
      %dma_start3A_49 = arith.constant 0 : i32
      %dma_start3A_50 = tpu.memref_slice %arg8[%dma_start3A, %dma_start3A_49] : memref<28x128xi32, #tpu.memory_space<vmem>> -> memref<1x128xi32, #tpu.memory_space<vmem>>
      %dma_start3A_51 = tpu.memref_squeeze %dma_start3A_50 : memref<1x128xi32, #tpu.memory_space<vmem>> -> memref<128xi32, #tpu.memory_space<vmem>>
      %dma_start3A_52 = arith.constant 0 : i32
      %dma_start3A_53 = arith.constant 0 : i32
      %dma_start3A_54 = tpu.memref_slice %arg2[%arg0, %dma_start3A_52, %dma_start3A_53] : memref<2x50000x32xf32, #tpu.memory_space<hbm>> -> memref<1x50000x32xf32, #tpu.memory_space<hbm>>
      %dma_start3A_55 = tpu.memref_squeeze %dma_start3A_54 : memref<1x50000x32xf32, #tpu.memory_space<hbm>> -> memref<50000x32xf32, #tpu.memory_space<hbm>>
      %dma_start3A_56 = arith.constant 0 : i32
      %dma_start3A_57 = arith.constant 0 : i32
      %dma_start3A_58 = tpu.memref_slice %dma_start3A_55[%dma_start3A_56, %dma_start3A_57] : memref<50000x32xf32, #tpu.memory_space<hbm>> -> memref<50000x32xf32, #tpu.memory_space<hbm>>
      %dma_start3A_59 = tpu.memref_slice %arg13[%dma_start3A_44] : memref<4x!tpu.dma_semaphore, #tpu.memory_space<semaphore_mem>> -> memref<1x!tpu.dma_semaphore, #tpu.memory_space<semaphore_mem>>
      %dma_start3A_60 = tpu.memref_squeeze %dma_start3A_59 : memref<1x!tpu.dma_semaphore, #tpu.memory_space<semaphore_mem>> -> memref<!tpu.dma_semaphore, #tpu.memory_space<semaphore_mem>>
      tpu.enqueue_indirect_dma source(%dma_start3A_58 : memref<50000x32xf32, #tpu.memory_space<hbm>>) target(%dma_start3A_48 : memref<128x32xf32, #tpu.memory_space<vmem>>) offsets(%dma_start3A_51 : memref<128xi32, #tpu.memory_space<vmem>>) semaphore(%dma_start3A_60 : memref<!tpu.dma_semaphore, #tpu.memory_space<semaphore_mem>>)
      %dma_start3A_61 = arith.constant 1 : i32
      %dma_start3A_62 = arith.constant 1 : i32
      %dma_start3A_63 = arith.constant 1 : i32
      %dma_start3A_64 = arith.constant 0 : i32
      %dma_start3A_65 = arith.constant 0 : i32
      %dma_start3A_66 = tpu.memref_slice %arg10[%dma_start3A_62, %dma_start3A_64, %dma_start3A_65] : memref<4x128x32xf32, #tpu.memory_space<vmem>> -> memref<1x128x32xf32, #tpu.memory_space<vmem>>
      %dma_start3A_67 = tpu.memref_squeeze %dma_start3A_66 : memref<1x128x32xf32, #tpu.memory_space<vmem>> -> memref<128x32xf32, #tpu.memory_space<vmem>>
      %dma_start3A_68 = arith.constant 0 : i32
      %dma_start3A_69 = tpu.memref_slice %arg8[%dma_start3A_61, %dma_start3A_68] : memref<28x128xi32, #tpu.memory_space<vmem>> -> memref<1x128xi32, #tpu.memory_space<vmem>>
      %dma_start3A_70 = tpu.memref_squeeze %dma_start3A_69 : memref<1x128xi32, #tpu.memory_space<vmem>> -> memref<128xi32, #tpu.memory_space<vmem>>
      %dma_start3A_71 = arith.constant 0 : i32
      %dma_start3A_72 = arith.constant 0 : i32
      %dma_start3A_73 = tpu.memref_slice %arg2[%arg0, %dma_start3A_71, %dma_start3A_72] : memref<2x50000x32xf32, #tpu.memory_space<hbm>> -> memref<1x50000x32xf32, #tpu.memory_space<hbm>>
      %dma_start3A_74 = tpu.memref_squeeze %dma_start3A_73 : memref<1x50000x32xf32, #tpu.memory_space<hbm>> -> memref<50000x32xf32, #tpu.memory_space<hbm>>
      %dma_start3A_75 = arith.constant 0 : i32
      %dma_start3A_76 = arith.constant 0 : i32
      %dma_start3A_77 = tpu.memref_slice %dma_start3A_74[%dma_start3A_75, %dma_start3A_76] : memref<50000x32xf32, #tpu.memory_space<hbm>> -> memref<50000x32xf32, #tpu.memory_space<hbm>>
      %dma_start3A_78 = tpu.memref_slice %arg13[%dma_start3A_63] : memref<4x!tpu.dma_semaphore, #tpu.memory_space<semaphore_mem>> -> memref<1x!tpu.dma_semaphore, #tpu.memory_space<semaphore_mem>>
      %dma_start3A_79 = tpu.memref_squeeze %dma_start3A_78 : memref<1x!tpu.dma_semaphore, #tpu.memory_space<semaphore_mem>> -> memref<!tpu.dma_semaphore, #tpu.memory_space<semaphore_mem>>
      tpu.enqueue_indirect_dma source(%dma_start3A_77 : memref<50000x32xf32, #tpu.memory_space<hbm>>) target(%dma_start3A_67 : memref<128x32xf32, #tpu.memory_space<vmem>>) offsets(%dma_start3A_70 : memref<128xi32, #tpu.memory_space<vmem>>) semaphore(%dma_start3A_79 : memref<!tpu.dma_semaphore, #tpu.memory_space<semaphore_mem>>)
      %dma_start3A_80 = arith.constant 2 : i32
      %dma_start3A_81 = arith.constant 2 : i32
      %dma_start3A_82 = arith.constant 2 : i32
      %dma_start3A_83 = arith.constant 0 : i32
      %dma_start3A_84 = arith.constant 0 : i32
      %dma_start3A_85 = tpu.memref_slice %arg10[%dma_start3A_81, %dma_start3A_83, %dma_start3A_84] : memref<4x128x32xf32, #tpu.memory_space<vmem>> -> memref<1x128x32xf32, #tpu.memory_space<vmem>>
      %dma_start3A_86 = tpu.memref_squeeze %dma_start3A_85 : memref<1x128x32xf32, #tpu.memory_space<vmem>> -> memref<128x32xf32, #tpu.memory_space<vmem>>
      %dma_start3A_87 = arith.constant 0 : i32
      %dma_start3A_88 = tpu.memref_slice %arg8[%dma_start3A_80, %dma_start3A_87] : memref<28x128xi32, #tpu.memory_space<vmem>> -> memref<1x128xi32, #tpu.memory_space<vmem>>
      %dma_start3A_89 = tpu.memref_squeeze %dma_start3A_88 : memref<1x128xi32, #tpu.memory_space<vmem>> -> memref<128xi32, #tpu.memory_space<vmem>>
      %dma_start3A_90 = arith.constant 0 : i32
      %dma_start3A_91 = arith.constant 0 : i32
      %dma_start3A_92 = tpu.memref_slice %arg2[%arg0, %dma_start3A_90, %dma_start3A_91] : memref<2x50000x32xf32, #tpu.memory_space<hbm>> -> memref<1x50000x32xf32, #tpu.memory_space<hbm>>
      %dma_start3A_93 = tpu.memref_squeeze %dma_start3A_92 : memref<1x50000x32xf32, #tpu.memory_space<hbm>> -> memref<50000x32xf32, #tpu.memory_space<hbm>>
      %dma_start3A_94 = arith.constant 0 : i32
      %dma_start3A_95 = arith.constant 0 : i32
      %dma_start3A_96 = tpu.memref_slice %dma_start3A_93[%dma_start3A_94, %dma_start3A_95] : memref<50000x32xf32, #tpu.memory_space<hbm>> -> memref<50000x32xf32, #tpu.memory_space<hbm>>
      %dma_start3A_97 = tpu.memref_slice %arg13[%dma_start3A_82] : memref<4x!tpu.dma_semaphore, #tpu.memory_space<semaphore_mem>> -> memref<1x!tpu.dma_semaphore, #tpu.memory_space<semaphore_mem>>
      %dma_start3A_98 = tpu.memref_squeeze %dma_start3A_97 : memref<1x!tpu.dma_semaphore, #tpu.memory_space<semaphore_mem>> -> memref<!tpu.dma_semaphore, #tpu.memory_space<semaphore_mem>>
      tpu.enqueue_indirect_dma source(%dma_start3A_96 : memref<50000x32xf32, #tpu.memory_space<hbm>>) target(%dma_start3A_86 : memref<128x32xf32, #tpu.memory_space<vmem>>) offsets(%dma_start3A_89 : memref<128xi32, #tpu.memory_space<vmem>>) semaphore(%dma_start3A_98 : memref<!tpu.dma_semaphore, #tpu.memory_space<semaphore_mem>>)
      %dma_start3A_99 = arith.constant 3 : i32
      %dma_start3A_100 = arith.constant 3 : i32
      %dma_start3A_101 = arith.constant 3 : i32
      %dma_start3A_102 = arith.constant 0 : i32
      %dma_start3A_103 = arith.constant 0 : i32
      %dma_start3A_104 = tpu.memref_slice %arg10[%dma_start3A_100, %dma_start3A_102, %dma_start3A_103] : memref<4x128x32xf32, #tpu.memory_space<vmem>> -> memref<1x128x32xf32, #tpu.memory_space<vmem>>
      %dma_start3A_105 = tpu.memref_squeeze %dma_start3A_104 : memref<1x128x32xf32, #tpu.memory_space<vmem>> -> memref<128x32xf32, #tpu.memory_space<vmem>>
      %dma_start3A_106 = arith.constant 0 : i32
      %dma_start3A_107 = tpu.memref_slice %arg8[%dma_start3A_99, %dma_start3A_106] : memref<28x128xi32, #tpu.memory_space<vmem>> -> memref<1x128xi32, #tpu.memory_space<vmem>>
      %dma_start3A_108 = tpu.memref_squeeze %dma_start3A_107 : memref<1x128xi32, #tpu.memory_space<vmem>> -> memref<128xi32, #tpu.memory_space<vmem>>
      %dma_start3A_109 = arith.constant 0 : i32
      %dma_start3A_110 = arith.constant 0 : i32
      %dma_start3A_111 = tpu.memref_slice %arg2[%arg0, %dma_start3A_109, %dma_start3A_110] : memref<2x50000x32xf32, #tpu.memory_space<hbm>> -> memref<1x50000x32xf32, #tpu.memory_space<hbm>>
      %dma_start3A_112 = tpu.memref_squeeze %dma_start3A_111 : memref<1x50000x32xf32, #tpu.memory_space<hbm>> -> memref<50000x32xf32, #tpu.memory_space<hbm>>
      %dma_start3A_113 = arith.constant 0 : i32
      %dma_start3A_114 = arith.constant 0 : i32
      %dma_start3A_115 = tpu.memref_slice %dma_start3A_112[%dma_start3A_113, %dma_start3A_114] : memref<50000x32xf32, #tpu.memory_space<hbm>> -> memref<50000x32xf32, #tpu.memory_space<hbm>>
      %dma_start3A_116 = tpu.memref_slice %arg13[%dma_start3A_101] : memref<4x!tpu.dma_semaphore, #tpu.memory_space<semaphore_mem>> -> memref<1x!tpu.dma_semaphore, #tpu.memory_space<semaphore_mem>>
      %dma_start3A_117 = tpu.memref_squeeze %dma_start3A_116 : memref<1x!tpu.dma_semaphore, #tpu.memory_space<semaphore_mem>> -> memref<!tpu.dma_semaphore, #tpu.memory_space<semaphore_mem>>
      tpu.enqueue_indirect_dma source(%dma_start3A_115 : memref<50000x32xf32, #tpu.memory_space<hbm>>) target(%dma_start3A_105 : memref<128x32xf32, #tpu.memory_space<vmem>>) offsets(%dma_start3A_108 : memref<128xi32, #tpu.memory_space<vmem>>) semaphore(%dma_start3A_117 : memref<!tpu.dma_semaphore, #tpu.memory_space<semaphore_mem>>)
      %scan3A_118 = arith.constant 0 : i32
      %scan3A_119 = arith.constant 0 : i32
      %scan3A_120 = arith.constant 7 : i32
      %scan3A_121 = arith.addi %scan3A_119, %scan3A_120 : i32
      %scan3A_122 = arith.constant 1 : i32
      scf.for %scan3A_124 = %scan3A_119 to %scan3A_121 step %scan3A_122  : i32 {
        %mul3A_125 = arith.constant 4 : i32
        %mul3A_126 = arith.muli %scan3A_124, %mul3A_125 : i32
        %add3A = arith.constant 0 : i32
        %add3A_127 = arith.addi %mul3A_126, %add3A : i32
        %dma_wait3A = arith.constant 0 : i32
        %dma_wait3A_128 = arith.constant 0 : i32
        %dma_wait3A_129 = arith.constant 0 : i32
        %dma_wait3A_130 = arith.constant 0 : i32
        %dma_wait3A_131 = arith.constant 0 : i32
        %dma_wait3A_132 = tpu.memref_slice %arg10[%dma_wait3A_128, %dma_wait3A_130, %dma_wait3A_131] : memref<4x128x32xf32, #tpu.memory_space<vmem>> -> memref<1x128x32xf32, #tpu.memory_space<vmem>>
        %dma_wait3A_133 = tpu.memref_squeeze %dma_wait3A_132 : memref<1x128x32xf32, #tpu.memory_space<vmem>> -> memref<128x32xf32, #tpu.memory_space<vmem>>
        %dma_wait3A_134 = arith.constant 0 : i32
        %dma_wait3A_135 = tpu.memref_slice %arg8[%dma_wait3A, %dma_wait3A_134] : memref<28x128xi32, #tpu.memory_space<vmem>> -> memref<1x128xi32, #tpu.memory_space<vmem>>
        %dma_wait3A_136 = tpu.memref_squeeze %dma_wait3A_135 : memref<1x128xi32, #tpu.memory_space<vmem>> -> memref<128xi32, #tpu.memory_space<vmem>>
        %dma_wait3A_137 = arith.constant 0 : i32
        %dma_wait3A_138 = arith.constant 0 : i32
        %dma_wait3A_139 = tpu.memref_slice %arg2[%arg0, %dma_wait3A_137, %dma_wait3A_138] : memref<2x50000x32xf32, #tpu.memory_space<hbm>> -> memref<1x50000x32xf32, #tpu.memory_space<hbm>>
        %dma_wait3A_140 = tpu.memref_squeeze %dma_wait3A_139 : memref<1x50000x32xf32, #tpu.memory_space<hbm>> -> memref<50000x32xf32, #tpu.memory_space<hbm>>
        %dma_wait3A_141 = arith.constant 0 : i32
        %dma_wait3A_142 = arith.constant 0 : i32
        %dma_wait3A_143 = tpu.memref_slice %dma_wait3A_140[%dma_wait3A_141, %dma_wait3A_142] : memref<50000x32xf32, #tpu.memory_space<hbm>> -> memref<50000x32xf32, #tpu.memory_space<hbm>>
        %dma_wait3A_144 = tpu.memref_slice %arg13[%dma_wait3A_129] : memref<4x!tpu.dma_semaphore, #tpu.memory_space<semaphore_mem>> -> memref<1x!tpu.dma_semaphore, #tpu.memory_space<semaphore_mem>>
        %dma_wait3A_145 = tpu.memref_squeeze %dma_wait3A_144 : memref<1x!tpu.dma_semaphore, #tpu.memory_space<semaphore_mem>> -> memref<!tpu.dma_semaphore, #tpu.memory_space<semaphore_mem>>
        tpu.wait_indirect_dma semaphore(%dma_wait3A_145 : memref<!tpu.dma_semaphore, #tpu.memory_space<semaphore_mem>>) src(%dma_wait3A_143 : memref<50000x32xf32, #tpu.memory_space<hbm>>) dst(%dma_wait3A_133 : memref<128x32xf32, #tpu.memory_space<vmem>>)
        %run_scoped3A_146 = arith.constant 0 : i32
        "tpu.region"() ({
          %run_scoped3A_244 = tpu.sem_alloc : memref<!tpu.dma_semaphore, #tpu.memory_space<semaphore_mem>>
          %dma_start3A_245 = arith.constant 0 : i32
          %dma_start3A_246 = arith.constant 0 : i32
          %dma_start3A_247 = tpu.memref_slice %arg10[%run_scoped3A_146, %dma_start3A_245, %dma_start3A_246] : memref<4x128x32xf32, #tpu.memory_space<vmem>> -> memref<1x128x32xf32, #tpu.memory_space<vmem>>
          %dma_start3A_248 = tpu.memref_squeeze %dma_start3A_247 : memref<1x128x32xf32, #tpu.memory_space<vmem>> -> memref<128x32xf32, #tpu.memory_space<vmem>>
          %dma_start3A_249 = arith.constant 0 : i32
          %dma_start3A_250 = tpu.memref_slice %arg9[%add3A_127, %dma_start3A_249] : memref<28x128xi32, #tpu.memory_space<vmem>> -> memref<1x128xi32, #tpu.memory_space<vmem>>
          %dma_start3A_251 = tpu.memref_squeeze %dma_start3A_250 : memref<1x128xi32, #tpu.memory_space<vmem>> -> memref<128xi32, #tpu.memory_space<vmem>>
          %dma_start3A_252 = arith.constant 0 : i32
          %dma_start3A_253 = arith.constant 0 : i32
          %dma_start3A_254 = tpu.memref_slice %arg12[%dma_start3A_252, %dma_start3A_253] : memref<51200x32xf32, #tpu.memory_space<vmem_shared>> -> memref<51200x32xf32, #tpu.memory_space<vmem_shared>>
          tpu.enqueue_indirect_dma source(%dma_start3A_248 : memref<128x32xf32, #tpu.memory_space<vmem>>) target(%dma_start3A_254 : memref<51200x32xf32, #tpu.memory_space<vmem_shared>>) offsets(%dma_start3A_251 : memref<128xi32, #tpu.memory_space<vmem>>) semaphore(%run_scoped3A_244 : memref<!tpu.dma_semaphore, #tpu.memory_space<semaphore_mem>>) {add = true}
          %dma_wait3A_255 = arith.constant 0 : i32
          %dma_wait3A_256 = arith.constant 0 : i32
          %dma_wait3A_257 = tpu.memref_slice %arg10[%run_scoped3A_146, %dma_wait3A_255, %dma_wait3A_256] : memref<4x128x32xf32, #tpu.memory_space<vmem>> -> memref<1x128x32xf32, #tpu.memory_space<vmem>>
          %dma_wait3A_258 = tpu.memref_squeeze %dma_wait3A_257 : memref<1x128x32xf32, #tpu.memory_space<vmem>> -> memref<128x32xf32, #tpu.memory_space<vmem>>
          %dma_wait3A_259 = arith.constant 0 : i32
          %dma_wait3A_260 = tpu.memref_slice %arg9[%add3A_127, %dma_wait3A_259] : memref<28x128xi32, #tpu.memory_space<vmem>> -> memref<1x128xi32, #tpu.memory_space<vmem>>
          %dma_wait3A_261 = tpu.memref_squeeze %dma_wait3A_260 : memref<1x128xi32, #tpu.memory_space<vmem>> -> memref<128xi32, #tpu.memory_space<vmem>>
          %dma_wait3A_262 = arith.constant 0 : i32
          %dma_wait3A_263 = arith.constant 0 : i32
          %dma_wait3A_264 = tpu.memref_slice %arg12[%dma_wait3A_262, %dma_wait3A_263] : memref<51200x32xf32, #tpu.memory_space<vmem_shared>> -> memref<51200x32xf32, #tpu.memory_space<vmem_shared>>
          tpu.wait_indirect_dma semaphore(%run_scoped3A_244 : memref<!tpu.dma_semaphore, #tpu.memory_space<semaphore_mem>>) src(%dma_wait3A_258 : memref<128x32xf32, #tpu.memory_space<vmem>>) dst(%dma_wait3A_264 : memref<51200x32xf32, #tpu.memory_space<vmem_shared>>)
          tpu.yield
        }) : () -> ()
        %add3A_147 = arith.constant 4 : i32
        %add3A_148 = arith.addi %add3A_127, %add3A_147 : i32
        %lt3A = arith.constant 28 : i32
        %lt3A_149 = arith.cmpi slt, %add3A_148, %lt3A : i32
        %convert_element_type3A = arith.extui %lt3A_149 : i1 to i32
        %cond3A = arith.constant 0 : i32
        %cond3A_150 = arith.cmpi ne, %convert_element_type3A, %cond3A : i32
        scf.if %cond3A_150 {
          %add3A_244 = arith.constant 4 : i32
          %add3A_245 = arith.addi %add3A_127, %add3A_244 : i32
          %dma_start3A_246 = arith.constant 0 : i32
          %dma_start3A_247 = arith.constant 0 : i32
          %dma_start3A_248 = arith.constant 0 : i32
          %dma_start3A_249 = arith.constant 0 : i32
          %dma_start3A_250 = tpu.memref_slice %arg10[%dma_start3A_246, %dma_start3A_248, %dma_start3A_249] : memref<4x128x32xf32, #tpu.memory_space<vmem>> -> memref<1x128x32xf32, #tpu.memory_space<vmem>>
          %dma_start3A_251 = tpu.memref_squeeze %dma_start3A_250 : memref<1x128x32xf32, #tpu.memory_space<vmem>> -> memref<128x32xf32, #tpu.memory_space<vmem>>
          %dma_start3A_252 = arith.constant 0 : i32
          %dma_start3A_253 = tpu.memref_slice %arg8[%add3A_245, %dma_start3A_252] : memref<28x128xi32, #tpu.memory_space<vmem>> -> memref<1x128xi32, #tpu.memory_space<vmem>>
          %dma_start3A_254 = tpu.memref_squeeze %dma_start3A_253 : memref<1x128xi32, #tpu.memory_space<vmem>> -> memref<128xi32, #tpu.memory_space<vmem>>
          %dma_start3A_255 = arith.constant 0 : i32
          %dma_start3A_256 = arith.constant 0 : i32
          %dma_start3A_257 = tpu.memref_slice %arg2[%arg0, %dma_start3A_255, %dma_start3A_256] : memref<2x50000x32xf32, #tpu.memory_space<hbm>> -> memref<1x50000x32xf32, #tpu.memory_space<hbm>>
          %dma_start3A_258 = tpu.memref_squeeze %dma_start3A_257 : memref<1x50000x32xf32, #tpu.memory_space<hbm>> -> memref<50000x32xf32, #tpu.memory_space<hbm>>
          %dma_start3A_259 = arith.constant 0 : i32
          %dma_start3A_260 = arith.constant 0 : i32
          %dma_start3A_261 = tpu.memref_slice %dma_start3A_258[%dma_start3A_259, %dma_start3A_260] : memref<50000x32xf32, #tpu.memory_space<hbm>> -> memref<50000x32xf32, #tpu.memory_space<hbm>>
          %dma_start3A_262 = tpu.memref_slice %arg13[%dma_start3A_247] : memref<4x!tpu.dma_semaphore, #tpu.memory_space<semaphore_mem>> -> memref<1x!tpu.dma_semaphore, #tpu.memory_space<semaphore_mem>>
          %dma_start3A_263 = tpu.memref_squeeze %dma_start3A_262 : memref<1x!tpu.dma_semaphore, #tpu.memory_space<semaphore_mem>> -> memref<!tpu.dma_semaphore, #tpu.memory_space<semaphore_mem>>
          tpu.enqueue_indirect_dma source(%dma_start3A_261 : memref<50000x32xf32, #tpu.memory_space<hbm>>) target(%dma_start3A_251 : memref<128x32xf32, #tpu.memory_space<vmem>>) offsets(%dma_start3A_254 : memref<128xi32, #tpu.memory_space<vmem>>) semaphore(%dma_start3A_263 : memref<!tpu.dma_semaphore, #tpu.memory_space<semaphore_mem>>)
        } else {
        }
        %mul3A_151 = arith.constant 4 : i32
        %mul3A_152 = arith.muli %scan3A_124, %mul3A_151 : i32
        %add3A_153 = arith.constant 1 : i32
        %add3A_154 = arith.addi %mul3A_152, %add3A_153 : i32
        %dma_wait3A_155 = arith.constant 0 : i32
        %dma_wait3A_156 = arith.constant 1 : i32
        %dma_wait3A_157 = arith.constant 1 : i32
        %dma_wait3A_158 = arith.constant 0 : i32
        %dma_wait3A_159 = arith.constant 0 : i32
        %dma_wait3A_160 = tpu.memref_slice %arg10[%dma_wait3A_156, %dma_wait3A_158, %dma_wait3A_159] : memref<4x128x32xf32, #tpu.memory_space<vmem>> -> memref<1x128x32xf32, #tpu.memory_space<vmem>>
        %dma_wait3A_161 = tpu.memref_squeeze %dma_wait3A_160 : memref<1x128x32xf32, #tpu.memory_space<vmem>> -> memref<128x32xf32, #tpu.memory_space<vmem>>
        %dma_wait3A_162 = arith.constant 0 : i32
        %dma_wait3A_163 = tpu.memref_slice %arg8[%dma_wait3A_155, %dma_wait3A_162] : memref<28x128xi32, #tpu.memory_space<vmem>> -> memref<1x128xi32, #tpu.memory_space<vmem>>
        %dma_wait3A_164 = tpu.memref_squeeze %dma_wait3A_163 : memref<1x128xi32, #tpu.memory_space<vmem>> -> memref<128xi32, #tpu.memory_space<vmem>>
        %dma_wait3A_165 = arith.constant 0 : i32
        %dma_wait3A_166 = arith.constant 0 : i32
        %dma_wait3A_167 = tpu.memref_slice %arg2[%arg0, %dma_wait3A_165, %dma_wait3A_166] : memref<2x50000x32xf32, #tpu.memory_space<hbm>> -> memref<1x50000x32xf32, #tpu.memory_space<hbm>>
        %dma_wait3A_168 = tpu.memref_squeeze %dma_wait3A_167 : memref<1x50000x32xf32, #tpu.memory_space<hbm>> -> memref<50000x32xf32, #tpu.memory_space<hbm>>
        %dma_wait3A_169 = arith.constant 0 : i32
        %dma_wait3A_170 = arith.constant 0 : i32
        %dma_wait3A_171 = tpu.memref_slice %dma_wait3A_168[%dma_wait3A_169, %dma_wait3A_170] : memref<50000x32xf32, #tpu.memory_space<hbm>> -> memref<50000x32xf32, #tpu.memory_space<hbm>>
        %dma_wait3A_172 = tpu.memref_slice %arg13[%dma_wait3A_157] : memref<4x!tpu.dma_semaphore, #tpu.memory_space<semaphore_mem>> -> memref<1x!tpu.dma_semaphore, #tpu.memory_space<semaphore_mem>>
        %dma_wait3A_173 = tpu.memref_squeeze %dma_wait3A_172 : memref<1x!tpu.dma_semaphore, #tpu.memory_space<semaphore_mem>> -> memref<!tpu.dma_semaphore, #tpu.memory_space<semaphore_mem>>
        tpu.wait_indirect_dma semaphore(%dma_wait3A_173 : memref<!tpu.dma_semaphore, #tpu.memory_space<semaphore_mem>>) src(%dma_wait3A_171 : memref<50000x32xf32, #tpu.memory_space<hbm>>) dst(%dma_wait3A_161 : memref<128x32xf32, #tpu.memory_space<vmem>>)
        %run_scoped3A_174 = arith.constant 1 : i32
        "tpu.region"() ({
          %run_scoped3A_244 = tpu.sem_alloc : memref<!tpu.dma_semaphore, #tpu.memory_space<semaphore_mem>>
          %dma_start3A_245 = arith.constant 0 : i32
          %dma_start3A_246 = arith.constant 0 : i32
          %dma_start3A_247 = tpu.memref_slice %arg10[%run_scoped3A_174, %dma_start3A_245, %dma_start3A_246] : memref<4x128x32xf32, #tpu.memory_space<vmem>> -> memref<1x128x32xf32, #tpu.memory_space<vmem>>
          %dma_start3A_248 = tpu.memref_squeeze %dma_start3A_247 : memref<1x128x32xf32, #tpu.memory_space<vmem>> -> memref<128x32xf32, #tpu.memory_space<vmem>>
          %dma_start3A_249 = arith.constant 0 : i32
          %dma_start3A_250 = tpu.memref_slice %arg9[%add3A_154, %dma_start3A_249] : memref<28x128xi32, #tpu.memory_space<vmem>> -> memref<1x128xi32, #tpu.memory_space<vmem>>
          %dma_start3A_251 = tpu.memref_squeeze %dma_start3A_250 : memref<1x128xi32, #tpu.memory_space<vmem>> -> memref<128xi32, #tpu.memory_space<vmem>>
          %dma_start3A_252 = arith.constant 0 : i32
          %dma_start3A_253 = arith.constant 0 : i32
          %dma_start3A_254 = tpu.memref_slice %arg12[%dma_start3A_252, %dma_start3A_253] : memref<51200x32xf32, #tpu.memory_space<vmem_shared>> -> memref<51200x32xf32, #tpu.memory_space<vmem_shared>>
          tpu.enqueue_indirect_dma source(%dma_start3A_248 : memref<128x32xf32, #tpu.memory_space<vmem>>) target(%dma_start3A_254 : memref<51200x32xf32, #tpu.memory_space<vmem_shared>>) offsets(%dma_start3A_251 : memref<128xi32, #tpu.memory_space<vmem>>) semaphore(%run_scoped3A_244 : memref<!tpu.dma_semaphore, #tpu.memory_space<semaphore_mem>>) {add = true}
          %dma_wait3A_255 = arith.constant 0 : i32
          %dma_wait3A_256 = arith.constant 0 : i32
          %dma_wait3A_257 = tpu.memref_slice %arg10[%run_scoped3A_174, %dma_wait3A_255, %dma_wait3A_256] : memref<4x128x32xf32, #tpu.memory_space<vmem>> -> memref<1x128x32xf32, #tpu.memory_space<vmem>>
          %dma_wait3A_258 = tpu.memref_squeeze %dma_wait3A_257 : memref<1x128x32xf32, #tpu.memory_space<vmem>> -> memref<128x32xf32, #tpu.memory_space<vmem>>
          %dma_wait3A_259 = arith.constant 0 : i32
          %dma_wait3A_260 = tpu.memref_slice %arg9[%add3A_154, %dma_wait3A_259] : memref<28x128xi32, #tpu.memory_space<vmem>> -> memref<1x128xi32, #tpu.memory_space<vmem>>
          %dma_wait3A_261 = tpu.memref_squeeze %dma_wait3A_260 : memref<1x128xi32, #tpu.memory_space<vmem>> -> memref<128xi32, #tpu.memory_space<vmem>>
          %dma_wait3A_262 = arith.constant 0 : i32
          %dma_wait3A_263 = arith.constant 0 : i32
          %dma_wait3A_264 = tpu.memref_slice %arg12[%dma_wait3A_262, %dma_wait3A_263] : memref<51200x32xf32, #tpu.memory_space<vmem_shared>> -> memref<51200x32xf32, #tpu.memory_space<vmem_shared>>
          tpu.wait_indirect_dma semaphore(%run_scoped3A_244 : memref<!tpu.dma_semaphore, #tpu.memory_space<semaphore_mem>>) src(%dma_wait3A_258 : memref<128x32xf32, #tpu.memory_space<vmem>>) dst(%dma_wait3A_264 : memref<51200x32xf32, #tpu.memory_space<vmem_shared>>)
          tpu.yield
        }) : () -> ()
        %add3A_175 = arith.constant 4 : i32
        %add3A_176 = arith.addi %add3A_154, %add3A_175 : i32
        %lt3A_177 = arith.constant 28 : i32
        %lt3A_178 = arith.cmpi slt, %add3A_176, %lt3A_177 : i32
        %convert_element_type3A_179 = arith.extui %lt3A_178 : i1 to i32
        %cond3A_180 = arith.constant 0 : i32
        %cond3A_181 = arith.cmpi ne, %convert_element_type3A_179, %cond3A_180 : i32
        scf.if %cond3A_181 {
          %add3A_244 = arith.constant 4 : i32
          %add3A_245 = arith.addi %add3A_154, %add3A_244 : i32
          %dma_start3A_246 = arith.constant 1 : i32
          %dma_start3A_247 = arith.constant 1 : i32
          %dma_start3A_248 = arith.constant 0 : i32
          %dma_start3A_249 = arith.constant 0 : i32
          %dma_start3A_250 = tpu.memref_slice %arg10[%dma_start3A_246, %dma_start3A_248, %dma_start3A_249] : memref<4x128x32xf32, #tpu.memory_space<vmem>> -> memref<1x128x32xf32, #tpu.memory_space<vmem>>
          %dma_start3A_251 = tpu.memref_squeeze %dma_start3A_250 : memref<1x128x32xf32, #tpu.memory_space<vmem>> -> memref<128x32xf32, #tpu.memory_space<vmem>>
          %dma_start3A_252 = arith.constant 0 : i32
          %dma_start3A_253 = tpu.memref_slice %arg8[%add3A_245, %dma_start3A_252] : memref<28x128xi32, #tpu.memory_space<vmem>> -> memref<1x128xi32, #tpu.memory_space<vmem>>
          %dma_start3A_254 = tpu.memref_squeeze %dma_start3A_253 : memref<1x128xi32, #tpu.memory_space<vmem>> -> memref<128xi32, #tpu.memory_space<vmem>>
          %dma_start3A_255 = arith.constant 0 : i32
          %dma_start3A_256 = arith.constant 0 : i32
          %dma_start3A_257 = tpu.memref_slice %arg2[%arg0, %dma_start3A_255, %dma_start3A_256] : memref<2x50000x32xf32, #tpu.memory_space<hbm>> -> memref<1x50000x32xf32, #tpu.memory_space<hbm>>
          %dma_start3A_258 = tpu.memref_squeeze %dma_start3A_257 : memref<1x50000x32xf32, #tpu.memory_space<hbm>> -> memref<50000x32xf32, #tpu.memory_space<hbm>>
          %dma_start3A_259 = arith.constant 0 : i32
          %dma_start3A_260 = arith.constant 0 : i32
          %dma_start3A_261 = tpu.memref_slice %dma_start3A_258[%dma_start3A_259, %dma_start3A_260] : memref<50000x32xf32, #tpu.memory_space<hbm>> -> memref<50000x32xf32, #tpu.memory_space<hbm>>
          %dma_start3A_262 = tpu.memref_slice %arg13[%dma_start3A_247] : memref<4x!tpu.dma_semaphore, #tpu.memory_space<semaphore_mem>> -> memref<1x!tpu.dma_semaphore, #tpu.memory_space<semaphore_mem>>
          %dma_start3A_263 = tpu.memref_squeeze %dma_start3A_262 : memref<1x!tpu.dma_semaphore, #tpu.memory_space<semaphore_mem>> -> memref<!tpu.dma_semaphore, #tpu.memory_space<semaphore_mem>>
          tpu.enqueue_indirect_dma source(%dma_start3A_261 : memref<50000x32xf32, #tpu.memory_space<hbm>>) target(%dma_start3A_251 : memref<128x32xf32, #tpu.memory_space<vmem>>) offsets(%dma_start3A_254 : memref<128xi32, #tpu.memory_space<vmem>>) semaphore(%dma_start3A_263 : memref<!tpu.dma_semaphore, #tpu.memory_space<semaphore_mem>>)
        } else {
        }
        %mul3A_182 = arith.constant 4 : i32
        %mul3A_183 = arith.muli %scan3A_124, %mul3A_182 : i32
        %add3A_184 = arith.constant 2 : i32
        %add3A_185 = arith.addi %mul3A_183, %add3A_184 : i32
        %dma_wait3A_186 = arith.constant 0 : i32
        %dma_wait3A_187 = arith.constant 2 : i32
        %dma_wait3A_188 = arith.constant 2 : i32
        %dma_wait3A_189 = arith.constant 0 : i32
        %dma_wait3A_190 = arith.constant 0 : i32
        %dma_wait3A_191 = tpu.memref_slice %arg10[%dma_wait3A_187, %dma_wait3A_189, %dma_wait3A_190] : memref<4x128x32xf32, #tpu.memory_space<vmem>> -> memref<1x128x32xf32, #tpu.memory_space<vmem>>
        %dma_wait3A_192 = tpu.memref_squeeze %dma_wait3A_191 : memref<1x128x32xf32, #tpu.memory_space<vmem>> -> memref<128x32xf32, #tpu.memory_space<vmem>>
        %dma_wait3A_193 = arith.constant 0 : i32
        %dma_wait3A_194 = tpu.memref_slice %arg8[%dma_wait3A_186, %dma_wait3A_193] : memref<28x128xi32, #tpu.memory_space<vmem>> -> memref<1x128xi32, #tpu.memory_space<vmem>>
        %dma_wait3A_195 = tpu.memref_squeeze %dma_wait3A_194 : memref<1x128xi32, #tpu.memory_space<vmem>> -> memref<128xi32, #tpu.memory_space<vmem>>
        %dma_wait3A_196 = arith.constant 0 : i32
        %dma_wait3A_197 = arith.constant 0 : i32
        %dma_wait3A_198 = tpu.memref_slice %arg2[%arg0, %dma_wait3A_196, %dma_wait3A_197] : memref<2x50000x32xf32, #tpu.memory_space<hbm>> -> memref<1x50000x32xf32, #tpu.memory_space<hbm>>
        %dma_wait3A_199 = tpu.memref_squeeze %dma_wait3A_198 : memref<1x50000x32xf32, #tpu.memory_space<hbm>> -> memref<50000x32xf32, #tpu.memory_space<hbm>>
        %dma_wait3A_200 = arith.constant 0 : i32
        %dma_wait3A_201 = arith.constant 0 : i32
        %dma_wait3A_202 = tpu.memref_slice %dma_wait3A_199[%dma_wait3A_200, %dma_wait3A_201] : memref<50000x32xf32, #tpu.memory_space<hbm>> -> memref<50000x32xf32, #tpu.memory_space<hbm>>
        %dma_wait3A_203 = tpu.memref_slice %arg13[%dma_wait3A_188] : memref<4x!tpu.dma_semaphore, #tpu.memory_space<semaphore_mem>> -> memref<1x!tpu.dma_semaphore, #tpu.memory_space<semaphore_mem>>
        %dma_wait3A_204 = tpu.memref_squeeze %dma_wait3A_203 : memref<1x!tpu.dma_semaphore, #tpu.memory_space<semaphore_mem>> -> memref<!tpu.dma_semaphore, #tpu.memory_space<semaphore_mem>>
        tpu.wait_indirect_dma semaphore(%dma_wait3A_204 : memref<!tpu.dma_semaphore, #tpu.memory_space<semaphore_mem>>) src(%dma_wait3A_202 : memref<50000x32xf32, #tpu.memory_space<hbm>>) dst(%dma_wait3A_192 : memref<128x32xf32, #tpu.memory_space<vmem>>)
        %run_scoped3A_205 = arith.constant 2 : i32
        "tpu.region"() ({
          %run_scoped3A_244 = tpu.sem_alloc : memref<!tpu.dma_semaphore, #tpu.memory_space<semaphore_mem>>
          %dma_start3A_245 = arith.constant 0 : i32
          %dma_start3A_246 = arith.constant 0 : i32
          %dma_start3A_247 = tpu.memref_slice %arg10[%run_scoped3A_205, %dma_start3A_245, %dma_start3A_246] : memref<4x128x32xf32, #tpu.memory_space<vmem>> -> memref<1x128x32xf32, #tpu.memory_space<vmem>>
          %dma_start3A_248 = tpu.memref_squeeze %dma_start3A_247 : memref<1x128x32xf32, #tpu.memory_space<vmem>> -> memref<128x32xf32, #tpu.memory_space<vmem>>
          %dma_start3A_249 = arith.constant 0 : i32
          %dma_start3A_250 = tpu.memref_slice %arg9[%add3A_185, %dma_start3A_249] : memref<28x128xi32, #tpu.memory_space<vmem>> -> memref<1x128xi32, #tpu.memory_space<vmem>>
          %dma_start3A_251 = tpu.memref_squeeze %dma_start3A_250 : memref<1x128xi32, #tpu.memory_space<vmem>> -> memref<128xi32, #tpu.memory_space<vmem>>
          %dma_start3A_252 = arith.constant 0 : i32
          %dma_start3A_253 = arith.constant 0 : i32
          %dma_start3A_254 = tpu.memref_slice %arg12[%dma_start3A_252, %dma_start3A_253] : memref<51200x32xf32, #tpu.memory_space<vmem_shared>> -> memref<51200x32xf32, #tpu.memory_space<vmem_shared>>
          tpu.enqueue_indirect_dma source(%dma_start3A_248 : memref<128x32xf32, #tpu.memory_space<vmem>>) target(%dma_start3A_254 : memref<51200x32xf32, #tpu.memory_space<vmem_shared>>) offsets(%dma_start3A_251 : memref<128xi32, #tpu.memory_space<vmem>>) semaphore(%run_scoped3A_244 : memref<!tpu.dma_semaphore, #tpu.memory_space<semaphore_mem>>) {add = true}
          %dma_wait3A_255 = arith.constant 0 : i32
          %dma_wait3A_256 = arith.constant 0 : i32
          %dma_wait3A_257 = tpu.memref_slice %arg10[%run_scoped3A_205, %dma_wait3A_255, %dma_wait3A_256] : memref<4x128x32xf32, #tpu.memory_space<vmem>> -> memref<1x128x32xf32, #tpu.memory_space<vmem>>
          %dma_wait3A_258 = tpu.memref_squeeze %dma_wait3A_257 : memref<1x128x32xf32, #tpu.memory_space<vmem>> -> memref<128x32xf32, #tpu.memory_space<vmem>>
          %dma_wait3A_259 = arith.constant 0 : i32
          %dma_wait3A_260 = tpu.memref_slice %arg9[%add3A_185, %dma_wait3A_259] : memref<28x128xi32, #tpu.memory_space<vmem>> -> memref<1x128xi32, #tpu.memory_space<vmem>>
          %dma_wait3A_261 = tpu.memref_squeeze %dma_wait3A_260 : memref<1x128xi32, #tpu.memory_space<vmem>> -> memref<128xi32, #tpu.memory_space<vmem>>
          %dma_wait3A_262 = arith.constant 0 : i32
          %dma_wait3A_263 = arith.constant 0 : i32
          %dma_wait3A_264 = tpu.memref_slice %arg12[%dma_wait3A_262, %dma_wait3A_263] : memref<51200x32xf32, #tpu.memory_space<vmem_shared>> -> memref<51200x32xf32, #tpu.memory_space<vmem_shared>>
          tpu.wait_indirect_dma semaphore(%run_scoped3A_244 : memref<!tpu.dma_semaphore, #tpu.memory_space<semaphore_mem>>) src(%dma_wait3A_258 : memref<128x32xf32, #tpu.memory_space<vmem>>) dst(%dma_wait3A_264 : memref<51200x32xf32, #tpu.memory_space<vmem_shared>>)
          tpu.yield
        }) : () -> ()
        %add3A_206 = arith.constant 4 : i32
        %add3A_207 = arith.addi %add3A_185, %add3A_206 : i32
        %lt3A_208 = arith.constant 28 : i32
        %lt3A_209 = arith.cmpi slt, %add3A_207, %lt3A_208 : i32
        %convert_element_type3A_210 = arith.extui %lt3A_209 : i1 to i32
        %cond3A_211 = arith.constant 0 : i32
        %cond3A_212 = arith.cmpi ne, %convert_element_type3A_210, %cond3A_211 : i32
        scf.if %cond3A_212 {
          %add3A_244 = arith.constant 4 : i32
          %add3A_245 = arith.addi %add3A_185, %add3A_244 : i32
          %dma_start3A_246 = arith.constant 2 : i32
          %dma_start3A_247 = arith.constant 2 : i32
          %dma_start3A_248 = arith.constant 0 : i32
          %dma_start3A_249 = arith.constant 0 : i32
          %dma_start3A_250 = tpu.memref_slice %arg10[%dma_start3A_246, %dma_start3A_248, %dma_start3A_249] : memref<4x128x32xf32, #tpu.memory_space<vmem>> -> memref<1x128x32xf32, #tpu.memory_space<vmem>>
          %dma_start3A_251 = tpu.memref_squeeze %dma_start3A_250 : memref<1x128x32xf32, #tpu.memory_space<vmem>> -> memref<128x32xf32, #tpu.memory_space<vmem>>
          %dma_start3A_252 = arith.constant 0 : i32
          %dma_start3A_253 = tpu.memref_slice %arg8[%add3A_245, %dma_start3A_252] : memref<28x128xi32, #tpu.memory_space<vmem>> -> memref<1x128xi32, #tpu.memory_space<vmem>>
          %dma_start3A_254 = tpu.memref_squeeze %dma_start3A_253 : memref<1x128xi32, #tpu.memory_space<vmem>> -> memref<128xi32, #tpu.memory_space<vmem>>
          %dma_start3A_255 = arith.constant 0 : i32
          %dma_start3A_256 = arith.constant 0 : i32
          %dma_start3A_257 = tpu.memref_slice %arg2[%arg0, %dma_start3A_255, %dma_start3A_256] : memref<2x50000x32xf32, #tpu.memory_space<hbm>> -> memref<1x50000x32xf32, #tpu.memory_space<hbm>>
          %dma_start3A_258 = tpu.memref_squeeze %dma_start3A_257 : memref<1x50000x32xf32, #tpu.memory_space<hbm>> -> memref<50000x32xf32, #tpu.memory_space<hbm>>
          %dma_start3A_259 = arith.constant 0 : i32
          %dma_start3A_260 = arith.constant 0 : i32
          %dma_start3A_261 = tpu.memref_slice %dma_start3A_258[%dma_start3A_259, %dma_start3A_260] : memref<50000x32xf32, #tpu.memory_space<hbm>> -> memref<50000x32xf32, #tpu.memory_space<hbm>>
          %dma_start3A_262 = tpu.memref_slice %arg13[%dma_start3A_247] : memref<4x!tpu.dma_semaphore, #tpu.memory_space<semaphore_mem>> -> memref<1x!tpu.dma_semaphore, #tpu.memory_space<semaphore_mem>>
          %dma_start3A_263 = tpu.memref_squeeze %dma_start3A_262 : memref<1x!tpu.dma_semaphore, #tpu.memory_space<semaphore_mem>> -> memref<!tpu.dma_semaphore, #tpu.memory_space<semaphore_mem>>
          tpu.enqueue_indirect_dma source(%dma_start3A_261 : memref<50000x32xf32, #tpu.memory_space<hbm>>) target(%dma_start3A_251 : memref<128x32xf32, #tpu.memory_space<vmem>>) offsets(%dma_start3A_254 : memref<128xi32, #tpu.memory_space<vmem>>) semaphore(%dma_start3A_263 : memref<!tpu.dma_semaphore, #tpu.memory_space<semaphore_mem>>)
        } else {
        }
        %mul3A_213 = arith.constant 4 : i32
        %mul3A_214 = arith.muli %scan3A_124, %mul3A_213 : i32
        %add3A_215 = arith.constant 3 : i32
        %add3A_216 = arith.addi %mul3A_214, %add3A_215 : i32
        %dma_wait3A_217 = arith.constant 0 : i32
        %dma_wait3A_218 = arith.constant 3 : i32
        %dma_wait3A_219 = arith.constant 3 : i32
        %dma_wait3A_220 = arith.constant 0 : i32
        %dma_wait3A_221 = arith.constant 0 : i32
        %dma_wait3A_222 = tpu.memref_slice %arg10[%dma_wait3A_218, %dma_wait3A_220, %dma_wait3A_221] : memref<4x128x32xf32, #tpu.memory_space<vmem>> -> memref<1x128x32xf32, #tpu.memory_space<vmem>>
        %dma_wait3A_223 = tpu.memref_squeeze %dma_wait3A_222 : memref<1x128x32xf32, #tpu.memory_space<vmem>> -> memref<128x32xf32, #tpu.memory_space<vmem>>
        %dma_wait3A_224 = arith.constant 0 : i32
        %dma_wait3A_225 = tpu.memref_slice %arg8[%dma_wait3A_217, %dma_wait3A_224] : memref<28x128xi32, #tpu.memory_space<vmem>> -> memref<1x128xi32, #tpu.memory_space<vmem>>
        %dma_wait3A_226 = tpu.memref_squeeze %dma_wait3A_225 : memref<1x128xi32, #tpu.memory_space<vmem>> -> memref<128xi32, #tpu.memory_space<vmem>>
        %dma_wait3A_227 = arith.constant 0 : i32
        %dma_wait3A_228 = arith.constant 0 : i32
        %dma_wait3A_229 = tpu.memref_slice %arg2[%arg0, %dma_wait3A_227, %dma_wait3A_228] : memref<2x50000x32xf32, #tpu.memory_space<hbm>> -> memref<1x50000x32xf32, #tpu.memory_space<hbm>>
        %dma_wait3A_230 = tpu.memref_squeeze %dma_wait3A_229 : memref<1x50000x32xf32, #tpu.memory_space<hbm>> -> memref<50000x32xf32, #tpu.memory_space<hbm>>
        %dma_wait3A_231 = arith.constant 0 : i32
        %dma_wait3A_232 = arith.constant 0 : i32
        %dma_wait3A_233 = tpu.memref_slice %dma_wait3A_230[%dma_wait3A_231, %dma_wait3A_232] : memref<50000x32xf32, #tpu.memory_space<hbm>> -> memref<50000x32xf32, #tpu.memory_space<hbm>>
        %dma_wait3A_234 = tpu.memref_slice %arg13[%dma_wait3A_219] : memref<4x!tpu.dma_semaphore, #tpu.memory_space<semaphore_mem>> -> memref<1x!tpu.dma_semaphore, #tpu.memory_space<semaphore_mem>>
        %dma_wait3A_235 = tpu.memref_squeeze %dma_wait3A_234 : memref<1x!tpu.dma_semaphore, #tpu.memory_space<semaphore_mem>> -> memref<!tpu.dma_semaphore, #tpu.memory_space<semaphore_mem>>
        tpu.wait_indirect_dma semaphore(%dma_wait3A_235 : memref<!tpu.dma_semaphore, #tpu.memory_space<semaphore_mem>>) src(%dma_wait3A_233 : memref<50000x32xf32, #tpu.memory_space<hbm>>) dst(%dma_wait3A_223 : memref<128x32xf32, #tpu.memory_space<vmem>>)
        %run_scoped3A_236 = arith.constant 3 : i32
        "tpu.region"() ({
          %run_scoped3A_244 = tpu.sem_alloc : memref<!tpu.dma_semaphore, #tpu.memory_space<semaphore_mem>>
          %dma_start3A_245 = arith.constant 0 : i32
          %dma_start3A_246 = arith.constant 0 : i32
          %dma_start3A_247 = tpu.memref_slice %arg10[%run_scoped3A_236, %dma_start3A_245, %dma_start3A_246] : memref<4x128x32xf32, #tpu.memory_space<vmem>> -> memref<1x128x32xf32, #tpu.memory_space<vmem>>
          %dma_start3A_248 = tpu.memref_squeeze %dma_start3A_247 : memref<1x128x32xf32, #tpu.memory_space<vmem>> -> memref<128x32xf32, #tpu.memory_space<vmem>>
          %dma_start3A_249 = arith.constant 0 : i32
          %dma_start3A_250 = tpu.memref_slice %arg9[%add3A_216, %dma_start3A_249] : memref<28x128xi32, #tpu.memory_space<vmem>> -> memref<1x128xi32, #tpu.memory_space<vmem>>
          %dma_start3A_251 = tpu.memref_squeeze %dma_start3A_250 : memref<1x128xi32, #tpu.memory_space<vmem>> -> memref<128xi32, #tpu.memory_space<vmem>>
          %dma_start3A_252 = arith.constant 0 : i32
          %dma_start3A_253 = arith.constant 0 : i32
          %dma_start3A_254 = tpu.memref_slice %arg12[%dma_start3A_252, %dma_start3A_253] : memref<51200x32xf32, #tpu.memory_space<vmem_shared>> -> memref<51200x32xf32, #tpu.memory_space<vmem_shared>>
          tpu.enqueue_indirect_dma source(%dma_start3A_248 : memref<128x32xf32, #tpu.memory_space<vmem>>) target(%dma_start3A_254 : memref<51200x32xf32, #tpu.memory_space<vmem_shared>>) offsets(%dma_start3A_251 : memref<128xi32, #tpu.memory_space<vmem>>) semaphore(%run_scoped3A_244 : memref<!tpu.dma_semaphore, #tpu.memory_space<semaphore_mem>>) {add = true}
          %dma_wait3A_255 = arith.constant 0 : i32
          %dma_wait3A_256 = arith.constant 0 : i32
          %dma_wait3A_257 = tpu.memref_slice %arg10[%run_scoped3A_236, %dma_wait3A_255, %dma_wait3A_256] : memref<4x128x32xf32, #tpu.memory_space<vmem>> -> memref<1x128x32xf32, #tpu.memory_space<vmem>>
          %dma_wait3A_258 = tpu.memref_squeeze %dma_wait3A_257 : memref<1x128x32xf32, #tpu.memory_space<vmem>> -> memref<128x32xf32, #tpu.memory_space<vmem>>
          %dma_wait3A_259 = arith.constant 0 : i32
          %dma_wait3A_260 = tpu.memref_slice %arg9[%add3A_216, %dma_wait3A_259] : memref<28x128xi32, #tpu.memory_space<vmem>> -> memref<1x128xi32, #tpu.memory_space<vmem>>
          %dma_wait3A_261 = tpu.memref_squeeze %dma_wait3A_260 : memref<1x128xi32, #tpu.memory_space<vmem>> -> memref<128xi32, #tpu.memory_space<vmem>>
          %dma_wait3A_262 = arith.constant 0 : i32
          %dma_wait3A_263 = arith.constant 0 : i32
          %dma_wait3A_264 = tpu.memref_slice %arg12[%dma_wait3A_262, %dma_wait3A_263] : memref<51200x32xf32, #tpu.memory_space<vmem_shared>> -> memref<51200x32xf32, #tpu.memory_space<vmem_shared>>
          tpu.wait_indirect_dma semaphore(%run_scoped3A_244 : memref<!tpu.dma_semaphore, #tpu.memory_space<semaphore_mem>>) src(%dma_wait3A_258 : memref<128x32xf32, #tpu.memory_space<vmem>>) dst(%dma_wait3A_264 : memref<51200x32xf32, #tpu.memory_space<vmem_shared>>)
          tpu.yield
        }) : () -> ()
        %add3A_237 = arith.constant 4 : i32
        %add3A_238 = arith.addi %add3A_216, %add3A_237 : i32
        %lt3A_239 = arith.constant 28 : i32
        %lt3A_240 = arith.cmpi slt, %add3A_238, %lt3A_239 : i32
        %convert_element_type3A_241 = arith.extui %lt3A_240 : i1 to i32
        %cond3A_242 = arith.constant 0 : i32
        %cond3A_243 = arith.cmpi ne, %convert_element_type3A_241, %cond3A_242 : i32
        scf.if %cond3A_243 {
          %add3A_244 = arith.constant 4 : i32
          %add3A_245 = arith.addi %add3A_216, %add3A_244 : i32
          %dma_start3A_246 = arith.constant 3 : i32
          %dma_start3A_247 = arith.constant 3 : i32
          %dma_start3A_248 = arith.constant 0 : i32
          %dma_start3A_249 = arith.constant 0 : i32
          %dma_start3A_250 = tpu.memref_slice %arg10[%dma_start3A_246, %dma_start3A_248, %dma_start3A_249] : memref<4x128x32xf32, #tpu.memory_space<vmem>> -> memref<1x128x32xf32, #tpu.memory_space<vmem>>
          %dma_start3A_251 = tpu.memref_squeeze %dma_start3A_250 : memref<1x128x32xf32, #tpu.memory_space<vmem>> -> memref<128x32xf32, #tpu.memory_space<vmem>>
          %dma_start3A_252 = arith.constant 0 : i32
          %dma_start3A_253 = tpu.memref_slice %arg8[%add3A_245, %dma_start3A_252] : memref<28x128xi32, #tpu.memory_space<vmem>> -> memref<1x128xi32, #tpu.memory_space<vmem>>
          %dma_start3A_254 = tpu.memref_squeeze %dma_start3A_253 : memref<1x128xi32, #tpu.memory_space<vmem>> -> memref<128xi32, #tpu.memory_space<vmem>>
          %dma_start3A_255 = arith.constant 0 : i32
          %dma_start3A_256 = arith.constant 0 : i32
          %dma_start3A_257 = tpu.memref_slice %arg2[%arg0, %dma_start3A_255, %dma_start3A_256] : memref<2x50000x32xf32, #tpu.memory_space<hbm>> -> memref<1x50000x32xf32, #tpu.memory_space<hbm>>
          %dma_start3A_258 = tpu.memref_squeeze %dma_start3A_257 : memref<1x50000x32xf32, #tpu.memory_space<hbm>> -> memref<50000x32xf32, #tpu.memory_space<hbm>>
          %dma_start3A_259 = arith.constant 0 : i32
          %dma_start3A_260 = arith.constant 0 : i32
          %dma_start3A_261 = tpu.memref_slice %dma_start3A_258[%dma_start3A_259, %dma_start3A_260] : memref<50000x32xf32, #tpu.memory_space<hbm>> -> memref<50000x32xf32, #tpu.memory_space<hbm>>
          %dma_start3A_262 = tpu.memref_slice %arg13[%dma_start3A_247] : memref<4x!tpu.dma_semaphore, #tpu.memory_space<semaphore_mem>> -> memref<1x!tpu.dma_semaphore, #tpu.memory_space<semaphore_mem>>
          %dma_start3A_263 = tpu.memref_squeeze %dma_start3A_262 : memref<1x!tpu.dma_semaphore, #tpu.memory_space<semaphore_mem>> -> memref<!tpu.dma_semaphore, #tpu.memory_space<semaphore_mem>>
          tpu.enqueue_indirect_dma source(%dma_start3A_261 : memref<50000x32xf32, #tpu.memory_space<hbm>>) target(%dma_start3A_251 : memref<128x32xf32, #tpu.memory_space<vmem>>) offsets(%dma_start3A_254 : memref<128xi32, #tpu.memory_space<vmem>>) semaphore(%dma_start3A_263 : memref<!tpu.dma_semaphore, #tpu.memory_space<semaphore_mem>>)
        } else {
        }
      }
      %scan3A_123 = arith.constant 7 : i32
    }
    %scan3A_16 = arith.constant 14 : i32
    %barrier3A_17 = arith.constant 0 : index
    tpu.barrier barrier_id(%barrier3A_17)
    %mul3A = arith.constant 3200 : i32
    %mul3A_18 = arith.muli %arg1, %mul3A : i32
    "tpu.region"() ({
      %run_scoped3A = tpu.sem_alloc : memref<!tpu.dma_semaphore, #tpu.memory_space<semaphore_mem>>
      %dma_start3A = arith.constant 0 : i32
      %dma_start3A_37 = tpu.memref_slice %arg6[%arg0, %mul3A_18, %dma_start3A] : memref<2x51200x32xf32, #tpu.memory_space<hbm>> -> memref<1x3200x32xf32, #tpu.memory_space<hbm>>
      %dma_start3A_38 = tpu.memref_squeeze %dma_start3A_37 : memref<1x3200x32xf32, #tpu.memory_space<hbm>> -> memref<3200x32xf32, #tpu.memory_space<hbm>>
      %dma_start3A_39 = arith.constant 0 : i32
      %dma_start3A_40 = tpu.memref_slice %arg12[%mul3A_18, %dma_start3A_39] : memref<51200x32xf32, #tpu.memory_space<vmem_shared>> -> memref<3200x32xf32, #tpu.memory_space<vmem_shared>>
      tpu.enqueue_dma source(%dma_start3A_40 : memref<3200x32xf32, #tpu.memory_space<vmem_shared>>) target(%dma_start3A_38 : memref<3200x32xf32, #tpu.memory_space<hbm>>) target_semaphore(%run_scoped3A : memref<!tpu.dma_semaphore, #tpu.memory_space<semaphore_mem>>)
      %dma_wait3A = arith.constant 0 : i32
      %dma_wait3A_41 = tpu.memref_slice %arg6[%arg0, %mul3A_18, %dma_wait3A] : memref<2x51200x32xf32, #tpu.memory_space<hbm>> -> memref<1x3200x32xf32, #tpu.memory_space<hbm>>
      %dma_wait3A_42 = tpu.memref_squeeze %dma_wait3A_41 : memref<1x3200x32xf32, #tpu.memory_space<hbm>> -> memref<3200x32xf32, #tpu.memory_space<hbm>>
      %dma_wait3A_43 = arith.constant 0 : i32
      %dma_wait3A_44 = tpu.memref_slice %arg12[%mul3A_18, %dma_wait3A_43] : memref<51200x32xf32, #tpu.memory_space<vmem_shared>> -> memref<3200x32xf32, #tpu.memory_space<vmem_shared>>
      tpu.wait_dma2 semaphore(%run_scoped3A : memref<!tpu.dma_semaphore, #tpu.memory_space<semaphore_mem>>) src(%dma_wait3A_44 : memref<3200x32xf32, #tpu.memory_space<vmem_shared>>) dst(%dma_wait3A_42 : memref<3200x32xf32, #tpu.memory_space<hbm>>)
      tpu.yield
    }) : () -> ()
    %barrier3A_19 = arith.constant 0 : index
    tpu.barrier barrier_id(%barrier3A_19)
    %scan3A_20 = arith.constant 0 : i32
    %scan3A_21 = arith.constant 0 : i32
    %scan3A_22 = arith.constant 25 : i32
    %scan3A_23 = arith.addi %scan3A_21, %scan3A_22 : i32
    %scan3A_24 = arith.constant 1 : i32
    scf.for %scan3A_37 = %scan3A_21 to %scan3A_23 step %scan3A_24  : i32 {
      %mul3A_38 = arith.constant 3200 : i32
      %mul3A_39 = arith.muli %arg1, %mul3A_38 : i32
      %mul3A_40 = arith.constant 128 : i32
      %mul3A_41 = arith.muli %scan3A_37, %mul3A_40 : i32
      %add3A = arith.addi %mul3A_39, %mul3A_41 : i32
      "tpu.region"() ({
        %run_scoped3A = tpu.sem_alloc : memref<!tpu.dma_semaphore, #tpu.memory_space<semaphore_mem>>
        %dma_start3A = arith.constant 0 : i32
        %dma_start3A_42 = tpu.memref_slice %arg12[%add3A, %dma_start3A] : memref<51200x32xf32, #tpu.memory_space<vmem_shared>> -> memref<128x32xf32, #tpu.memory_space<vmem_shared>>
        %dma_start3A_43 = arith.constant 0 : i32
        %dma_start3A_44 = tpu.memref_slice %arg12[%add3A, %dma_start3A_43] : memref<51200x32xf32, #tpu.memory_space<vmem_shared>> -> memref<128x32xf32, #tpu.memory_space<vmem_shared>>
        tpu.enqueue_dma source(%arg11 : memref<128x32xf32, #tpu.memory_space<vmem>>) target(%dma_start3A_44 : memref<128x32xf32, #tpu.memory_space<vmem_shared>>) target_semaphore(%run_scoped3A : memref<!tpu.dma_semaphore, #tpu.memory_space<semaphore_mem>>)
        %dma_wait3A = arith.constant 0 : i32
        %dma_wait3A_45 = tpu.memref_slice %arg12[%add3A, %dma_wait3A] : memref<51200x32xf32, #tpu.memory_space<vmem_shared>> -> memref<128x32xf32, #tpu.memory_space<vmem_shared>>
        %dma_wait3A_46 = arith.constant 0 : i32
        %dma_wait3A_47 = tpu.memref_slice %arg12[%add3A, %dma_wait3A_46] : memref<51200x32xf32, #tpu.memory_space<vmem_shared>> -> memref<128x32xf32, #tpu.memory_space<vmem_shared>>
        tpu.wait_dma2 semaphore(%run_scoped3A : memref<!tpu.dma_semaphore, #tpu.memory_space<semaphore_mem>>) src(%arg11 : memref<128x32xf32, #tpu.memory_space<vmem>>) dst(%dma_wait3A_47 : memref<128x32xf32, #tpu.memory_space<vmem_shared>>)
        tpu.yield
      }) : () -> ()
    }
    %scan3A_25 = arith.constant 25 : i32
    %barrier3A_26 = arith.constant 0 : index
    tpu.barrier barrier_id(%barrier3A_26)
    %scan3A_27 = arith.constant 0 : i32
    %scan3A_28 = arith.constant 0 : i32
    %scan3A_29 = arith.constant 14 : i32
    %scan3A_30 = arith.addi %scan3A_28, %scan3A_29 : i32
    %scan3A_31 = arith.constant 1 : i32
    scf.for %scan3A_37 = %scan3A_28 to %scan3A_30 step %scan3A_31  : i32 {
      %mul3A_38 = arith.constant 28 : i32
      %mul3A_39 = arith.muli %scan3A_37, %mul3A_38 : i32
      %run_scoped3A = arith.constant 0 : i32
      "tpu.region"() ({
        %run_scoped3A_124 = tpu.sem_alloc : memref<!tpu.dma_semaphore, #tpu.memory_space<semaphore_mem>>
        %dma_start3A_125 = arith.constant 0 : i32
        %dma_start3A_126 = tpu.memref_slice %arg5[%run_scoped3A, %arg1, %mul3A_39, %dma_start3A_125] : memref<2x16x392x128xi32, #tpu.memory_space<hbm>> -> memref<1x1x28x128xi32, #tpu.memory_space<hbm>>
        %dma_start3A_127 = tpu.memref_squeeze %dma_start3A_126 : memref<1x1x28x128xi32, #tpu.memory_space<hbm>> -> memref<28x128xi32, #tpu.memory_space<hbm>>
        %dma_start3A_128 = arith.constant 0 : i32
        %dma_start3A_129 = tpu.memref_slice %arg5[%run_scoped3A, %arg1, %mul3A_39, %dma_start3A_128] : memref<2x16x392x128xi32, #tpu.memory_space<hbm>> -> memref<1x1x28x128xi32, #tpu.memory_space<hbm>>
        %dma_start3A_130 = tpu.memref_squeeze %dma_start3A_129 : memref<1x1x28x128xi32, #tpu.memory_space<hbm>> -> memref<28x128xi32, #tpu.memory_space<hbm>>
        tpu.enqueue_dma source(%dma_start3A_130 : memref<28x128xi32, #tpu.memory_space<hbm>>) target(%arg8 : memref<28x128xi32, #tpu.memory_space<vmem>>) target_semaphore(%run_scoped3A_124 : memref<!tpu.dma_semaphore, #tpu.memory_space<semaphore_mem>>)
        %dma_wait3A = arith.constant 0 : i32
        %dma_wait3A_131 = tpu.memref_slice %arg5[%run_scoped3A, %arg1, %mul3A_39, %dma_wait3A] : memref<2x16x392x128xi32, #tpu.memory_space<hbm>> -> memref<1x1x28x128xi32, #tpu.memory_space<hbm>>
        %dma_wait3A_132 = tpu.memref_squeeze %dma_wait3A_131 : memref<1x1x28x128xi32, #tpu.memory_space<hbm>> -> memref<28x128xi32, #tpu.memory_space<hbm>>
        %dma_wait3A_133 = arith.constant 0 : i32
        %dma_wait3A_134 = tpu.memref_slice %arg5[%run_scoped3A, %arg1, %mul3A_39, %dma_wait3A_133] : memref<2x16x392x128xi32, #tpu.memory_space<hbm>> -> memref<1x1x28x128xi32, #tpu.memory_space<hbm>>
        %dma_wait3A_135 = tpu.memref_squeeze %dma_wait3A_134 : memref<1x1x28x128xi32, #tpu.memory_space<hbm>> -> memref<28x128xi32, #tpu.memory_space<hbm>>
        tpu.wait_dma2 semaphore(%run_scoped3A_124 : memref<!tpu.dma_semaphore, #tpu.memory_space<semaphore_mem>>) src(%dma_wait3A_135 : memref<28x128xi32, #tpu.memory_space<hbm>>) dst(%arg8 : memref<28x128xi32, #tpu.memory_space<vmem>>)
        tpu.yield
      }) : () -> ()
      %mul3A_40 = arith.constant 28 : i32
      %mul3A_41 = arith.muli %scan3A_37, %mul3A_40 : i32
      %run_scoped3A_42 = arith.constant 1 : i32
      "tpu.region"() ({
        %run_scoped3A_124 = tpu.sem_alloc : memref<!tpu.dma_semaphore, #tpu.memory_space<semaphore_mem>>
        %dma_start3A_125 = arith.constant 0 : i32
        %dma_start3A_126 = tpu.memref_slice %arg5[%run_scoped3A_42, %arg1, %mul3A_41, %dma_start3A_125] : memref<2x16x392x128xi32, #tpu.memory_space<hbm>> -> memref<1x1x28x128xi32, #tpu.memory_space<hbm>>
        %dma_start3A_127 = tpu.memref_squeeze %dma_start3A_126 : memref<1x1x28x128xi32, #tpu.memory_space<hbm>> -> memref<28x128xi32, #tpu.memory_space<hbm>>
        %dma_start3A_128 = arith.constant 0 : i32
        %dma_start3A_129 = tpu.memref_slice %arg5[%run_scoped3A_42, %arg1, %mul3A_41, %dma_start3A_128] : memref<2x16x392x128xi32, #tpu.memory_space<hbm>> -> memref<1x1x28x128xi32, #tpu.memory_space<hbm>>
        %dma_start3A_130 = tpu.memref_squeeze %dma_start3A_129 : memref<1x1x28x128xi32, #tpu.memory_space<hbm>> -> memref<28x128xi32, #tpu.memory_space<hbm>>
        tpu.enqueue_dma source(%dma_start3A_130 : memref<28x128xi32, #tpu.memory_space<hbm>>) target(%arg9 : memref<28x128xi32, #tpu.memory_space<vmem>>) target_semaphore(%run_scoped3A_124 : memref<!tpu.dma_semaphore, #tpu.memory_space<semaphore_mem>>)
        %dma_wait3A = arith.constant 0 : i32
        %dma_wait3A_131 = tpu.memref_slice %arg5[%run_scoped3A_42, %arg1, %mul3A_41, %dma_wait3A] : memref<2x16x392x128xi32, #tpu.memory_space<hbm>> -> memref<1x1x28x128xi32, #tpu.memory_space<hbm>>
        %dma_wait3A_132 = tpu.memref_squeeze %dma_wait3A_131 : memref<1x1x28x128xi32, #tpu.memory_space<hbm>> -> memref<28x128xi32, #tpu.memory_space<hbm>>
        %dma_wait3A_133 = arith.constant 0 : i32
        %dma_wait3A_134 = tpu.memref_slice %arg5[%run_scoped3A_42, %arg1, %mul3A_41, %dma_wait3A_133] : memref<2x16x392x128xi32, #tpu.memory_space<hbm>> -> memref<1x1x28x128xi32, #tpu.memory_space<hbm>>
        %dma_wait3A_135 = tpu.memref_squeeze %dma_wait3A_134 : memref<1x1x28x128xi32, #tpu.memory_space<hbm>> -> memref<28x128xi32, #tpu.memory_space<hbm>>
        tpu.wait_dma2 semaphore(%run_scoped3A_124 : memref<!tpu.dma_semaphore, #tpu.memory_space<semaphore_mem>>) src(%dma_wait3A_135 : memref<28x128xi32, #tpu.memory_space<hbm>>) dst(%arg9 : memref<28x128xi32, #tpu.memory_space<vmem>>)
        tpu.yield
      }) : () -> ()
      %dma_start3A = arith.constant 0 : i32
      %dma_start3A_43 = arith.constant 0 : i32
      %dma_start3A_44 = arith.constant 0 : i32
      %dma_start3A_45 = arith.constant 0 : i32
      %dma_start3A_46 = arith.constant 0 : i32
      %dma_start3A_47 = tpu.memref_slice %arg10[%dma_start3A_43, %dma_start3A_45, %dma_start3A_46] : memref<4x128x32xf32, #tpu.memory_space<vmem>> -> memref<1x128x32xf32, #tpu.memory_space<vmem>>
      %dma_start3A_48 = tpu.memref_squeeze %dma_start3A_47 : memref<1x128x32xf32, #tpu.memory_space<vmem>> -> memref<128x32xf32, #tpu.memory_space<vmem>>
      %dma_start3A_49 = arith.constant 0 : i32
      %dma_start3A_50 = tpu.memref_slice %arg8[%dma_start3A, %dma_start3A_49] : memref<28x128xi32, #tpu.memory_space<vmem>> -> memref<1x128xi32, #tpu.memory_space<vmem>>
      %dma_start3A_51 = tpu.memref_squeeze %dma_start3A_50 : memref<1x128xi32, #tpu.memory_space<vmem>> -> memref<128xi32, #tpu.memory_space<vmem>>
      %dma_start3A_52 = arith.constant 0 : i32
      %dma_start3A_53 = arith.constant 0 : i32
      %dma_start3A_54 = tpu.memref_slice %arg3[%arg0, %dma_start3A_52, %dma_start3A_53] : memref<2x50000x32xf32, #tpu.memory_space<hbm>> -> memref<1x50000x32xf32, #tpu.memory_space<hbm>>
      %dma_start3A_55 = tpu.memref_squeeze %dma_start3A_54 : memref<1x50000x32xf32, #tpu.memory_space<hbm>> -> memref<50000x32xf32, #tpu.memory_space<hbm>>
      %dma_start3A_56 = arith.constant 0 : i32
      %dma_start3A_57 = arith.constant 0 : i32
      %dma_start3A_58 = tpu.memref_slice %dma_start3A_55[%dma_start3A_56, %dma_start3A_57] : memref<50000x32xf32, #tpu.memory_space<hbm>> -> memref<50000x32xf32, #tpu.memory_space<hbm>>
      %dma_start3A_59 = tpu.memref_slice %arg13[%dma_start3A_44] : memref<4x!tpu.dma_semaphore, #tpu.memory_space<semaphore_mem>> -> memref<1x!tpu.dma_semaphore, #tpu.memory_space<semaphore_mem>>
      %dma_start3A_60 = tpu.memref_squeeze %dma_start3A_59 : memref<1x!tpu.dma_semaphore, #tpu.memory_space<semaphore_mem>> -> memref<!tpu.dma_semaphore, #tpu.memory_space<semaphore_mem>>
      tpu.enqueue_indirect_dma source(%dma_start3A_58 : memref<50000x32xf32, #tpu.memory_space<hbm>>) target(%dma_start3A_48 : memref<128x32xf32, #tpu.memory_space<vmem>>) offsets(%dma_start3A_51 : memref<128xi32, #tpu.memory_space<vmem>>) semaphore(%dma_start3A_60 : memref<!tpu.dma_semaphore, #tpu.memory_space<semaphore_mem>>)
      %dma_start3A_61 = arith.constant 1 : i32
      %dma_start3A_62 = arith.constant 1 : i32
      %dma_start3A_63 = arith.constant 1 : i32
      %dma_start3A_64 = arith.constant 0 : i32
      %dma_start3A_65 = arith.constant 0 : i32
      %dma_start3A_66 = tpu.memref_slice %arg10[%dma_start3A_62, %dma_start3A_64, %dma_start3A_65] : memref<4x128x32xf32, #tpu.memory_space<vmem>> -> memref<1x128x32xf32, #tpu.memory_space<vmem>>
      %dma_start3A_67 = tpu.memref_squeeze %dma_start3A_66 : memref<1x128x32xf32, #tpu.memory_space<vmem>> -> memref<128x32xf32, #tpu.memory_space<vmem>>
      %dma_start3A_68 = arith.constant 0 : i32
      %dma_start3A_69 = tpu.memref_slice %arg8[%dma_start3A_61, %dma_start3A_68] : memref<28x128xi32, #tpu.memory_space<vmem>> -> memref<1x128xi32, #tpu.memory_space<vmem>>
      %dma_start3A_70 = tpu.memref_squeeze %dma_start3A_69 : memref<1x128xi32, #tpu.memory_space<vmem>> -> memref<128xi32, #tpu.memory_space<vmem>>
      %dma_start3A_71 = arith.constant 0 : i32
      %dma_start3A_72 = arith.constant 0 : i32
      %dma_start3A_73 = tpu.memref_slice %arg3[%arg0, %dma_start3A_71, %dma_start3A_72] : memref<2x50000x32xf32, #tpu.memory_space<hbm>> -> memref<1x50000x32xf32, #tpu.memory_space<hbm>>
      %dma_start3A_74 = tpu.memref_squeeze %dma_start3A_73 : memref<1x50000x32xf32, #tpu.memory_space<hbm>> -> memref<50000x32xf32, #tpu.memory_space<hbm>>
      %dma_start3A_75 = arith.constant 0 : i32
      %dma_start3A_76 = arith.constant 0 : i32
      %dma_start3A_77 = tpu.memref_slice %dma_start3A_74[%dma_start3A_75, %dma_start3A_76] : memref<50000x32xf32, #tpu.memory_space<hbm>> -> memref<50000x32xf32, #tpu.memory_space<hbm>>
      %dma_start3A_78 = tpu.memref_slice %arg13[%dma_start3A_63] : memref<4x!tpu.dma_semaphore, #tpu.memory_space<semaphore_mem>> -> memref<1x!tpu.dma_semaphore, #tpu.memory_space<semaphore_mem>>
      %dma_start3A_79 = tpu.memref_squeeze %dma_start3A_78 : memref<1x!tpu.dma_semaphore, #tpu.memory_space<semaphore_mem>> -> memref<!tpu.dma_semaphore, #tpu.memory_space<semaphore_mem>>
      tpu.enqueue_indirect_dma source(%dma_start3A_77 : memref<50000x32xf32, #tpu.memory_space<hbm>>) target(%dma_start3A_67 : memref<128x32xf32, #tpu.memory_space<vmem>>) offsets(%dma_start3A_70 : memref<128xi32, #tpu.memory_space<vmem>>) semaphore(%dma_start3A_79 : memref<!tpu.dma_semaphore, #tpu.memory_space<semaphore_mem>>)
      %dma_start3A_80 = arith.constant 2 : i32
      %dma_start3A_81 = arith.constant 2 : i32
      %dma_start3A_82 = arith.constant 2 : i32
      %dma_start3A_83 = arith.constant 0 : i32
      %dma_start3A_84 = arith.constant 0 : i32
      %dma_start3A_85 = tpu.memref_slice %arg10[%dma_start3A_81, %dma_start3A_83, %dma_start3A_84] : memref<4x128x32xf32, #tpu.memory_space<vmem>> -> memref<1x128x32xf32, #tpu.memory_space<vmem>>
      %dma_start3A_86 = tpu.memref_squeeze %dma_start3A_85 : memref<1x128x32xf32, #tpu.memory_space<vmem>> -> memref<128x32xf32, #tpu.memory_space<vmem>>
      %dma_start3A_87 = arith.constant 0 : i32
      %dma_start3A_88 = tpu.memref_slice %arg8[%dma_start3A_80, %dma_start3A_87] : memref<28x128xi32, #tpu.memory_space<vmem>> -> memref<1x128xi32, #tpu.memory_space<vmem>>
      %dma_start3A_89 = tpu.memref_squeeze %dma_start3A_88 : memref<1x128xi32, #tpu.memory_space<vmem>> -> memref<128xi32, #tpu.memory_space<vmem>>
      %dma_start3A_90 = arith.constant 0 : i32
      %dma_start3A_91 = arith.constant 0 : i32
      %dma_start3A_92 = tpu.memref_slice %arg3[%arg0, %dma_start3A_90, %dma_start3A_91] : memref<2x50000x32xf32, #tpu.memory_space<hbm>> -> memref<1x50000x32xf32, #tpu.memory_space<hbm>>
      %dma_start3A_93 = tpu.memref_squeeze %dma_start3A_92 : memref<1x50000x32xf32, #tpu.memory_space<hbm>> -> memref<50000x32xf32, #tpu.memory_space<hbm>>
      %dma_start3A_94 = arith.constant 0 : i32
      %dma_start3A_95 = arith.constant 0 : i32
      %dma_start3A_96 = tpu.memref_slice %dma_start3A_93[%dma_start3A_94, %dma_start3A_95] : memref<50000x32xf32, #tpu.memory_space<hbm>> -> memref<50000x32xf32, #tpu.memory_space<hbm>>
      %dma_start3A_97 = tpu.memref_slice %arg13[%dma_start3A_82] : memref<4x!tpu.dma_semaphore, #tpu.memory_space<semaphore_mem>> -> memref<1x!tpu.dma_semaphore, #tpu.memory_space<semaphore_mem>>
      %dma_start3A_98 = tpu.memref_squeeze %dma_start3A_97 : memref<1x!tpu.dma_semaphore, #tpu.memory_space<semaphore_mem>> -> memref<!tpu.dma_semaphore, #tpu.memory_space<semaphore_mem>>
      tpu.enqueue_indirect_dma source(%dma_start3A_96 : memref<50000x32xf32, #tpu.memory_space<hbm>>) target(%dma_start3A_86 : memref<128x32xf32, #tpu.memory_space<vmem>>) offsets(%dma_start3A_89 : memref<128xi32, #tpu.memory_space<vmem>>) semaphore(%dma_start3A_98 : memref<!tpu.dma_semaphore, #tpu.memory_space<semaphore_mem>>)
      %dma_start3A_99 = arith.constant 3 : i32
      %dma_start3A_100 = arith.constant 3 : i32
      %dma_start3A_101 = arith.constant 3 : i32
      %dma_start3A_102 = arith.constant 0 : i32
      %dma_start3A_103 = arith.constant 0 : i32
      %dma_start3A_104 = tpu.memref_slice %arg10[%dma_start3A_100, %dma_start3A_102, %dma_start3A_103] : memref<4x128x32xf32, #tpu.memory_space<vmem>> -> memref<1x128x32xf32, #tpu.memory_space<vmem>>
      %dma_start3A_105 = tpu.memref_squeeze %dma_start3A_104 : memref<1x128x32xf32, #tpu.memory_space<vmem>> -> memref<128x32xf32, #tpu.memory_space<vmem>>
      %dma_start3A_106 = arith.constant 0 : i32
      %dma_start3A_107 = tpu.memref_slice %arg8[%dma_start3A_99, %dma_start3A_106] : memref<28x128xi32, #tpu.memory_space<vmem>> -> memref<1x128xi32, #tpu.memory_space<vmem>>
      %dma_start3A_108 = tpu.memref_squeeze %dma_start3A_107 : memref<1x128xi32, #tpu.memory_space<vmem>> -> memref<128xi32, #tpu.memory_space<vmem>>
      %dma_start3A_109 = arith.constant 0 : i32
      %dma_start3A_110 = arith.constant 0 : i32
      %dma_start3A_111 = tpu.memref_slice %arg3[%arg0, %dma_start3A_109, %dma_start3A_110] : memref<2x50000x32xf32, #tpu.memory_space<hbm>> -> memref<1x50000x32xf32, #tpu.memory_space<hbm>>
      %dma_start3A_112 = tpu.memref_squeeze %dma_start3A_111 : memref<1x50000x32xf32, #tpu.memory_space<hbm>> -> memref<50000x32xf32, #tpu.memory_space<hbm>>
      %dma_start3A_113 = arith.constant 0 : i32
      %dma_start3A_114 = arith.constant 0 : i32
      %dma_start3A_115 = tpu.memref_slice %dma_start3A_112[%dma_start3A_113, %dma_start3A_114] : memref<50000x32xf32, #tpu.memory_space<hbm>> -> memref<50000x32xf32, #tpu.memory_space<hbm>>
      %dma_start3A_116 = tpu.memref_slice %arg13[%dma_start3A_101] : memref<4x!tpu.dma_semaphore, #tpu.memory_space<semaphore_mem>> -> memref<1x!tpu.dma_semaphore, #tpu.memory_space<semaphore_mem>>
      %dma_start3A_117 = tpu.memref_squeeze %dma_start3A_116 : memref<1x!tpu.dma_semaphore, #tpu.memory_space<semaphore_mem>> -> memref<!tpu.dma_semaphore, #tpu.memory_space<semaphore_mem>>
      tpu.enqueue_indirect_dma source(%dma_start3A_115 : memref<50000x32xf32, #tpu.memory_space<hbm>>) target(%dma_start3A_105 : memref<128x32xf32, #tpu.memory_space<vmem>>) offsets(%dma_start3A_108 : memref<128xi32, #tpu.memory_space<vmem>>) semaphore(%dma_start3A_117 : memref<!tpu.dma_semaphore, #tpu.memory_space<semaphore_mem>>)
      %scan3A_118 = arith.constant 0 : i32
      %scan3A_119 = arith.constant 0 : i32
      %scan3A_120 = arith.constant 7 : i32
      %scan3A_121 = arith.addi %scan3A_119, %scan3A_120 : i32
      %scan3A_122 = arith.constant 1 : i32
      scf.for %scan3A_124 = %scan3A_119 to %scan3A_121 step %scan3A_122  : i32 {
        %mul3A_125 = arith.constant 4 : i32
        %mul3A_126 = arith.muli %scan3A_124, %mul3A_125 : i32
        %add3A = arith.constant 0 : i32
        %add3A_127 = arith.addi %mul3A_126, %add3A : i32
        %dma_wait3A = arith.constant 0 : i32
        %dma_wait3A_128 = arith.constant 0 : i32
        %dma_wait3A_129 = arith.constant 0 : i32
        %dma_wait3A_130 = arith.constant 0 : i32
        %dma_wait3A_131 = arith.constant 0 : i32
        %dma_wait3A_132 = tpu.memref_slice %arg10[%dma_wait3A_128, %dma_wait3A_130, %dma_wait3A_131] : memref<4x128x32xf32, #tpu.memory_space<vmem>> -> memref<1x128x32xf32, #tpu.memory_space<vmem>>
        %dma_wait3A_133 = tpu.memref_squeeze %dma_wait3A_132 : memref<1x128x32xf32, #tpu.memory_space<vmem>> -> memref<128x32xf32, #tpu.memory_space<vmem>>
        %dma_wait3A_134 = arith.constant 0 : i32
        %dma_wait3A_135 = tpu.memref_slice %arg8[%dma_wait3A, %dma_wait3A_134] : memref<28x128xi32, #tpu.memory_space<vmem>> -> memref<1x128xi32, #tpu.memory_space<vmem>>
        %dma_wait3A_136 = tpu.memref_squeeze %dma_wait3A_135 : memref<1x128xi32, #tpu.memory_space<vmem>> -> memref<128xi32, #tpu.memory_space<vmem>>
        %dma_wait3A_137 = arith.constant 0 : i32
        %dma_wait3A_138 = arith.constant 0 : i32
        %dma_wait3A_139 = tpu.memref_slice %arg3[%arg0, %dma_wait3A_137, %dma_wait3A_138] : memref<2x50000x32xf32, #tpu.memory_space<hbm>> -> memref<1x50000x32xf32, #tpu.memory_space<hbm>>
        %dma_wait3A_140 = tpu.memref_squeeze %dma_wait3A_139 : memref<1x50000x32xf32, #tpu.memory_space<hbm>> -> memref<50000x32xf32, #tpu.memory_space<hbm>>
        %dma_wait3A_141 = arith.constant 0 : i32
        %dma_wait3A_142 = arith.constant 0 : i32
        %dma_wait3A_143 = tpu.memref_slice %dma_wait3A_140[%dma_wait3A_141, %dma_wait3A_142] : memref<50000x32xf32, #tpu.memory_space<hbm>> -> memref<50000x32xf32, #tpu.memory_space<hbm>>
        %dma_wait3A_144 = tpu.memref_slice %arg13[%dma_wait3A_129] : memref<4x!tpu.dma_semaphore, #tpu.memory_space<semaphore_mem>> -> memref<1x!tpu.dma_semaphore, #tpu.memory_space<semaphore_mem>>
        %dma_wait3A_145 = tpu.memref_squeeze %dma_wait3A_144 : memref<1x!tpu.dma_semaphore, #tpu.memory_space<semaphore_mem>> -> memref<!tpu.dma_semaphore, #tpu.memory_space<semaphore_mem>>
        tpu.wait_indirect_dma semaphore(%dma_wait3A_145 : memref<!tpu.dma_semaphore, #tpu.memory_space<semaphore_mem>>) src(%dma_wait3A_143 : memref<50000x32xf32, #tpu.memory_space<hbm>>) dst(%dma_wait3A_133 : memref<128x32xf32, #tpu.memory_space<vmem>>)
        %run_scoped3A_146 = arith.constant 0 : i32
        "tpu.region"() ({
          %run_scoped3A_244 = tpu.sem_alloc : memref<!tpu.dma_semaphore, #tpu.memory_space<semaphore_mem>>
          %dma_start3A_245 = arith.constant 0 : i32
          %dma_start3A_246 = arith.constant 0 : i32
          %dma_start3A_247 = tpu.memref_slice %arg10[%run_scoped3A_146, %dma_start3A_245, %dma_start3A_246] : memref<4x128x32xf32, #tpu.memory_space<vmem>> -> memref<1x128x32xf32, #tpu.memory_space<vmem>>
          %dma_start3A_248 = tpu.memref_squeeze %dma_start3A_247 : memref<1x128x32xf32, #tpu.memory_space<vmem>> -> memref<128x32xf32, #tpu.memory_space<vmem>>
          %dma_start3A_249 = arith.constant 0 : i32
          %dma_start3A_250 = tpu.memref_slice %arg9[%add3A_127, %dma_start3A_249] : memref<28x128xi32, #tpu.memory_space<vmem>> -> memref<1x128xi32, #tpu.memory_space<vmem>>
          %dma_start3A_251 = tpu.memref_squeeze %dma_start3A_250 : memref<1x128xi32, #tpu.memory_space<vmem>> -> memref<128xi32, #tpu.memory_space<vmem>>
          %dma_start3A_252 = arith.constant 0 : i32
          %dma_start3A_253 = arith.constant 0 : i32
          %dma_start3A_254 = tpu.memref_slice %arg12[%dma_start3A_252, %dma_start3A_253] : memref<51200x32xf32, #tpu.memory_space<vmem_shared>> -> memref<51200x32xf32, #tpu.memory_space<vmem_shared>>
          tpu.enqueue_indirect_dma source(%dma_start3A_248 : memref<128x32xf32, #tpu.memory_space<vmem>>) target(%dma_start3A_254 : memref<51200x32xf32, #tpu.memory_space<vmem_shared>>) offsets(%dma_start3A_251 : memref<128xi32, #tpu.memory_space<vmem>>) semaphore(%run_scoped3A_244 : memref<!tpu.dma_semaphore, #tpu.memory_space<semaphore_mem>>) {add = true}
          %dma_wait3A_255 = arith.constant 0 : i32
          %dma_wait3A_256 = arith.constant 0 : i32
          %dma_wait3A_257 = tpu.memref_slice %arg10[%run_scoped3A_146, %dma_wait3A_255, %dma_wait3A_256] : memref<4x128x32xf32, #tpu.memory_space<vmem>> -> memref<1x128x32xf32, #tpu.memory_space<vmem>>
          %dma_wait3A_258 = tpu.memref_squeeze %dma_wait3A_257 : memref<1x128x32xf32, #tpu.memory_space<vmem>> -> memref<128x32xf32, #tpu.memory_space<vmem>>
          %dma_wait3A_259 = arith.constant 0 : i32
          %dma_wait3A_260 = tpu.memref_slice %arg9[%add3A_127, %dma_wait3A_259] : memref<28x128xi32, #tpu.memory_space<vmem>> -> memref<1x128xi32, #tpu.memory_space<vmem>>
          %dma_wait3A_261 = tpu.memref_squeeze %dma_wait3A_260 : memref<1x128xi32, #tpu.memory_space<vmem>> -> memref<128xi32, #tpu.memory_space<vmem>>
          %dma_wait3A_262 = arith.constant 0 : i32
          %dma_wait3A_263 = arith.constant 0 : i32
          %dma_wait3A_264 = tpu.memref_slice %arg12[%dma_wait3A_262, %dma_wait3A_263] : memref<51200x32xf32, #tpu.memory_space<vmem_shared>> -> memref<51200x32xf32, #tpu.memory_space<vmem_shared>>
          tpu.wait_indirect_dma semaphore(%run_scoped3A_244 : memref<!tpu.dma_semaphore, #tpu.memory_space<semaphore_mem>>) src(%dma_wait3A_258 : memref<128x32xf32, #tpu.memory_space<vmem>>) dst(%dma_wait3A_264 : memref<51200x32xf32, #tpu.memory_space<vmem_shared>>)
          tpu.yield
        }) : () -> ()
        %add3A_147 = arith.constant 4 : i32
        %add3A_148 = arith.addi %add3A_127, %add3A_147 : i32
        %lt3A = arith.constant 28 : i32
        %lt3A_149 = arith.cmpi slt, %add3A_148, %lt3A : i32
        %convert_element_type3A = arith.extui %lt3A_149 : i1 to i32
        %cond3A = arith.constant 0 : i32
        %cond3A_150 = arith.cmpi ne, %convert_element_type3A, %cond3A : i32
        scf.if %cond3A_150 {
          %add3A_244 = arith.constant 4 : i32
          %add3A_245 = arith.addi %add3A_127, %add3A_244 : i32
          %dma_start3A_246 = arith.constant 0 : i32
          %dma_start3A_247 = arith.constant 0 : i32
          %dma_start3A_248 = arith.constant 0 : i32
          %dma_start3A_249 = arith.constant 0 : i32
          %dma_start3A_250 = tpu.memref_slice %arg10[%dma_start3A_246, %dma_start3A_248, %dma_start3A_249] : memref<4x128x32xf32, #tpu.memory_space<vmem>> -> memref<1x128x32xf32, #tpu.memory_space<vmem>>
          %dma_start3A_251 = tpu.memref_squeeze %dma_start3A_250 : memref<1x128x32xf32, #tpu.memory_space<vmem>> -> memref<128x32xf32, #tpu.memory_space<vmem>>
          %dma_start3A_252 = arith.constant 0 : i32
          %dma_start3A_253 = tpu.memref_slice %arg8[%add3A_245, %dma_start3A_252] : memref<28x128xi32, #tpu.memory_space<vmem>> -> memref<1x128xi32, #tpu.memory_space<vmem>>
          %dma_start3A_254 = tpu.memref_squeeze %dma_start3A_253 : memref<1x128xi32, #tpu.memory_space<vmem>> -> memref<128xi32, #tpu.memory_space<vmem>>
          %dma_start3A_255 = arith.constant 0 : i32
          %dma_start3A_256 = arith.constant 0 : i32
          %dma_start3A_257 = tpu.memref_slice %arg3[%arg0, %dma_start3A_255, %dma_start3A_256] : memref<2x50000x32xf32, #tpu.memory_space<hbm>> -> memref<1x50000x32xf32, #tpu.memory_space<hbm>>
          %dma_start3A_258 = tpu.memref_squeeze %dma_start3A_257 : memref<1x50000x32xf32, #tpu.memory_space<hbm>> -> memref<50000x32xf32, #tpu.memory_space<hbm>>
          %dma_start3A_259 = arith.constant 0 : i32
          %dma_start3A_260 = arith.constant 0 : i32
          %dma_start3A_261 = tpu.memref_slice %dma_start3A_258[%dma_start3A_259, %dma_start3A_260] : memref<50000x32xf32, #tpu.memory_space<hbm>> -> memref<50000x32xf32, #tpu.memory_space<hbm>>
          %dma_start3A_262 = tpu.memref_slice %arg13[%dma_start3A_247] : memref<4x!tpu.dma_semaphore, #tpu.memory_space<semaphore_mem>> -> memref<1x!tpu.dma_semaphore, #tpu.memory_space<semaphore_mem>>
          %dma_start3A_263 = tpu.memref_squeeze %dma_start3A_262 : memref<1x!tpu.dma_semaphore, #tpu.memory_space<semaphore_mem>> -> memref<!tpu.dma_semaphore, #tpu.memory_space<semaphore_mem>>
          tpu.enqueue_indirect_dma source(%dma_start3A_261 : memref<50000x32xf32, #tpu.memory_space<hbm>>) target(%dma_start3A_251 : memref<128x32xf32, #tpu.memory_space<vmem>>) offsets(%dma_start3A_254 : memref<128xi32, #tpu.memory_space<vmem>>) semaphore(%dma_start3A_263 : memref<!tpu.dma_semaphore, #tpu.memory_space<semaphore_mem>>)
        } else {
        }
        %mul3A_151 = arith.constant 4 : i32
        %mul3A_152 = arith.muli %scan3A_124, %mul3A_151 : i32
        %add3A_153 = arith.constant 1 : i32
        %add3A_154 = arith.addi %mul3A_152, %add3A_153 : i32
        %dma_wait3A_155 = arith.constant 0 : i32
        %dma_wait3A_156 = arith.constant 1 : i32
        %dma_wait3A_157 = arith.constant 1 : i32
        %dma_wait3A_158 = arith.constant 0 : i32
        %dma_wait3A_159 = arith.constant 0 : i32
        %dma_wait3A_160 = tpu.memref_slice %arg10[%dma_wait3A_156, %dma_wait3A_158, %dma_wait3A_159] : memref<4x128x32xf32, #tpu.memory_space<vmem>> -> memref<1x128x32xf32, #tpu.memory_space<vmem>>
        %dma_wait3A_161 = tpu.memref_squeeze %dma_wait3A_160 : memref<1x128x32xf32, #tpu.memory_space<vmem>> -> memref<128x32xf32, #tpu.memory_space<vmem>>
        %dma_wait3A_162 = arith.constant 0 : i32
        %dma_wait3A_163 = tpu.memref_slice %arg8[%dma_wait3A_155, %dma_wait3A_162] : memref<28x128xi32, #tpu.memory_space<vmem>> -> memref<1x128xi32, #tpu.memory_space<vmem>>
        %dma_wait3A_164 = tpu.memref_squeeze %dma_wait3A_163 : memref<1x128xi32, #tpu.memory_space<vmem>> -> memref<128xi32, #tpu.memory_space<vmem>>
        %dma_wait3A_165 = arith.constant 0 : i32
        %dma_wait3A_166 = arith.constant 0 : i32
        %dma_wait3A_167 = tpu.memref_slice %arg3[%arg0, %dma_wait3A_165, %dma_wait3A_166] : memref<2x50000x32xf32, #tpu.memory_space<hbm>> -> memref<1x50000x32xf32, #tpu.memory_space<hbm>>
        %dma_wait3A_168 = tpu.memref_squeeze %dma_wait3A_167 : memref<1x50000x32xf32, #tpu.memory_space<hbm>> -> memref<50000x32xf32, #tpu.memory_space<hbm>>
        %dma_wait3A_169 = arith.constant 0 : i32
        %dma_wait3A_170 = arith.constant 0 : i32
        %dma_wait3A_171 = tpu.memref_slice %dma_wait3A_168[%dma_wait3A_169, %dma_wait3A_170] : memref<50000x32xf32, #tpu.memory_space<hbm>> -> memref<50000x32xf32, #tpu.memory_space<hbm>>
        %dma_wait3A_172 = tpu.memref_slice %arg13[%dma_wait3A_157] : memref<4x!tpu.dma_semaphore, #tpu.memory_space<semaphore_mem>> -> memref<1x!tpu.dma_semaphore, #tpu.memory_space<semaphore_mem>>
        %dma_wait3A_173 = tpu.memref_squeeze %dma_wait3A_172 : memref<1x!tpu.dma_semaphore, #tpu.memory_space<semaphore_mem>> -> memref<!tpu.dma_semaphore, #tpu.memory_space<semaphore_mem>>
        tpu.wait_indirect_dma semaphore(%dma_wait3A_173 : memref<!tpu.dma_semaphore, #tpu.memory_space<semaphore_mem>>) src(%dma_wait3A_171 : memref<50000x32xf32, #tpu.memory_space<hbm>>) dst(%dma_wait3A_161 : memref<128x32xf32, #tpu.memory_space<vmem>>)
        %run_scoped3A_174 = arith.constant 1 : i32
        "tpu.region"() ({
          %run_scoped3A_244 = tpu.sem_alloc : memref<!tpu.dma_semaphore, #tpu.memory_space<semaphore_mem>>
          %dma_start3A_245 = arith.constant 0 : i32
          %dma_start3A_246 = arith.constant 0 : i32
          %dma_start3A_247 = tpu.memref_slice %arg10[%run_scoped3A_174, %dma_start3A_245, %dma_start3A_246] : memref<4x128x32xf32, #tpu.memory_space<vmem>> -> memref<1x128x32xf32, #tpu.memory_space<vmem>>
          %dma_start3A_248 = tpu.memref_squeeze %dma_start3A_247 : memref<1x128x32xf32, #tpu.memory_space<vmem>> -> memref<128x32xf32, #tpu.memory_space<vmem>>
          %dma_start3A_249 = arith.constant 0 : i32
          %dma_start3A_250 = tpu.memref_slice %arg9[%add3A_154, %dma_start3A_249] : memref<28x128xi32, #tpu.memory_space<vmem>> -> memref<1x128xi32, #tpu.memory_space<vmem>>
          %dma_start3A_251 = tpu.memref_squeeze %dma_start3A_250 : memref<1x128xi32, #tpu.memory_space<vmem>> -> memref<128xi32, #tpu.memory_space<vmem>>
          %dma_start3A_252 = arith.constant 0 : i32
          %dma_start3A_253 = arith.constant 0 : i32
          %dma_start3A_254 = tpu.memref_slice %arg12[%dma_start3A_252, %dma_start3A_253] : memref<51200x32xf32, #tpu.memory_space<vmem_shared>> -> memref<51200x32xf32, #tpu.memory_space<vmem_shared>>
          tpu.enqueue_indirect_dma source(%dma_start3A_248 : memref<128x32xf32, #tpu.memory_space<vmem>>) target(%dma_start3A_254 : memref<51200x32xf32, #tpu.memory_space<vmem_shared>>) offsets(%dma_start3A_251 : memref<128xi32, #tpu.memory_space<vmem>>) semaphore(%run_scoped3A_244 : memref<!tpu.dma_semaphore, #tpu.memory_space<semaphore_mem>>) {add = true}
          %dma_wait3A_255 = arith.constant 0 : i32
          %dma_wait3A_256 = arith.constant 0 : i32
          %dma_wait3A_257 = tpu.memref_slice %arg10[%run_scoped3A_174, %dma_wait3A_255, %dma_wait3A_256] : memref<4x128x32xf32, #tpu.memory_space<vmem>> -> memref<1x128x32xf32, #tpu.memory_space<vmem>>
          %dma_wait3A_258 = tpu.memref_squeeze %dma_wait3A_257 : memref<1x128x32xf32, #tpu.memory_space<vmem>> -> memref<128x32xf32, #tpu.memory_space<vmem>>
          %dma_wait3A_259 = arith.constant 0 : i32
          %dma_wait3A_260 = tpu.memref_slice %arg9[%add3A_154, %dma_wait3A_259] : memref<28x128xi32, #tpu.memory_space<vmem>> -> memref<1x128xi32, #tpu.memory_space<vmem>>
          %dma_wait3A_261 = tpu.memref_squeeze %dma_wait3A_260 : memref<1x128xi32, #tpu.memory_space<vmem>> -> memref<128xi32, #tpu.memory_space<vmem>>
          %dma_wait3A_262 = arith.constant 0 : i32
          %dma_wait3A_263 = arith.constant 0 : i32
          %dma_wait3A_264 = tpu.memref_slice %arg12[%dma_wait3A_262, %dma_wait3A_263] : memref<51200x32xf32, #tpu.memory_space<vmem_shared>> -> memref<51200x32xf32, #tpu.memory_space<vmem_shared>>
          tpu.wait_indirect_dma semaphore(%run_scoped3A_244 : memref<!tpu.dma_semaphore, #tpu.memory_space<semaphore_mem>>) src(%dma_wait3A_258 : memref<128x32xf32, #tpu.memory_space<vmem>>) dst(%dma_wait3A_264 : memref<51200x32xf32, #tpu.memory_space<vmem_shared>>)
          tpu.yield
        }) : () -> ()
        %add3A_175 = arith.constant 4 : i32
        %add3A_176 = arith.addi %add3A_154, %add3A_175 : i32
        %lt3A_177 = arith.constant 28 : i32
        %lt3A_178 = arith.cmpi slt, %add3A_176, %lt3A_177 : i32
        %convert_element_type3A_179 = arith.extui %lt3A_178 : i1 to i32
        %cond3A_180 = arith.constant 0 : i32
        %cond3A_181 = arith.cmpi ne, %convert_element_type3A_179, %cond3A_180 : i32
        scf.if %cond3A_181 {
          %add3A_244 = arith.constant 4 : i32
          %add3A_245 = arith.addi %add3A_154, %add3A_244 : i32
          %dma_start3A_246 = arith.constant 1 : i32
          %dma_start3A_247 = arith.constant 1 : i32
          %dma_start3A_248 = arith.constant 0 : i32
          %dma_start3A_249 = arith.constant 0 : i32
          %dma_start3A_250 = tpu.memref_slice %arg10[%dma_start3A_246, %dma_start3A_248, %dma_start3A_249] : memref<4x128x32xf32, #tpu.memory_space<vmem>> -> memref<1x128x32xf32, #tpu.memory_space<vmem>>
          %dma_start3A_251 = tpu.memref_squeeze %dma_start3A_250 : memref<1x128x32xf32, #tpu.memory_space<vmem>> -> memref<128x32xf32, #tpu.memory_space<vmem>>
          %dma_start3A_252 = arith.constant 0 : i32
          %dma_start3A_253 = tpu.memref_slice %arg8[%add3A_245, %dma_start3A_252] : memref<28x128xi32, #tpu.memory_space<vmem>> -> memref<1x128xi32, #tpu.memory_space<vmem>>
          %dma_start3A_254 = tpu.memref_squeeze %dma_start3A_253 : memref<1x128xi32, #tpu.memory_space<vmem>> -> memref<128xi32, #tpu.memory_space<vmem>>
          %dma_start3A_255 = arith.constant 0 : i32
          %dma_start3A_256 = arith.constant 0 : i32
          %dma_start3A_257 = tpu.memref_slice %arg3[%arg0, %dma_start3A_255, %dma_start3A_256] : memref<2x50000x32xf32, #tpu.memory_space<hbm>> -> memref<1x50000x32xf32, #tpu.memory_space<hbm>>
          %dma_start3A_258 = tpu.memref_squeeze %dma_start3A_257 : memref<1x50000x32xf32, #tpu.memory_space<hbm>> -> memref<50000x32xf32, #tpu.memory_space<hbm>>
          %dma_start3A_259 = arith.constant 0 : i32
          %dma_start3A_260 = arith.constant 0 : i32
          %dma_start3A_261 = tpu.memref_slice %dma_start3A_258[%dma_start3A_259, %dma_start3A_260] : memref<50000x32xf32, #tpu.memory_space<hbm>> -> memref<50000x32xf32, #tpu.memory_space<hbm>>
          %dma_start3A_262 = tpu.memref_slice %arg13[%dma_start3A_247] : memref<4x!tpu.dma_semaphore, #tpu.memory_space<semaphore_mem>> -> memref<1x!tpu.dma_semaphore, #tpu.memory_space<semaphore_mem>>
          %dma_start3A_263 = tpu.memref_squeeze %dma_start3A_262 : memref<1x!tpu.dma_semaphore, #tpu.memory_space<semaphore_mem>> -> memref<!tpu.dma_semaphore, #tpu.memory_space<semaphore_mem>>
          tpu.enqueue_indirect_dma source(%dma_start3A_261 : memref<50000x32xf32, #tpu.memory_space<hbm>>) target(%dma_start3A_251 : memref<128x32xf32, #tpu.memory_space<vmem>>) offsets(%dma_start3A_254 : memref<128xi32, #tpu.memory_space<vmem>>) semaphore(%dma_start3A_263 : memref<!tpu.dma_semaphore, #tpu.memory_space<semaphore_mem>>)
        } else {
        }
        %mul3A_182 = arith.constant 4 : i32
        %mul3A_183 = arith.muli %scan3A_124, %mul3A_182 : i32
        %add3A_184 = arith.constant 2 : i32
        %add3A_185 = arith.addi %mul3A_183, %add3A_184 : i32
        %dma_wait3A_186 = arith.constant 0 : i32
        %dma_wait3A_187 = arith.constant 2 : i32
        %dma_wait3A_188 = arith.constant 2 : i32
        %dma_wait3A_189 = arith.constant 0 : i32
        %dma_wait3A_190 = arith.constant 0 : i32
        %dma_wait3A_191 = tpu.memref_slice %arg10[%dma_wait3A_187, %dma_wait3A_189, %dma_wait3A_190] : memref<4x128x32xf32, #tpu.memory_space<vmem>> -> memref<1x128x32xf32, #tpu.memory_space<vmem>>
        %dma_wait3A_192 = tpu.memref_squeeze %dma_wait3A_191 : memref<1x128x32xf32, #tpu.memory_space<vmem>> -> memref<128x32xf32, #tpu.memory_space<vmem>>
        %dma_wait3A_193 = arith.constant 0 : i32
        %dma_wait3A_194 = tpu.memref_slice %arg8[%dma_wait3A_186, %dma_wait3A_193] : memref<28x128xi32, #tpu.memory_space<vmem>> -> memref<1x128xi32, #tpu.memory_space<vmem>>
        %dma_wait3A_195 = tpu.memref_squeeze %dma_wait3A_194 : memref<1x128xi32, #tpu.memory_space<vmem>> -> memref<128xi32, #tpu.memory_space<vmem>>
        %dma_wait3A_196 = arith.constant 0 : i32
        %dma_wait3A_197 = arith.constant 0 : i32
        %dma_wait3A_198 = tpu.memref_slice %arg3[%arg0, %dma_wait3A_196, %dma_wait3A_197] : memref<2x50000x32xf32, #tpu.memory_space<hbm>> -> memref<1x50000x32xf32, #tpu.memory_space<hbm>>
        %dma_wait3A_199 = tpu.memref_squeeze %dma_wait3A_198 : memref<1x50000x32xf32, #tpu.memory_space<hbm>> -> memref<50000x32xf32, #tpu.memory_space<hbm>>
        %dma_wait3A_200 = arith.constant 0 : i32
        %dma_wait3A_201 = arith.constant 0 : i32
        %dma_wait3A_202 = tpu.memref_slice %dma_wait3A_199[%dma_wait3A_200, %dma_wait3A_201] : memref<50000x32xf32, #tpu.memory_space<hbm>> -> memref<50000x32xf32, #tpu.memory_space<hbm>>
        %dma_wait3A_203 = tpu.memref_slice %arg13[%dma_wait3A_188] : memref<4x!tpu.dma_semaphore, #tpu.memory_space<semaphore_mem>> -> memref<1x!tpu.dma_semaphore, #tpu.memory_space<semaphore_mem>>
        %dma_wait3A_204 = tpu.memref_squeeze %dma_wait3A_203 : memref<1x!tpu.dma_semaphore, #tpu.memory_space<semaphore_mem>> -> memref<!tpu.dma_semaphore, #tpu.memory_space<semaphore_mem>>
        tpu.wait_indirect_dma semaphore(%dma_wait3A_204 : memref<!tpu.dma_semaphore, #tpu.memory_space<semaphore_mem>>) src(%dma_wait3A_202 : memref<50000x32xf32, #tpu.memory_space<hbm>>) dst(%dma_wait3A_192 : memref<128x32xf32, #tpu.memory_space<vmem>>)
        %run_scoped3A_205 = arith.constant 2 : i32
        "tpu.region"() ({
          %run_scoped3A_244 = tpu.sem_alloc : memref<!tpu.dma_semaphore, #tpu.memory_space<semaphore_mem>>
          %dma_start3A_245 = arith.constant 0 : i32
          %dma_start3A_246 = arith.constant 0 : i32
          %dma_start3A_247 = tpu.memref_slice %arg10[%run_scoped3A_205, %dma_start3A_245, %dma_start3A_246] : memref<4x128x32xf32, #tpu.memory_space<vmem>> -> memref<1x128x32xf32, #tpu.memory_space<vmem>>
          %dma_start3A_248 = tpu.memref_squeeze %dma_start3A_247 : memref<1x128x32xf32, #tpu.memory_space<vmem>> -> memref<128x32xf32, #tpu.memory_space<vmem>>
          %dma_start3A_249 = arith.constant 0 : i32
          %dma_start3A_250 = tpu.memref_slice %arg9[%add3A_185, %dma_start3A_249] : memref<28x128xi32, #tpu.memory_space<vmem>> -> memref<1x128xi32, #tpu.memory_space<vmem>>
          %dma_start3A_251 = tpu.memref_squeeze %dma_start3A_250 : memref<1x128xi32, #tpu.memory_space<vmem>> -> memref<128xi32, #tpu.memory_space<vmem>>
          %dma_start3A_252 = arith.constant 0 : i32
          %dma_start3A_253 = arith.constant 0 : i32
          %dma_start3A_254 = tpu.memref_slice %arg12[%dma_start3A_252, %dma_start3A_253] : memref<51200x32xf32, #tpu.memory_space<vmem_shared>> -> memref<51200x32xf32, #tpu.memory_space<vmem_shared>>
          tpu.enqueue_indirect_dma source(%dma_start3A_248 : memref<128x32xf32, #tpu.memory_space<vmem>>) target(%dma_start3A_254 : memref<51200x32xf32, #tpu.memory_space<vmem_shared>>) offsets(%dma_start3A_251 : memref<128xi32, #tpu.memory_space<vmem>>) semaphore(%run_scoped3A_244 : memref<!tpu.dma_semaphore, #tpu.memory_space<semaphore_mem>>) {add = true}
          %dma_wait3A_255 = arith.constant 0 : i32
          %dma_wait3A_256 = arith.constant 0 : i32
          %dma_wait3A_257 = tpu.memref_slice %arg10[%run_scoped3A_205, %dma_wait3A_255, %dma_wait3A_256] : memref<4x128x32xf32, #tpu.memory_space<vmem>> -> memref<1x128x32xf32, #tpu.memory_space<vmem>>
          %dma_wait3A_258 = tpu.memref_squeeze %dma_wait3A_257 : memref<1x128x32xf32, #tpu.memory_space<vmem>> -> memref<128x32xf32, #tpu.memory_space<vmem>>
          %dma_wait3A_259 = arith.constant 0 : i32
          %dma_wait3A_260 = tpu.memref_slice %arg9[%add3A_185, %dma_wait3A_259] : memref<28x128xi32, #tpu.memory_space<vmem>> -> memref<1x128xi32, #tpu.memory_space<vmem>>
          %dma_wait3A_261 = tpu.memref_squeeze %dma_wait3A_260 : memref<1x128xi32, #tpu.memory_space<vmem>> -> memref<128xi32, #tpu.memory_space<vmem>>
          %dma_wait3A_262 = arith.constant 0 : i32
          %dma_wait3A_263 = arith.constant 0 : i32
          %dma_wait3A_264 = tpu.memref_slice %arg12[%dma_wait3A_262, %dma_wait3A_263] : memref<51200x32xf32, #tpu.memory_space<vmem_shared>> -> memref<51200x32xf32, #tpu.memory_space<vmem_shared>>
          tpu.wait_indirect_dma semaphore(%run_scoped3A_244 : memref<!tpu.dma_semaphore, #tpu.memory_space<semaphore_mem>>) src(%dma_wait3A_258 : memref<128x32xf32, #tpu.memory_space<vmem>>) dst(%dma_wait3A_264 : memref<51200x32xf32, #tpu.memory_space<vmem_shared>>)
          tpu.yield
        }) : () -> ()
        %add3A_206 = arith.constant 4 : i32
        %add3A_207 = arith.addi %add3A_185, %add3A_206 : i32
        %lt3A_208 = arith.constant 28 : i32
        %lt3A_209 = arith.cmpi slt, %add3A_207, %lt3A_208 : i32
        %convert_element_type3A_210 = arith.extui %lt3A_209 : i1 to i32
        %cond3A_211 = arith.constant 0 : i32
        %cond3A_212 = arith.cmpi ne, %convert_element_type3A_210, %cond3A_211 : i32
        scf.if %cond3A_212 {
          %add3A_244 = arith.constant 4 : i32
          %add3A_245 = arith.addi %add3A_185, %add3A_244 : i32
          %dma_start3A_246 = arith.constant 2 : i32
          %dma_start3A_247 = arith.constant 2 : i32
          %dma_start3A_248 = arith.constant 0 : i32
          %dma_start3A_249 = arith.constant 0 : i32
          %dma_start3A_250 = tpu.memref_slice %arg10[%dma_start3A_246, %dma_start3A_248, %dma_start3A_249] : memref<4x128x32xf32, #tpu.memory_space<vmem>> -> memref<1x128x32xf32, #tpu.memory_space<vmem>>
          %dma_start3A_251 = tpu.memref_squeeze %dma_start3A_250 : memref<1x128x32xf32, #tpu.memory_space<vmem>> -> memref<128x32xf32, #tpu.memory_space<vmem>>
          %dma_start3A_252 = arith.constant 0 : i32
          %dma_start3A_253 = tpu.memref_slice %arg8[%add3A_245, %dma_start3A_252] : memref<28x128xi32, #tpu.memory_space<vmem>> -> memref<1x128xi32, #tpu.memory_space<vmem>>
          %dma_start3A_254 = tpu.memref_squeeze %dma_start3A_253 : memref<1x128xi32, #tpu.memory_space<vmem>> -> memref<128xi32, #tpu.memory_space<vmem>>
          %dma_start3A_255 = arith.constant 0 : i32
          %dma_start3A_256 = arith.constant 0 : i32
          %dma_start3A_257 = tpu.memref_slice %arg3[%arg0, %dma_start3A_255, %dma_start3A_256] : memref<2x50000x32xf32, #tpu.memory_space<hbm>> -> memref<1x50000x32xf32, #tpu.memory_space<hbm>>
          %dma_start3A_258 = tpu.memref_squeeze %dma_start3A_257 : memref<1x50000x32xf32, #tpu.memory_space<hbm>> -> memref<50000x32xf32, #tpu.memory_space<hbm>>
          %dma_start3A_259 = arith.constant 0 : i32
          %dma_start3A_260 = arith.constant 0 : i32
          %dma_start3A_261 = tpu.memref_slice %dma_start3A_258[%dma_start3A_259, %dma_start3A_260] : memref<50000x32xf32, #tpu.memory_space<hbm>> -> memref<50000x32xf32, #tpu.memory_space<hbm>>
          %dma_start3A_262 = tpu.memref_slice %arg13[%dma_start3A_247] : memref<4x!tpu.dma_semaphore, #tpu.memory_space<semaphore_mem>> -> memref<1x!tpu.dma_semaphore, #tpu.memory_space<semaphore_mem>>
          %dma_start3A_263 = tpu.memref_squeeze %dma_start3A_262 : memref<1x!tpu.dma_semaphore, #tpu.memory_space<semaphore_mem>> -> memref<!tpu.dma_semaphore, #tpu.memory_space<semaphore_mem>>
          tpu.enqueue_indirect_dma source(%dma_start3A_261 : memref<50000x32xf32, #tpu.memory_space<hbm>>) target(%dma_start3A_251 : memref<128x32xf32, #tpu.memory_space<vmem>>) offsets(%dma_start3A_254 : memref<128xi32, #tpu.memory_space<vmem>>) semaphore(%dma_start3A_263 : memref<!tpu.dma_semaphore, #tpu.memory_space<semaphore_mem>>)
        } else {
        }
        %mul3A_213 = arith.constant 4 : i32
        %mul3A_214 = arith.muli %scan3A_124, %mul3A_213 : i32
        %add3A_215 = arith.constant 3 : i32
        %add3A_216 = arith.addi %mul3A_214, %add3A_215 : i32
        %dma_wait3A_217 = arith.constant 0 : i32
        %dma_wait3A_218 = arith.constant 3 : i32
        %dma_wait3A_219 = arith.constant 3 : i32
        %dma_wait3A_220 = arith.constant 0 : i32
        %dma_wait3A_221 = arith.constant 0 : i32
        %dma_wait3A_222 = tpu.memref_slice %arg10[%dma_wait3A_218, %dma_wait3A_220, %dma_wait3A_221] : memref<4x128x32xf32, #tpu.memory_space<vmem>> -> memref<1x128x32xf32, #tpu.memory_space<vmem>>
        %dma_wait3A_223 = tpu.memref_squeeze %dma_wait3A_222 : memref<1x128x32xf32, #tpu.memory_space<vmem>> -> memref<128x32xf32, #tpu.memory_space<vmem>>
        %dma_wait3A_224 = arith.constant 0 : i32
        %dma_wait3A_225 = tpu.memref_slice %arg8[%dma_wait3A_217, %dma_wait3A_224] : memref<28x128xi32, #tpu.memory_space<vmem>> -> memref<1x128xi32, #tpu.memory_space<vmem>>
        %dma_wait3A_226 = tpu.memref_squeeze %dma_wait3A_225 : memref<1x128xi32, #tpu.memory_space<vmem>> -> memref<128xi32, #tpu.memory_space<vmem>>
        %dma_wait3A_227 = arith.constant 0 : i32
        %dma_wait3A_228 = arith.constant 0 : i32
        %dma_wait3A_229 = tpu.memref_slice %arg3[%arg0, %dma_wait3A_227, %dma_wait3A_228] : memref<2x50000x32xf32, #tpu.memory_space<hbm>> -> memref<1x50000x32xf32, #tpu.memory_space<hbm>>
        %dma_wait3A_230 = tpu.memref_squeeze %dma_wait3A_229 : memref<1x50000x32xf32, #tpu.memory_space<hbm>> -> memref<50000x32xf32, #tpu.memory_space<hbm>>
        %dma_wait3A_231 = arith.constant 0 : i32
        %dma_wait3A_232 = arith.constant 0 : i32
        %dma_wait3A_233 = tpu.memref_slice %dma_wait3A_230[%dma_wait3A_231, %dma_wait3A_232] : memref<50000x32xf32, #tpu.memory_space<hbm>> -> memref<50000x32xf32, #tpu.memory_space<hbm>>
        %dma_wait3A_234 = tpu.memref_slice %arg13[%dma_wait3A_219] : memref<4x!tpu.dma_semaphore, #tpu.memory_space<semaphore_mem>> -> memref<1x!tpu.dma_semaphore, #tpu.memory_space<semaphore_mem>>
        %dma_wait3A_235 = tpu.memref_squeeze %dma_wait3A_234 : memref<1x!tpu.dma_semaphore, #tpu.memory_space<semaphore_mem>> -> memref<!tpu.dma_semaphore, #tpu.memory_space<semaphore_mem>>
        tpu.wait_indirect_dma semaphore(%dma_wait3A_235 : memref<!tpu.dma_semaphore, #tpu.memory_space<semaphore_mem>>) src(%dma_wait3A_233 : memref<50000x32xf32, #tpu.memory_space<hbm>>) dst(%dma_wait3A_223 : memref<128x32xf32, #tpu.memory_space<vmem>>)
        %run_scoped3A_236 = arith.constant 3 : i32
        "tpu.region"() ({
          %run_scoped3A_244 = tpu.sem_alloc : memref<!tpu.dma_semaphore, #tpu.memory_space<semaphore_mem>>
          %dma_start3A_245 = arith.constant 0 : i32
          %dma_start3A_246 = arith.constant 0 : i32
          %dma_start3A_247 = tpu.memref_slice %arg10[%run_scoped3A_236, %dma_start3A_245, %dma_start3A_246] : memref<4x128x32xf32, #tpu.memory_space<vmem>> -> memref<1x128x32xf32, #tpu.memory_space<vmem>>
          %dma_start3A_248 = tpu.memref_squeeze %dma_start3A_247 : memref<1x128x32xf32, #tpu.memory_space<vmem>> -> memref<128x32xf32, #tpu.memory_space<vmem>>
          %dma_start3A_249 = arith.constant 0 : i32
          %dma_start3A_250 = tpu.memref_slice %arg9[%add3A_216, %dma_start3A_249] : memref<28x128xi32, #tpu.memory_space<vmem>> -> memref<1x128xi32, #tpu.memory_space<vmem>>
          %dma_start3A_251 = tpu.memref_squeeze %dma_start3A_250 : memref<1x128xi32, #tpu.memory_space<vmem>> -> memref<128xi32, #tpu.memory_space<vmem>>
          %dma_start3A_252 = arith.constant 0 : i32
          %dma_start3A_253 = arith.constant 0 : i32
          %dma_start3A_254 = tpu.memref_slice %arg12[%dma_start3A_252, %dma_start3A_253] : memref<51200x32xf32, #tpu.memory_space<vmem_shared>> -> memref<51200x32xf32, #tpu.memory_space<vmem_shared>>
          tpu.enqueue_indirect_dma source(%dma_start3A_248 : memref<128x32xf32, #tpu.memory_space<vmem>>) target(%dma_start3A_254 : memref<51200x32xf32, #tpu.memory_space<vmem_shared>>) offsets(%dma_start3A_251 : memref<128xi32, #tpu.memory_space<vmem>>) semaphore(%run_scoped3A_244 : memref<!tpu.dma_semaphore, #tpu.memory_space<semaphore_mem>>) {add = true}
          %dma_wait3A_255 = arith.constant 0 : i32
          %dma_wait3A_256 = arith.constant 0 : i32
          %dma_wait3A_257 = tpu.memref_slice %arg10[%run_scoped3A_236, %dma_wait3A_255, %dma_wait3A_256] : memref<4x128x32xf32, #tpu.memory_space<vmem>> -> memref<1x128x32xf32, #tpu.memory_space<vmem>>
          %dma_wait3A_258 = tpu.memref_squeeze %dma_wait3A_257 : memref<1x128x32xf32, #tpu.memory_space<vmem>> -> memref<128x32xf32, #tpu.memory_space<vmem>>
          %dma_wait3A_259 = arith.constant 0 : i32
          %dma_wait3A_260 = tpu.memref_slice %arg9[%add3A_216, %dma_wait3A_259] : memref<28x128xi32, #tpu.memory_space<vmem>> -> memref<1x128xi32, #tpu.memory_space<vmem>>
          %dma_wait3A_261 = tpu.memref_squeeze %dma_wait3A_260 : memref<1x128xi32, #tpu.memory_space<vmem>> -> memref<128xi32, #tpu.memory_space<vmem>>
          %dma_wait3A_262 = arith.constant 0 : i32
          %dma_wait3A_263 = arith.constant 0 : i32
          %dma_wait3A_264 = tpu.memref_slice %arg12[%dma_wait3A_262, %dma_wait3A_263] : memref<51200x32xf32, #tpu.memory_space<vmem_shared>> -> memref<51200x32xf32, #tpu.memory_space<vmem_shared>>
          tpu.wait_indirect_dma semaphore(%run_scoped3A_244 : memref<!tpu.dma_semaphore, #tpu.memory_space<semaphore_mem>>) src(%dma_wait3A_258 : memref<128x32xf32, #tpu.memory_space<vmem>>) dst(%dma_wait3A_264 : memref<51200x32xf32, #tpu.memory_space<vmem_shared>>)
          tpu.yield
        }) : () -> ()
        %add3A_237 = arith.constant 4 : i32
        %add3A_238 = arith.addi %add3A_216, %add3A_237 : i32
        %lt3A_239 = arith.constant 28 : i32
        %lt3A_240 = arith.cmpi slt, %add3A_238, %lt3A_239 : i32
        %convert_element_type3A_241 = arith.extui %lt3A_240 : i1 to i32
        %cond3A_242 = arith.constant 0 : i32
        %cond3A_243 = arith.cmpi ne, %convert_element_type3A_241, %cond3A_242 : i32
        scf.if %cond3A_243 {
          %add3A_244 = arith.constant 4 : i32
          %add3A_245 = arith.addi %add3A_216, %add3A_244 : i32
          %dma_start3A_246 = arith.constant 3 : i32
          %dma_start3A_247 = arith.constant 3 : i32
          %dma_start3A_248 = arith.constant 0 : i32
          %dma_start3A_249 = arith.constant 0 : i32
          %dma_start3A_250 = tpu.memref_slice %arg10[%dma_start3A_246, %dma_start3A_248, %dma_start3A_249] : memref<4x128x32xf32, #tpu.memory_space<vmem>> -> memref<1x128x32xf32, #tpu.memory_space<vmem>>
          %dma_start3A_251 = tpu.memref_squeeze %dma_start3A_250 : memref<1x128x32xf32, #tpu.memory_space<vmem>> -> memref<128x32xf32, #tpu.memory_space<vmem>>
          %dma_start3A_252 = arith.constant 0 : i32
          %dma_start3A_253 = tpu.memref_slice %arg8[%add3A_245, %dma_start3A_252] : memref<28x128xi32, #tpu.memory_space<vmem>> -> memref<1x128xi32, #tpu.memory_space<vmem>>
          %dma_start3A_254 = tpu.memref_squeeze %dma_start3A_253 : memref<1x128xi32, #tpu.memory_space<vmem>> -> memref<128xi32, #tpu.memory_space<vmem>>
          %dma_start3A_255 = arith.constant 0 : i32
          %dma_start3A_256 = arith.constant 0 : i32
          %dma_start3A_257 = tpu.memref_slice %arg3[%arg0, %dma_start3A_255, %dma_start3A_256] : memref<2x50000x32xf32, #tpu.memory_space<hbm>> -> memref<1x50000x32xf32, #tpu.memory_space<hbm>>
          %dma_start3A_258 = tpu.memref_squeeze %dma_start3A_257 : memref<1x50000x32xf32, #tpu.memory_space<hbm>> -> memref<50000x32xf32, #tpu.memory_space<hbm>>
          %dma_start3A_259 = arith.constant 0 : i32
          %dma_start3A_260 = arith.constant 0 : i32
          %dma_start3A_261 = tpu.memref_slice %dma_start3A_258[%dma_start3A_259, %dma_start3A_260] : memref<50000x32xf32, #tpu.memory_space<hbm>> -> memref<50000x32xf32, #tpu.memory_space<hbm>>
          %dma_start3A_262 = tpu.memref_slice %arg13[%dma_start3A_247] : memref<4x!tpu.dma_semaphore, #tpu.memory_space<semaphore_mem>> -> memref<1x!tpu.dma_semaphore, #tpu.memory_space<semaphore_mem>>
          %dma_start3A_263 = tpu.memref_squeeze %dma_start3A_262 : memref<1x!tpu.dma_semaphore, #tpu.memory_space<semaphore_mem>> -> memref<!tpu.dma_semaphore, #tpu.memory_space<semaphore_mem>>
          tpu.enqueue_indirect_dma source(%dma_start3A_261 : memref<50000x32xf32, #tpu.memory_space<hbm>>) target(%dma_start3A_251 : memref<128x32xf32, #tpu.memory_space<vmem>>) offsets(%dma_start3A_254 : memref<128xi32, #tpu.memory_space<vmem>>) semaphore(%dma_start3A_263 : memref<!tpu.dma_semaphore, #tpu.memory_space<semaphore_mem>>)
        } else {
        }
      }
      %scan3A_123 = arith.constant 7 : i32
    }
    %scan3A_32 = arith.constant 14 : i32
    %barrier3A_33 = arith.constant 0 : index
    tpu.barrier barrier_id(%barrier3A_33)
    %mul3A_34 = arith.constant 3200 : i32
    %mul3A_35 = arith.muli %arg1, %mul3A_34 : i32
    "tpu.region"() ({
      %run_scoped3A = tpu.sem_alloc : memref<!tpu.dma_semaphore, #tpu.memory_space<semaphore_mem>>
      %dma_start3A = arith.constant 0 : i32
      %dma_start3A_37 = tpu.memref_slice %arg7[%arg0, %mul3A_35, %dma_start3A] : memref<2x51200x32xf32, #tpu.memory_space<hbm>> -> memref<1x3200x32xf32, #tpu.memory_space<hbm>>
      %dma_start3A_38 = tpu.memref_squeeze %dma_start3A_37 : memref<1x3200x32xf32, #tpu.memory_space<hbm>> -> memref<3200x32xf32, #tpu.memory_space<hbm>>
      %dma_start3A_39 = arith.constant 0 : i32
      %dma_start3A_40 = tpu.memref_slice %arg12[%mul3A_35, %dma_start3A_39] : memref<51200x32xf32, #tpu.memory_space<vmem_shared>> -> memref<3200x32xf32, #tpu.memory_space<vmem_shared>>
      tpu.enqueue_dma source(%dma_start3A_40 : memref<3200x32xf32, #tpu.memory_space<vmem_shared>>) target(%dma_start3A_38 : memref<3200x32xf32, #tpu.memory_space<hbm>>) target_semaphore(%run_scoped3A : memref<!tpu.dma_semaphore, #tpu.memory_space<semaphore_mem>>)
      %dma_wait3A = arith.constant 0 : i32
      %dma_wait3A_41 = tpu.memref_slice %arg7[%arg0, %mul3A_35, %dma_wait3A] : memref<2x51200x32xf32, #tpu.memory_space<hbm>> -> memref<1x3200x32xf32, #tpu.memory_space<hbm>>
      %dma_wait3A_42 = tpu.memref_squeeze %dma_wait3A_41 : memref<1x3200x32xf32, #tpu.memory_space<hbm>> -> memref<3200x32xf32, #tpu.memory_space<hbm>>
      %dma_wait3A_43 = arith.constant 0 : i32
      %dma_wait3A_44 = tpu.memref_slice %arg12[%mul3A_35, %dma_wait3A_43] : memref<51200x32xf32, #tpu.memory_space<vmem_shared>> -> memref<3200x32xf32, #tpu.memory_space<vmem_shared>>
      tpu.wait_dma2 semaphore(%run_scoped3A : memref<!tpu.dma_semaphore, #tpu.memory_space<semaphore_mem>>) src(%dma_wait3A_44 : memref<3200x32xf32, #tpu.memory_space<vmem_shared>>) dst(%dma_wait3A_42 : memref<3200x32xf32, #tpu.memory_space<hbm>>)
      tpu.yield
    }) : () -> ()
    %barrier3A_36 = arith.constant 0 : index
    tpu.barrier barrier_id(%barrier3A_36)
    return
  }
}

#map = affine_map<(d0, d1) -> (0, 0, 0)>
#map1 = affine_map<(d0, d1) -> (0, 0, 0, 0)>
module attributes {stable_mosaic.version = 14 : i64} {
  func.func @ksc(%arg0: i32, %arg1: i32, %arg2: memref<2x50000x32xf32, #tpu.memory_space<hbm>>, %arg3: memref<2x50000x32xf32, #tpu.memory_space<hbm>>, %arg4: memref<2x16x392x128xi32, #tpu.memory_space<hbm>>, %arg5: memref<2x16x392x128xi32, #tpu.memory_space<hbm>>, %arg6: memref<2x51200x32xf32, #tpu.memory_space<hbm>>, %arg7: memref<2x51200x32xf32, #tpu.memory_space<hbm>>, %arg8: memref<28x128xi32, #tpu.memory_space<vmem>>, %arg9: memref<28x128xi32, #tpu.memory_space<vmem>>, %arg10: memref<4x128x32xf32, #tpu.memory_space<vmem>>, %arg11: memref<128x32xf32, #tpu.memory_space<vmem>>, %arg12: memref<51200x32xf32, #tpu.memory_space<vmem_shared>>, %arg13: memref<4x!tpu.dma_semaphore, #tpu.memory_space<semaphore_mem>>) attributes {dimension_semantics = [#tpu.dimension_semantics<core_parallel>, #tpu.dimension_semantics<subcore_parallel>], iteration_bounds = array<i64: 2, 16>, scalar_prefetch = 0 : i64, scratch_operands = 6 : i64, tpu.core_type = #tpu.core_type<sc_vector_subcore>, window_params = [{transform_indices = #map}, {transform_indices = #map}, {transform_indices = #map1}, {transform_indices = #map1}, {transform_indices = #map}, {transform_indices = #map}]} {
    %scan3A = arith.constant 0 : i32
    %scan3A_0 = arith.constant 0 : i32
    %scan3A_1 = arith.constant 128 : i32
    %scan3A_2 = arith.addi %scan3A_0, %scan3A_1 : i32
    %scan3A_3 = arith.constant 1 : i32
    scf.for %scan3A_37 = %scan3A_0 to %scan3A_2 step %scan3A_3  : i32 {
      %broadcast_in_dim3A = arith.constant 0.000000e+00 : f32
      %broadcast_in_dim3A_38 = vector.broadcast %broadcast_in_dim3A : f32 to vector<16xf32>
      %swap3A = arith.index_cast %scan3A_37 : i32 to index
      %swap3A_39 = arith.constant 0 : index
      %swap3A_40 = tpu.vector_load %arg11[%swap3A, %swap3A_39] {strides = array<i32>} : memref<128x32xf32, #tpu.memory_space<vmem>>, vector<1x16xf32>,
      %swap3A_41 = vector.shape_cast %swap3A_40 : vector<1x16xf32> to vector<16xf32>
      %swap3A_42 = vector.shape_cast %broadcast_in_dim3A_38 : vector<16xf32> to vector<1x16xf32>
      tpu.vector_store %arg11[%swap3A, %swap3A_39], %swap3A_42 {strides = array<i32>} : memref<128x32xf32, #tpu.memory_space<vmem>>, vector<1x16xf32>,
      %broadcast_in_dim3A_43 = arith.constant 0.000000e+00 : f32
      %broadcast_in_dim3A_44 = vector.broadcast %broadcast_in_dim3A_43 : f32 to vector<16xf32>
      %swap3A_45 = arith.index_cast %scan3A_37 : i32 to index
      %swap3A_46 = arith.constant 16 : index
      %swap3A_47 = tpu.vector_load %arg11[%swap3A_45, %swap3A_46] {strides = array<i32>} : memref<128x32xf32, #tpu.memory_space<vmem>>, vector<1x16xf32>,
      %swap3A_48 = vector.shape_cast %swap3A_47 : vector<1x16xf32> to vector<16xf32>
      %swap3A_49 = vector.shape_cast %broadcast_in_dim3A_44 : vector<16xf32> to vector<1x16xf32>
      tpu.vector_store %arg11[%swap3A_45, %swap3A_46], %swap3A_49 {strides = array<i32>} : memref<128x32xf32, #tpu.memory_space<vmem>>, vector<1x16xf32>,
    }
    %scan3A_4 = arith.constant 128 : i32
    %scan3A_5 = arith.constant 0 : i32
    %scan3A_6 = arith.constant 0 : i32
    %scan3A_7 = arith.constant 25 : i32
    %scan3A_8 = arith.addi %scan3A_6, %scan3A_7 : i32
    %scan3A_9 = arith.constant 1 : i32
    scf.for %scan3A_37 = %scan3A_6 to %scan3A_8 step %scan3A_9  : i32 {
      %mul3A_38 = arith.constant 3200 : i32
      %mul3A_39 = arith.muli %arg1, %mul3A_38 : i32
      %mul3A_40 = arith.constant 128 : i32
      %mul3A_41 = arith.muli %scan3A_37, %mul3A_40 : i32
      %add3A = arith.addi %mul3A_39, %mul3A_41 : i32
      "tpu.region"() ({
        %run_scoped3A = tpu.sem_alloc : memref<!tpu.dma_semaphore, #tpu.memory_space<semaphore_mem>>
        %dma_start3A = arith.constant 0 : i32
        %dma_start3A_42 = tpu.memref_slice %arg12[%add3A, %dma_start3A] : memref<51200x32xf32, #tpu.memory_space<vmem_shared>> -> memref<128x32xf32, #tpu.memory_space<vmem_shared>>
        %dma_start3A_43 = arith.constant 0 : i32
        %dma_start3A_44 = tpu.memref_slice %arg12[%add3A, %dma_start3A_43] : memref<51200x32xf32, #tpu.memory_space<vmem_shared>> -> memref<128x32xf32, #tpu.memory_space<vmem_shared>>
        tpu.enqueue_dma source(%arg11 : memref<128x32xf32, #tpu.memory_space<vmem>>) target(%dma_start3A_44 : memref<128x32xf32, #tpu.memory_space<vmem_shared>>) target_semaphore(%run_scoped3A : memref<!tpu.dma_semaphore, #tpu.memory_space<semaphore_mem>>)
        %dma_wait3A = arith.constant 0 : i32
        %dma_wait3A_45 = tpu.memref_slice %arg12[%add3A, %dma_wait3A] : memref<51200x32xf32, #tpu.memory_space<vmem_shared>> -> memref<128x32xf32, #tpu.memory_space<vmem_shared>>
        %dma_wait3A_46 = arith.constant 0 : i32
        %dma_wait3A_47 = tpu.memref_slice %arg12[%add3A, %dma_wait3A_46] : memref<51200x32xf32, #tpu.memory_space<vmem_shared>> -> memref<128x32xf32, #tpu.memory_space<vmem_shared>>
        tpu.wait_dma2 semaphore(%run_scoped3A : memref<!tpu.dma_semaphore, #tpu.memory_space<semaphore_mem>>) src(%arg11 : memref<128x32xf32, #tpu.memory_space<vmem>>) dst(%dma_wait3A_47 : memref<128x32xf32, #tpu.memory_space<vmem_shared>>)
        tpu.yield
      }) : () -> ()
    }
    %scan3A_10 = arith.constant 25 : i32
    %barrier3A = arith.constant 0 : index
    tpu.barrier barrier_id(%barrier3A)
    %scan3A_11 = arith.constant 0 : i32
    %scan3A_12 = arith.constant 0 : i32
    %scan3A_13 = arith.constant 14 : i32
    %scan3A_14 = arith.addi %scan3A_12, %scan3A_13 : i32
    %scan3A_15 = arith.constant 1 : i32
    scf.for %scan3A_37 = %scan3A_12 to %scan3A_14 step %scan3A_15  : i32 {
      %mul3A_38 = arith.constant 28 : i32
      %mul3A_39 = arith.muli %scan3A_37, %mul3A_38 : i32
      %run_scoped3A = arith.constant 0 : i32
      "tpu.region"() ({
        %run_scoped3A_124 = tpu.sem_alloc : memref<!tpu.dma_semaphore, #tpu.memory_space<semaphore_mem>>
        %dma_start3A_125 = arith.constant 0 : i32
        %dma_start3A_126 = tpu.memref_slice %arg4[%run_scoped3A, %arg1, %mul3A_39, %dma_start3A_125] : memref<2x16x392x128xi32, #tpu.memory_space<hbm>> -> memref<1x1x28x128xi32, #tpu.memory_space<hbm>>
        %dma_start3A_127 = tpu.memref_squeeze %dma_start3A_126 : memref<1x1x28x128xi32, #tpu.memory_space<hbm>> -> memref<28x128xi32, #tpu.memory_space<hbm>>
        %dma_start3A_128 = arith.constant 0 : i32
        %dma_start3A_129 = tpu.memref_slice %arg4[%run_scoped3A, %arg1, %mul3A_39, %dma_start3A_128] : memref<2x16x392x128xi32, #tpu.memory_space<hbm>> -> memref<1x1x28x128xi32, #tpu.memory_space<hbm>>
        %dma_start3A_130 = tpu.memref_squeeze %dma_start3A_129 : memref<1x1x28x128xi32, #tpu.memory_space<hbm>> -> memref<28x128xi32, #tpu.memory_space<hbm>>
        tpu.enqueue_dma source(%dma_start3A_130 : memref<28x128xi32, #tpu.memory_space<hbm>>) target(%arg8 : memref<28x128xi32, #tpu.memory_space<vmem>>) target_semaphore(%run_scoped3A_124 : memref<!tpu.dma_semaphore, #tpu.memory_space<semaphore_mem>>)
        %dma_wait3A = arith.constant 0 : i32
        %dma_wait3A_131 = tpu.memref_slice %arg4[%run_scoped3A, %arg1, %mul3A_39, %dma_wait3A] : memref<2x16x392x128xi32, #tpu.memory_space<hbm>> -> memref<1x1x28x128xi32, #tpu.memory_space<hbm>>
        %dma_wait3A_132 = tpu.memref_squeeze %dma_wait3A_131 : memref<1x1x28x128xi32, #tpu.memory_space<hbm>> -> memref<28x128xi32, #tpu.memory_space<hbm>>
        %dma_wait3A_133 = arith.constant 0 : i32
        %dma_wait3A_134 = tpu.memref_slice %arg4[%run_scoped3A, %arg1, %mul3A_39, %dma_wait3A_133] : memref<2x16x392x128xi32, #tpu.memory_space<hbm>> -> memref<1x1x28x128xi32, #tpu.memory_space<hbm>>
        %dma_wait3A_135 = tpu.memref_squeeze %dma_wait3A_134 : memref<1x1x28x128xi32, #tpu.memory_space<hbm>> -> memref<28x128xi32, #tpu.memory_space<hbm>>
        tpu.wait_dma2 semaphore(%run_scoped3A_124 : memref<!tpu.dma_semaphore, #tpu.memory_space<semaphore_mem>>) src(%dma_wait3A_135 : memref<28x128xi32, #tpu.memory_space<hbm>>) dst(%arg8 : memref<28x128xi32, #tpu.memory_space<vmem>>)
        tpu.yield
      }) : () -> ()
      %mul3A_40 = arith.constant 28 : i32
      %mul3A_41 = arith.muli %scan3A_37, %mul3A_40 : i32
      %run_scoped3A_42 = arith.constant 1 : i32
      "tpu.region"() ({
        %run_scoped3A_124 = tpu.sem_alloc : memref<!tpu.dma_semaphore, #tpu.memory_space<semaphore_mem>>
        %dma_start3A_125 = arith.constant 0 : i32
        %dma_start3A_126 = tpu.memref_slice %arg4[%run_scoped3A_42, %arg1, %mul3A_41, %dma_start3A_125] : memref<2x16x392x128xi32, #tpu.memory_space<hbm>> -> memref<1x1x28x128xi32, #tpu.memory_space<hbm>>
        %dma_start3A_127 = tpu.memref_squeeze %dma_start3A_126 : memref<1x1x28x128xi32, #tpu.memory_space<hbm>> -> memref<28x128xi32, #tpu.memory_space<hbm>>
        %dma_start3A_128 = arith.constant 0 : i32
        %dma_start3A_129 = tpu.memref_slice %arg4[%run_scoped3A_42, %arg1, %mul3A_41, %dma_start3A_128] : memref<2x16x392x128xi32, #tpu.memory_space<hbm>> -> memref<1x1x28x128xi32, #tpu.memory_space<hbm>>
        %dma_start3A_130 = tpu.memref_squeeze %dma_start3A_129 : memref<1x1x28x128xi32, #tpu.memory_space<hbm>> -> memref<28x128xi32, #tpu.memory_space<hbm>>
        tpu.enqueue_dma source(%dma_start3A_130 : memref<28x128xi32, #tpu.memory_space<hbm>>) target(%arg9 : memref<28x128xi32, #tpu.memory_space<vmem>>) target_semaphore(%run_scoped3A_124 : memref<!tpu.dma_semaphore, #tpu.memory_space<semaphore_mem>>)
        %dma_wait3A = arith.constant 0 : i32
        %dma_wait3A_131 = tpu.memref_slice %arg4[%run_scoped3A_42, %arg1, %mul3A_41, %dma_wait3A] : memref<2x16x392x128xi32, #tpu.memory_space<hbm>> -> memref<1x1x28x128xi32, #tpu.memory_space<hbm>>
        %dma_wait3A_132 = tpu.memref_squeeze %dma_wait3A_131 : memref<1x1x28x128xi32, #tpu.memory_space<hbm>> -> memref<28x128xi32, #tpu.memory_space<hbm>>
        %dma_wait3A_133 = arith.constant 0 : i32
        %dma_wait3A_134 = tpu.memref_slice %arg4[%run_scoped3A_42, %arg1, %mul3A_41, %dma_wait3A_133] : memref<2x16x392x128xi32, #tpu.memory_space<hbm>> -> memref<1x1x28x128xi32, #tpu.memory_space<hbm>>
        %dma_wait3A_135 = tpu.memref_squeeze %dma_wait3A_134 : memref<1x1x28x128xi32, #tpu.memory_space<hbm>> -> memref<28x128xi32, #tpu.memory_space<hbm>>
        tpu.wait_dma2 semaphore(%run_scoped3A_124 : memref<!tpu.dma_semaphore, #tpu.memory_space<semaphore_mem>>) src(%dma_wait3A_135 : memref<28x128xi32, #tpu.memory_space<hbm>>) dst(%arg9 : memref<28x128xi32, #tpu.memory_space<vmem>>)
        tpu.yield
      }) : () -> ()
      %dma_start3A = arith.constant 0 : i32
      %dma_start3A_43 = arith.constant 0 : i32
      %dma_start3A_44 = arith.constant 0 : i32
      %dma_start3A_45 = arith.constant 0 : i32
      %dma_start3A_46 = arith.constant 0 : i32
      %dma_start3A_47 = tpu.memref_slice %arg10[%dma_start3A_43, %dma_start3A_45, %dma_start3A_46] : memref<4x128x32xf32, #tpu.memory_space<vmem>> -> memref<1x128x32xf32, #tpu.memory_space<vmem>>
      %dma_start3A_48 = tpu.memref_squeeze %dma_start3A_47 : memref<1x128x32xf32, #tpu.memory_space<vmem>> -> memref<128x32xf32, #tpu.memory_space<vmem>>
      %dma_start3A_49 = arith.constant 0 : i32
      %dma_start3A_50 = tpu.memref_slice %arg8[%dma_start3A, %dma_start3A_49] : memref<28x128xi32, #tpu.memory_space<vmem>> -> memref<1x128xi32, #tpu.memory_space<vmem>>
      %dma_start3A_51 = tpu.memref_squeeze %dma_start3A_50 : memref<1x128xi32, #tpu.memory_space<vmem>> -> memref<128xi32, #tpu.memory_space<vmem>>
      %dma_start3A_52 = arith.constant 0 : i32
      %dma_start3A_53 = arith.constant 0 : i32
      %dma_start3A_54 = tpu.memref_slice %arg2[%arg0, %dma_start3A_52, %dma_start3A_53] : memref<2x50000x32xf32, #tpu.memory_space<hbm>> -> memref<1x50000x32xf32, #tpu.memory_space<hbm>>
      %dma_start3A_55 = tpu.memref_squeeze %dma_start3A_54 : memref<1x50000x32xf32, #tpu.memory_space<hbm>> -> memref<50000x32xf32, #tpu.memory_space<hbm>>
      %dma_start3A_56 = arith.constant 0 : i32
      %dma_start3A_57 = arith.constant 0 : i32
      %dma_start3A_58 = tpu.memref_slice %dma_start3A_55[%dma_start3A_56, %dma_start3A_57] : memref<50000x32xf32, #tpu.memory_space<hbm>> -> memref<50000x32xf32, #tpu.memory_space<hbm>>
      %dma_start3A_59 = tpu.memref_slice %arg13[%dma_start3A_44] : memref<4x!tpu.dma_semaphore, #tpu.memory_space<semaphore_mem>> -> memref<1x!tpu.dma_semaphore, #tpu.memory_space<semaphore_mem>>
      %dma_start3A_60 = tpu.memref_squeeze %dma_start3A_59 : memref<1x!tpu.dma_semaphore, #tpu.memory_space<semaphore_mem>> -> memref<!tpu.dma_semaphore, #tpu.memory_space<semaphore_mem>>
      tpu.enqueue_indirect_dma source(%dma_start3A_58 : memref<50000x32xf32, #tpu.memory_space<hbm>>) target(%dma_start3A_48 : memref<128x32xf32, #tpu.memory_space<vmem>>) offsets(%dma_start3A_51 : memref<128xi32, #tpu.memory_space<vmem>>) semaphore(%dma_start3A_60 : memref<!tpu.dma_semaphore, #tpu.memory_space<semaphore_mem>>)
      %dma_start3A_61 = arith.constant 1 : i32
      %dma_start3A_62 = arith.constant 1 : i32
      %dma_start3A_63 = arith.constant 1 : i32
      %dma_start3A_64 = arith.constant 0 : i32
      %dma_start3A_65 = arith.constant 0 : i32
      %dma_start3A_66 = tpu.memref_slice %arg10[%dma_start3A_62, %dma_start3A_64, %dma_start3A_65] : memref<4x128x32xf32, #tpu.memory_space<vmem>> -> memref<1x128x32xf32, #tpu.memory_space<vmem>>
      %dma_start3A_67 = tpu.memref_squeeze %dma_start3A_66 : memref<1x128x32xf32, #tpu.memory_space<vmem>> -> memref<128x32xf32, #tpu.memory_space<vmem>>
      %dma_start3A_68 = arith.constant 0 : i32
      %dma_start3A_69 = tpu.memref_slice %arg8[%dma_start3A_61, %dma_start3A_68] : memref<28x128xi32, #tpu.memory_space<vmem>> -> memref<1x128xi32, #tpu.memory_space<vmem>>
      %dma_start3A_70 = tpu.memref_squeeze %dma_start3A_69 : memref<1x128xi32, #tpu.memory_space<vmem>> -> memref<128xi32, #tpu.memory_space<vmem>>
      %dma_start3A_71 = arith.constant 0 : i32
      %dma_start3A_72 = arith.constant 0 : i32
      %dma_start3A_73 = tpu.memref_slice %arg2[%arg0, %dma_start3A_71, %dma_start3A_72] : memref<2x50000x32xf32, #tpu.memory_space<hbm>> -> memref<1x50000x32xf32, #tpu.memory_space<hbm>>
      %dma_start3A_74 = tpu.memref_squeeze %dma_start3A_73 : memref<1x50000x32xf32, #tpu.memory_space<hbm>> -> memref<50000x32xf32, #tpu.memory_space<hbm>>
      %dma_start3A_75 = arith.constant 0 : i32
      %dma_start3A_76 = arith.constant 0 : i32
      %dma_start3A_77 = tpu.memref_slice %dma_start3A_74[%dma_start3A_75, %dma_start3A_76] : memref<50000x32xf32, #tpu.memory_space<hbm>> -> memref<50000x32xf32, #tpu.memory_space<hbm>>
      %dma_start3A_78 = tpu.memref_slice %arg13[%dma_start3A_63] : memref<4x!tpu.dma_semaphore, #tpu.memory_space<semaphore_mem>> -> memref<1x!tpu.dma_semaphore, #tpu.memory_space<semaphore_mem>>
      %dma_start3A_79 = tpu.memref_squeeze %dma_start3A_78 : memref<1x!tpu.dma_semaphore, #tpu.memory_space<semaphore_mem>> -> memref<!tpu.dma_semaphore, #tpu.memory_space<semaphore_mem>>
      tpu.enqueue_indirect_dma source(%dma_start3A_77 : memref<50000x32xf32, #tpu.memory_space<hbm>>) target(%dma_start3A_67 : memref<128x32xf32, #tpu.memory_space<vmem>>) offsets(%dma_start3A_70 : memref<128xi32, #tpu.memory_space<vmem>>) semaphore(%dma_start3A_79 : memref<!tpu.dma_semaphore, #tpu.memory_space<semaphore_mem>>)
      %dma_start3A_80 = arith.constant 2 : i32
      %dma_start3A_81 = arith.constant 2 : i32
      %dma_start3A_82 = arith.constant 2 : i32
      %dma_start3A_83 = arith.constant 0 : i32
      %dma_start3A_84 = arith.constant 0 : i32
      %dma_start3A_85 = tpu.memref_slice %arg10[%dma_start3A_81, %dma_start3A_83, %dma_start3A_84] : memref<4x128x32xf32, #tpu.memory_space<vmem>> -> memref<1x128x32xf32, #tpu.memory_space<vmem>>
      %dma_start3A_86 = tpu.memref_squeeze %dma_start3A_85 : memref<1x128x32xf32, #tpu.memory_space<vmem>> -> memref<128x32xf32, #tpu.memory_space<vmem>>
      %dma_start3A_87 = arith.constant 0 : i32
      %dma_start3A_88 = tpu.memref_slice %arg8[%dma_start3A_80, %dma_start3A_87] : memref<28x128xi32, #tpu.memory_space<vmem>> -> memref<1x128xi32, #tpu.memory_space<vmem>>
      %dma_start3A_89 = tpu.memref_squeeze %dma_start3A_88 : memref<1x128xi32, #tpu.memory_space<vmem>> -> memref<128xi32, #tpu.memory_space<vmem>>
      %dma_start3A_90 = arith.constant 0 : i32
      %dma_start3A_91 = arith.constant 0 : i32
      %dma_start3A_92 = tpu.memref_slice %arg2[%arg0, %dma_start3A_90, %dma_start3A_91] : memref<2x50000x32xf32, #tpu.memory_space<hbm>> -> memref<1x50000x32xf32, #tpu.memory_space<hbm>>
      %dma_start3A_93 = tpu.memref_squeeze %dma_start3A_92 : memref<1x50000x32xf32, #tpu.memory_space<hbm>> -> memref<50000x32xf32, #tpu.memory_space<hbm>>
      %dma_start3A_94 = arith.constant 0 : i32
      %dma_start3A_95 = arith.constant 0 : i32
      %dma_start3A_96 = tpu.memref_slice %dma_start3A_93[%dma_start3A_94, %dma_start3A_95] : memref<50000x32xf32, #tpu.memory_space<hbm>> -> memref<50000x32xf32, #tpu.memory_space<hbm>>
      %dma_start3A_97 = tpu.memref_slice %arg13[%dma_start3A_82] : memref<4x!tpu.dma_semaphore, #tpu.memory_space<semaphore_mem>> -> memref<1x!tpu.dma_semaphore, #tpu.memory_space<semaphore_mem>>
      %dma_start3A_98 = tpu.memref_squeeze %dma_start3A_97 : memref<1x!tpu.dma_semaphore, #tpu.memory_space<semaphore_mem>> -> memref<!tpu.dma_semaphore, #tpu.memory_space<semaphore_mem>>
      tpu.enqueue_indirect_dma source(%dma_start3A_96 : memref<50000x32xf32, #tpu.memory_space<hbm>>) target(%dma_start3A_86 : memref<128x32xf32, #tpu.memory_space<vmem>>) offsets(%dma_start3A_89 : memref<128xi32, #tpu.memory_space<vmem>>) semaphore(%dma_start3A_98 : memref<!tpu.dma_semaphore, #tpu.memory_space<semaphore_mem>>)
      %dma_start3A_99 = arith.constant 3 : i32
      %dma_start3A_100 = arith.constant 3 : i32
      %dma_start3A_101 = arith.constant 3 : i32
      %dma_start3A_102 = arith.constant 0 : i32
      %dma_start3A_103 = arith.constant 0 : i32
      %dma_start3A_104 = tpu.memref_slice %arg10[%dma_start3A_100, %dma_start3A_102, %dma_start3A_103] : memref<4x128x32xf32, #tpu.memory_space<vmem>> -> memref<1x128x32xf32, #tpu.memory_space<vmem>>
      %dma_start3A_105 = tpu.memref_squeeze %dma_start3A_104 : memref<1x128x32xf32, #tpu.memory_space<vmem>> -> memref<128x32xf32, #tpu.memory_space<vmem>>
      %dma_start3A_106 = arith.constant 0 : i32
      %dma_start3A_107 = tpu.memref_slice %arg8[%dma_start3A_99, %dma_start3A_106] : memref<28x128xi32, #tpu.memory_space<vmem>> -> memref<1x128xi32, #tpu.memory_space<vmem>>
      %dma_start3A_108 = tpu.memref_squeeze %dma_start3A_107 : memref<1x128xi32, #tpu.memory_space<vmem>> -> memref<128xi32, #tpu.memory_space<vmem>>
      %dma_start3A_109 = arith.constant 0 : i32
      %dma_start3A_110 = arith.constant 0 : i32
      %dma_start3A_111 = tpu.memref_slice %arg2[%arg0, %dma_start3A_109, %dma_start3A_110] : memref<2x50000x32xf32, #tpu.memory_space<hbm>> -> memref<1x50000x32xf32, #tpu.memory_space<hbm>>
      %dma_start3A_112 = tpu.memref_squeeze %dma_start3A_111 : memref<1x50000x32xf32, #tpu.memory_space<hbm>> -> memref<50000x32xf32, #tpu.memory_space<hbm>>
      %dma_start3A_113 = arith.constant 0 : i32
      %dma_start3A_114 = arith.constant 0 : i32
      %dma_start3A_115 = tpu.memref_slice %dma_start3A_112[%dma_start3A_113, %dma_start3A_114] : memref<50000x32xf32, #tpu.memory_space<hbm>> -> memref<50000x32xf32, #tpu.memory_space<hbm>>
      %dma_start3A_116 = tpu.memref_slice %arg13[%dma_start3A_101] : memref<4x!tpu.dma_semaphore, #tpu.memory_space<semaphore_mem>> -> memref<1x!tpu.dma_semaphore, #tpu.memory_space<semaphore_mem>>
      %dma_start3A_117 = tpu.memref_squeeze %dma_start3A_116 : memref<1x!tpu.dma_semaphore, #tpu.memory_space<semaphore_mem>> -> memref<!tpu.dma_semaphore, #tpu.memory_space<semaphore_mem>>
      tpu.enqueue_indirect_dma source(%dma_start3A_115 : memref<50000x32xf32, #tpu.memory_space<hbm>>) target(%dma_start3A_105 : memref<128x32xf32, #tpu.memory_space<vmem>>) offsets(%dma_start3A_108 : memref<128xi32, #tpu.memory_space<vmem>>) semaphore(%dma_start3A_117 : memref<!tpu.dma_semaphore, #tpu.memory_space<semaphore_mem>>)
      %scan3A_118 = arith.constant 0 : i32
      %scan3A_119 = arith.constant 0 : i32
      %scan3A_120 = arith.constant 7 : i32
      %scan3A_121 = arith.addi %scan3A_119, %scan3A_120 : i32
      %scan3A_122 = arith.constant 1 : i32
      scf.for %scan3A_124 = %scan3A_119 to %scan3A_121 step %scan3A_122  : i32 {
        %mul3A_125 = arith.constant 4 : i32
        %mul3A_126 = arith.muli %scan3A_124, %mul3A_125 : i32
        %add3A = arith.constant 0 : i32
        %add3A_127 = arith.addi %mul3A_126, %add3A : i32
        %dma_wait3A = arith.constant 0 : i32
        %dma_wait3A_128 = arith.constant 0 : i32
        %dma_wait3A_129 = arith.constant 0 : i32
        %dma_wait3A_130 = arith.constant 0 : i32
        %dma_wait3A_131 = arith.constant 0 : i32
        %dma_wait3A_132 = tpu.memref_slice %arg10[%dma_wait3A_128, %dma_wait3A_130, %dma_wait3A_131] : memref<4x128x32xf32, #tpu.memory_space<vmem>> -> memref<1x128x32xf32, #tpu.memory_space<vmem>>
        %dma_wait3A_133 = tpu.memref_squeeze %dma_wait3A_132 : memref<1x128x32xf32, #tpu.memory_space<vmem>> -> memref<128x32xf32, #tpu.memory_space<vmem>>
        %dma_wait3A_134 = arith.constant 0 : i32
        %dma_wait3A_135 = tpu.memref_slice %arg8[%dma_wait3A, %dma_wait3A_134] : memref<28x128xi32, #tpu.memory_space<vmem>> -> memref<1x128xi32, #tpu.memory_space<vmem>>
        %dma_wait3A_136 = tpu.memref_squeeze %dma_wait3A_135 : memref<1x128xi32, #tpu.memory_space<vmem>> -> memref<128xi32, #tpu.memory_space<vmem>>
        %dma_wait3A_137 = arith.constant 0 : i32
        %dma_wait3A_138 = arith.constant 0 : i32
        %dma_wait3A_139 = tpu.memref_slice %arg2[%arg0, %dma_wait3A_137, %dma_wait3A_138] : memref<2x50000x32xf32, #tpu.memory_space<hbm>> -> memref<1x50000x32xf32, #tpu.memory_space<hbm>>
        %dma_wait3A_140 = tpu.memref_squeeze %dma_wait3A_139 : memref<1x50000x32xf32, #tpu.memory_space<hbm>> -> memref<50000x32xf32, #tpu.memory_space<hbm>>
        %dma_wait3A_141 = arith.constant 0 : i32
        %dma_wait3A_142 = arith.constant 0 : i32
        %dma_wait3A_143 = tpu.memref_slice %dma_wait3A_140[%dma_wait3A_141, %dma_wait3A_142] : memref<50000x32xf32, #tpu.memory_space<hbm>> -> memref<50000x32xf32, #tpu.memory_space<hbm>>
        %dma_wait3A_144 = tpu.memref_slice %arg13[%dma_wait3A_129] : memref<4x!tpu.dma_semaphore, #tpu.memory_space<semaphore_mem>> -> memref<1x!tpu.dma_semaphore, #tpu.memory_space<semaphore_mem>>
        %dma_wait3A_145 = tpu.memref_squeeze %dma_wait3A_144 : memref<1x!tpu.dma_semaphore, #tpu.memory_space<semaphore_mem>> -> memref<!tpu.dma_semaphore, #tpu.memory_space<semaphore_mem>>
        tpu.wait_indirect_dma semaphore(%dma_wait3A_145 : memref<!tpu.dma_semaphore, #tpu.memory_space<semaphore_mem>>) src(%dma_wait3A_143 : memref<50000x32xf32, #tpu.memory_space<hbm>>) dst(%dma_wait3A_133 : memref<128x32xf32, #tpu.memory_space<vmem>>)
        %run_scoped3A_146 = arith.constant 0 : i32
        "tpu.region"() ({
          %run_scoped3A_244 = tpu.sem_alloc : memref<!tpu.dma_semaphore, #tpu.memory_space<semaphore_mem>>
          %dma_start3A_245 = arith.constant 0 : i32
          %dma_start3A_246 = arith.constant 0 : i32
          %dma_start3A_247 = tpu.memref_slice %arg10[%run_scoped3A_146, %dma_start3A_245, %dma_start3A_246] : memref<4x128x32xf32, #tpu.memory_space<vmem>> -> memref<1x128x32xf32, #tpu.memory_space<vmem>>
          %dma_start3A_248 = tpu.memref_squeeze %dma_start3A_247 : memref<1x128x32xf32, #tpu.memory_space<vmem>> -> memref<128x32xf32, #tpu.memory_space<vmem>>
          %dma_start3A_249 = arith.constant 0 : i32
          %dma_start3A_250 = tpu.memref_slice %arg9[%add3A_127, %dma_start3A_249] : memref<28x128xi32, #tpu.memory_space<vmem>> -> memref<1x128xi32, #tpu.memory_space<vmem>>
          %dma_start3A_251 = tpu.memref_squeeze %dma_start3A_250 : memref<1x128xi32, #tpu.memory_space<vmem>> -> memref<128xi32, #tpu.memory_space<vmem>>
          %dma_start3A_252 = arith.constant 0 : i32
          %dma_start3A_253 = arith.constant 0 : i32
          %dma_start3A_254 = tpu.memref_slice %arg12[%dma_start3A_252, %dma_start3A_253] : memref<51200x32xf32, #tpu.memory_space<vmem_shared>> -> memref<51200x32xf32, #tpu.memory_space<vmem_shared>>
          tpu.enqueue_indirect_dma source(%dma_start3A_248 : memref<128x32xf32, #tpu.memory_space<vmem>>) target(%dma_start3A_254 : memref<51200x32xf32, #tpu.memory_space<vmem_shared>>) offsets(%dma_start3A_251 : memref<128xi32, #tpu.memory_space<vmem>>) semaphore(%run_scoped3A_244 : memref<!tpu.dma_semaphore, #tpu.memory_space<semaphore_mem>>) {add = true}
          %dma_wait3A_255 = arith.constant 0 : i32
          %dma_wait3A_256 = arith.constant 0 : i32
          %dma_wait3A_257 = tpu.memref_slice %arg10[%run_scoped3A_146, %dma_wait3A_255, %dma_wait3A_256] : memref<4x128x32xf32, #tpu.memory_space<vmem>> -> memref<1x128x32xf32, #tpu.memory_space<vmem>>
          %dma_wait3A_258 = tpu.memref_squeeze %dma_wait3A_257 : memref<1x128x32xf32, #tpu.memory_space<vmem>> -> memref<128x32xf32, #tpu.memory_space<vmem>>
          %dma_wait3A_259 = arith.constant 0 : i32
          %dma_wait3A_260 = tpu.memref_slice %arg9[%add3A_127, %dma_wait3A_259] : memref<28x128xi32, #tpu.memory_space<vmem>> -> memref<1x128xi32, #tpu.memory_space<vmem>>
          %dma_wait3A_261 = tpu.memref_squeeze %dma_wait3A_260 : memref<1x128xi32, #tpu.memory_space<vmem>> -> memref<128xi32, #tpu.memory_space<vmem>>
          %dma_wait3A_262 = arith.constant 0 : i32
          %dma_wait3A_263 = arith.constant 0 : i32
          %dma_wait3A_264 = tpu.memref_slice %arg12[%dma_wait3A_262, %dma_wait3A_263] : memref<51200x32xf32, #tpu.memory_space<vmem_shared>> -> memref<51200x32xf32, #tpu.memory_space<vmem_shared>>
          tpu.wait_indirect_dma semaphore(%run_scoped3A_244 : memref<!tpu.dma_semaphore, #tpu.memory_space<semaphore_mem>>) src(%dma_wait3A_258 : memref<128x32xf32, #tpu.memory_space<vmem>>) dst(%dma_wait3A_264 : memref<51200x32xf32, #tpu.memory_space<vmem_shared>>)
          tpu.yield
        }) : () -> ()
        %add3A_147 = arith.constant 4 : i32
        %add3A_148 = arith.addi %add3A_127, %add3A_147 : i32
        %lt3A = arith.constant 28 : i32
        %lt3A_149 = arith.cmpi slt, %add3A_148, %lt3A : i32
        %convert_element_type3A = arith.extui %lt3A_149 : i1 to i32
        %cond3A = arith.constant 0 : i32
        %cond3A_150 = arith.cmpi ne, %convert_element_type3A, %cond3A : i32
        scf.if %cond3A_150 {
          %add3A_244 = arith.constant 4 : i32
          %add3A_245 = arith.addi %add3A_127, %add3A_244 : i32
          %dma_start3A_246 = arith.constant 0 : i32
          %dma_start3A_247 = arith.constant 0 : i32
          %dma_start3A_248 = arith.constant 0 : i32
          %dma_start3A_249 = arith.constant 0 : i32
          %dma_start3A_250 = tpu.memref_slice %arg10[%dma_start3A_246, %dma_start3A_248, %dma_start3A_249] : memref<4x128x32xf32, #tpu.memory_space<vmem>> -> memref<1x128x32xf32, #tpu.memory_space<vmem>>
          %dma_start3A_251 = tpu.memref_squeeze %dma_start3A_250 : memref<1x128x32xf32, #tpu.memory_space<vmem>> -> memref<128x32xf32, #tpu.memory_space<vmem>>
          %dma_start3A_252 = arith.constant 0 : i32
          %dma_start3A_253 = tpu.memref_slice %arg8[%add3A_245, %dma_start3A_252] : memref<28x128xi32, #tpu.memory_space<vmem>> -> memref<1x128xi32, #tpu.memory_space<vmem>>
          %dma_start3A_254 = tpu.memref_squeeze %dma_start3A_253 : memref<1x128xi32, #tpu.memory_space<vmem>> -> memref<128xi32, #tpu.memory_space<vmem>>
          %dma_start3A_255 = arith.constant 0 : i32
          %dma_start3A_256 = arith.constant 0 : i32
          %dma_start3A_257 = tpu.memref_slice %arg2[%arg0, %dma_start3A_255, %dma_start3A_256] : memref<2x50000x32xf32, #tpu.memory_space<hbm>> -> memref<1x50000x32xf32, #tpu.memory_space<hbm>>
          %dma_start3A_258 = tpu.memref_squeeze %dma_start3A_257 : memref<1x50000x32xf32, #tpu.memory_space<hbm>> -> memref<50000x32xf32, #tpu.memory_space<hbm>>
          %dma_start3A_259 = arith.constant 0 : i32
          %dma_start3A_260 = arith.constant 0 : i32
          %dma_start3A_261 = tpu.memref_slice %dma_start3A_258[%dma_start3A_259, %dma_start3A_260] : memref<50000x32xf32, #tpu.memory_space<hbm>> -> memref<50000x32xf32, #tpu.memory_space<hbm>>
          %dma_start3A_262 = tpu.memref_slice %arg13[%dma_start3A_247] : memref<4x!tpu.dma_semaphore, #tpu.memory_space<semaphore_mem>> -> memref<1x!tpu.dma_semaphore, #tpu.memory_space<semaphore_mem>>
          %dma_start3A_263 = tpu.memref_squeeze %dma_start3A_262 : memref<1x!tpu.dma_semaphore, #tpu.memory_space<semaphore_mem>> -> memref<!tpu.dma_semaphore, #tpu.memory_space<semaphore_mem>>
          tpu.enqueue_indirect_dma source(%dma_start3A_261 : memref<50000x32xf32, #tpu.memory_space<hbm>>) target(%dma_start3A_251 : memref<128x32xf32, #tpu.memory_space<vmem>>) offsets(%dma_start3A_254 : memref<128xi32, #tpu.memory_space<vmem>>) semaphore(%dma_start3A_263 : memref<!tpu.dma_semaphore, #tpu.memory_space<semaphore_mem>>)
        } else {
        }
        %mul3A_151 = arith.constant 4 : i32
        %mul3A_152 = arith.muli %scan3A_124, %mul3A_151 : i32
        %add3A_153 = arith.constant 1 : i32
        %add3A_154 = arith.addi %mul3A_152, %add3A_153 : i32
        %dma_wait3A_155 = arith.constant 0 : i32
        %dma_wait3A_156 = arith.constant 1 : i32
        %dma_wait3A_157 = arith.constant 1 : i32
        %dma_wait3A_158 = arith.constant 0 : i32
        %dma_wait3A_159 = arith.constant 0 : i32
        %dma_wait3A_160 = tpu.memref_slice %arg10[%dma_wait3A_156, %dma_wait3A_158, %dma_wait3A_159] : memref<4x128x32xf32, #tpu.memory_space<vmem>> -> memref<1x128x32xf32, #tpu.memory_space<vmem>>
        %dma_wait3A_161 = tpu.memref_squeeze %dma_wait3A_160 : memref<1x128x32xf32, #tpu.memory_space<vmem>> -> memref<128x32xf32, #tpu.memory_space<vmem>>
        %dma_wait3A_162 = arith.constant 0 : i32
        %dma_wait3A_163 = tpu.memref_slice %arg8[%dma_wait3A_155, %dma_wait3A_162] : memref<28x128xi32, #tpu.memory_space<vmem>> -> memref<1x128xi32, #tpu.memory_space<vmem>>
        %dma_wait3A_164 = tpu.memref_squeeze %dma_wait3A_163 : memref<1x128xi32, #tpu.memory_space<vmem>> -> memref<128xi32, #tpu.memory_space<vmem>>
        %dma_wait3A_165 = arith.constant 0 : i32
        %dma_wait3A_166 = arith.constant 0 : i32
        %dma_wait3A_167 = tpu.memref_slice %arg2[%arg0, %dma_wait3A_165, %dma_wait3A_166] : memref<2x50000x32xf32, #tpu.memory_space<hbm>> -> memref<1x50000x32xf32, #tpu.memory_space<hbm>>
        %dma_wait3A_168 = tpu.memref_squeeze %dma_wait3A_167 : memref<1x50000x32xf32, #tpu.memory_space<hbm>> -> memref<50000x32xf32, #tpu.memory_space<hbm>>
        %dma_wait3A_169 = arith.constant 0 : i32
        %dma_wait3A_170 = arith.constant 0 : i32
        %dma_wait3A_171 = tpu.memref_slice %dma_wait3A_168[%dma_wait3A_169, %dma_wait3A_170] : memref<50000x32xf32, #tpu.memory_space<hbm>> -> memref<50000x32xf32, #tpu.memory_space<hbm>>
        %dma_wait3A_172 = tpu.memref_slice %arg13[%dma_wait3A_157] : memref<4x!tpu.dma_semaphore, #tpu.memory_space<semaphore_mem>> -> memref<1x!tpu.dma_semaphore, #tpu.memory_space<semaphore_mem>>
        %dma_wait3A_173 = tpu.memref_squeeze %dma_wait3A_172 : memref<1x!tpu.dma_semaphore, #tpu.memory_space<semaphore_mem>> -> memref<!tpu.dma_semaphore, #tpu.memory_space<semaphore_mem>>
        tpu.wait_indirect_dma semaphore(%dma_wait3A_173 : memref<!tpu.dma_semaphore, #tpu.memory_space<semaphore_mem>>) src(%dma_wait3A_171 : memref<50000x32xf32, #tpu.memory_space<hbm>>) dst(%dma_wait3A_161 : memref<128x32xf32, #tpu.memory_space<vmem>>)
        %run_scoped3A_174 = arith.constant 1 : i32
        "tpu.region"() ({
          %run_scoped3A_244 = tpu.sem_alloc : memref<!tpu.dma_semaphore, #tpu.memory_space<semaphore_mem>>
          %dma_start3A_245 = arith.constant 0 : i32
          %dma_start3A_246 = arith.constant 0 : i32
          %dma_start3A_247 = tpu.memref_slice %arg10[%run_scoped3A_174, %dma_start3A_245, %dma_start3A_246] : memref<4x128x32xf32, #tpu.memory_space<vmem>> -> memref<1x128x32xf32, #tpu.memory_space<vmem>>
          %dma_start3A_248 = tpu.memref_squeeze %dma_start3A_247 : memref<1x128x32xf32, #tpu.memory_space<vmem>> -> memref<128x32xf32, #tpu.memory_space<vmem>>
          %dma_start3A_249 = arith.constant 0 : i32
          %dma_start3A_250 = tpu.memref_slice %arg9[%add3A_154, %dma_start3A_249] : memref<28x128xi32, #tpu.memory_space<vmem>> -> memref<1x128xi32, #tpu.memory_space<vmem>>
          %dma_start3A_251 = tpu.memref_squeeze %dma_start3A_250 : memref<1x128xi32, #tpu.memory_space<vmem>> -> memref<128xi32, #tpu.memory_space<vmem>>
          %dma_start3A_252 = arith.constant 0 : i32
          %dma_start3A_253 = arith.constant 0 : i32
          %dma_start3A_254 = tpu.memref_slice %arg12[%dma_start3A_252, %dma_start3A_253] : memref<51200x32xf32, #tpu.memory_space<vmem_shared>> -> memref<51200x32xf32, #tpu.memory_space<vmem_shared>>
          tpu.enqueue_indirect_dma source(%dma_start3A_248 : memref<128x32xf32, #tpu.memory_space<vmem>>) target(%dma_start3A_254 : memref<51200x32xf32, #tpu.memory_space<vmem_shared>>) offsets(%dma_start3A_251 : memref<128xi32, #tpu.memory_space<vmem>>) semaphore(%run_scoped3A_244 : memref<!tpu.dma_semaphore, #tpu.memory_space<semaphore_mem>>) {add = true}
          %dma_wait3A_255 = arith.constant 0 : i32
          %dma_wait3A_256 = arith.constant 0 : i32
          %dma_wait3A_257 = tpu.memref_slice %arg10[%run_scoped3A_174, %dma_wait3A_255, %dma_wait3A_256] : memref<4x128x32xf32, #tpu.memory_space<vmem>> -> memref<1x128x32xf32, #tpu.memory_space<vmem>>
          %dma_wait3A_258 = tpu.memref_squeeze %dma_wait3A_257 : memref<1x128x32xf32, #tpu.memory_space<vmem>> -> memref<128x32xf32, #tpu.memory_space<vmem>>
          %dma_wait3A_259 = arith.constant 0 : i32
          %dma_wait3A_260 = tpu.memref_slice %arg9[%add3A_154, %dma_wait3A_259] : memref<28x128xi32, #tpu.memory_space<vmem>> -> memref<1x128xi32, #tpu.memory_space<vmem>>
          %dma_wait3A_261 = tpu.memref_squeeze %dma_wait3A_260 : memref<1x128xi32, #tpu.memory_space<vmem>> -> memref<128xi32, #tpu.memory_space<vmem>>
          %dma_wait3A_262 = arith.constant 0 : i32
          %dma_wait3A_263 = arith.constant 0 : i32
          %dma_wait3A_264 = tpu.memref_slice %arg12[%dma_wait3A_262, %dma_wait3A_263] : memref<51200x32xf32, #tpu.memory_space<vmem_shared>> -> memref<51200x32xf32, #tpu.memory_space<vmem_shared>>
          tpu.wait_indirect_dma semaphore(%run_scoped3A_244 : memref<!tpu.dma_semaphore, #tpu.memory_space<semaphore_mem>>) src(%dma_wait3A_258 : memref<128x32xf32, #tpu.memory_space<vmem>>) dst(%dma_wait3A_264 : memref<51200x32xf32, #tpu.memory_space<vmem_shared>>)
          tpu.yield
        }) : () -> ()
        %add3A_175 = arith.constant 4 : i32
        %add3A_176 = arith.addi %add3A_154, %add3A_175 : i32
        %lt3A_177 = arith.constant 28 : i32
        %lt3A_178 = arith.cmpi slt, %add3A_176, %lt3A_177 : i32
        %convert_element_type3A_179 = arith.extui %lt3A_178 : i1 to i32
        %cond3A_180 = arith.constant 0 : i32
        %cond3A_181 = arith.cmpi ne, %convert_element_type3A_179, %cond3A_180 : i32
        scf.if %cond3A_181 {
          %add3A_244 = arith.constant 4 : i32
          %add3A_245 = arith.addi %add3A_154, %add3A_244 : i32
          %dma_start3A_246 = arith.constant 1 : i32
          %dma_start3A_247 = arith.constant 1 : i32
          %dma_start3A_248 = arith.constant 0 : i32
          %dma_start3A_249 = arith.constant 0 : i32
          %dma_start3A_250 = tpu.memref_slice %arg10[%dma_start3A_246, %dma_start3A_248, %dma_start3A_249] : memref<4x128x32xf32, #tpu.memory_space<vmem>> -> memref<1x128x32xf32, #tpu.memory_space<vmem>>
          %dma_start3A_251 = tpu.memref_squeeze %dma_start3A_250 : memref<1x128x32xf32, #tpu.memory_space<vmem>> -> memref<128x32xf32, #tpu.memory_space<vmem>>
          %dma_start3A_252 = arith.constant 0 : i32
          %dma_start3A_253 = tpu.memref_slice %arg8[%add3A_245, %dma_start3A_252] : memref<28x128xi32, #tpu.memory_space<vmem>> -> memref<1x128xi32, #tpu.memory_space<vmem>>
          %dma_start3A_254 = tpu.memref_squeeze %dma_start3A_253 : memref<1x128xi32, #tpu.memory_space<vmem>> -> memref<128xi32, #tpu.memory_space<vmem>>
          %dma_start3A_255 = arith.constant 0 : i32
          %dma_start3A_256 = arith.constant 0 : i32
          %dma_start3A_257 = tpu.memref_slice %arg2[%arg0, %dma_start3A_255, %dma_start3A_256] : memref<2x50000x32xf32, #tpu.memory_space<hbm>> -> memref<1x50000x32xf32, #tpu.memory_space<hbm>>
          %dma_start3A_258 = tpu.memref_squeeze %dma_start3A_257 : memref<1x50000x32xf32, #tpu.memory_space<hbm>> -> memref<50000x32xf32, #tpu.memory_space<hbm>>
          %dma_start3A_259 = arith.constant 0 : i32
          %dma_start3A_260 = arith.constant 0 : i32
          %dma_start3A_261 = tpu.memref_slice %dma_start3A_258[%dma_start3A_259, %dma_start3A_260] : memref<50000x32xf32, #tpu.memory_space<hbm>> -> memref<50000x32xf32, #tpu.memory_space<hbm>>
          %dma_start3A_262 = tpu.memref_slice %arg13[%dma_start3A_247] : memref<4x!tpu.dma_semaphore, #tpu.memory_space<semaphore_mem>> -> memref<1x!tpu.dma_semaphore, #tpu.memory_space<semaphore_mem>>
          %dma_start3A_263 = tpu.memref_squeeze %dma_start3A_262 : memref<1x!tpu.dma_semaphore, #tpu.memory_space<semaphore_mem>> -> memref<!tpu.dma_semaphore, #tpu.memory_space<semaphore_mem>>
          tpu.enqueue_indirect_dma source(%dma_start3A_261 : memref<50000x32xf32, #tpu.memory_space<hbm>>) target(%dma_start3A_251 : memref<128x32xf32, #tpu.memory_space<vmem>>) offsets(%dma_start3A_254 : memref<128xi32, #tpu.memory_space<vmem>>) semaphore(%dma_start3A_263 : memref<!tpu.dma_semaphore, #tpu.memory_space<semaphore_mem>>)
        } else {
        }
        %mul3A_182 = arith.constant 4 : i32
        %mul3A_183 = arith.muli %scan3A_124, %mul3A_182 : i32
        %add3A_184 = arith.constant 2 : i32
        %add3A_185 = arith.addi %mul3A_183, %add3A_184 : i32
        %dma_wait3A_186 = arith.constant 0 : i32
        %dma_wait3A_187 = arith.constant 2 : i32
        %dma_wait3A_188 = arith.constant 2 : i32
        %dma_wait3A_189 = arith.constant 0 : i32
        %dma_wait3A_190 = arith.constant 0 : i32
        %dma_wait3A_191 = tpu.memref_slice %arg10[%dma_wait3A_187, %dma_wait3A_189, %dma_wait3A_190] : memref<4x128x32xf32, #tpu.memory_space<vmem>> -> memref<1x128x32xf32, #tpu.memory_space<vmem>>
        %dma_wait3A_192 = tpu.memref_squeeze %dma_wait3A_191 : memref<1x128x32xf32, #tpu.memory_space<vmem>> -> memref<128x32xf32, #tpu.memory_space<vmem>>
        %dma_wait3A_193 = arith.constant 0 : i32
        %dma_wait3A_194 = tpu.memref_slice %arg8[%dma_wait3A_186, %dma_wait3A_193] : memref<28x128xi32, #tpu.memory_space<vmem>> -> memref<1x128xi32, #tpu.memory_space<vmem>>
        %dma_wait3A_195 = tpu.memref_squeeze %dma_wait3A_194 : memref<1x128xi32, #tpu.memory_space<vmem>> -> memref<128xi32, #tpu.memory_space<vmem>>
        %dma_wait3A_196 = arith.constant 0 : i32
        %dma_wait3A_197 = arith.constant 0 : i32
        %dma_wait3A_198 = tpu.memref_slice %arg2[%arg0, %dma_wait3A_196, %dma_wait3A_197] : memref<2x50000x32xf32, #tpu.memory_space<hbm>> -> memref<1x50000x32xf32, #tpu.memory_space<hbm>>
        %dma_wait3A_199 = tpu.memref_squeeze %dma_wait3A_198 : memref<1x50000x32xf32, #tpu.memory_space<hbm>> -> memref<50000x32xf32, #tpu.memory_space<hbm>>
        %dma_wait3A_200 = arith.constant 0 : i32
        %dma_wait3A_201 = arith.constant 0 : i32
        %dma_wait3A_202 = tpu.memref_slice %dma_wait3A_199[%dma_wait3A_200, %dma_wait3A_201] : memref<50000x32xf32, #tpu.memory_space<hbm>> -> memref<50000x32xf32, #tpu.memory_space<hbm>>
        %dma_wait3A_203 = tpu.memref_slice %arg13[%dma_wait3A_188] : memref<4x!tpu.dma_semaphore, #tpu.memory_space<semaphore_mem>> -> memref<1x!tpu.dma_semaphore, #tpu.memory_space<semaphore_mem>>
        %dma_wait3A_204 = tpu.memref_squeeze %dma_wait3A_203 : memref<1x!tpu.dma_semaphore, #tpu.memory_space<semaphore_mem>> -> memref<!tpu.dma_semaphore, #tpu.memory_space<semaphore_mem>>
        tpu.wait_indirect_dma semaphore(%dma_wait3A_204 : memref<!tpu.dma_semaphore, #tpu.memory_space<semaphore_mem>>) src(%dma_wait3A_202 : memref<50000x32xf32, #tpu.memory_space<hbm>>) dst(%dma_wait3A_192 : memref<128x32xf32, #tpu.memory_space<vmem>>)
        %run_scoped3A_205 = arith.constant 2 : i32
        "tpu.region"() ({
          %run_scoped3A_244 = tpu.sem_alloc : memref<!tpu.dma_semaphore, #tpu.memory_space<semaphore_mem>>
          %dma_start3A_245 = arith.constant 0 : i32
          %dma_start3A_246 = arith.constant 0 : i32
          %dma_start3A_247 = tpu.memref_slice %arg10[%run_scoped3A_205, %dma_start3A_245, %dma_start3A_246] : memref<4x128x32xf32, #tpu.memory_space<vmem>> -> memref<1x128x32xf32, #tpu.memory_space<vmem>>
          %dma_start3A_248 = tpu.memref_squeeze %dma_start3A_247 : memref<1x128x32xf32, #tpu.memory_space<vmem>> -> memref<128x32xf32, #tpu.memory_space<vmem>>
          %dma_start3A_249 = arith.constant 0 : i32
          %dma_start3A_250 = tpu.memref_slice %arg9[%add3A_185, %dma_start3A_249] : memref<28x128xi32, #tpu.memory_space<vmem>> -> memref<1x128xi32, #tpu.memory_space<vmem>>
          %dma_start3A_251 = tpu.memref_squeeze %dma_start3A_250 : memref<1x128xi32, #tpu.memory_space<vmem>> -> memref<128xi32, #tpu.memory_space<vmem>>
          %dma_start3A_252 = arith.constant 0 : i32
          %dma_start3A_253 = arith.constant 0 : i32
          %dma_start3A_254 = tpu.memref_slice %arg12[%dma_start3A_252, %dma_start3A_253] : memref<51200x32xf32, #tpu.memory_space<vmem_shared>> -> memref<51200x32xf32, #tpu.memory_space<vmem_shared>>
          tpu.enqueue_indirect_dma source(%dma_start3A_248 : memref<128x32xf32, #tpu.memory_space<vmem>>) target(%dma_start3A_254 : memref<51200x32xf32, #tpu.memory_space<vmem_shared>>) offsets(%dma_start3A_251 : memref<128xi32, #tpu.memory_space<vmem>>) semaphore(%run_scoped3A_244 : memref<!tpu.dma_semaphore, #tpu.memory_space<semaphore_mem>>) {add = true}
          %dma_wait3A_255 = arith.constant 0 : i32
          %dma_wait3A_256 = arith.constant 0 : i32
          %dma_wait3A_257 = tpu.memref_slice %arg10[%run_scoped3A_205, %dma_wait3A_255, %dma_wait3A_256] : memref<4x128x32xf32, #tpu.memory_space<vmem>> -> memref<1x128x32xf32, #tpu.memory_space<vmem>>
          %dma_wait3A_258 = tpu.memref_squeeze %dma_wait3A_257 : memref<1x128x32xf32, #tpu.memory_space<vmem>> -> memref<128x32xf32, #tpu.memory_space<vmem>>
          %dma_wait3A_259 = arith.constant 0 : i32
          %dma_wait3A_260 = tpu.memref_slice %arg9[%add3A_185, %dma_wait3A_259] : memref<28x128xi32, #tpu.memory_space<vmem>> -> memref<1x128xi32, #tpu.memory_space<vmem>>
          %dma_wait3A_261 = tpu.memref_squeeze %dma_wait3A_260 : memref<1x128xi32, #tpu.memory_space<vmem>> -> memref<128xi32, #tpu.memory_space<vmem>>
          %dma_wait3A_262 = arith.constant 0 : i32
          %dma_wait3A_263 = arith.constant 0 : i32
          %dma_wait3A_264 = tpu.memref_slice %arg12[%dma_wait3A_262, %dma_wait3A_263] : memref<51200x32xf32, #tpu.memory_space<vmem_shared>> -> memref<51200x32xf32, #tpu.memory_space<vmem_shared>>
          tpu.wait_indirect_dma semaphore(%run_scoped3A_244 : memref<!tpu.dma_semaphore, #tpu.memory_space<semaphore_mem>>) src(%dma_wait3A_258 : memref<128x32xf32, #tpu.memory_space<vmem>>) dst(%dma_wait3A_264 : memref<51200x32xf32, #tpu.memory_space<vmem_shared>>)
          tpu.yield
        }) : () -> ()
        %add3A_206 = arith.constant 4 : i32
        %add3A_207 = arith.addi %add3A_185, %add3A_206 : i32
        %lt3A_208 = arith.constant 28 : i32
        %lt3A_209 = arith.cmpi slt, %add3A_207, %lt3A_208 : i32
        %convert_element_type3A_210 = arith.extui %lt3A_209 : i1 to i32
        %cond3A_211 = arith.constant 0 : i32
        %cond3A_212 = arith.cmpi ne, %convert_element_type3A_210, %cond3A_211 : i32
        scf.if %cond3A_212 {
          %add3A_244 = arith.constant 4 : i32
          %add3A_245 = arith.addi %add3A_185, %add3A_244 : i32
          %dma_start3A_246 = arith.constant 2 : i32
          %dma_start3A_247 = arith.constant 2 : i32
          %dma_start3A_248 = arith.constant 0 : i32
          %dma_start3A_249 = arith.constant 0 : i32
          %dma_start3A_250 = tpu.memref_slice %arg10[%dma_start3A_246, %dma_start3A_248, %dma_start3A_249] : memref<4x128x32xf32, #tpu.memory_space<vmem>> -> memref<1x128x32xf32, #tpu.memory_space<vmem>>
          %dma_start3A_251 = tpu.memref_squeeze %dma_start3A_250 : memref<1x128x32xf32, #tpu.memory_space<vmem>> -> memref<128x32xf32, #tpu.memory_space<vmem>>
          %dma_start3A_252 = arith.constant 0 : i32
          %dma_start3A_253 = tpu.memref_slice %arg8[%add3A_245, %dma_start3A_252] : memref<28x128xi32, #tpu.memory_space<vmem>> -> memref<1x128xi32, #tpu.memory_space<vmem>>
          %dma_start3A_254 = tpu.memref_squeeze %dma_start3A_253 : memref<1x128xi32, #tpu.memory_space<vmem>> -> memref<128xi32, #tpu.memory_space<vmem>>
          %dma_start3A_255 = arith.constant 0 : i32
          %dma_start3A_256 = arith.constant 0 : i32
          %dma_start3A_257 = tpu.memref_slice %arg2[%arg0, %dma_start3A_255, %dma_start3A_256] : memref<2x50000x32xf32, #tpu.memory_space<hbm>> -> memref<1x50000x32xf32, #tpu.memory_space<hbm>>
          %dma_start3A_258 = tpu.memref_squeeze %dma_start3A_257 : memref<1x50000x32xf32, #tpu.memory_space<hbm>> -> memref<50000x32xf32, #tpu.memory_space<hbm>>
          %dma_start3A_259 = arith.constant 0 : i32
          %dma_start3A_260 = arith.constant 0 : i32
          %dma_start3A_261 = tpu.memref_slice %dma_start3A_258[%dma_start3A_259, %dma_start3A_260] : memref<50000x32xf32, #tpu.memory_space<hbm>> -> memref<50000x32xf32, #tpu.memory_space<hbm>>
          %dma_start3A_262 = tpu.memref_slice %arg13[%dma_start3A_247] : memref<4x!tpu.dma_semaphore, #tpu.memory_space<semaphore_mem>> -> memref<1x!tpu.dma_semaphore, #tpu.memory_space<semaphore_mem>>
          %dma_start3A_263 = tpu.memref_squeeze %dma_start3A_262 : memref<1x!tpu.dma_semaphore, #tpu.memory_space<semaphore_mem>> -> memref<!tpu.dma_semaphore, #tpu.memory_space<semaphore_mem>>
          tpu.enqueue_indirect_dma source(%dma_start3A_261 : memref<50000x32xf32, #tpu.memory_space<hbm>>) target(%dma_start3A_251 : memref<128x32xf32, #tpu.memory_space<vmem>>) offsets(%dma_start3A_254 : memref<128xi32, #tpu.memory_space<vmem>>) semaphore(%dma_start3A_263 : memref<!tpu.dma_semaphore, #tpu.memory_space<semaphore_mem>>)
        } else {
        }
        %mul3A_213 = arith.constant 4 : i32
        %mul3A_214 = arith.muli %scan3A_124, %mul3A_213 : i32
        %add3A_215 = arith.constant 3 : i32
        %add3A_216 = arith.addi %mul3A_214, %add3A_215 : i32
        %dma_wait3A_217 = arith.constant 0 : i32
        %dma_wait3A_218 = arith.constant 3 : i32
        %dma_wait3A_219 = arith.constant 3 : i32
        %dma_wait3A_220 = arith.constant 0 : i32
        %dma_wait3A_221 = arith.constant 0 : i32
        %dma_wait3A_222 = tpu.memref_slice %arg10[%dma_wait3A_218, %dma_wait3A_220, %dma_wait3A_221] : memref<4x128x32xf32, #tpu.memory_space<vmem>> -> memref<1x128x32xf32, #tpu.memory_space<vmem>>
        %dma_wait3A_223 = tpu.memref_squeeze %dma_wait3A_222 : memref<1x128x32xf32, #tpu.memory_space<vmem>> -> memref<128x32xf32, #tpu.memory_space<vmem>>
        %dma_wait3A_224 = arith.constant 0 : i32
        %dma_wait3A_225 = tpu.memref_slice %arg8[%dma_wait3A_217, %dma_wait3A_224] : memref<28x128xi32, #tpu.memory_space<vmem>> -> memref<1x128xi32, #tpu.memory_space<vmem>>
        %dma_wait3A_226 = tpu.memref_squeeze %dma_wait3A_225 : memref<1x128xi32, #tpu.memory_space<vmem>> -> memref<128xi32, #tpu.memory_space<vmem>>
        %dma_wait3A_227 = arith.constant 0 : i32
        %dma_wait3A_228 = arith.constant 0 : i32
        %dma_wait3A_229 = tpu.memref_slice %arg2[%arg0, %dma_wait3A_227, %dma_wait3A_228] : memref<2x50000x32xf32, #tpu.memory_space<hbm>> -> memref<1x50000x32xf32, #tpu.memory_space<hbm>>
        %dma_wait3A_230 = tpu.memref_squeeze %dma_wait3A_229 : memref<1x50000x32xf32, #tpu.memory_space<hbm>> -> memref<50000x32xf32, #tpu.memory_space<hbm>>
        %dma_wait3A_231 = arith.constant 0 : i32
        %dma_wait3A_232 = arith.constant 0 : i32
        %dma_wait3A_233 = tpu.memref_slice %dma_wait3A_230[%dma_wait3A_231, %dma_wait3A_232] : memref<50000x32xf32, #tpu.memory_space<hbm>> -> memref<50000x32xf32, #tpu.memory_space<hbm>>
        %dma_wait3A_234 = tpu.memref_slice %arg13[%dma_wait3A_219] : memref<4x!tpu.dma_semaphore, #tpu.memory_space<semaphore_mem>> -> memref<1x!tpu.dma_semaphore, #tpu.memory_space<semaphore_mem>>
        %dma_wait3A_235 = tpu.memref_squeeze %dma_wait3A_234 : memref<1x!tpu.dma_semaphore, #tpu.memory_space<semaphore_mem>> -> memref<!tpu.dma_semaphore, #tpu.memory_space<semaphore_mem>>
        tpu.wait_indirect_dma semaphore(%dma_wait3A_235 : memref<!tpu.dma_semaphore, #tpu.memory_space<semaphore_mem>>) src(%dma_wait3A_233 : memref<50000x32xf32, #tpu.memory_space<hbm>>) dst(%dma_wait3A_223 : memref<128x32xf32, #tpu.memory_space<vmem>>)
        %run_scoped3A_236 = arith.constant 3 : i32
        "tpu.region"() ({
          %run_scoped3A_244 = tpu.sem_alloc : memref<!tpu.dma_semaphore, #tpu.memory_space<semaphore_mem>>
          %dma_start3A_245 = arith.constant 0 : i32
          %dma_start3A_246 = arith.constant 0 : i32
          %dma_start3A_247 = tpu.memref_slice %arg10[%run_scoped3A_236, %dma_start3A_245, %dma_start3A_246] : memref<4x128x32xf32, #tpu.memory_space<vmem>> -> memref<1x128x32xf32, #tpu.memory_space<vmem>>
          %dma_start3A_248 = tpu.memref_squeeze %dma_start3A_247 : memref<1x128x32xf32, #tpu.memory_space<vmem>> -> memref<128x32xf32, #tpu.memory_space<vmem>>
          %dma_start3A_249 = arith.constant 0 : i32
          %dma_start3A_250 = tpu.memref_slice %arg9[%add3A_216, %dma_start3A_249] : memref<28x128xi32, #tpu.memory_space<vmem>> -> memref<1x128xi32, #tpu.memory_space<vmem>>
          %dma_start3A_251 = tpu.memref_squeeze %dma_start3A_250 : memref<1x128xi32, #tpu.memory_space<vmem>> -> memref<128xi32, #tpu.memory_space<vmem>>
          %dma_start3A_252 = arith.constant 0 : i32
          %dma_start3A_253 = arith.constant 0 : i32
          %dma_start3A_254 = tpu.memref_slice %arg12[%dma_start3A_252, %dma_start3A_253] : memref<51200x32xf32, #tpu.memory_space<vmem_shared>> -> memref<51200x32xf32, #tpu.memory_space<vmem_shared>>
          tpu.enqueue_indirect_dma source(%dma_start3A_248 : memref<128x32xf32, #tpu.memory_space<vmem>>) target(%dma_start3A_254 : memref<51200x32xf32, #tpu.memory_space<vmem_shared>>) offsets(%dma_start3A_251 : memref<128xi32, #tpu.memory_space<vmem>>) semaphore(%run_scoped3A_244 : memref<!tpu.dma_semaphore, #tpu.memory_space<semaphore_mem>>) {add = true}
          %dma_wait3A_255 = arith.constant 0 : i32
          %dma_wait3A_256 = arith.constant 0 : i32
          %dma_wait3A_257 = tpu.memref_slice %arg10[%run_scoped3A_236, %dma_wait3A_255, %dma_wait3A_256] : memref<4x128x32xf32, #tpu.memory_space<vmem>> -> memref<1x128x32xf32, #tpu.memory_space<vmem>>
          %dma_wait3A_258 = tpu.memref_squeeze %dma_wait3A_257 : memref<1x128x32xf32, #tpu.memory_space<vmem>> -> memref<128x32xf32, #tpu.memory_space<vmem>>
          %dma_wait3A_259 = arith.constant 0 : i32
          %dma_wait3A_260 = tpu.memref_slice %arg9[%add3A_216, %dma_wait3A_259] : memref<28x128xi32, #tpu.memory_space<vmem>> -> memref<1x128xi32, #tpu.memory_space<vmem>>
          %dma_wait3A_261 = tpu.memref_squeeze %dma_wait3A_260 : memref<1x128xi32, #tpu.memory_space<vmem>> -> memref<128xi32, #tpu.memory_space<vmem>>
          %dma_wait3A_262 = arith.constant 0 : i32
          %dma_wait3A_263 = arith.constant 0 : i32
          %dma_wait3A_264 = tpu.memref_slice %arg12[%dma_wait3A_262, %dma_wait3A_263] : memref<51200x32xf32, #tpu.memory_space<vmem_shared>> -> memref<51200x32xf32, #tpu.memory_space<vmem_shared>>
          tpu.wait_indirect_dma semaphore(%run_scoped3A_244 : memref<!tpu.dma_semaphore, #tpu.memory_space<semaphore_mem>>) src(%dma_wait3A_258 : memref<128x32xf32, #tpu.memory_space<vmem>>) dst(%dma_wait3A_264 : memref<51200x32xf32, #tpu.memory_space<vmem_shared>>)
          tpu.yield
        }) : () -> ()
        %add3A_237 = arith.constant 4 : i32
        %add3A_238 = arith.addi %add3A_216, %add3A_237 : i32
        %lt3A_239 = arith.constant 28 : i32
        %lt3A_240 = arith.cmpi slt, %add3A_238, %lt3A_239 : i32
        %convert_element_type3A_241 = arith.extui %lt3A_240 : i1 to i32
        %cond3A_242 = arith.constant 0 : i32
        %cond3A_243 = arith.cmpi ne, %convert_element_type3A_241, %cond3A_242 : i32
        scf.if %cond3A_243 {
          %add3A_244 = arith.constant 4 : i32
          %add3A_245 = arith.addi %add3A_216, %add3A_244 : i32
          %dma_start3A_246 = arith.constant 3 : i32
          %dma_start3A_247 = arith.constant 3 : i32
          %dma_start3A_248 = arith.constant 0 : i32
          %dma_start3A_249 = arith.constant 0 : i32
          %dma_start3A_250 = tpu.memref_slice %arg10[%dma_start3A_246, %dma_start3A_248, %dma_start3A_249] : memref<4x128x32xf32, #tpu.memory_space<vmem>> -> memref<1x128x32xf32, #tpu.memory_space<vmem>>
          %dma_start3A_251 = tpu.memref_squeeze %dma_start3A_250 : memref<1x128x32xf32, #tpu.memory_space<vmem>> -> memref<128x32xf32, #tpu.memory_space<vmem>>
          %dma_start3A_252 = arith.constant 0 : i32
          %dma_start3A_253 = tpu.memref_slice %arg8[%add3A_245, %dma_start3A_252] : memref<28x128xi32, #tpu.memory_space<vmem>> -> memref<1x128xi32, #tpu.memory_space<vmem>>
          %dma_start3A_254 = tpu.memref_squeeze %dma_start3A_253 : memref<1x128xi32, #tpu.memory_space<vmem>> -> memref<128xi32, #tpu.memory_space<vmem>>
          %dma_start3A_255 = arith.constant 0 : i32
          %dma_start3A_256 = arith.constant 0 : i32
          %dma_start3A_257 = tpu.memref_slice %arg2[%arg0, %dma_start3A_255, %dma_start3A_256] : memref<2x50000x32xf32, #tpu.memory_space<hbm>> -> memref<1x50000x32xf32, #tpu.memory_space<hbm>>
          %dma_start3A_258 = tpu.memref_squeeze %dma_start3A_257 : memref<1x50000x32xf32, #tpu.memory_space<hbm>> -> memref<50000x32xf32, #tpu.memory_space<hbm>>
          %dma_start3A_259 = arith.constant 0 : i32
          %dma_start3A_260 = arith.constant 0 : i32
          %dma_start3A_261 = tpu.memref_slice %dma_start3A_258[%dma_start3A_259, %dma_start3A_260] : memref<50000x32xf32, #tpu.memory_space<hbm>> -> memref<50000x32xf32, #tpu.memory_space<hbm>>
          %dma_start3A_262 = tpu.memref_slice %arg13[%dma_start3A_247] : memref<4x!tpu.dma_semaphore, #tpu.memory_space<semaphore_mem>> -> memref<1x!tpu.dma_semaphore, #tpu.memory_space<semaphore_mem>>
          %dma_start3A_263 = tpu.memref_squeeze %dma_start3A_262 : memref<1x!tpu.dma_semaphore, #tpu.memory_space<semaphore_mem>> -> memref<!tpu.dma_semaphore, #tpu.memory_space<semaphore_mem>>
          tpu.enqueue_indirect_dma source(%dma_start3A_261 : memref<50000x32xf32, #tpu.memory_space<hbm>>) target(%dma_start3A_251 : memref<128x32xf32, #tpu.memory_space<vmem>>) offsets(%dma_start3A_254 : memref<128xi32, #tpu.memory_space<vmem>>) semaphore(%dma_start3A_263 : memref<!tpu.dma_semaphore, #tpu.memory_space<semaphore_mem>>)
        } else {
        }
      }
      %scan3A_123 = arith.constant 7 : i32
    }
    %scan3A_16 = arith.constant 14 : i32
    %barrier3A_17 = arith.constant 0 : index
    tpu.barrier barrier_id(%barrier3A_17)
    %mul3A = arith.constant 3200 : i32
    %mul3A_18 = arith.muli %arg1, %mul3A : i32
    "tpu.region"() ({
      %run_scoped3A = tpu.sem_alloc : memref<!tpu.dma_semaphore, #tpu.memory_space<semaphore_mem>>
      %dma_start3A = arith.constant 0 : i32
      %dma_start3A_37 = tpu.memref_slice %arg6[%arg0, %mul3A_18, %dma_start3A] : memref<2x51200x32xf32, #tpu.memory_space<hbm>> -> memref<1x3200x32xf32, #tpu.memory_space<hbm>>
      %dma_start3A_38 = tpu.memref_squeeze %dma_start3A_37 : memref<1x3200x32xf32, #tpu.memory_space<hbm>> -> memref<3200x32xf32, #tpu.memory_space<hbm>>
      %dma_start3A_39 = arith.constant 0 : i32
      %dma_start3A_40 = tpu.memref_slice %arg12[%mul3A_18, %dma_start3A_39] : memref<51200x32xf32, #tpu.memory_space<vmem_shared>> -> memref<3200x32xf32, #tpu.memory_space<vmem_shared>>
      tpu.enqueue_dma source(%dma_start3A_40 : memref<3200x32xf32, #tpu.memory_space<vmem_shared>>) target(%dma_start3A_38 : memref<3200x32xf32, #tpu.memory_space<hbm>>) target_semaphore(%run_scoped3A : memref<!tpu.dma_semaphore, #tpu.memory_space<semaphore_mem>>)
      %dma_wait3A = arith.constant 0 : i32
      %dma_wait3A_41 = tpu.memref_slice %arg6[%arg0, %mul3A_18, %dma_wait3A] : memref<2x51200x32xf32, #tpu.memory_space<hbm>> -> memref<1x3200x32xf32, #tpu.memory_space<hbm>>
      %dma_wait3A_42 = tpu.memref_squeeze %dma_wait3A_41 : memref<1x3200x32xf32, #tpu.memory_space<hbm>> -> memref<3200x32xf32, #tpu.memory_space<hbm>>
      %dma_wait3A_43 = arith.constant 0 : i32
      %dma_wait3A_44 = tpu.memref_slice %arg12[%mul3A_18, %dma_wait3A_43] : memref<51200x32xf32, #tpu.memory_space<vmem_shared>> -> memref<3200x32xf32, #tpu.memory_space<vmem_shared>>
      tpu.wait_dma2 semaphore(%run_scoped3A : memref<!tpu.dma_semaphore, #tpu.memory_space<semaphore_mem>>) src(%dma_wait3A_44 : memref<3200x32xf32, #tpu.memory_space<vmem_shared>>) dst(%dma_wait3A_42 : memref<3200x32xf32, #tpu.memory_space<hbm>>)
      tpu.yield
    }) : () -> ()
    %barrier3A_19 = arith.constant 0 : index
    tpu.barrier barrier_id(%barrier3A_19)
    %scan3A_20 = arith.constant 0 : i32
    %scan3A_21 = arith.constant 0 : i32
    %scan3A_22 = arith.constant 25 : i32
    %scan3A_23 = arith.addi %scan3A_21, %scan3A_22 : i32
    %scan3A_24 = arith.constant 1 : i32
    scf.for %scan3A_37 = %scan3A_21 to %scan3A_23 step %scan3A_24  : i32 {
      %mul3A_38 = arith.constant 3200 : i32
      %mul3A_39 = arith.muli %arg1, %mul3A_38 : i32
      %mul3A_40 = arith.constant 128 : i32
      %mul3A_41 = arith.muli %scan3A_37, %mul3A_40 : i32
      %add3A = arith.addi %mul3A_39, %mul3A_41 : i32
      "tpu.region"() ({
        %run_scoped3A = tpu.sem_alloc : memref<!tpu.dma_semaphore, #tpu.memory_space<semaphore_mem>>
        %dma_start3A = arith.constant 0 : i32
        %dma_start3A_42 = tpu.memref_slice %arg12[%add3A, %dma_start3A] : memref<51200x32xf32, #tpu.memory_space<vmem_shared>> -> memref<128x32xf32, #tpu.memory_space<vmem_shared>>
        %dma_start3A_43 = arith.constant 0 : i32
        %dma_start3A_44 = tpu.memref_slice %arg12[%add3A, %dma_start3A_43] : memref<51200x32xf32, #tpu.memory_space<vmem_shared>> -> memref<128x32xf32, #tpu.memory_space<vmem_shared>>
        tpu.enqueue_dma source(%arg11 : memref<128x32xf32, #tpu.memory_space<vmem>>) target(%dma_start3A_44 : memref<128x32xf32, #tpu.memory_space<vmem_shared>>) target_semaphore(%run_scoped3A : memref<!tpu.dma_semaphore, #tpu.memory_space<semaphore_mem>>)
        %dma_wait3A = arith.constant 0 : i32
        %dma_wait3A_45 = tpu.memref_slice %arg12[%add3A, %dma_wait3A] : memref<51200x32xf32, #tpu.memory_space<vmem_shared>> -> memref<128x32xf32, #tpu.memory_space<vmem_shared>>
        %dma_wait3A_46 = arith.constant 0 : i32
        %dma_wait3A_47 = tpu.memref_slice %arg12[%add3A, %dma_wait3A_46] : memref<51200x32xf32, #tpu.memory_space<vmem_shared>> -> memref<128x32xf32, #tpu.memory_space<vmem_shared>>
        tpu.wait_dma2 semaphore(%run_scoped3A : memref<!tpu.dma_semaphore, #tpu.memory_space<semaphore_mem>>) src(%arg11 : memref<128x32xf32, #tpu.memory_space<vmem>>) dst(%dma_wait3A_47 : memref<128x32xf32, #tpu.memory_space<vmem_shared>>)
        tpu.yield
      }) : () -> ()
    }
    %scan3A_25 = arith.constant 25 : i32
    %barrier3A_26 = arith.constant 0 : index
    tpu.barrier barrier_id(%barrier3A_26)
    %scan3A_27 = arith.constant 0 : i32
    %scan3A_28 = arith.constant 0 : i32
    %scan3A_29 = arith.constant 14 : i32
    %scan3A_30 = arith.addi %scan3A_28, %scan3A_29 : i32
    %scan3A_31 = arith.constant 1 : i32
    scf.for %scan3A_37 = %scan3A_28 to %scan3A_30 step %scan3A_31  : i32 {
      %mul3A_38 = arith.constant 28 : i32
      %mul3A_39 = arith.muli %scan3A_37, %mul3A_38 : i32
      %run_scoped3A = arith.constant 0 : i32
      "tpu.region"() ({
        %run_scoped3A_124 = tpu.sem_alloc : memref<!tpu.dma_semaphore, #tpu.memory_space<semaphore_mem>>
        %dma_start3A_125 = arith.constant 0 : i32
        %dma_start3A_126 = tpu.memref_slice %arg5[%run_scoped3A, %arg1, %mul3A_39, %dma_start3A_125] : memref<2x16x392x128xi32, #tpu.memory_space<hbm>> -> memref<1x1x28x128xi32, #tpu.memory_space<hbm>>
        %dma_start3A_127 = tpu.memref_squeeze %dma_start3A_126 : memref<1x1x28x128xi32, #tpu.memory_space<hbm>> -> memref<28x128xi32, #tpu.memory_space<hbm>>
        %dma_start3A_128 = arith.constant 0 : i32
        %dma_start3A_129 = tpu.memref_slice %arg5[%run_scoped3A, %arg1, %mul3A_39, %dma_start3A_128] : memref<2x16x392x128xi32, #tpu.memory_space<hbm>> -> memref<1x1x28x128xi32, #tpu.memory_space<hbm>>
        %dma_start3A_130 = tpu.memref_squeeze %dma_start3A_129 : memref<1x1x28x128xi32, #tpu.memory_space<hbm>> -> memref<28x128xi32, #tpu.memory_space<hbm>>
        tpu.enqueue_dma source(%dma_start3A_130 : memref<28x128xi32, #tpu.memory_space<hbm>>) target(%arg8 : memref<28x128xi32, #tpu.memory_space<vmem>>) target_semaphore(%run_scoped3A_124 : memref<!tpu.dma_semaphore, #tpu.memory_space<semaphore_mem>>)
        %dma_wait3A = arith.constant 0 : i32
        %dma_wait3A_131 = tpu.memref_slice %arg5[%run_scoped3A, %arg1, %mul3A_39, %dma_wait3A] : memref<2x16x392x128xi32, #tpu.memory_space<hbm>> -> memref<1x1x28x128xi32, #tpu.memory_space<hbm>>
        %dma_wait3A_132 = tpu.memref_squeeze %dma_wait3A_131 : memref<1x1x28x128xi32, #tpu.memory_space<hbm>> -> memref<28x128xi32, #tpu.memory_space<hbm>>
        %dma_wait3A_133 = arith.constant 0 : i32
        %dma_wait3A_134 = tpu.memref_slice %arg5[%run_scoped3A, %arg1, %mul3A_39, %dma_wait3A_133] : memref<2x16x392x128xi32, #tpu.memory_space<hbm>> -> memref<1x1x28x128xi32, #tpu.memory_space<hbm>>
        %dma_wait3A_135 = tpu.memref_squeeze %dma_wait3A_134 : memref<1x1x28x128xi32, #tpu.memory_space<hbm>> -> memref<28x128xi32, #tpu.memory_space<hbm>>
        tpu.wait_dma2 semaphore(%run_scoped3A_124 : memref<!tpu.dma_semaphore, #tpu.memory_space<semaphore_mem>>) src(%dma_wait3A_135 : memref<28x128xi32, #tpu.memory_space<hbm>>) dst(%arg8 : memref<28x128xi32, #tpu.memory_space<vmem>>)
        tpu.yield
      }) : () -> ()
      %mul3A_40 = arith.constant 28 : i32
      %mul3A_41 = arith.muli %scan3A_37, %mul3A_40 : i32
      %run_scoped3A_42 = arith.constant 1 : i32
      "tpu.region"() ({
        %run_scoped3A_124 = tpu.sem_alloc : memref<!tpu.dma_semaphore, #tpu.memory_space<semaphore_mem>>
        %dma_start3A_125 = arith.constant 0 : i32
        %dma_start3A_126 = tpu.memref_slice %arg5[%run_scoped3A_42, %arg1, %mul3A_41, %dma_start3A_125] : memref<2x16x392x128xi32, #tpu.memory_space<hbm>> -> memref<1x1x28x128xi32, #tpu.memory_space<hbm>>
        %dma_start3A_127 = tpu.memref_squeeze %dma_start3A_126 : memref<1x1x28x128xi32, #tpu.memory_space<hbm>> -> memref<28x128xi32, #tpu.memory_space<hbm>>
        %dma_start3A_128 = arith.constant 0 : i32
        %dma_start3A_129 = tpu.memref_slice %arg5[%run_scoped3A_42, %arg1, %mul3A_41, %dma_start3A_128] : memref<2x16x392x128xi32, #tpu.memory_space<hbm>> -> memref<1x1x28x128xi32, #tpu.memory_space<hbm>>
        %dma_start3A_130 = tpu.memref_squeeze %dma_start3A_129 : memref<1x1x28x128xi32, #tpu.memory_space<hbm>> -> memref<28x128xi32, #tpu.memory_space<hbm>>
        tpu.enqueue_dma source(%dma_start3A_130 : memref<28x128xi32, #tpu.memory_space<hbm>>) target(%arg9 : memref<28x128xi32, #tpu.memory_space<vmem>>) target_semaphore(%run_scoped3A_124 : memref<!tpu.dma_semaphore, #tpu.memory_space<semaphore_mem>>)
        %dma_wait3A = arith.constant 0 : i32
        %dma_wait3A_131 = tpu.memref_slice %arg5[%run_scoped3A_42, %arg1, %mul3A_41, %dma_wait3A] : memref<2x16x392x128xi32, #tpu.memory_space<hbm>> -> memref<1x1x28x128xi32, #tpu.memory_space<hbm>>
        %dma_wait3A_132 = tpu.memref_squeeze %dma_wait3A_131 : memref<1x1x28x128xi32, #tpu.memory_space<hbm>> -> memref<28x128xi32, #tpu.memory_space<hbm>>
        %dma_wait3A_133 = arith.constant 0 : i32
        %dma_wait3A_134 = tpu.memref_slice %arg5[%run_scoped3A_42, %arg1, %mul3A_41, %dma_wait3A_133] : memref<2x16x392x128xi32, #tpu.memory_space<hbm>> -> memref<1x1x28x128xi32, #tpu.memory_space<hbm>>
        %dma_wait3A_135 = tpu.memref_squeeze %dma_wait3A_134 : memref<1x1x28x128xi32, #tpu.memory_space<hbm>> -> memref<28x128xi32, #tpu.memory_space<hbm>>
        tpu.wait_dma2 semaphore(%run_scoped3A_124 : memref<!tpu.dma_semaphore, #tpu.memory_space<semaphore_mem>>) src(%dma_wait3A_135 : memref<28x128xi32, #tpu.memory_space<hbm>>) dst(%arg9 : memref<28x128xi32, #tpu.memory_space<vmem>>)
        tpu.yield
      }) : () -> ()
      %dma_start3A = arith.constant 0 : i32
      %dma_start3A_43 = arith.constant 0 : i32
      %dma_start3A_44 = arith.constant 0 : i32
      %dma_start3A_45 = arith.constant 0 : i32
      %dma_start3A_46 = arith.constant 0 : i32
      %dma_start3A_47 = tpu.memref_slice %arg10[%dma_start3A_43, %dma_start3A_45, %dma_start3A_46] : memref<4x128x32xf32, #tpu.memory_space<vmem>> -> memref<1x128x32xf32, #tpu.memory_space<vmem>>
      %dma_start3A_48 = tpu.memref_squeeze %dma_start3A_47 : memref<1x128x32xf32, #tpu.memory_space<vmem>> -> memref<128x32xf32, #tpu.memory_space<vmem>>
      %dma_start3A_49 = arith.constant 0 : i32
      %dma_start3A_50 = tpu.memref_slice %arg8[%dma_start3A, %dma_start3A_49] : memref<28x128xi32, #tpu.memory_space<vmem>> -> memref<1x128xi32, #tpu.memory_space<vmem>>
      %dma_start3A_51 = tpu.memref_squeeze %dma_start3A_50 : memref<1x128xi32, #tpu.memory_space<vmem>> -> memref<128xi32, #tpu.memory_space<vmem>>
      %dma_start3A_52 = arith.constant 0 : i32
      %dma_start3A_53 = arith.constant 0 : i32
      %dma_start3A_54 = tpu.memref_slice %arg3[%arg0, %dma_start3A_52, %dma_start3A_53] : memref<2x50000x32xf32, #tpu.memory_space<hbm>> -> memref<1x50000x32xf32, #tpu.memory_space<hbm>>
      %dma_start3A_55 = tpu.memref_squeeze %dma_start3A_54 : memref<1x50000x32xf32, #tpu.memory_space<hbm>> -> memref<50000x32xf32, #tpu.memory_space<hbm>>
      %dma_start3A_56 = arith.constant 0 : i32
      %dma_start3A_57 = arith.constant 0 : i32
      %dma_start3A_58 = tpu.memref_slice %dma_start3A_55[%dma_start3A_56, %dma_start3A_57] : memref<50000x32xf32, #tpu.memory_space<hbm>> -> memref<50000x32xf32, #tpu.memory_space<hbm>>
      %dma_start3A_59 = tpu.memref_slice %arg13[%dma_start3A_44] : memref<4x!tpu.dma_semaphore, #tpu.memory_space<semaphore_mem>> -> memref<1x!tpu.dma_semaphore, #tpu.memory_space<semaphore_mem>>
      %dma_start3A_60 = tpu.memref_squeeze %dma_start3A_59 : memref<1x!tpu.dma_semaphore, #tpu.memory_space<semaphore_mem>> -> memref<!tpu.dma_semaphore, #tpu.memory_space<semaphore_mem>>
      tpu.enqueue_indirect_dma source(%dma_start3A_58 : memref<50000x32xf32, #tpu.memory_space<hbm>>) target(%dma_start3A_48 : memref<128x32xf32, #tpu.memory_space<vmem>>) offsets(%dma_start3A_51 : memref<128xi32, #tpu.memory_space<vmem>>) semaphore(%dma_start3A_60 : memref<!tpu.dma_semaphore, #tpu.memory_space<semaphore_mem>>)
      %dma_start3A_61 = arith.constant 1 : i32
      %dma_start3A_62 = arith.constant 1 : i32
      %dma_start3A_63 = arith.constant 1 : i32
      %dma_start3A_64 = arith.constant 0 : i32
      %dma_start3A_65 = arith.constant 0 : i32
      %dma_start3A_66 = tpu.memref_slice %arg10[%dma_start3A_62, %dma_start3A_64, %dma_start3A_65] : memref<4x128x32xf32, #tpu.memory_space<vmem>> -> memref<1x128x32xf32, #tpu.memory_space<vmem>>
      %dma_start3A_67 = tpu.memref_squeeze %dma_start3A_66 : memref<1x128x32xf32, #tpu.memory_space<vmem>> -> memref<128x32xf32, #tpu.memory_space<vmem>>
      %dma_start3A_68 = arith.constant 0 : i32
      %dma_start3A_69 = tpu.memref_slice %arg8[%dma_start3A_61, %dma_start3A_68] : memref<28x128xi32, #tpu.memory_space<vmem>> -> memref<1x128xi32, #tpu.memory_space<vmem>>
      %dma_start3A_70 = tpu.memref_squeeze %dma_start3A_69 : memref<1x128xi32, #tpu.memory_space<vmem>> -> memref<128xi32, #tpu.memory_space<vmem>>
      %dma_start3A_71 = arith.constant 0 : i32
      %dma_start3A_72 = arith.constant 0 : i32
      %dma_start3A_73 = tpu.memref_slice %arg3[%arg0, %dma_start3A_71, %dma_start3A_72] : memref<2x50000x32xf32, #tpu.memory_space<hbm>> -> memref<1x50000x32xf32, #tpu.memory_space<hbm>>
      %dma_start3A_74 = tpu.memref_squeeze %dma_start3A_73 : memref<1x50000x32xf32, #tpu.memory_space<hbm>> -> memref<50000x32xf32, #tpu.memory_space<hbm>>
      %dma_start3A_75 = arith.constant 0 : i32
      %dma_start3A_76 = arith.constant 0 : i32
      %dma_start3A_77 = tpu.memref_slice %dma_start3A_74[%dma_start3A_75, %dma_start3A_76] : memref<50000x32xf32, #tpu.memory_space<hbm>> -> memref<50000x32xf32, #tpu.memory_space<hbm>>
      %dma_start3A_78 = tpu.memref_slice %arg13[%dma_start3A_63] : memref<4x!tpu.dma_semaphore, #tpu.memory_space<semaphore_mem>> -> memref<1x!tpu.dma_semaphore, #tpu.memory_space<semaphore_mem>>
      %dma_start3A_79 = tpu.memref_squeeze %dma_start3A_78 : memref<1x!tpu.dma_semaphore, #tpu.memory_space<semaphore_mem>> -> memref<!tpu.dma_semaphore, #tpu.memory_space<semaphore_mem>>
      tpu.enqueue_indirect_dma source(%dma_start3A_77 : memref<50000x32xf32, #tpu.memory_space<hbm>>) target(%dma_start3A_67 : memref<128x32xf32, #tpu.memory_space<vmem>>) offsets(%dma_start3A_70 : memref<128xi32, #tpu.memory_space<vmem>>) semaphore(%dma_start3A_79 : memref<!tpu.dma_semaphore, #tpu.memory_space<semaphore_mem>>)
      %dma_start3A_80 = arith.constant 2 : i32
      %dma_start3A_81 = arith.constant 2 : i32
      %dma_start3A_82 = arith.constant 2 : i32
      %dma_start3A_83 = arith.constant 0 : i32
      %dma_start3A_84 = arith.constant 0 : i32
      %dma_start3A_85 = tpu.memref_slice %arg10[%dma_start3A_81, %dma_start3A_83, %dma_start3A_84] : memref<4x128x32xf32, #tpu.memory_space<vmem>> -> memref<1x128x32xf32, #tpu.memory_space<vmem>>
      %dma_start3A_86 = tpu.memref_squeeze %dma_start3A_85 : memref<1x128x32xf32, #tpu.memory_space<vmem>> -> memref<128x32xf32, #tpu.memory_space<vmem>>
      %dma_start3A_87 = arith.constant 0 : i32
      %dma_start3A_88 = tpu.memref_slice %arg8[%dma_start3A_80, %dma_start3A_87] : memref<28x128xi32, #tpu.memory_space<vmem>> -> memref<1x128xi32, #tpu.memory_space<vmem>>
      %dma_start3A_89 = tpu.memref_squeeze %dma_start3A_88 : memref<1x128xi32, #tpu.memory_space<vmem>> -> memref<128xi32, #tpu.memory_space<vmem>>
      %dma_start3A_90 = arith.constant 0 : i32
      %dma_start3A_91 = arith.constant 0 : i32
      %dma_start3A_92 = tpu.memref_slice %arg3[%arg0, %dma_start3A_90, %dma_start3A_91] : memref<2x50000x32xf32, #tpu.memory_space<hbm>> -> memref<1x50000x32xf32, #tpu.memory_space<hbm>>
      %dma_start3A_93 = tpu.memref_squeeze %dma_start3A_92 : memref<1x50000x32xf32, #tpu.memory_space<hbm>> -> memref<50000x32xf32, #tpu.memory_space<hbm>>
      %dma_start3A_94 = arith.constant 0 : i32
      %dma_start3A_95 = arith.constant 0 : i32
      %dma_start3A_96 = tpu.memref_slice %dma_start3A_93[%dma_start3A_94, %dma_start3A_95] : memref<50000x32xf32, #tpu.memory_space<hbm>> -> memref<50000x32xf32, #tpu.memory_space<hbm>>
      %dma_start3A_97 = tpu.memref_slice %arg13[%dma_start3A_82] : memref<4x!tpu.dma_semaphore, #tpu.memory_space<semaphore_mem>> -> memref<1x!tpu.dma_semaphore, #tpu.memory_space<semaphore_mem>>
      %dma_start3A_98 = tpu.memref_squeeze %dma_start3A_97 : memref<1x!tpu.dma_semaphore, #tpu.memory_space<semaphore_mem>> -> memref<!tpu.dma_semaphore, #tpu.memory_space<semaphore_mem>>
      tpu.enqueue_indirect_dma source(%dma_start3A_96 : memref<50000x32xf32, #tpu.memory_space<hbm>>) target(%dma_start3A_86 : memref<128x32xf32, #tpu.memory_space<vmem>>) offsets(%dma_start3A_89 : memref<128xi32, #tpu.memory_space<vmem>>) semaphore(%dma_start3A_98 : memref<!tpu.dma_semaphore, #tpu.memory_space<semaphore_mem>>)
      %dma_start3A_99 = arith.constant 3 : i32
      %dma_start3A_100 = arith.constant 3 : i32
      %dma_start3A_101 = arith.constant 3 : i32
      %dma_start3A_102 = arith.constant 0 : i32
      %dma_start3A_103 = arith.constant 0 : i32
      %dma_start3A_104 = tpu.memref_slice %arg10[%dma_start3A_100, %dma_start3A_102, %dma_start3A_103] : memref<4x128x32xf32, #tpu.memory_space<vmem>> -> memref<1x128x32xf32, #tpu.memory_space<vmem>>
      %dma_start3A_105 = tpu.memref_squeeze %dma_start3A_104 : memref<1x128x32xf32, #tpu.memory_space<vmem>> -> memref<128x32xf32, #tpu.memory_space<vmem>>
      %dma_start3A_106 = arith.constant 0 : i32
      %dma_start3A_107 = tpu.memref_slice %arg8[%dma_start3A_99, %dma_start3A_106] : memref<28x128xi32, #tpu.memory_space<vmem>> -> memref<1x128xi32, #tpu.memory_space<vmem>>
      %dma_start3A_108 = tpu.memref_squeeze %dma_start3A_107 : memref<1x128xi32, #tpu.memory_space<vmem>> -> memref<128xi32, #tpu.memory_space<vmem>>
      %dma_start3A_109 = arith.constant 0 : i32
      %dma_start3A_110 = arith.constant 0 : i32
      %dma_start3A_111 = tpu.memref_slice %arg3[%arg0, %dma_start3A_109, %dma_start3A_110] : memref<2x50000x32xf32, #tpu.memory_space<hbm>> -> memref<1x50000x32xf32, #tpu.memory_space<hbm>>
      %dma_start3A_112 = tpu.memref_squeeze %dma_start3A_111 : memref<1x50000x32xf32, #tpu.memory_space<hbm>> -> memref<50000x32xf32, #tpu.memory_space<hbm>>
      %dma_start3A_113 = arith.constant 0 : i32
      %dma_start3A_114 = arith.constant 0 : i32
      %dma_start3A_115 = tpu.memref_slice %dma_start3A_112[%dma_start3A_113, %dma_start3A_114] : memref<50000x32xf32, #tpu.memory_space<hbm>> -> memref<50000x32xf32, #tpu.memory_space<hbm>>
      %dma_start3A_116 = tpu.memref_slice %arg13[%dma_start3A_101] : memref<4x!tpu.dma_semaphore, #tpu.memory_space<semaphore_mem>> -> memref<1x!tpu.dma_semaphore, #tpu.memory_space<semaphore_mem>>
      %dma_start3A_117 = tpu.memref_squeeze %dma_start3A_116 : memref<1x!tpu.dma_semaphore, #tpu.memory_space<semaphore_mem>> -> memref<!tpu.dma_semaphore, #tpu.memory_space<semaphore_mem>>
      tpu.enqueue_indirect_dma source(%dma_start3A_115 : memref<50000x32xf32, #tpu.memory_space<hbm>>) target(%dma_start3A_105 : memref<128x32xf32, #tpu.memory_space<vmem>>) offsets(%dma_start3A_108 : memref<128xi32, #tpu.memory_space<vmem>>) semaphore(%dma_start3A_117 : memref<!tpu.dma_semaphore, #tpu.memory_space<semaphore_mem>>)
      %scan3A_118 = arith.constant 0 : i32
      %scan3A_119 = arith.constant 0 : i32
      %scan3A_120 = arith.constant 7 : i32
      %scan3A_121 = arith.addi %scan3A_119, %scan3A_120 : i32
      %scan3A_122 = arith.constant 1 : i32
      scf.for %scan3A_124 = %scan3A_119 to %scan3A_121 step %scan3A_122  : i32 {
        %mul3A_125 = arith.constant 4 : i32
        %mul3A_126 = arith.muli %scan3A_124, %mul3A_125 : i32
        %add3A = arith.constant 0 : i32
        %add3A_127 = arith.addi %mul3A_126, %add3A : i32
        %dma_wait3A = arith.constant 0 : i32
        %dma_wait3A_128 = arith.constant 0 : i32
        %dma_wait3A_129 = arith.constant 0 : i32
        %dma_wait3A_130 = arith.constant 0 : i32
        %dma_wait3A_131 = arith.constant 0 : i32
        %dma_wait3A_132 = tpu.memref_slice %arg10[%dma_wait3A_128, %dma_wait3A_130, %dma_wait3A_131] : memref<4x128x32xf32, #tpu.memory_space<vmem>> -> memref<1x128x32xf32, #tpu.memory_space<vmem>>
        %dma_wait3A_133 = tpu.memref_squeeze %dma_wait3A_132 : memref<1x128x32xf32, #tpu.memory_space<vmem>> -> memref<128x32xf32, #tpu.memory_space<vmem>>
        %dma_wait3A_134 = arith.constant 0 : i32
        %dma_wait3A_135 = tpu.memref_slice %arg8[%dma_wait3A, %dma_wait3A_134] : memref<28x128xi32, #tpu.memory_space<vmem>> -> memref<1x128xi32, #tpu.memory_space<vmem>>
        %dma_wait3A_136 = tpu.memref_squeeze %dma_wait3A_135 : memref<1x128xi32, #tpu.memory_space<vmem>> -> memref<128xi32, #tpu.memory_space<vmem>>
        %dma_wait3A_137 = arith.constant 0 : i32
        %dma_wait3A_138 = arith.constant 0 : i32
        %dma_wait3A_139 = tpu.memref_slice %arg3[%arg0, %dma_wait3A_137, %dma_wait3A_138] : memref<2x50000x32xf32, #tpu.memory_space<hbm>> -> memref<1x50000x32xf32, #tpu.memory_space<hbm>>
        %dma_wait3A_140 = tpu.memref_squeeze %dma_wait3A_139 : memref<1x50000x32xf32, #tpu.memory_space<hbm>> -> memref<50000x32xf32, #tpu.memory_space<hbm>>
        %dma_wait3A_141 = arith.constant 0 : i32
        %dma_wait3A_142 = arith.constant 0 : i32
        %dma_wait3A_143 = tpu.memref_slice %dma_wait3A_140[%dma_wait3A_141, %dma_wait3A_142] : memref<50000x32xf32, #tpu.memory_space<hbm>> -> memref<50000x32xf32, #tpu.memory_space<hbm>>
        %dma_wait3A_144 = tpu.memref_slice %arg13[%dma_wait3A_129] : memref<4x!tpu.dma_semaphore, #tpu.memory_space<semaphore_mem>> -> memref<1x!tpu.dma_semaphore, #tpu.memory_space<semaphore_mem>>
        %dma_wait3A_145 = tpu.memref_squeeze %dma_wait3A_144 : memref<1x!tpu.dma_semaphore, #tpu.memory_space<semaphore_mem>> -> memref<!tpu.dma_semaphore, #tpu.memory_space<semaphore_mem>>
        tpu.wait_indirect_dma semaphore(%dma_wait3A_145 : memref<!tpu.dma_semaphore, #tpu.memory_space<semaphore_mem>>) src(%dma_wait3A_143 : memref<50000x32xf32, #tpu.memory_space<hbm>>) dst(%dma_wait3A_133 : memref<128x32xf32, #tpu.memory_space<vmem>>)
        %run_scoped3A_146 = arith.constant 0 : i32
        "tpu.region"() ({
          %run_scoped3A_244 = tpu.sem_alloc : memref<!tpu.dma_semaphore, #tpu.memory_space<semaphore_mem>>
          %dma_start3A_245 = arith.constant 0 : i32
          %dma_start3A_246 = arith.constant 0 : i32
          %dma_start3A_247 = tpu.memref_slice %arg10[%run_scoped3A_146, %dma_start3A_245, %dma_start3A_246] : memref<4x128x32xf32, #tpu.memory_space<vmem>> -> memref<1x128x32xf32, #tpu.memory_space<vmem>>
          %dma_start3A_248 = tpu.memref_squeeze %dma_start3A_247 : memref<1x128x32xf32, #tpu.memory_space<vmem>> -> memref<128x32xf32, #tpu.memory_space<vmem>>
          %dma_start3A_249 = arith.constant 0 : i32
          %dma_start3A_250 = tpu.memref_slice %arg9[%add3A_127, %dma_start3A_249] : memref<28x128xi32, #tpu.memory_space<vmem>> -> memref<1x128xi32, #tpu.memory_space<vmem>>
          %dma_start3A_251 = tpu.memref_squeeze %dma_start3A_250 : memref<1x128xi32, #tpu.memory_space<vmem>> -> memref<128xi32, #tpu.memory_space<vmem>>
          %dma_start3A_252 = arith.constant 0 : i32
          %dma_start3A_253 = arith.constant 0 : i32
          %dma_start3A_254 = tpu.memref_slice %arg12[%dma_start3A_252, %dma_start3A_253] : memref<51200x32xf32, #tpu.memory_space<vmem_shared>> -> memref<51200x32xf32, #tpu.memory_space<vmem_shared>>
          tpu.enqueue_indirect_dma source(%dma_start3A_248 : memref<128x32xf32, #tpu.memory_space<vmem>>) target(%dma_start3A_254 : memref<51200x32xf32, #tpu.memory_space<vmem_shared>>) offsets(%dma_start3A_251 : memref<128xi32, #tpu.memory_space<vmem>>) semaphore(%run_scoped3A_244 : memref<!tpu.dma_semaphore, #tpu.memory_space<semaphore_mem>>) {add = true}
          %dma_wait3A_255 = arith.constant 0 : i32
          %dma_wait3A_256 = arith.constant 0 : i32
          %dma_wait3A_257 = tpu.memref_slice %arg10[%run_scoped3A_146, %dma_wait3A_255, %dma_wait3A_256] : memref<4x128x32xf32, #tpu.memory_space<vmem>> -> memref<1x128x32xf32, #tpu.memory_space<vmem>>
          %dma_wait3A_258 = tpu.memref_squeeze %dma_wait3A_257 : memref<1x128x32xf32, #tpu.memory_space<vmem>> -> memref<128x32xf32, #tpu.memory_space<vmem>>
          %dma_wait3A_259 = arith.constant 0 : i32
          %dma_wait3A_260 = tpu.memref_slice %arg9[%add3A_127, %dma_wait3A_259] : memref<28x128xi32, #tpu.memory_space<vmem>> -> memref<1x128xi32, #tpu.memory_space<vmem>>
          %dma_wait3A_261 = tpu.memref_squeeze %dma_wait3A_260 : memref<1x128xi32, #tpu.memory_space<vmem>> -> memref<128xi32, #tpu.memory_space<vmem>>
          %dma_wait3A_262 = arith.constant 0 : i32
          %dma_wait3A_263 = arith.constant 0 : i32
          %dma_wait3A_264 = tpu.memref_slice %arg12[%dma_wait3A_262, %dma_wait3A_263] : memref<51200x32xf32, #tpu.memory_space<vmem_shared>> -> memref<51200x32xf32, #tpu.memory_space<vmem_shared>>
          tpu.wait_indirect_dma semaphore(%run_scoped3A_244 : memref<!tpu.dma_semaphore, #tpu.memory_space<semaphore_mem>>) src(%dma_wait3A_258 : memref<128x32xf32, #tpu.memory_space<vmem>>) dst(%dma_wait3A_264 : memref<51200x32xf32, #tpu.memory_space<vmem_shared>>)
          tpu.yield
        }) : () -> ()
        %add3A_147 = arith.constant 4 : i32
        %add3A_148 = arith.addi %add3A_127, %add3A_147 : i32
        %lt3A = arith.constant 28 : i32
        %lt3A_149 = arith.cmpi slt, %add3A_148, %lt3A : i32
        %convert_element_type3A = arith.extui %lt3A_149 : i1 to i32
        %cond3A = arith.constant 0 : i32
        %cond3A_150 = arith.cmpi ne, %convert_element_type3A, %cond3A : i32
        scf.if %cond3A_150 {
          %add3A_244 = arith.constant 4 : i32
          %add3A_245 = arith.addi %add3A_127, %add3A_244 : i32
          %dma_start3A_246 = arith.constant 0 : i32
          %dma_start3A_247 = arith.constant 0 : i32
          %dma_start3A_248 = arith.constant 0 : i32
          %dma_start3A_249 = arith.constant 0 : i32
          %dma_start3A_250 = tpu.memref_slice %arg10[%dma_start3A_246, %dma_start3A_248, %dma_start3A_249] : memref<4x128x32xf32, #tpu.memory_space<vmem>> -> memref<1x128x32xf32, #tpu.memory_space<vmem>>
          %dma_start3A_251 = tpu.memref_squeeze %dma_start3A_250 : memref<1x128x32xf32, #tpu.memory_space<vmem>> -> memref<128x32xf32, #tpu.memory_space<vmem>>
          %dma_start3A_252 = arith.constant 0 : i32
          %dma_start3A_253 = tpu.memref_slice %arg8[%add3A_245, %dma_start3A_252] : memref<28x128xi32, #tpu.memory_space<vmem>> -> memref<1x128xi32, #tpu.memory_space<vmem>>
          %dma_start3A_254 = tpu.memref_squeeze %dma_start3A_253 : memref<1x128xi32, #tpu.memory_space<vmem>> -> memref<128xi32, #tpu.memory_space<vmem>>
          %dma_start3A_255 = arith.constant 0 : i32
          %dma_start3A_256 = arith.constant 0 : i32
          %dma_start3A_257 = tpu.memref_slice %arg3[%arg0, %dma_start3A_255, %dma_start3A_256] : memref<2x50000x32xf32, #tpu.memory_space<hbm>> -> memref<1x50000x32xf32, #tpu.memory_space<hbm>>
          %dma_start3A_258 = tpu.memref_squeeze %dma_start3A_257 : memref<1x50000x32xf32, #tpu.memory_space<hbm>> -> memref<50000x32xf32, #tpu.memory_space<hbm>>
          %dma_start3A_259 = arith.constant 0 : i32
          %dma_start3A_260 = arith.constant 0 : i32
          %dma_start3A_261 = tpu.memref_slice %dma_start3A_258[%dma_start3A_259, %dma_start3A_260] : memref<50000x32xf32, #tpu.memory_space<hbm>> -> memref<50000x32xf32, #tpu.memory_space<hbm>>
          %dma_start3A_262 = tpu.memref_slice %arg13[%dma_start3A_247] : memref<4x!tpu.dma_semaphore, #tpu.memory_space<semaphore_mem>> -> memref<1x!tpu.dma_semaphore, #tpu.memory_space<semaphore_mem>>
          %dma_start3A_263 = tpu.memref_squeeze %dma_start3A_262 : memref<1x!tpu.dma_semaphore, #tpu.memory_space<semaphore_mem>> -> memref<!tpu.dma_semaphore, #tpu.memory_space<semaphore_mem>>
          tpu.enqueue_indirect_dma source(%dma_start3A_261 : memref<50000x32xf32, #tpu.memory_space<hbm>>) target(%dma_start3A_251 : memref<128x32xf32, #tpu.memory_space<vmem>>) offsets(%dma_start3A_254 : memref<128xi32, #tpu.memory_space<vmem>>) semaphore(%dma_start3A_263 : memref<!tpu.dma_semaphore, #tpu.memory_space<semaphore_mem>>)
        } else {
        }
        %mul3A_151 = arith.constant 4 : i32
        %mul3A_152 = arith.muli %scan3A_124, %mul3A_151 : i32
        %add3A_153 = arith.constant 1 : i32
        %add3A_154 = arith.addi %mul3A_152, %add3A_153 : i32
        %dma_wait3A_155 = arith.constant 0 : i32
        %dma_wait3A_156 = arith.constant 1 : i32
        %dma_wait3A_157 = arith.constant 1 : i32
        %dma_wait3A_158 = arith.constant 0 : i32
        %dma_wait3A_159 = arith.constant 0 : i32
        %dma_wait3A_160 = tpu.memref_slice %arg10[%dma_wait3A_156, %dma_wait3A_158, %dma_wait3A_159] : memref<4x128x32xf32, #tpu.memory_space<vmem>> -> memref<1x128x32xf32, #tpu.memory_space<vmem>>
        %dma_wait3A_161 = tpu.memref_squeeze %dma_wait3A_160 : memref<1x128x32xf32, #tpu.memory_space<vmem>> -> memref<128x32xf32, #tpu.memory_space<vmem>>
        %dma_wait3A_162 = arith.constant 0 : i32
        %dma_wait3A_163 = tpu.memref_slice %arg8[%dma_wait3A_155, %dma_wait3A_162] : memref<28x128xi32, #tpu.memory_space<vmem>> -> memref<1x128xi32, #tpu.memory_space<vmem>>
        %dma_wait3A_164 = tpu.memref_squeeze %dma_wait3A_163 : memref<1x128xi32, #tpu.memory_space<vmem>> -> memref<128xi32, #tpu.memory_space<vmem>>
        %dma_wait3A_165 = arith.constant 0 : i32
        %dma_wait3A_166 = arith.constant 0 : i32
        %dma_wait3A_167 = tpu.memref_slice %arg3[%arg0, %dma_wait3A_165, %dma_wait3A_166] : memref<2x50000x32xf32, #tpu.memory_space<hbm>> -> memref<1x50000x32xf32, #tpu.memory_space<hbm>>
        %dma_wait3A_168 = tpu.memref_squeeze %dma_wait3A_167 : memref<1x50000x32xf32, #tpu.memory_space<hbm>> -> memref<50000x32xf32, #tpu.memory_space<hbm>>
        %dma_wait3A_169 = arith.constant 0 : i32
        %dma_wait3A_170 = arith.constant 0 : i32
        %dma_wait3A_171 = tpu.memref_slice %dma_wait3A_168[%dma_wait3A_169, %dma_wait3A_170] : memref<50000x32xf32, #tpu.memory_space<hbm>> -> memref<50000x32xf32, #tpu.memory_space<hbm>>
        %dma_wait3A_172 = tpu.memref_slice %arg13[%dma_wait3A_157] : memref<4x!tpu.dma_semaphore, #tpu.memory_space<semaphore_mem>> -> memref<1x!tpu.dma_semaphore, #tpu.memory_space<semaphore_mem>>
        %dma_wait3A_173 = tpu.memref_squeeze %dma_wait3A_172 : memref<1x!tpu.dma_semaphore, #tpu.memory_space<semaphore_mem>> -> memref<!tpu.dma_semaphore, #tpu.memory_space<semaphore_mem>>
        tpu.wait_indirect_dma semaphore(%dma_wait3A_173 : memref<!tpu.dma_semaphore, #tpu.memory_space<semaphore_mem>>) src(%dma_wait3A_171 : memref<50000x32xf32, #tpu.memory_space<hbm>>) dst(%dma_wait3A_161 : memref<128x32xf32, #tpu.memory_space<vmem>>)
        %run_scoped3A_174 = arith.constant 1 : i32
        "tpu.region"() ({
          %run_scoped3A_244 = tpu.sem_alloc : memref<!tpu.dma_semaphore, #tpu.memory_space<semaphore_mem>>
          %dma_start3A_245 = arith.constant 0 : i32
          %dma_start3A_246 = arith.constant 0 : i32
          %dma_start3A_247 = tpu.memref_slice %arg10[%run_scoped3A_174, %dma_start3A_245, %dma_start3A_246] : memref<4x128x32xf32, #tpu.memory_space<vmem>> -> memref<1x128x32xf32, #tpu.memory_space<vmem>>
          %dma_start3A_248 = tpu.memref_squeeze %dma_start3A_247 : memref<1x128x32xf32, #tpu.memory_space<vmem>> -> memref<128x32xf32, #tpu.memory_space<vmem>>
          %dma_start3A_249 = arith.constant 0 : i32
          %dma_start3A_250 = tpu.memref_slice %arg9[%add3A_154, %dma_start3A_249] : memref<28x128xi32, #tpu.memory_space<vmem>> -> memref<1x128xi32, #tpu.memory_space<vmem>>
          %dma_start3A_251 = tpu.memref_squeeze %dma_start3A_250 : memref<1x128xi32, #tpu.memory_space<vmem>> -> memref<128xi32, #tpu.memory_space<vmem>>
          %dma_start3A_252 = arith.constant 0 : i32
          %dma_start3A_253 = arith.constant 0 : i32
          %dma_start3A_254 = tpu.memref_slice %arg12[%dma_start3A_252, %dma_start3A_253] : memref<51200x32xf32, #tpu.memory_space<vmem_shared>> -> memref<51200x32xf32, #tpu.memory_space<vmem_shared>>
          tpu.enqueue_indirect_dma source(%dma_start3A_248 : memref<128x32xf32, #tpu.memory_space<vmem>>) target(%dma_start3A_254 : memref<51200x32xf32, #tpu.memory_space<vmem_shared>>) offsets(%dma_start3A_251 : memref<128xi32, #tpu.memory_space<vmem>>) semaphore(%run_scoped3A_244 : memref<!tpu.dma_semaphore, #tpu.memory_space<semaphore_mem>>) {add = true}
          %dma_wait3A_255 = arith.constant 0 : i32
          %dma_wait3A_256 = arith.constant 0 : i32
          %dma_wait3A_257 = tpu.memref_slice %arg10[%run_scoped3A_174, %dma_wait3A_255, %dma_wait3A_256] : memref<4x128x32xf32, #tpu.memory_space<vmem>> -> memref<1x128x32xf32, #tpu.memory_space<vmem>>
          %dma_wait3A_258 = tpu.memref_squeeze %dma_wait3A_257 : memref<1x128x32xf32, #tpu.memory_space<vmem>> -> memref<128x32xf32, #tpu.memory_space<vmem>>
          %dma_wait3A_259 = arith.constant 0 : i32
          %dma_wait3A_260 = tpu.memref_slice %arg9[%add3A_154, %dma_wait3A_259] : memref<28x128xi32, #tpu.memory_space<vmem>> -> memref<1x128xi32, #tpu.memory_space<vmem>>
          %dma_wait3A_261 = tpu.memref_squeeze %dma_wait3A_260 : memref<1x128xi32, #tpu.memory_space<vmem>> -> memref<128xi32, #tpu.memory_space<vmem>>
          %dma_wait3A_262 = arith.constant 0 : i32
          %dma_wait3A_263 = arith.constant 0 : i32
          %dma_wait3A_264 = tpu.memref_slice %arg12[%dma_wait3A_262, %dma_wait3A_263] : memref<51200x32xf32, #tpu.memory_space<vmem_shared>> -> memref<51200x32xf32, #tpu.memory_space<vmem_shared>>
          tpu.wait_indirect_dma semaphore(%run_scoped3A_244 : memref<!tpu.dma_semaphore, #tpu.memory_space<semaphore_mem>>) src(%dma_wait3A_258 : memref<128x32xf32, #tpu.memory_space<vmem>>) dst(%dma_wait3A_264 : memref<51200x32xf32, #tpu.memory_space<vmem_shared>>)
          tpu.yield
        }) : () -> ()
        %add3A_175 = arith.constant 4 : i32
        %add3A_176 = arith.addi %add3A_154, %add3A_175 : i32
        %lt3A_177 = arith.constant 28 : i32
        %lt3A_178 = arith.cmpi slt, %add3A_176, %lt3A_177 : i32
        %convert_element_type3A_179 = arith.extui %lt3A_178 : i1 to i32
        %cond3A_180 = arith.constant 0 : i32
        %cond3A_181 = arith.cmpi ne, %convert_element_type3A_179, %cond3A_180 : i32
        scf.if %cond3A_181 {
          %add3A_244 = arith.constant 4 : i32
          %add3A_245 = arith.addi %add3A_154, %add3A_244 : i32
          %dma_start3A_246 = arith.constant 1 : i32
          %dma_start3A_247 = arith.constant 1 : i32
          %dma_start3A_248 = arith.constant 0 : i32
          %dma_start3A_249 = arith.constant 0 : i32
          %dma_start3A_250 = tpu.memref_slice %arg10[%dma_start3A_246, %dma_start3A_248, %dma_start3A_249] : memref<4x128x32xf32, #tpu.memory_space<vmem>> -> memref<1x128x32xf32, #tpu.memory_space<vmem>>
          %dma_start3A_251 = tpu.memref_squeeze %dma_start3A_250 : memref<1x128x32xf32, #tpu.memory_space<vmem>> -> memref<128x32xf32, #tpu.memory_space<vmem>>
          %dma_start3A_252 = arith.constant 0 : i32
          %dma_start3A_253 = tpu.memref_slice %arg8[%add3A_245, %dma_start3A_252] : memref<28x128xi32, #tpu.memory_space<vmem>> -> memref<1x128xi32, #tpu.memory_space<vmem>>
          %dma_start3A_254 = tpu.memref_squeeze %dma_start3A_253 : memref<1x128xi32, #tpu.memory_space<vmem>> -> memref<128xi32, #tpu.memory_space<vmem>>
          %dma_start3A_255 = arith.constant 0 : i32
          %dma_start3A_256 = arith.constant 0 : i32
          %dma_start3A_257 = tpu.memref_slice %arg3[%arg0, %dma_start3A_255, %dma_start3A_256] : memref<2x50000x32xf32, #tpu.memory_space<hbm>> -> memref<1x50000x32xf32, #tpu.memory_space<hbm>>
          %dma_start3A_258 = tpu.memref_squeeze %dma_start3A_257 : memref<1x50000x32xf32, #tpu.memory_space<hbm>> -> memref<50000x32xf32, #tpu.memory_space<hbm>>
          %dma_start3A_259 = arith.constant 0 : i32
          %dma_start3A_260 = arith.constant 0 : i32
          %dma_start3A_261 = tpu.memref_slice %dma_start3A_258[%dma_start3A_259, %dma_start3A_260] : memref<50000x32xf32, #tpu.memory_space<hbm>> -> memref<50000x32xf32, #tpu.memory_space<hbm>>
          %dma_start3A_262 = tpu.memref_slice %arg13[%dma_start3A_247] : memref<4x!tpu.dma_semaphore, #tpu.memory_space<semaphore_mem>> -> memref<1x!tpu.dma_semaphore, #tpu.memory_space<semaphore_mem>>
          %dma_start3A_263 = tpu.memref_squeeze %dma_start3A_262 : memref<1x!tpu.dma_semaphore, #tpu.memory_space<semaphore_mem>> -> memref<!tpu.dma_semaphore, #tpu.memory_space<semaphore_mem>>
          tpu.enqueue_indirect_dma source(%dma_start3A_261 : memref<50000x32xf32, #tpu.memory_space<hbm>>) target(%dma_start3A_251 : memref<128x32xf32, #tpu.memory_space<vmem>>) offsets(%dma_start3A_254 : memref<128xi32, #tpu.memory_space<vmem>>) semaphore(%dma_start3A_263 : memref<!tpu.dma_semaphore, #tpu.memory_space<semaphore_mem>>)
        } else {
        }
        %mul3A_182 = arith.constant 4 : i32
        %mul3A_183 = arith.muli %scan3A_124, %mul3A_182 : i32
        %add3A_184 = arith.constant 2 : i32
        %add3A_185 = arith.addi %mul3A_183, %add3A_184 : i32
        %dma_wait3A_186 = arith.constant 0 : i32
        %dma_wait3A_187 = arith.constant 2 : i32
        %dma_wait3A_188 = arith.constant 2 : i32
        %dma_wait3A_189 = arith.constant 0 : i32
        %dma_wait3A_190 = arith.constant 0 : i32
        %dma_wait3A_191 = tpu.memref_slice %arg10[%dma_wait3A_187, %dma_wait3A_189, %dma_wait3A_190] : memref<4x128x32xf32, #tpu.memory_space<vmem>> -> memref<1x128x32xf32, #tpu.memory_space<vmem>>
        %dma_wait3A_192 = tpu.memref_squeeze %dma_wait3A_191 : memref<1x128x32xf32, #tpu.memory_space<vmem>> -> memref<128x32xf32, #tpu.memory_space<vmem>>
        %dma_wait3A_193 = arith.constant 0 : i32
        %dma_wait3A_194 = tpu.memref_slice %arg8[%dma_wait3A_186, %dma_wait3A_193] : memref<28x128xi32, #tpu.memory_space<vmem>> -> memref<1x128xi32, #tpu.memory_space<vmem>>
        %dma_wait3A_195 = tpu.memref_squeeze %dma_wait3A_194 : memref<1x128xi32, #tpu.memory_space<vmem>> -> memref<128xi32, #tpu.memory_space<vmem>>
        %dma_wait3A_196 = arith.constant 0 : i32
        %dma_wait3A_197 = arith.constant 0 : i32
        %dma_wait3A_198 = tpu.memref_slice %arg3[%arg0, %dma_wait3A_196, %dma_wait3A_197] : memref<2x50000x32xf32, #tpu.memory_space<hbm>> -> memref<1x50000x32xf32, #tpu.memory_space<hbm>>
        %dma_wait3A_199 = tpu.memref_squeeze %dma_wait3A_198 : memref<1x50000x32xf32, #tpu.memory_space<hbm>> -> memref<50000x32xf32, #tpu.memory_space<hbm>>
        %dma_wait3A_200 = arith.constant 0 : i32
        %dma_wait3A_201 = arith.constant 0 : i32
        %dma_wait3A_202 = tpu.memref_slice %dma_wait3A_199[%dma_wait3A_200, %dma_wait3A_201] : memref<50000x32xf32, #tpu.memory_space<hbm>> -> memref<50000x32xf32, #tpu.memory_space<hbm>>
        %dma_wait3A_203 = tpu.memref_slice %arg13[%dma_wait3A_188] : memref<4x!tpu.dma_semaphore, #tpu.memory_space<semaphore_mem>> -> memref<1x!tpu.dma_semaphore, #tpu.memory_space<semaphore_mem>>
        %dma_wait3A_204 = tpu.memref_squeeze %dma_wait3A_203 : memref<1x!tpu.dma_semaphore, #tpu.memory_space<semaphore_mem>> -> memref<!tpu.dma_semaphore, #tpu.memory_space<semaphore_mem>>
        tpu.wait_indirect_dma semaphore(%dma_wait3A_204 : memref<!tpu.dma_semaphore, #tpu.memory_space<semaphore_mem>>) src(%dma_wait3A_202 : memref<50000x32xf32, #tpu.memory_space<hbm>>) dst(%dma_wait3A_192 : memref<128x32xf32, #tpu.memory_space<vmem>>)
        %run_scoped3A_205 = arith.constant 2 : i32
        "tpu.region"() ({
          %run_scoped3A_244 = tpu.sem_alloc : memref<!tpu.dma_semaphore, #tpu.memory_space<semaphore_mem>>
          %dma_start3A_245 = arith.constant 0 : i32
          %dma_start3A_246 = arith.constant 0 : i32
          %dma_start3A_247 = tpu.memref_slice %arg10[%run_scoped3A_205, %dma_start3A_245, %dma_start3A_246] : memref<4x128x32xf32, #tpu.memory_space<vmem>> -> memref<1x128x32xf32, #tpu.memory_space<vmem>>
          %dma_start3A_248 = tpu.memref_squeeze %dma_start3A_247 : memref<1x128x32xf32, #tpu.memory_space<vmem>> -> memref<128x32xf32, #tpu.memory_space<vmem>>
          %dma_start3A_249 = arith.constant 0 : i32
          %dma_start3A_250 = tpu.memref_slice %arg9[%add3A_185, %dma_start3A_249] : memref<28x128xi32, #tpu.memory_space<vmem>> -> memref<1x128xi32, #tpu.memory_space<vmem>>
          %dma_start3A_251 = tpu.memref_squeeze %dma_start3A_250 : memref<1x128xi32, #tpu.memory_space<vmem>> -> memref<128xi32, #tpu.memory_space<vmem>>
          %dma_start3A_252 = arith.constant 0 : i32
          %dma_start3A_253 = arith.constant 0 : i32
          %dma_start3A_254 = tpu.memref_slice %arg12[%dma_start3A_252, %dma_start3A_253] : memref<51200x32xf32, #tpu.memory_space<vmem_shared>> -> memref<51200x32xf32, #tpu.memory_space<vmem_shared>>
          tpu.enqueue_indirect_dma source(%dma_start3A_248 : memref<128x32xf32, #tpu.memory_space<vmem>>) target(%dma_start3A_254 : memref<51200x32xf32, #tpu.memory_space<vmem_shared>>) offsets(%dma_start3A_251 : memref<128xi32, #tpu.memory_space<vmem>>) semaphore(%run_scoped3A_244 : memref<!tpu.dma_semaphore, #tpu.memory_space<semaphore_mem>>) {add = true}
          %dma_wait3A_255 = arith.constant 0 : i32
          %dma_wait3A_256 = arith.constant 0 : i32
          %dma_wait3A_257 = tpu.memref_slice %arg10[%run_scoped3A_205, %dma_wait3A_255, %dma_wait3A_256] : memref<4x128x32xf32, #tpu.memory_space<vmem>> -> memref<1x128x32xf32, #tpu.memory_space<vmem>>
          %dma_wait3A_258 = tpu.memref_squeeze %dma_wait3A_257 : memref<1x128x32xf32, #tpu.memory_space<vmem>> -> memref<128x32xf32, #tpu.memory_space<vmem>>
          %dma_wait3A_259 = arith.constant 0 : i32
          %dma_wait3A_260 = tpu.memref_slice %arg9[%add3A_185, %dma_wait3A_259] : memref<28x128xi32, #tpu.memory_space<vmem>> -> memref<1x128xi32, #tpu.memory_space<vmem>>
          %dma_wait3A_261 = tpu.memref_squeeze %dma_wait3A_260 : memref<1x128xi32, #tpu.memory_space<vmem>> -> memref<128xi32, #tpu.memory_space<vmem>>
          %dma_wait3A_262 = arith.constant 0 : i32
          %dma_wait3A_263 = arith.constant 0 : i32
          %dma_wait3A_264 = tpu.memref_slice %arg12[%dma_wait3A_262, %dma_wait3A_263] : memref<51200x32xf32, #tpu.memory_space<vmem_shared>> -> memref<51200x32xf32, #tpu.memory_space<vmem_shared>>
          tpu.wait_indirect_dma semaphore(%run_scoped3A_244 : memref<!tpu.dma_semaphore, #tpu.memory_space<semaphore_mem>>) src(%dma_wait3A_258 : memref<128x32xf32, #tpu.memory_space<vmem>>) dst(%dma_wait3A_264 : memref<51200x32xf32, #tpu.memory_space<vmem_shared>>)
          tpu.yield
        }) : () -> ()
        %add3A_206 = arith.constant 4 : i32
        %add3A_207 = arith.addi %add3A_185, %add3A_206 : i32
        %lt3A_208 = arith.constant 28 : i32
        %lt3A_209 = arith.cmpi slt, %add3A_207, %lt3A_208 : i32
        %convert_element_type3A_210 = arith.extui %lt3A_209 : i1 to i32
        %cond3A_211 = arith.constant 0 : i32
        %cond3A_212 = arith.cmpi ne, %convert_element_type3A_210, %cond3A_211 : i32
        scf.if %cond3A_212 {
          %add3A_244 = arith.constant 4 : i32
          %add3A_245 = arith.addi %add3A_185, %add3A_244 : i32
          %dma_start3A_246 = arith.constant 2 : i32
          %dma_start3A_247 = arith.constant 2 : i32
          %dma_start3A_248 = arith.constant 0 : i32
          %dma_start3A_249 = arith.constant 0 : i32
          %dma_start3A_250 = tpu.memref_slice %arg10[%dma_start3A_246, %dma_start3A_248, %dma_start3A_249] : memref<4x128x32xf32, #tpu.memory_space<vmem>> -> memref<1x128x32xf32, #tpu.memory_space<vmem>>
          %dma_start3A_251 = tpu.memref_squeeze %dma_start3A_250 : memref<1x128x32xf32, #tpu.memory_space<vmem>> -> memref<128x32xf32, #tpu.memory_space<vmem>>
          %dma_start3A_252 = arith.constant 0 : i32
          %dma_start3A_253 = tpu.memref_slice %arg8[%add3A_245, %dma_start3A_252] : memref<28x128xi32, #tpu.memory_space<vmem>> -> memref<1x128xi32, #tpu.memory_space<vmem>>
          %dma_start3A_254 = tpu.memref_squeeze %dma_start3A_253 : memref<1x128xi32, #tpu.memory_space<vmem>> -> memref<128xi32, #tpu.memory_space<vmem>>
          %dma_start3A_255 = arith.constant 0 : i32
          %dma_start3A_256 = arith.constant 0 : i32
          %dma_start3A_257 = tpu.memref_slice %arg3[%arg0, %dma_start3A_255, %dma_start3A_256] : memref<2x50000x32xf32, #tpu.memory_space<hbm>> -> memref<1x50000x32xf32, #tpu.memory_space<hbm>>
          %dma_start3A_258 = tpu.memref_squeeze %dma_start3A_257 : memref<1x50000x32xf32, #tpu.memory_space<hbm>> -> memref<50000x32xf32, #tpu.memory_space<hbm>>
          %dma_start3A_259 = arith.constant 0 : i32
          %dma_start3A_260 = arith.constant 0 : i32
          %dma_start3A_261 = tpu.memref_slice %dma_start3A_258[%dma_start3A_259, %dma_start3A_260] : memref<50000x32xf32, #tpu.memory_space<hbm>> -> memref<50000x32xf32, #tpu.memory_space<hbm>>
          %dma_start3A_262 = tpu.memref_slice %arg13[%dma_start3A_247] : memref<4x!tpu.dma_semaphore, #tpu.memory_space<semaphore_mem>> -> memref<1x!tpu.dma_semaphore, #tpu.memory_space<semaphore_mem>>
          %dma_start3A_263 = tpu.memref_squeeze %dma_start3A_262 : memref<1x!tpu.dma_semaphore, #tpu.memory_space<semaphore_mem>> -> memref<!tpu.dma_semaphore, #tpu.memory_space<semaphore_mem>>
          tpu.enqueue_indirect_dma source(%dma_start3A_261 : memref<50000x32xf32, #tpu.memory_space<hbm>>) target(%dma_start3A_251 : memref<128x32xf32, #tpu.memory_space<vmem>>) offsets(%dma_start3A_254 : memref<128xi32, #tpu.memory_space<vmem>>) semaphore(%dma_start3A_263 : memref<!tpu.dma_semaphore, #tpu.memory_space<semaphore_mem>>)
        } else {
        }
        %mul3A_213 = arith.constant 4 : i32
        %mul3A_214 = arith.muli %scan3A_124, %mul3A_213 : i32
        %add3A_215 = arith.constant 3 : i32
        %add3A_216 = arith.addi %mul3A_214, %add3A_215 : i32
        %dma_wait3A_217 = arith.constant 0 : i32
        %dma_wait3A_218 = arith.constant 3 : i32
        %dma_wait3A_219 = arith.constant 3 : i32
        %dma_wait3A_220 = arith.constant 0 : i32
        %dma_wait3A_221 = arith.constant 0 : i32
        %dma_wait3A_222 = tpu.memref_slice %arg10[%dma_wait3A_218, %dma_wait3A_220, %dma_wait3A_221] : memref<4x128x32xf32, #tpu.memory_space<vmem>> -> memref<1x128x32xf32, #tpu.memory_space<vmem>>
        %dma_wait3A_223 = tpu.memref_squeeze %dma_wait3A_222 : memref<1x128x32xf32, #tpu.memory_space<vmem>> -> memref<128x32xf32, #tpu.memory_space<vmem>>
        %dma_wait3A_224 = arith.constant 0 : i32
        %dma_wait3A_225 = tpu.memref_slice %arg8[%dma_wait3A_217, %dma_wait3A_224] : memref<28x128xi32, #tpu.memory_space<vmem>> -> memref<1x128xi32, #tpu.memory_space<vmem>>
        %dma_wait3A_226 = tpu.memref_squeeze %dma_wait3A_225 : memref<1x128xi32, #tpu.memory_space<vmem>> -> memref<128xi32, #tpu.memory_space<vmem>>
        %dma_wait3A_227 = arith.constant 0 : i32
        %dma_wait3A_228 = arith.constant 0 : i32
        %dma_wait3A_229 = tpu.memref_slice %arg3[%arg0, %dma_wait3A_227, %dma_wait3A_228] : memref<2x50000x32xf32, #tpu.memory_space<hbm>> -> memref<1x50000x32xf32, #tpu.memory_space<hbm>>
        %dma_wait3A_230 = tpu.memref_squeeze %dma_wait3A_229 : memref<1x50000x32xf32, #tpu.memory_space<hbm>> -> memref<50000x32xf32, #tpu.memory_space<hbm>>
        %dma_wait3A_231 = arith.constant 0 : i32
        %dma_wait3A_232 = arith.constant 0 : i32
        %dma_wait3A_233 = tpu.memref_slice %dma_wait3A_230[%dma_wait3A_231, %dma_wait3A_232] : memref<50000x32xf32, #tpu.memory_space<hbm>> -> memref<50000x32xf32, #tpu.memory_space<hbm>>
        %dma_wait3A_234 = tpu.memref_slice %arg13[%dma_wait3A_219] : memref<4x!tpu.dma_semaphore, #tpu.memory_space<semaphore_mem>> -> memref<1x!tpu.dma_semaphore, #tpu.memory_space<semaphore_mem>>
        %dma_wait3A_235 = tpu.memref_squeeze %dma_wait3A_234 : memref<1x!tpu.dma_semaphore, #tpu.memory_space<semaphore_mem>> -> memref<!tpu.dma_semaphore, #tpu.memory_space<semaphore_mem>>
        tpu.wait_indirect_dma semaphore(%dma_wait3A_235 : memref<!tpu.dma_semaphore, #tpu.memory_space<semaphore_mem>>) src(%dma_wait3A_233 : memref<50000x32xf32, #tpu.memory_space<hbm>>) dst(%dma_wait3A_223 : memref<128x32xf32, #tpu.memory_space<vmem>>)
        %run_scoped3A_236 = arith.constant 3 : i32
        "tpu.region"() ({
          %run_scoped3A_244 = tpu.sem_alloc : memref<!tpu.dma_semaphore, #tpu.memory_space<semaphore_mem>>
          %dma_start3A_245 = arith.constant 0 : i32
          %dma_start3A_246 = arith.constant 0 : i32
          %dma_start3A_247 = tpu.memref_slice %arg10[%run_scoped3A_236, %dma_start3A_245, %dma_start3A_246] : memref<4x128x32xf32, #tpu.memory_space<vmem>> -> memref<1x128x32xf32, #tpu.memory_space<vmem>>
          %dma_start3A_248 = tpu.memref_squeeze %dma_start3A_247 : memref<1x128x32xf32, #tpu.memory_space<vmem>> -> memref<128x32xf32, #tpu.memory_space<vmem>>
          %dma_start3A_249 = arith.constant 0 : i32
          %dma_start3A_250 = tpu.memref_slice %arg9[%add3A_216, %dma_start3A_249] : memref<28x128xi32, #tpu.memory_space<vmem>> -> memref<1x128xi32, #tpu.memory_space<vmem>>
          %dma_start3A_251 = tpu.memref_squeeze %dma_start3A_250 : memref<1x128xi32, #tpu.memory_space<vmem>> -> memref<128xi32, #tpu.memory_space<vmem>>
          %dma_start3A_252 = arith.constant 0 : i32
          %dma_start3A_253 = arith.constant 0 : i32
          %dma_start3A_254 = tpu.memref_slice %arg12[%dma_start3A_252, %dma_start3A_253] : memref<51200x32xf32, #tpu.memory_space<vmem_shared>> -> memref<51200x32xf32, #tpu.memory_space<vmem_shared>>
          tpu.enqueue_indirect_dma source(%dma_start3A_248 : memref<128x32xf32, #tpu.memory_space<vmem>>) target(%dma_start3A_254 : memref<51200x32xf32, #tpu.memory_space<vmem_shared>>) offsets(%dma_start3A_251 : memref<128xi32, #tpu.memory_space<vmem>>) semaphore(%run_scoped3A_244 : memref<!tpu.dma_semaphore, #tpu.memory_space<semaphore_mem>>) {add = true}
          %dma_wait3A_255 = arith.constant 0 : i32
          %dma_wait3A_256 = arith.constant 0 : i32
          %dma_wait3A_257 = tpu.memref_slice %arg10[%run_scoped3A_236, %dma_wait3A_255, %dma_wait3A_256] : memref<4x128x32xf32, #tpu.memory_space<vmem>> -> memref<1x128x32xf32, #tpu.memory_space<vmem>>
          %dma_wait3A_258 = tpu.memref_squeeze %dma_wait3A_257 : memref<1x128x32xf32, #tpu.memory_space<vmem>> -> memref<128x32xf32, #tpu.memory_space<vmem>>
          %dma_wait3A_259 = arith.constant 0 : i32
          %dma_wait3A_260 = tpu.memref_slice %arg9[%add3A_216, %dma_wait3A_259] : memref<28x128xi32, #tpu.memory_space<vmem>> -> memref<1x128xi32, #tpu.memory_space<vmem>>
          %dma_wait3A_261 = tpu.memref_squeeze %dma_wait3A_260 : memref<1x128xi32, #tpu.memory_space<vmem>> -> memref<128xi32, #tpu.memory_space<vmem>>
          %dma_wait3A_262 = arith.constant 0 : i32
          %dma_wait3A_263 = arith.constant 0 : i32
          %dma_wait3A_264 = tpu.memref_slice %arg12[%dma_wait3A_262, %dma_wait3A_263] : memref<51200x32xf32, #tpu.memory_space<vmem_shared>> -> memref<51200x32xf32, #tpu.memory_space<vmem_shared>>
          tpu.wait_indirect_dma semaphore(%run_scoped3A_244 : memref<!tpu.dma_semaphore, #tpu.memory_space<semaphore_mem>>) src(%dma_wait3A_258 : memref<128x32xf32, #tpu.memory_space<vmem>>) dst(%dma_wait3A_264 : memref<51200x32xf32, #tpu.memory_space<vmem_shared>>)
          tpu.yield
        }) : () -> ()
        %add3A_237 = arith.constant 4 : i32
        %add3A_238 = arith.addi %add3A_216, %add3A_237 : i32
        %lt3A_239 = arith.constant 28 : i32
        %lt3A_240 = arith.cmpi slt, %add3A_238, %lt3A_239 : i32
        %convert_element_type3A_241 = arith.extui %lt3A_240 : i1 to i32
        %cond3A_242 = arith.constant 0 : i32
        %cond3A_243 = arith.cmpi ne, %convert_element_type3A_241, %cond3A_242 : i32
        scf.if %cond3A_243 {
          %add3A_244 = arith.constant 4 : i32
          %add3A_245 = arith.addi %add3A_216, %add3A_244 : i32
          %dma_start3A_246 = arith.constant 3 : i32
          %dma_start3A_247 = arith.constant 3 : i32
          %dma_start3A_248 = arith.constant 0 : i32
          %dma_start3A_249 = arith.constant 0 : i32
          %dma_start3A_250 = tpu.memref_slice %arg10[%dma_start3A_246, %dma_start3A_248, %dma_start3A_249] : memref<4x128x32xf32, #tpu.memory_space<vmem>> -> memref<1x128x32xf32, #tpu.memory_space<vmem>>
          %dma_start3A_251 = tpu.memref_squeeze %dma_start3A_250 : memref<1x128x32xf32, #tpu.memory_space<vmem>> -> memref<128x32xf32, #tpu.memory_space<vmem>>
          %dma_start3A_252 = arith.constant 0 : i32
          %dma_start3A_253 = tpu.memref_slice %arg8[%add3A_245, %dma_start3A_252] : memref<28x128xi32, #tpu.memory_space<vmem>> -> memref<1x128xi32, #tpu.memory_space<vmem>>
          %dma_start3A_254 = tpu.memref_squeeze %dma_start3A_253 : memref<1x128xi32, #tpu.memory_space<vmem>> -> memref<128xi32, #tpu.memory_space<vmem>>
          %dma_start3A_255 = arith.constant 0 : i32
          %dma_start3A_256 = arith.constant 0 : i32
          %dma_start3A_257 = tpu.memref_slice %arg3[%arg0, %dma_start3A_255, %dma_start3A_256] : memref<2x50000x32xf32, #tpu.memory_space<hbm>> -> memref<1x50000x32xf32, #tpu.memory_space<hbm>>
          %dma_start3A_258 = tpu.memref_squeeze %dma_start3A_257 : memref<1x50000x32xf32, #tpu.memory_space<hbm>> -> memref<50000x32xf32, #tpu.memory_space<hbm>>
          %dma_start3A_259 = arith.constant 0 : i32
          %dma_start3A_260 = arith.constant 0 : i32
          %dma_start3A_261 = tpu.memref_slice %dma_start3A_258[%dma_start3A_259, %dma_start3A_260] : memref<50000x32xf32, #tpu.memory_space<hbm>> -> memref<50000x32xf32, #tpu.memory_space<hbm>>
          %dma_start3A_262 = tpu.memref_slice %arg13[%dma_start3A_247] : memref<4x!tpu.dma_semaphore, #tpu.memory_space<semaphore_mem>> -> memref<1x!tpu.dma_semaphore, #tpu.memory_space<semaphore_mem>>
          %dma_start3A_263 = tpu.memref_squeeze %dma_start3A_262 : memref<1x!tpu.dma_semaphore, #tpu.memory_space<semaphore_mem>> -> memref<!tpu.dma_semaphore, #tpu.memory_space<semaphore_mem>>
          tpu.enqueue_indirect_dma source(%dma_start3A_261 : memref<50000x32xf32, #tpu.memory_space<hbm>>) target(%dma_start3A_251 : memref<128x32xf32, #tpu.memory_space<vmem>>) offsets(%dma_start3A_254 : memref<128xi32, #tpu.memory_space<vmem>>) semaphore(%dma_start3A_263 : memref<!tpu.dma_semaphore, #tpu.memory_space<semaphore_mem>>)
        } else {
        }
      }
      %scan3A_123 = arith.constant 7 : i32
    }
    %scan3A_32 = arith.constant 14 : i32
    %barrier3A_33 = arith.constant 0 : index
    tpu.barrier barrier_id(%barrier3A_33)
    %mul3A_34 = arith.constant 3200 : i32
    %mul3A_35 = arith.muli %arg1, %mul3A_34 : i32
    "tpu.region"() ({
      %run_scoped3A = tpu.sem_alloc : memref<!tpu.dma_semaphore, #tpu.memory_space<semaphore_mem>>
      %dma_start3A = arith.constant 0 : i32
      %dma_start3A_37 = tpu.memref_slice %arg7[%arg0, %mul3A_35, %dma_start3A] : memref<2x51200x32xf32, #tpu.memory_space<hbm>> -> memref<1x3200x32xf32, #tpu.memory_space<hbm>>
      %dma_start3A_38 = tpu.memref_squeeze %dma_start3A_37 : memref<1x3200x32xf32, #tpu.memory_space<hbm>> -> memref<3200x32xf32, #tpu.memory_space<hbm>>
      %dma_start3A_39 = arith.constant 0 : i32
      %dma_start3A_40 = tpu.memref_slice %arg12[%mul3A_35, %dma_start3A_39] : memref<51200x32xf32, #tpu.memory_space<vmem_shared>> -> memref<3200x32xf32, #tpu.memory_space<vmem_shared>>
      tpu.enqueue_dma source(%dma_start3A_40 : memref<3200x32xf32, #tpu.memory_space<vmem_shared>>) target(%dma_start3A_38 : memref<3200x32xf32, #tpu.memory_space<hbm>>) target_semaphore(%run_scoped3A : memref<!tpu.dma_semaphore, #tpu.memory_space<semaphore_mem>>)
      %dma_wait3A = arith.constant 0 : i32
      %dma_wait3A_41 = tpu.memref_slice %arg7[%arg0, %mul3A_35, %dma_wait3A] : memref<2x51200x32xf32, #tpu.memory_space<hbm>> -> memref<1x3200x32xf32, #tpu.memory_space<hbm>>
      %dma_wait3A_42 = tpu.memref_squeeze %dma_wait3A_41 : memref<1x3200x32xf32, #tpu.memory_space<hbm>> -> memref<3200x32xf32, #tpu.memory_space<hbm>>
      %dma_wait3A_43 = arith.constant 0 : i32
      %dma_wait3A_44 = tpu.memref_slice %arg12[%mul3A_35, %dma_wait3A_43] : memref<51200x32xf32, #tpu.memory_space<vmem_shared>> -> memref<3200x32xf32, #tpu.memory_space<vmem_shared>>
      tpu.wait_dma2 semaphore(%run_scoped3A : memref<!tpu.dma_semaphore, #tpu.memory_space<semaphore_mem>>) src(%dma_wait3A_44 : memref<3200x32xf32, #tpu.memory_space<vmem_shared>>) dst(%dma_wait3A_42 : memref<3200x32xf32, #tpu.memory_space<hbm>>)
      tpu.yield
    }) : () -> ()
    %barrier3A_36 = arith.constant 0 : index
    tpu.barrier barrier_id(%barrier3A_36)
    return
  }
}

module attributes {stable_mosaic.version = 14 : i64} {
  func.func @body(%arg0: i32, %arg1: memref<2000x128xf32, #tpu.memory_space<vmem>>, %arg2: memref<2000x128xf32, #tpu.memory_space<vmem>>, %arg3: memref<128x64xf32, #tpu.memory_space<vmem>>, %arg4: memref<64xf32, #tpu.memory_space<vmem>>, %arg5: memref<128x64xf32, #tpu.memory_space<vmem>>, %arg6: memref<64xf32, #tpu.memory_space<vmem>>, %arg7: memref<64xf32, #tpu.memory_space<vmem>>, %arg8: memref<64xf32, #tpu.memory_space<vmem>>, %arg9: memref<64xf32, #tpu.memory_space<vmem>>, %arg10: memref<64xf32, #tpu.memory_space<vmem>>, %arg11: memref<2x2000x32xf32, #tpu.memory_space<vmem>>, %arg12: memref<2x2000x32xf32, #tpu.memory_space<vmem>>) attributes {dimension_semantics = [#tpu.dimension_semantics<arbitrary>], iteration_bounds = array<i64: 25>, scalar_prefetch = 0 : i64, scratch_operands = 0 : i64, tpu.core_type = #tpu.core_type<tc>, window_params = [{transform_indices = @transform_0, window_bounds = array<i64: 2000, 128>}, {transform_indices = @transform_1, window_bounds = array<i64: 2000, 128>}, {pipeline_mode = #tpu.pipeline_mode<synchronous>, transform_indices = @transform_2, window_bounds = array<i64: 128, 64>}, {pipeline_mode = #tpu.pipeline_mode<synchronous>, transform_indices = @transform_3, window_bounds = array<i64: 64>}, {pipeline_mode = #tpu.pipeline_mode<synchronous>, transform_indices = @transform_4, window_bounds = array<i64: 128, 64>}, {pipeline_mode = #tpu.pipeline_mode<synchronous>, transform_indices = @transform_5, window_bounds = array<i64: 64>}, {pipeline_mode = #tpu.pipeline_mode<synchronous>, transform_indices = @transform_6, window_bounds = array<i64: 64>}, {pipeline_mode = #tpu.pipeline_mode<synchronous>, transform_indices = @transform_7, window_bounds = array<i64: 64>}, {pipeline_mode = #tpu.pipeline_mode<synchronous>, transform_indices = @transform_8, window_bounds = array<i64: 64>}, {pipeline_mode = #tpu.pipeline_mode<synchronous>, transform_indices = @transform_9, window_bounds = array<i64: 64>}, {transform_indices = @transform_10, window_bounds = array<i64: 2, 2000, 32>}, {transform_indices = @transform_11, window_bounds = array<i64: 2, 2000, 32>}]} {
    %get3A = arith.constant 0 : index
    %get3A_0 = arith.constant 0 : index
    %get3A_1 = vector.load %arg1[%get3A, %get3A_0] : memref<2000x128xf32, #tpu.memory_space<vmem>>, vector<2000x128xf32>
    %get3A_2 = arith.constant 0 : index
    %get3A_3 = arith.constant 0 : index
    %get3A_4 = vector.load %arg3[%get3A_2, %get3A_3] : memref<128x64xf32, #tpu.memory_space<vmem>>, vector<128x64xf32>
    %dot_general3A = arith.constant dense<0.000000e+00> : vector<2000x64xf32>
    %dot_general3A_5 = tpu.matmul %get3A_1, %get3A_4, %dot_general3A {dimension_numbers = #tpu.dot_dimension_numbers<[1], [0], [0], [1], [0, 0, 1, 1], [], []>, transpose_lhs_hint = false} : vector<2000x128xf32>, vector<128x64xf32>, vector<2000x64xf32> -> vector<2000x64xf32>
    %get3A_6 = arith.constant 0 : index
    %get3A_7 = vector.load %arg4[%get3A_6] : memref<64xf32, #tpu.memory_space<vmem>>, vector<64xf32>
    %broadcast_in_dim3A = vector.shape_cast %get3A_7 : vector<64xf32> to vector<1x64xf32>
    %add3A = vector.broadcast %broadcast_in_dim3A : vector<1x64xf32> to vector<2000x64xf32>
    %add3A_8 = arith.addf %dot_general3A_5, %add3A : vector<2000x64xf32>
    %get3A_9 = arith.constant 0 : index
    %get3A_10 = vector.load %arg7[%get3A_9] : memref<64xf32, #tpu.memory_space<vmem>>, vector<64xf32>
    %mul3A = arith.constant 0.999994993 : f32
    %mul3A_11 = vector.broadcast %mul3A : f32 to vector<64xf32>
    %mul3A_12 = arith.mulf %get3A_10, %mul3A_11 : vector<64xf32>
    %broadcast_in_dim3A_13 = vector.shape_cast %mul3A_12 : vector<64xf32> to vector<1x64xf32>
    %mul3A_14 = vector.broadcast %broadcast_in_dim3A_13 : vector<1x64xf32> to vector<2000x64xf32>
    %mul3A_15 = arith.mulf %add3A_8, %mul3A_14 : vector<2000x64xf32>
    %get3A_16 = arith.constant 0 : index
    %get3A_17 = vector.load %arg8[%get3A_16] : memref<64xf32, #tpu.memory_space<vmem>>, vector<64xf32>
    %broadcast_in_dim3A_18 = vector.shape_cast %get3A_17 : vector<64xf32> to vector<1x64xf32>
    %add3A_19 = vector.broadcast %broadcast_in_dim3A_18 : vector<1x64xf32> to vector<2000x64xf32>
    %add3A_20 = arith.addf %mul3A_15, %add3A_19 : vector<2000x64xf32>
    %ge3A = arith.constant 0.000000e+00 : f32
    %ge3A_21 = vector.broadcast %ge3A : f32 to vector<2000x64xf32>
    %ge3A_22 = arith.cmpf oge, %add3A_20, %ge3A_21 : vector<2000x64xf32>
    %mul3A_23 = arith.constant 0.00999999977 : f32
    %mul3A_24 = vector.broadcast %mul3A_23 : f32 to vector<2000x64xf32>
    %mul3A_25 = arith.mulf %mul3A_24, %add3A_20 : vector<2000x64xf32>
    %select_n3A = arith.select %ge3A_22, %add3A_20, %mul3A_25 : vector<2000x64xi1>, vector<2000x64xf32>
    %slice3A = vector.extract_strided_slice %select_n3A {offsets = [0, 0], sizes = [2000, 32], strides = [1, 1]} : vector<2000x64xf32> to vector<2000x32xf32>
    %swap3A = arith.constant 0 : index
    %swap3A_26 = arith.constant 0 : index
    %swap3A_27 = arith.constant 0 : index
    %swap3A_28 = vector.load %arg11[%swap3A, %swap3A_26, %swap3A_27] : memref<2x2000x32xf32, #tpu.memory_space<vmem>>, vector<1x2000x32xf32>
    %swap3A_29 = vector.shape_cast %swap3A_28 : vector<1x2000x32xf32> to vector<2000x32xf32>
    %swap3A_30 = vector.shape_cast %slice3A : vector<2000x32xf32> to vector<1x2000x32xf32>
    tpu.vector_store %arg11[%swap3A, %swap3A_26, %swap3A_27], %swap3A_30 {strides = array<i32>} : memref<2x2000x32xf32, #tpu.memory_space<vmem>>, vector<1x2000x32xf32>,
    %slice3A_31 = vector.extract_strided_slice %select_n3A {offsets = [0, 32], sizes = [2000, 32], strides = [1, 1]} : vector<2000x64xf32> to vector<2000x32xf32>
    %swap3A_32 = arith.constant 1 : index
    %swap3A_33 = arith.constant 0 : index
    %swap3A_34 = arith.constant 0 : index
    %swap3A_35 = vector.load %arg11[%swap3A_32, %swap3A_33, %swap3A_34] : memref<2x2000x32xf32, #tpu.memory_space<vmem>>, vector<1x2000x32xf32>
    %swap3A_36 = vector.shape_cast %swap3A_35 : vector<1x2000x32xf32> to vector<2000x32xf32>
    %swap3A_37 = vector.shape_cast %slice3A_31 : vector<2000x32xf32> to vector<1x2000x32xf32>
    tpu.vector_store %arg11[%swap3A_32, %swap3A_33, %swap3A_34], %swap3A_37 {strides = array<i32>} : memref<2x2000x32xf32, #tpu.memory_space<vmem>>, vector<1x2000x32xf32>,
    %get3A_38 = arith.constant 0 : index
    %get3A_39 = arith.constant 0 : index
    %get3A_40 = vector.load %arg2[%get3A_38, %get3A_39] : memref<2000x128xf32, #tpu.memory_space<vmem>>, vector<2000x128xf32>
    %get3A_41 = arith.constant 0 : index
    %get3A_42 = arith.constant 0 : index
    %get3A_43 = vector.load %arg5[%get3A_41, %get3A_42] : memref<128x64xf32, #tpu.memory_space<vmem>>, vector<128x64xf32>
    %dot_general3A_44 = arith.constant dense<0.000000e+00> : vector<2000x64xf32>
    %dot_general3A_45 = tpu.matmul %get3A_40, %get3A_43, %dot_general3A_44 {dimension_numbers = #tpu.dot_dimension_numbers<[1], [0], [0], [1], [0, 0, 1, 1], [], []>, transpose_lhs_hint = false} : vector<2000x128xf32>, vector<128x64xf32>, vector<2000x64xf32> -> vector<2000x64xf32>
    %get3A_46 = arith.constant 0 : index
    %get3A_47 = vector.load %arg6[%get3A_46] : memref<64xf32, #tpu.memory_space<vmem>>, vector<64xf32>
    %broadcast_in_dim3A_48 = vector.shape_cast %get3A_47 : vector<64xf32> to vector<1x64xf32>
    %add3A_49 = vector.broadcast %broadcast_in_dim3A_48 : vector<1x64xf32> to vector<2000x64xf32>
    %add3A_50 = arith.addf %dot_general3A_45, %add3A_49 : vector<2000x64xf32>
    %get3A_51 = arith.constant 0 : index
    %get3A_52 = vector.load %arg9[%get3A_51] : memref<64xf32, #tpu.memory_space<vmem>>, vector<64xf32>
    %mul3A_53 = arith.constant 0.999994993 : f32
    %mul3A_54 = vector.broadcast %mul3A_53 : f32 to vector<64xf32>
    %mul3A_55 = arith.mulf %get3A_52, %mul3A_54 : vector<64xf32>
    %broadcast_in_dim3A_56 = vector.shape_cast %mul3A_55 : vector<64xf32> to vector<1x64xf32>
    %mul3A_57 = vector.broadcast %broadcast_in_dim3A_56 : vector<1x64xf32> to vector<2000x64xf32>
    %mul3A_58 = arith.mulf %add3A_50, %mul3A_57 : vector<2000x64xf32>
    %get3A_59 = arith.constant 0 : index
    %get3A_60 = vector.load %arg10[%get3A_59] : memref<64xf32, #tpu.memory_space<vmem>>, vector<64xf32>
    %broadcast_in_dim3A_61 = vector.shape_cast %get3A_60 : vector<64xf32> to vector<1x64xf32>
    %add3A_62 = vector.broadcast %broadcast_in_dim3A_61 : vector<1x64xf32> to vector<2000x64xf32>
    %add3A_63 = arith.addf %mul3A_58, %add3A_62 : vector<2000x64xf32>
    %ge3A_64 = arith.constant 0.000000e+00 : f32
    %ge3A_65 = vector.broadcast %ge3A_64 : f32 to vector<2000x64xf32>
    %ge3A_66 = arith.cmpf oge, %add3A_63, %ge3A_65 : vector<2000x64xf32>
    %mul3A_67 = arith.constant 0.00999999977 : f32
    %mul3A_68 = vector.broadcast %mul3A_67 : f32 to vector<2000x64xf32>
    %mul3A_69 = arith.mulf %mul3A_68, %add3A_63 : vector<2000x64xf32>
    %select_n3A_70 = arith.select %ge3A_66, %add3A_63, %mul3A_69 : vector<2000x64xi1>, vector<2000x64xf32>
    %slice3A_71 = vector.extract_strided_slice %select_n3A_70 {offsets = [0, 0], sizes = [2000, 32], strides = [1, 1]} : vector<2000x64xf32> to vector<2000x32xf32>
    %swap3A_72 = arith.constant 0 : index
    %swap3A_73 = arith.constant 0 : index
    %swap3A_74 = arith.constant 0 : index
    %swap3A_75 = vector.load %arg12[%swap3A_72, %swap3A_73, %swap3A_74] : memref<2x2000x32xf32, #tpu.memory_space<vmem>>, vector<1x2000x32xf32>
    %swap3A_76 = vector.shape_cast %swap3A_75 : vector<1x2000x32xf32> to vector<2000x32xf32>
    %swap3A_77 = vector.shape_cast %slice3A_71 : vector<2000x32xf32> to vector<1x2000x32xf32>
    tpu.vector_store %arg12[%swap3A_72, %swap3A_73, %swap3A_74], %swap3A_77 {strides = array<i32>} : memref<2x2000x32xf32, #tpu.memory_space<vmem>>, vector<1x2000x32xf32>,
    %slice3A_78 = vector.extract_strided_slice %select_n3A_70 {offsets = [0, 32], sizes = [2000, 32], strides = [1, 1]} : vector<2000x64xf32> to vector<2000x32xf32>
    %swap3A_79 = arith.constant 1 : index
    %swap3A_80 = arith.constant 0 : index
    %swap3A_81 = arith.constant 0 : index
    %swap3A_82 = vector.load %arg12[%swap3A_79, %swap3A_80, %swap3A_81] : memref<2x2000x32xf32, #tpu.memory_space<vmem>>, vector<1x2000x32xf32>
    %swap3A_83 = vector.shape_cast %swap3A_82 : vector<1x2000x32xf32> to vector<2000x32xf32>
    %swap3A_84 = vector.shape_cast %slice3A_78 : vector<2000x32xf32> to vector<1x2000x32xf32>
    tpu.vector_store %arg12[%swap3A_79, %swap3A_80, %swap3A_81], %swap3A_84 {strides = array<i32>} : memref<2x2000x32xf32, #tpu.memory_space<vmem>>, vector<1x2000x32xf32>,
    return
  }
  func.func @transform_0(%arg0: i32) -> (i32, i32) {
    %c0_i32 = arith.constant 0 : i32
    %c0_i32_0 = arith.constant 0 : i32
    return %arg0, %c0_i32 : i32, i32
  }
  func.func @transform_1(%arg0: i32) -> (i32, i32) {
    %c0_i32 = arith.constant 0 : i32
    %c0_i32_0 = arith.constant 0 : i32
    return %arg0, %c0_i32 : i32, i32
  }
  func.func @transform_2(%arg0: i32) -> (i32, i32) {
    %c0_i32 = arith.constant 0 : i32
    %c0_i32_0 = arith.constant 0 : i32
    %c0_i32_1 = arith.constant 0 : i32
    return %c0_i32, %c0_i32_0 : i32, i32
  }
  func.func @transform_3(%arg0: i32) -> i32 {
    %c0_i32 = arith.constant 0 : i32
    %c0_i32_0 = arith.constant 0 : i32
    return %c0_i32 : i32
  }
  func.func @transform_4(%arg0: i32) -> (i32, i32) {
    %c0_i32 = arith.constant 0 : i32
    %c0_i32_0 = arith.constant 0 : i32
    %c0_i32_1 = arith.constant 0 : i32
    return %c0_i32, %c0_i32_0 : i32, i32
  }
  func.func @transform_5(%arg0: i32) -> i32 {
    %c0_i32 = arith.constant 0 : i32
    %c0_i32_0 = arith.constant 0 : i32
    return %c0_i32 : i32
  }
  func.func @transform_6(%arg0: i32) -> i32 {
    %c0_i32 = arith.constant 0 : i32
    %c0_i32_0 = arith.constant 0 : i32
    return %c0_i32 : i32
  }
  func.func @transform_7(%arg0: i32) -> i32 {
    %c0_i32 = arith.constant 0 : i32
    %c0_i32_0 = arith.constant 0 : i32
    return %c0_i32 : i32
  }
  func.func @transform_8(%arg0: i32) -> i32 {
    %c0_i32 = arith.constant 0 : i32
    %c0_i32_0 = arith.constant 0 : i32
    return %c0_i32 : i32
  }
  func.func @transform_9(%arg0: i32) -> i32 {
    %c0_i32 = arith.constant 0 : i32
    %c0_i32_0 = arith.constant 0 : i32
    return %c0_i32 : i32
  }
  func.func @transform_10(%arg0: i32) -> (i32, i32, i32) {
    %c0_i32 = arith.constant 0 : i32
    %c0_i32_0 = arith.constant 0 : i32
    %c0_i32_1 = arith.constant 0 : i32
    return %c0_i32, %arg0, %c0_i32_0 : i32, i32, i32
  }
  func.func @transform_11(%arg0: i32) -> (i32, i32, i32) {
    %c0_i32 = arith.constant 0 : i32
    %c0_i32_0 = arith.constant 0 : i32
    %c0_i32_1 = arith.constant 0 : i32
    return %c0_i32, %arg0, %c0_i32_0 : i32, i32, i32
  }
}

module attributes {stable_mosaic.version = 14 : i64} {
  func.func @body(%arg0: i32, %arg1: memref<2x2000x32xf32, #tpu.memory_space<vmem>>, %arg2: memref<2x2000x32xf32, #tpu.memory_space<vmem>>, %arg3: memref<2x2000x32xf32, #tpu.memory_space<vmem>>, %arg4: memref<2x2000x32xf32, #tpu.memory_space<vmem>>, %arg5: memref<64x64xf32, #tpu.memory_space<vmem>>, %arg6: memref<64xf32, #tpu.memory_space<vmem>>, %arg7: memref<64x64xf32, #tpu.memory_space<vmem>>, %arg8: memref<64x64xf32, #tpu.memory_space<vmem>>, %arg9: memref<64xf32, #tpu.memory_space<vmem>>, %arg10: memref<64x64xf32, #tpu.memory_space<vmem>>, %arg11: memref<64xf32, #tpu.memory_space<vmem>>, %arg12: memref<64xf32, #tpu.memory_space<vmem>>, %arg13: memref<64xf32, #tpu.memory_space<vmem>>, %arg14: memref<64xf32, #tpu.memory_space<vmem>>, %arg15: memref<2x2000x32xf32, #tpu.memory_space<vmem>>, %arg16: memref<2x2000x32xf32, #tpu.memory_space<vmem>>) attributes {dimension_semantics = [#tpu.dimension_semantics<arbitrary>], iteration_bounds = array<i64: 25>, scalar_prefetch = 0 : i64, scratch_operands = 0 : i64, tpu.core_type = #tpu.core_type<tc>, window_params = [{transform_indices = @transform_0, window_bounds = array<i64: 2, 2000, 32>}, {transform_indices = @transform_1, window_bounds = array<i64: 2, 2000, 32>}, {transform_indices = @transform_2, window_bounds = array<i64: 2, 2000, 32>}, {transform_indices = @transform_3, window_bounds = array<i64: 2, 2000, 32>}, {pipeline_mode = #tpu.pipeline_mode<synchronous>, transform_indices = @transform_4, window_bounds = array<i64: 64, 64>}, {pipeline_mode = #tpu.pipeline_mode<synchronous>, transform_indices = @transform_5, window_bounds = array<i64: 64>}, {pipeline_mode = #tpu.pipeline_mode<synchronous>, transform_indices = @transform_6, window_bounds = array<i64: 64, 64>}, {pipeline_mode = #tpu.pipeline_mode<synchronous>, transform_indices = @transform_7, window_bounds = array<i64: 64, 64>}, {pipeline_mode = #tpu.pipeline_mode<synchronous>, transform_indices = @transform_8, window_bounds = array<i64: 64>}, {pipeline_mode = #tpu.pipeline_mode<synchronous>, transform_indices = @transform_9, window_bounds = array<i64: 64, 64>}, {pipeline_mode = #tpu.pipeline_mode<synchronous>, transform_indices = @transform_10, window_bounds = array<i64: 64>}, {pipeline_mode = #tpu.pipeline_mode<synchronous>, transform_indices = @transform_11, window_bounds = array<i64: 64>}, {pipeline_mode = #tpu.pipeline_mode<synchronous>, transform_indices = @transform_12, window_bounds = array<i64: 64>}, {pipeline_mode = #tpu.pipeline_mode<synchronous>, transform_indices = @transform_13, window_bounds = array<i64: 64>}, {transform_indices = @transform_14, window_bounds = array<i64: 2, 2000, 32>}, {transform_indices = @transform_15, window_bounds = array<i64: 2, 2000, 32>}]} {
    %get3A = arith.constant 0 : index
    %get3A_0 = arith.constant 0 : index
    %get3A_1 = vector.load %arg5[%get3A, %get3A_0] : memref<64x64xf32, #tpu.memory_space<vmem>>, vector<64x64xf32>
    %get3A_2 = arith.constant 0 : index
    %get3A_3 = arith.constant 0 : index
    %get3A_4 = vector.load %arg7[%get3A_2, %get3A_3] : memref<64x64xf32, #tpu.memory_space<vmem>>, vector<64x64xf32>
    %get3A_5 = arith.constant 0 : index
    %get3A_6 = arith.constant 0 : index
    %get3A_7 = vector.load %arg8[%get3A_5, %get3A_6] : memref<64x64xf32, #tpu.memory_space<vmem>>, vector<64x64xf32>
    %get3A_8 = arith.constant 0 : index
    %get3A_9 = arith.constant 0 : index
    %get3A_10 = vector.load %arg10[%get3A_8, %get3A_9] : memref<64x64xf32, #tpu.memory_space<vmem>>, vector<64x64xf32>
    %get3A_11 = arith.constant 0 : index
    %get3A_12 = arith.constant 0 : index
    %get3A_13 = arith.constant 0 : index
    %get3A_14 = vector.load %arg1[%get3A_11, %get3A_12, %get3A_13] : memref<2x2000x32xf32, #tpu.memory_space<vmem>>, vector<1x2000x32xf32>
    %get3A_15 = vector.shape_cast %get3A_14 : vector<1x2000x32xf32> to vector<2000x32xf32>
    %slice3A = vector.extract_strided_slice %get3A_1 {offsets = [0, 0], sizes = [32, 64], strides = [1, 1]} : vector<64x64xf32> to vector<32x64xf32>
    %dot_general3A = arith.constant dense<0.000000e+00> : vector<2000x64xf32>
    %dot_general3A_16 = tpu.matmul %get3A_15, %slice3A, %dot_general3A {dimension_numbers = #tpu.dot_dimension_numbers<[1], [0], [0], [1], [0, 0, 1, 1], [], []>, transpose_lhs_hint = false} : vector<2000x32xf32>, vector<32x64xf32>, vector<2000x64xf32> -> vector<2000x64xf32>
    %get3A_17 = arith.constant 1 : index
    %get3A_18 = arith.constant 0 : index
    %get3A_19 = arith.constant 0 : index
    %get3A_20 = vector.load %arg1[%get3A_17, %get3A_18, %get3A_19] : memref<2x2000x32xf32, #tpu.memory_space<vmem>>, vector<1x2000x32xf32>
    %get3A_21 = vector.shape_cast %get3A_20 : vector<1x2000x32xf32> to vector<2000x32xf32>
    %slice3A_22 = vector.extract_strided_slice %get3A_1 {offsets = [32, 0], sizes = [32, 64], strides = [1, 1]} : vector<64x64xf32> to vector<32x64xf32>
    %dot_general3A_23 = arith.constant dense<0.000000e+00> : vector<2000x64xf32>
    %dot_general3A_24 = tpu.matmul %get3A_21, %slice3A_22, %dot_general3A_23 {dimension_numbers = #tpu.dot_dimension_numbers<[1], [0], [0], [1], [0, 0, 1, 1], [], []>, transpose_lhs_hint = false} : vector<2000x32xf32>, vector<32x64xf32>, vector<2000x64xf32> -> vector<2000x64xf32>
    %add3A = arith.addf %dot_general3A_16, %dot_general3A_24 : vector<2000x64xf32>
    %get3A_25 = arith.constant 0 : index
    %get3A_26 = arith.constant 0 : index
    %get3A_27 = arith.constant 0 : index
    %get3A_28 = vector.load %arg4[%get3A_25, %get3A_26, %get3A_27] : memref<2x2000x32xf32, #tpu.memory_space<vmem>>, vector<1x2000x32xf32>
    %get3A_29 = vector.shape_cast %get3A_28 : vector<1x2000x32xf32> to vector<2000x32xf32>
    %slice3A_30 = vector.extract_strided_slice %get3A_4 {offsets = [0, 0], sizes = [32, 64], strides = [1, 1]} : vector<64x64xf32> to vector<32x64xf32>
    %dot_general3A_31 = arith.constant dense<0.000000e+00> : vector<2000x64xf32>
    %dot_general3A_32 = tpu.matmul %get3A_29, %slice3A_30, %dot_general3A_31 {dimension_numbers = #tpu.dot_dimension_numbers<[1], [0], [0], [1], [0, 0, 1, 1], [], []>, transpose_lhs_hint = false} : vector<2000x32xf32>, vector<32x64xf32>, vector<2000x64xf32> -> vector<2000x64xf32>
    %add3A_33 = arith.addf %add3A, %dot_general3A_32 : vector<2000x64xf32>
    %get3A_34 = arith.constant 1 : index
    %get3A_35 = arith.constant 0 : index
    %get3A_36 = arith.constant 0 : index
    %get3A_37 = vector.load %arg4[%get3A_34, %get3A_35, %get3A_36] : memref<2x2000x32xf32, #tpu.memory_space<vmem>>, vector<1x2000x32xf32>
    %get3A_38 = vector.shape_cast %get3A_37 : vector<1x2000x32xf32> to vector<2000x32xf32>
    %slice3A_39 = vector.extract_strided_slice %get3A_4 {offsets = [32, 0], sizes = [32, 64], strides = [1, 1]} : vector<64x64xf32> to vector<32x64xf32>
    %dot_general3A_40 = arith.constant dense<0.000000e+00> : vector<2000x64xf32>
    %dot_general3A_41 = tpu.matmul %get3A_38, %slice3A_39, %dot_general3A_40 {dimension_numbers = #tpu.dot_dimension_numbers<[1], [0], [0], [1], [0, 0, 1, 1], [], []>, transpose_lhs_hint = false} : vector<2000x32xf32>, vector<32x64xf32>, vector<2000x64xf32> -> vector<2000x64xf32>
    %add3A_42 = arith.addf %add3A_33, %dot_general3A_41 : vector<2000x64xf32>
    %get3A_43 = arith.constant 0 : index
    %get3A_44 = vector.load %arg6[%get3A_43] : memref<64xf32, #tpu.memory_space<vmem>>, vector<64xf32>
    %broadcast_in_dim3A = vector.shape_cast %get3A_44 : vector<64xf32> to vector<1x64xf32>
    %add3A_45 = vector.broadcast %broadcast_in_dim3A : vector<1x64xf32> to vector<2000x64xf32>
    %add3A_46 = arith.addf %add3A_42, %add3A_45 : vector<2000x64xf32>
    %get3A_47 = arith.constant 0 : index
    %get3A_48 = vector.load %arg13[%get3A_47] : memref<64xf32, #tpu.memory_space<vmem>>, vector<64xf32>
    %mul3A = arith.constant 0.999994993 : f32
    %mul3A_49 = vector.broadcast %mul3A : f32 to vector<64xf32>
    %mul3A_50 = arith.mulf %get3A_48, %mul3A_49 : vector<64xf32>
    %broadcast_in_dim3A_51 = vector.shape_cast %mul3A_50 : vector<64xf32> to vector<1x64xf32>
    %mul3A_52 = vector.broadcast %broadcast_in_dim3A_51 : vector<1x64xf32> to vector<2000x64xf32>
    %mul3A_53 = arith.mulf %add3A_46, %mul3A_52 : vector<2000x64xf32>
    %get3A_54 = arith.constant 0 : index
    %get3A_55 = vector.load %arg14[%get3A_54] : memref<64xf32, #tpu.memory_space<vmem>>, vector<64xf32>
    %broadcast_in_dim3A_56 = vector.shape_cast %get3A_55 : vector<64xf32> to vector<1x64xf32>
    %add3A_57 = vector.broadcast %broadcast_in_dim3A_56 : vector<1x64xf32> to vector<2000x64xf32>
    %add3A_58 = arith.addf %mul3A_53, %add3A_57 : vector<2000x64xf32>
    %ge3A = arith.constant 0.000000e+00 : f32
    %ge3A_59 = vector.broadcast %ge3A : f32 to vector<2000x64xf32>
    %ge3A_60 = arith.cmpf oge, %add3A_58, %ge3A_59 : vector<2000x64xf32>
    %mul3A_61 = arith.constant 0.00999999977 : f32
    %mul3A_62 = vector.broadcast %mul3A_61 : f32 to vector<2000x64xf32>
    %mul3A_63 = arith.mulf %mul3A_62, %add3A_58 : vector<2000x64xf32>
    %select_n3A = arith.select %ge3A_60, %add3A_58, %mul3A_63 : vector<2000x64xi1>, vector<2000x64xf32>
    %slice3A_64 = vector.extract_strided_slice %select_n3A {offsets = [0, 0], sizes = [2000, 32], strides = [1, 1]} : vector<2000x64xf32> to vector<2000x32xf32>
    %swap3A = arith.constant 0 : index
    %swap3A_65 = arith.constant 0 : index
    %swap3A_66 = arith.constant 0 : index
    %swap3A_67 = vector.load %arg16[%swap3A, %swap3A_65, %swap3A_66] : memref<2x2000x32xf32, #tpu.memory_space<vmem>>, vector<1x2000x32xf32>
    %swap3A_68 = vector.shape_cast %swap3A_67 : vector<1x2000x32xf32> to vector<2000x32xf32>
    %swap3A_69 = vector.shape_cast %slice3A_64 : vector<2000x32xf32> to vector<1x2000x32xf32>
    tpu.vector_store %arg16[%swap3A, %swap3A_65, %swap3A_66], %swap3A_69 {strides = array<i32>} : memref<2x2000x32xf32, #tpu.memory_space<vmem>>, vector<1x2000x32xf32>,
    %slice3A_70 = vector.extract_strided_slice %select_n3A {offsets = [0, 32], sizes = [2000, 32], strides = [1, 1]} : vector<2000x64xf32> to vector<2000x32xf32>
    %swap3A_71 = arith.constant 1 : index
    %swap3A_72 = arith.constant 0 : index
    %swap3A_73 = arith.constant 0 : index
    %swap3A_74 = vector.load %arg16[%swap3A_71, %swap3A_72, %swap3A_73] : memref<2x2000x32xf32, #tpu.memory_space<vmem>>, vector<1x2000x32xf32>
    %swap3A_75 = vector.shape_cast %swap3A_74 : vector<1x2000x32xf32> to vector<2000x32xf32>
    %swap3A_76 = vector.shape_cast %slice3A_70 : vector<2000x32xf32> to vector<1x2000x32xf32>
    tpu.vector_store %arg16[%swap3A_71, %swap3A_72, %swap3A_73], %swap3A_76 {strides = array<i32>} : memref<2x2000x32xf32, #tpu.memory_space<vmem>>, vector<1x2000x32xf32>,
    %get3A_77 = arith.constant 0 : index
    %get3A_78 = arith.constant 0 : index
    %get3A_79 = arith.constant 0 : index
    %get3A_80 = vector.load %arg2[%get3A_77, %get3A_78, %get3A_79] : memref<2x2000x32xf32, #tpu.memory_space<vmem>>, vector<1x2000x32xf32>
    %get3A_81 = vector.shape_cast %get3A_80 : vector<1x2000x32xf32> to vector<2000x32xf32>
    %slice3A_82 = vector.extract_strided_slice %get3A_7 {offsets = [0, 0], sizes = [32, 64], strides = [1, 1]} : vector<64x64xf32> to vector<32x64xf32>
    %dot_general3A_83 = arith.constant dense<0.000000e+00> : vector<2000x64xf32>
    %dot_general3A_84 = tpu.matmul %get3A_81, %slice3A_82, %dot_general3A_83 {dimension_numbers = #tpu.dot_dimension_numbers<[1], [0], [0], [1], [0, 0, 1, 1], [], []>, transpose_lhs_hint = false} : vector<2000x32xf32>, vector<32x64xf32>, vector<2000x64xf32> -> vector<2000x64xf32>
    %get3A_85 = arith.constant 1 : index
    %get3A_86 = arith.constant 0 : index
    %get3A_87 = arith.constant 0 : index
    %get3A_88 = vector.load %arg2[%get3A_85, %get3A_86, %get3A_87] : memref<2x2000x32xf32, #tpu.memory_space<vmem>>, vector<1x2000x32xf32>
    %get3A_89 = vector.shape_cast %get3A_88 : vector<1x2000x32xf32> to vector<2000x32xf32>
    %slice3A_90 = vector.extract_strided_slice %get3A_7 {offsets = [32, 0], sizes = [32, 64], strides = [1, 1]} : vector<64x64xf32> to vector<32x64xf32>
    %dot_general3A_91 = arith.constant dense<0.000000e+00> : vector<2000x64xf32>
    %dot_general3A_92 = tpu.matmul %get3A_89, %slice3A_90, %dot_general3A_91 {dimension_numbers = #tpu.dot_dimension_numbers<[1], [0], [0], [1], [0, 0, 1, 1], [], []>, transpose_lhs_hint = false} : vector<2000x32xf32>, vector<32x64xf32>, vector<2000x64xf32> -> vector<2000x64xf32>
    %add3A_93 = arith.addf %dot_general3A_84, %dot_general3A_92 : vector<2000x64xf32>
    %get3A_94 = arith.constant 0 : index
    %get3A_95 = arith.constant 0 : index
    %get3A_96 = arith.constant 0 : index
    %get3A_97 = vector.load %arg3[%get3A_94, %get3A_95, %get3A_96] : memref<2x2000x32xf32, #tpu.memory_space<vmem>>, vector<1x2000x32xf32>
    %get3A_98 = vector.shape_cast %get3A_97 : vector<1x2000x32xf32> to vector<2000x32xf32>
    %slice3A_99 = vector.extract_strided_slice %get3A_10 {offsets = [0, 0], sizes = [32, 64], strides = [1, 1]} : vector<64x64xf32> to vector<32x64xf32>
    %dot_general3A_100 = arith.constant dense<0.000000e+00> : vector<2000x64xf32>
    %dot_general3A_101 = tpu.matmul %get3A_98, %slice3A_99, %dot_general3A_100 {dimension_numbers = #tpu.dot_dimension_numbers<[1], [0], [0], [1], [0, 0, 1, 1], [], []>, transpose_lhs_hint = false} : vector<2000x32xf32>, vector<32x64xf32>, vector<2000x64xf32> -> vector<2000x64xf32>
    %add3A_102 = arith.addf %add3A_93, %dot_general3A_101 : vector<2000x64xf32>
    %get3A_103 = arith.constant 1 : index
    %get3A_104 = arith.constant 0 : index
    %get3A_105 = arith.constant 0 : index
    %get3A_106 = vector.load %arg3[%get3A_103, %get3A_104, %get3A_105] : memref<2x2000x32xf32, #tpu.memory_space<vmem>>, vector<1x2000x32xf32>
    %get3A_107 = vector.shape_cast %get3A_106 : vector<1x2000x32xf32> to vector<2000x32xf32>
    %slice3A_108 = vector.extract_strided_slice %get3A_10 {offsets = [32, 0], sizes = [32, 64], strides = [1, 1]} : vector<64x64xf32> to vector<32x64xf32>
    %dot_general3A_109 = arith.constant dense<0.000000e+00> : vector<2000x64xf32>
    %dot_general3A_110 = tpu.matmul %get3A_107, %slice3A_108, %dot_general3A_109 {dimension_numbers = #tpu.dot_dimension_numbers<[1], [0], [0], [1], [0, 0, 1, 1], [], []>, transpose_lhs_hint = false} : vector<2000x32xf32>, vector<32x64xf32>, vector<2000x64xf32> -> vector<2000x64xf32>
    %add3A_111 = arith.addf %add3A_102, %dot_general3A_110 : vector<2000x64xf32>
    %get3A_112 = arith.constant 0 : index
    %get3A_113 = vector.load %arg9[%get3A_112] : memref<64xf32, #tpu.memory_space<vmem>>, vector<64xf32>
    %broadcast_in_dim3A_114 = vector.shape_cast %get3A_113 : vector<64xf32> to vector<1x64xf32>
    %add3A_115 = vector.broadcast %broadcast_in_dim3A_114 : vector<1x64xf32> to vector<2000x64xf32>
    %add3A_116 = arith.addf %add3A_111, %add3A_115 : vector<2000x64xf32>
    %get3A_117 = arith.constant 0 : index
    %get3A_118 = vector.load %arg11[%get3A_117] : memref<64xf32, #tpu.memory_space<vmem>>, vector<64xf32>
    %mul3A_119 = arith.constant 0.999994993 : f32
    %mul3A_120 = vector.broadcast %mul3A_119 : f32 to vector<64xf32>
    %mul3A_121 = arith.mulf %get3A_118, %mul3A_120 : vector<64xf32>
    %broadcast_in_dim3A_122 = vector.shape_cast %mul3A_121 : vector<64xf32> to vector<1x64xf32>
    %mul3A_123 = vector.broadcast %broadcast_in_dim3A_122 : vector<1x64xf32> to vector<2000x64xf32>
    %mul3A_124 = arith.mulf %add3A_116, %mul3A_123 : vector<2000x64xf32>
    %get3A_125 = arith.constant 0 : index
    %get3A_126 = vector.load %arg12[%get3A_125] : memref<64xf32, #tpu.memory_space<vmem>>, vector<64xf32>
    %broadcast_in_dim3A_127 = vector.shape_cast %get3A_126 : vector<64xf32> to vector<1x64xf32>
    %add3A_128 = vector.broadcast %broadcast_in_dim3A_127 : vector<1x64xf32> to vector<2000x64xf32>
    %add3A_129 = arith.addf %mul3A_124, %add3A_128 : vector<2000x64xf32>
    %ge3A_130 = arith.constant 0.000000e+00 : f32
    %ge3A_131 = vector.broadcast %ge3A_130 : f32 to vector<2000x64xf32>
    %ge3A_132 = arith.cmpf oge, %add3A_129, %ge3A_131 : vector<2000x64xf32>
    %mul3A_133 = arith.constant 0.00999999977 : f32
    %mul3A_134 = vector.broadcast %mul3A_133 : f32 to vector<2000x64xf32>
    %mul3A_135 = arith.mulf %mul3A_134, %add3A_129 : vector<2000x64xf32>
    %select_n3A_136 = arith.select %ge3A_132, %add3A_129, %mul3A_135 : vector<2000x64xi1>, vector<2000x64xf32>
    %slice3A_137 = vector.extract_strided_slice %select_n3A_136 {offsets = [0, 0], sizes = [2000, 32], strides = [1, 1]} : vector<2000x64xf32> to vector<2000x32xf32>
    %swap3A_138 = arith.constant 0 : index
    %swap3A_139 = arith.constant 0 : index
    %swap3A_140 = arith.constant 0 : index
    %swap3A_141 = vector.load %arg15[%swap3A_138, %swap3A_139, %swap3A_140] : memref<2x2000x32xf32, #tpu.memory_space<vmem>>, vector<1x2000x32xf32>
    %swap3A_142 = vector.shape_cast %swap3A_141 : vector<1x2000x32xf32> to vector<2000x32xf32>
    %swap3A_143 = vector.shape_cast %slice3A_137 : vector<2000x32xf32> to vector<1x2000x32xf32>
    tpu.vector_store %arg15[%swap3A_138, %swap3A_139, %swap3A_140], %swap3A_143 {strides = array<i32>} : memref<2x2000x32xf32, #tpu.memory_space<vmem>>, vector<1x2000x32xf32>,
    %slice3A_144 = vector.extract_strided_slice %select_n3A_136 {offsets = [0, 32], sizes = [2000, 32], strides = [1, 1]} : vector<2000x64xf32> to vector<2000x32xf32>
    %swap3A_145 = arith.constant 1 : index
    %swap3A_146 = arith.constant 0 : index
    %swap3A_147 = arith.constant 0 : index
    %swap3A_148 = vector.load %arg15[%swap3A_145, %swap3A_146, %swap3A_147] : memref<2x2000x32xf32, #tpu.memory_space<vmem>>, vector<1x2000x32xf32>
    %swap3A_149 = vector.shape_cast %swap3A_148 : vector<1x2000x32xf32> to vector<2000x32xf32>
    %swap3A_150 = vector.shape_cast %slice3A_144 : vector<2000x32xf32> to vector<1x2000x32xf32>
    tpu.vector_store %arg15[%swap3A_145, %swap3A_146, %swap3A_147], %swap3A_150 {strides = array<i32>} : memref<2x2000x32xf32, #tpu.memory_space<vmem>>, vector<1x2000x32xf32>,
    return
  }
  func.func @transform_0(%arg0: i32) -> (i32, i32, i32) {
    %c0_i32 = arith.constant 0 : i32
    %c0_i32_0 = arith.constant 0 : i32
    %c0_i32_1 = arith.constant 0 : i32
    return %c0_i32, %arg0, %c0_i32_0 : i32, i32, i32
  }
  func.func @transform_1(%arg0: i32) -> (i32, i32, i32) {
    %c0_i32 = arith.constant 0 : i32
    %c0_i32_0 = arith.constant 0 : i32
    %c0_i32_1 = arith.constant 0 : i32
    return %c0_i32, %arg0, %c0_i32_0 : i32, i32, i32
  }
  func.func @transform_2(%arg0: i32) -> (i32, i32, i32) {
    %c0_i32 = arith.constant 0 : i32
    %c0_i32_0 = arith.constant 0 : i32
    %c0_i32_1 = arith.constant 0 : i32
    return %c0_i32, %arg0, %c0_i32_0 : i32, i32, i32
  }
  func.func @transform_3(%arg0: i32) -> (i32, i32, i32) {
    %c0_i32 = arith.constant 0 : i32
    %c0_i32_0 = arith.constant 0 : i32
    %c0_i32_1 = arith.constant 0 : i32
    return %c0_i32, %arg0, %c0_i32_0 : i32, i32, i32
  }
  func.func @transform_4(%arg0: i32) -> (i32, i32) {
    %c0_i32 = arith.constant 0 : i32
    %c0_i32_0 = arith.constant 0 : i32
    %c0_i32_1 = arith.constant 0 : i32
    return %c0_i32, %c0_i32_0 : i32, i32
  }
  func.func @transform_5(%arg0: i32) -> i32 {
    %c0_i32 = arith.constant 0 : i32
    %c0_i32_0 = arith.constant 0 : i32
    return %c0_i32 : i32
  }
  func.func @transform_6(%arg0: i32) -> (i32, i32) {
    %c0_i32 = arith.constant 0 : i32
    %c0_i32_0 = arith.constant 0 : i32
    %c0_i32_1 = arith.constant 0 : i32
    return %c0_i32, %c0_i32_0 : i32, i32
  }
  func.func @transform_7(%arg0: i32) -> (i32, i32) {
    %c0_i32 = arith.constant 0 : i32
    %c0_i32_0 = arith.constant 0 : i32
    %c0_i32_1 = arith.constant 0 : i32
    return %c0_i32, %c0_i32_0 : i32, i32
  }
  func.func @transform_8(%arg0: i32) -> i32 {
    %c0_i32 = arith.constant 0 : i32
    %c0_i32_0 = arith.constant 0 : i32
    return %c0_i32 : i32
  }
  func.func @transform_9(%arg0: i32) -> (i32, i32) {
    %c0_i32 = arith.constant 0 : i32
    %c0_i32_0 = arith.constant 0 : i32
    %c0_i32_1 = arith.constant 0 : i32
    return %c0_i32, %c0_i32_0 : i32, i32
  }
  func.func @transform_10(%arg0: i32) -> i32 {
    %c0_i32 = arith.constant 0 : i32
    %c0_i32_0 = arith.constant 0 : i32
    return %c0_i32 : i32
  }
  func.func @transform_11(%arg0: i32) -> i32 {
    %c0_i32 = arith.constant 0 : i32
    %c0_i32_0 = arith.constant 0 : i32
    return %c0_i32 : i32
  }
  func.func @transform_12(%arg0: i32) -> i32 {
    %c0_i32 = arith.constant 0 : i32
    %c0_i32_0 = arith.constant 0 : i32
    return %c0_i32 : i32
  }
  func.func @transform_13(%arg0: i32) -> i32 {
    %c0_i32 = arith.constant 0 : i32
    %c0_i32_0 = arith.constant 0 : i32
    return %c0_i32 : i32
  }
  func.func @transform_14(%arg0: i32) -> (i32, i32, i32) {
    %c0_i32 = arith.constant 0 : i32
    %c0_i32_0 = arith.constant 0 : i32
    %c0_i32_1 = arith.constant 0 : i32
    return %c0_i32, %arg0, %c0_i32_0 : i32, i32, i32
  }
  func.func @transform_15(%arg0: i32) -> (i32, i32, i32) {
    %c0_i32 = arith.constant 0 : i32
    %c0_i32_0 = arith.constant 0 : i32
    %c0_i32_1 = arith.constant 0 : i32
    return %c0_i32, %arg0, %c0_i32_0 : i32, i32, i32
  }
}

module attributes {stable_mosaic.version = 14 : i64} {
  func.func @body(%arg0: i32, %arg1: memref<2x2000x32xf32, #tpu.memory_space<vmem>>, %arg2: memref<2x2000x32xf32, #tpu.memory_space<vmem>>, %arg3: memref<2000x1xi32, #tpu.memory_space<vmem>>, %arg4: memref<2000x1xi32, #tpu.memory_space<vmem>>, %arg5: memref<256x64xf32, #tpu.memory_space<vmem>>, %arg6: memref<64xf32, #tpu.memory_space<vmem>>, %arg7: memref<64x1xf32, #tpu.memory_space<vmem>>, %arg8: memref<1xf32, #tpu.memory_space<vmem>>, %arg9: memref<32x1xf32, #tpu.memory_space<vmem>>, %arg10: memref<32x72xf32, #tpu.memory_space<vmem>>, %arg11: memref<32x64xf32, #tpu.memory_space<vmem>>, %arg12: memref<32x72xf32, #tpu.memory_space<vmem>>, %arg13: memref<32x64xf32, #tpu.memory_space<vmem>>) attributes {dimension_semantics = [#tpu.dimension_semantics<arbitrary>], iteration_bounds = array<i64: 25>, scalar_prefetch = 0 : i64, scratch_operands = 4 : i64, tpu.core_type = #tpu.core_type<tc>, window_params = [{transform_indices = @transform_0, window_bounds = array<i64: 2, 2000, 32>}, {transform_indices = @transform_1, window_bounds = array<i64: 2, 2000, 32>}, {transform_indices = @transform_2, window_bounds = array<i64: 2000, 1>}, {transform_indices = @transform_3, window_bounds = array<i64: 2000, 1>}, {pipeline_mode = #tpu.pipeline_mode<synchronous>, transform_indices = @transform_4, window_bounds = array<i64: 256, 64>}, {pipeline_mode = #tpu.pipeline_mode<synchronous>, transform_indices = @transform_5, window_bounds = array<i64: 64>}, {pipeline_mode = #tpu.pipeline_mode<synchronous>, transform_indices = @transform_6, window_bounds = array<i64: 64, 1>}, {pipeline_mode = #tpu.pipeline_mode<synchronous>, transform_indices = @transform_7, window_bounds = array<i64: 1>}, {pipeline_mode = #tpu.pipeline_mode<synchronous>, transform_indices = @transform_8, window_bounds = array<i64: 32, 1>}]} {
    %eq3A = arith.constant 0 : i32
    %eq3A_0 = arith.cmpi eq, %arg0, %eq3A : i32
    %convert_element_type3A = arith.extui %eq3A_0 : i1 to i32
    %cond3A = arith.constant 0 : i32
    %cond3A_1 = arith.cmpi ne, %convert_element_type3A, %cond3A : i32
    scf.if %cond3A_1 {
      %broadcast_in_dim3A_588 = arith.constant 0.000000e+00 : f32
      %broadcast_in_dim3A_589 = vector.broadcast %broadcast_in_dim3A_588 : f32 to vector<32x72xf32>
      %swap3A_590 = arith.constant 0 : index
      %swap3A_591 = arith.constant 0 : index
      %swap3A_592 = vector.load %arg10[%swap3A_590, %swap3A_591] : memref<32x72xf32, #tpu.memory_space<vmem>>, vector<32x72xf32>
      tpu.vector_store %arg10[%swap3A_590, %swap3A_591], %broadcast_in_dim3A_589 {strides = array<i32>} : memref<32x72xf32, #tpu.memory_space<vmem>>, vector<32x72xf32>,
      %broadcast_in_dim3A_593 = arith.constant 0.000000e+00 : f32
      %broadcast_in_dim3A_594 = vector.broadcast %broadcast_in_dim3A_593 : f32 to vector<32x72xf32>
      %swap3A_595 = arith.constant 0 : index
      %swap3A_596 = arith.constant 0 : index
      %swap3A_597 = vector.load %arg12[%swap3A_595, %swap3A_596] : memref<32x72xf32, #tpu.memory_space<vmem>>, vector<32x72xf32>
      tpu.vector_store %arg12[%swap3A_595, %swap3A_596], %broadcast_in_dim3A_594 {strides = array<i32>} : memref<32x72xf32, #tpu.memory_space<vmem>>, vector<32x72xf32>,
      %broadcast_in_dim3A_598 = arith.constant -3.000000e+38 : f32
      %broadcast_in_dim3A_599 = vector.broadcast %broadcast_in_dim3A_598 : f32 to vector<32x64xf32>
      %swap3A_600 = arith.constant 0 : index
      %swap3A_601 = arith.constant 0 : index
      %swap3A_602 = vector.load %arg11[%swap3A_600, %swap3A_601] : memref<32x64xf32, #tpu.memory_space<vmem>>, vector<32x64xf32>
      tpu.vector_store %arg11[%swap3A_600, %swap3A_601], %broadcast_in_dim3A_599 {strides = array<i32>} : memref<32x64xf32, #tpu.memory_space<vmem>>, vector<32x64xf32>,
      %broadcast_in_dim3A_603 = arith.constant -3.000000e+38 : f32
      %broadcast_in_dim3A_604 = vector.broadcast %broadcast_in_dim3A_603 : f32 to vector<32x64xf32>
      %swap3A_605 = arith.constant 0 : index
      %swap3A_606 = arith.constant 0 : index
      %swap3A_607 = vector.load %arg13[%swap3A_605, %swap3A_606] : memref<32x64xf32, #tpu.memory_space<vmem>>, vector<32x64xf32>
      tpu.vector_store %arg13[%swap3A_605, %swap3A_606], %broadcast_in_dim3A_604 {strides = array<i32>} : memref<32x64xf32, #tpu.memory_space<vmem>>, vector<32x64xf32>,
    } else {
    }
    %iota3A = tpu.iota {dimensions = array<i32: 1>} : vector<1x32xi32>
    %get3A = arith.constant 0 : index
    %get3A_2 = arith.constant 0 : index
    %get3A_3 = arith.constant 0 : index
    %get3A_4 = vector.load %arg1[%get3A, %get3A_2, %get3A_3] : memref<2x2000x32xf32, #tpu.memory_space<vmem>>, vector<1x2000x32xf32>
    %get3A_5 = vector.shape_cast %get3A_4 : vector<1x2000x32xf32> to vector<2000x32xf32>
    %get3A_6 = arith.constant 1 : index
    %get3A_7 = arith.constant 0 : index
    %get3A_8 = arith.constant 0 : index
    %get3A_9 = vector.load %arg1[%get3A_6, %get3A_7, %get3A_8] : memref<2x2000x32xf32, #tpu.memory_space<vmem>>, vector<1x2000x32xf32>
    %get3A_10 = vector.shape_cast %get3A_9 : vector<1x2000x32xf32> to vector<2000x32xf32>
    %concatenate3A = tpu.concatenate %get3A_5, %get3A_10 in 1 : vector<2000x32xf32>, vector<2000x32xf32> -> vector<2000x64xf32>
    %get3A_11 = arith.constant 0 : index
    %get3A_12 = arith.constant 0 : index
    %get3A_13 = vector.load %arg3[%get3A_11, %get3A_12] : memref<2000x1xi32, #tpu.memory_space<vmem>>, vector<2000x1xi32>
    %eq3A_14 = vector.broadcast %get3A_13 : vector<2000x1xi32> to vector<2000x32xi32>
    %eq3A_15 = vector.broadcast %iota3A : vector<1x32xi32> to vector<2000x32xi32>
    %eq3A_16 = arith.cmpi eq, %eq3A_14, %eq3A_15 : vector<2000x32xi32>
    %convert_element_type3A_17 = arith.extui %eq3A_16 : vector<2000x32xi1> to vector<2000x32xi32>
    %convert_element_type3A_18 = arith.sitofp %convert_element_type3A_17 : vector<2000x32xi32> to vector<2000x32xf32>
    %broadcast_in_dim3A = arith.constant 1.000000e+00 : f32
    %broadcast_in_dim3A_19 = vector.broadcast %broadcast_in_dim3A : f32 to vector<2000x8xf32>
    %concatenate3A_20 = tpu.concatenate %concatenate3A, %broadcast_in_dim3A_19 in 1 : vector<2000x64xf32>, vector<2000x8xf32> -> vector<2000x72xf32>
    %get3A_21 = arith.constant 0 : index
    %get3A_22 = arith.constant 0 : index
    %get3A_23 = vector.load %arg10[%get3A_21, %get3A_22] : memref<32x72xf32, #tpu.memory_space<vmem>>, vector<32x72xf32>
    %dot_general3A = arith.constant dense<0.000000e+00> : vector<32x72xf32>
    %dot_general3A_24 = tpu.matmul %convert_element_type3A_18, %concatenate3A_20, %dot_general3A {dimension_numbers = #tpu.dot_dimension_numbers<[0], [0], [1], [1], [0, 1, 1, 1], [], []>, precision = #tpu.contract_precision<fp32>, transpose_lhs_hint = false} : vector<2000x32xf32>, vector<2000x72xf32>, vector<32x72xf32> -> vector<32x72xf32>
    %add3A = arith.addf %get3A_23, %dot_general3A_24 : vector<32x72xf32>
    %swap3A = arith.constant 0 : index
    %swap3A_25 = arith.constant 0 : index
    %swap3A_26 = vector.load %arg10[%swap3A, %swap3A_25] : memref<32x72xf32, #tpu.memory_space<vmem>>, vector<32x72xf32>
    tpu.vector_store %arg10[%swap3A, %swap3A_25], %add3A {strides = array<i32>} : memref<32x72xf32, #tpu.memory_space<vmem>>, vector<32x72xf32>,
    %get3A_27 = arith.constant 0 : index
    %get3A_28 = arith.constant 0 : index
    %get3A_29 = vector.load %arg3[%get3A_27, %get3A_28] : memref<2000x1xi32, #tpu.memory_space<vmem>>, vector<1x1xi32>
    %get3A_30 = vector.extract %get3A_29[0, 0] : i32 from vector<1x1xi32>
    %get3A_31 = arith.constant 1999 : index
    %get3A_32 = arith.constant 0 : index
    %get3A_33 = vector.load %arg3[%get3A_31, %get3A_32] : memref<2000x1xi32, #tpu.memory_space<vmem>>, vector<1x1xi32>
    %get3A_34 = vector.extract %get3A_33[0, 0] : i32 from vector<1x1xi32>
    %le3A = arith.constant 0 : i32
    %le3A_35 = arith.cmpi sle, %get3A_30, %le3A : i32
    %ge3A = arith.constant 0 : i32
    %ge3A_36 = arith.cmpi sge, %get3A_34, %ge3A : i32
    %and3A = arith.andi %le3A_35, %ge3A_36 : i1
    %convert_element_type3A_37 = arith.extui %and3A : i1 to i32
    %cond3A_38 = arith.constant 0 : i32
    %cond3A_39 = arith.cmpi ne, %convert_element_type3A_37, %cond3A_38 : i32
    scf.if %cond3A_39 {
      %eq3A_588 = arith.constant 0 : i32
      %eq3A_589 = vector.broadcast %eq3A_588 : i32 to vector<2000x1xi32>
      %eq3A_590 = arith.cmpi eq, %get3A_13, %eq3A_589 : vector<2000x1xi32>
      %jit3A = arith.constant -3.000000e+38 : f32
      %broadcast_in_dim3A_591 = vector.shape_cast %eq3A_590 : vector<2000x1xi1> to vector<2000x1xi1>
      %broadcast_in_dim3A_592 = vector.broadcast %broadcast_in_dim3A_591 : vector<2000x1xi1> to vector<2000x64xi1>
      %broadcast_in_dim3A_593 = vector.broadcast %jit3A : f32 to vector<2000x64xf32>
      %select_n3A = arith.select %broadcast_in_dim3A_592, %concatenate3A, %broadcast_in_dim3A_593 : vector<2000x64xi1>, vector<2000x64xf32>
      %reduce_max3A = arith.constant dense<0xFF800000> : vector<64xf32>
      %reduce_max3A_594 = vector.multi_reduction <maximumf>, %select_n3A, %reduce_max3A [0] : vector<2000x64xf32> to vector<64xf32>
      %get3A_595 = arith.constant 0 : index
      %get3A_596 = arith.constant 0 : index
      %get3A_597 = vector.load %arg11[%get3A_595, %get3A_596] : memref<32x64xf32, #tpu.memory_space<vmem>>, vector<1x64xf32>
      %get3A_598 = vector.shape_cast %get3A_597 : vector<1x64xf32> to vector<64xf32>
      %max3A = arith.maximumf %get3A_598, %reduce_max3A_594 : vector<64xf32>
      %swap3A_599 = arith.constant 0 : index
      %swap3A_600 = arith.constant 0 : index
      %swap3A_601 = vector.load %arg11[%swap3A_599, %swap3A_600] : memref<32x64xf32, #tpu.memory_space<vmem>>, vector<1x64xf32>
      %swap3A_602 = vector.shape_cast %swap3A_601 : vector<1x64xf32> to vector<64xf32>
      %swap3A_603 = vector.shape_cast %max3A : vector<64xf32> to vector<1x64xf32>
      tpu.vector_store %arg11[%swap3A_599, %swap3A_600], %swap3A_603 {strides = array<i32>} : memref<32x64xf32, #tpu.memory_space<vmem>>, vector<1x64xf32>,
    } else {
    }
    %le3A_40 = arith.constant 1 : i32
    %le3A_41 = arith.cmpi sle, %get3A_30, %le3A_40 : i32
    %ge3A_42 = arith.constant 1 : i32
    %ge3A_43 = arith.cmpi sge, %get3A_34, %ge3A_42 : i32
    %and3A_44 = arith.andi %le3A_41, %ge3A_43 : i1
    %convert_element_type3A_45 = arith.extui %and3A_44 : i1 to i32
    %cond3A_46 = arith.constant 0 : i32
    %cond3A_47 = arith.cmpi ne, %convert_element_type3A_45, %cond3A_46 : i32
    scf.if %cond3A_47 {
      %eq3A_588 = arith.constant 1 : i32
      %eq3A_589 = vector.broadcast %eq3A_588 : i32 to vector<2000x1xi32>
      %eq3A_590 = arith.cmpi eq, %get3A_13, %eq3A_589 : vector<2000x1xi32>
      %jit3A = arith.constant -3.000000e+38 : f32
      %broadcast_in_dim3A_591 = vector.shape_cast %eq3A_590 : vector<2000x1xi1> to vector<2000x1xi1>
      %broadcast_in_dim3A_592 = vector.broadcast %broadcast_in_dim3A_591 : vector<2000x1xi1> to vector<2000x64xi1>
      %broadcast_in_dim3A_593 = vector.broadcast %jit3A : f32 to vector<2000x64xf32>
      %select_n3A = arith.select %broadcast_in_dim3A_592, %concatenate3A, %broadcast_in_dim3A_593 : vector<2000x64xi1>, vector<2000x64xf32>
      %reduce_max3A = arith.constant dense<0xFF800000> : vector<64xf32>
      %reduce_max3A_594 = vector.multi_reduction <maximumf>, %select_n3A, %reduce_max3A [0] : vector<2000x64xf32> to vector<64xf32>
      %get3A_595 = arith.constant 1 : index
      %get3A_596 = arith.constant 0 : index
      %get3A_597 = vector.load %arg11[%get3A_595, %get3A_596] : memref<32x64xf32, #tpu.memory_space<vmem>>, vector<1x64xf32>
      %get3A_598 = vector.shape_cast %get3A_597 : vector<1x64xf32> to vector<64xf32>
      %max3A = arith.maximumf %get3A_598, %reduce_max3A_594 : vector<64xf32>
      %swap3A_599 = arith.constant 1 : index
      %swap3A_600 = arith.constant 0 : index
      %swap3A_601 = vector.load %arg11[%swap3A_599, %swap3A_600] : memref<32x64xf32, #tpu.memory_space<vmem>>, vector<1x64xf32>
      %swap3A_602 = vector.shape_cast %swap3A_601 : vector<1x64xf32> to vector<64xf32>
      %swap3A_603 = vector.shape_cast %max3A : vector<64xf32> to vector<1x64xf32>
      tpu.vector_store %arg11[%swap3A_599, %swap3A_600], %swap3A_603 {strides = array<i32>} : memref<32x64xf32, #tpu.memory_space<vmem>>, vector<1x64xf32>,
    } else {
    }
    %le3A_48 = arith.constant 2 : i32
    %le3A_49 = arith.cmpi sle, %get3A_30, %le3A_48 : i32
    %ge3A_50 = arith.constant 2 : i32
    %ge3A_51 = arith.cmpi sge, %get3A_34, %ge3A_50 : i32
    %and3A_52 = arith.andi %le3A_49, %ge3A_51 : i1
    %convert_element_type3A_53 = arith.extui %and3A_52 : i1 to i32
    %cond3A_54 = arith.constant 0 : i32
    %cond3A_55 = arith.cmpi ne, %convert_element_type3A_53, %cond3A_54 : i32
    scf.if %cond3A_55 {
      %eq3A_588 = arith.constant 2 : i32
      %eq3A_589 = vector.broadcast %eq3A_588 : i32 to vector<2000x1xi32>
      %eq3A_590 = arith.cmpi eq, %get3A_13, %eq3A_589 : vector<2000x1xi32>
      %jit3A = arith.constant -3.000000e+38 : f32
      %broadcast_in_dim3A_591 = vector.shape_cast %eq3A_590 : vector<2000x1xi1> to vector<2000x1xi1>
      %broadcast_in_dim3A_592 = vector.broadcast %broadcast_in_dim3A_591 : vector<2000x1xi1> to vector<2000x64xi1>
      %broadcast_in_dim3A_593 = vector.broadcast %jit3A : f32 to vector<2000x64xf32>
      %select_n3A = arith.select %broadcast_in_dim3A_592, %concatenate3A, %broadcast_in_dim3A_593 : vector<2000x64xi1>, vector<2000x64xf32>
      %reduce_max3A = arith.constant dense<0xFF800000> : vector<64xf32>
      %reduce_max3A_594 = vector.multi_reduction <maximumf>, %select_n3A, %reduce_max3A [0] : vector<2000x64xf32> to vector<64xf32>
      %get3A_595 = arith.constant 2 : index
      %get3A_596 = arith.constant 0 : index
      %get3A_597 = vector.load %arg11[%get3A_595, %get3A_596] : memref<32x64xf32, #tpu.memory_space<vmem>>, vector<1x64xf32>
      %get3A_598 = vector.shape_cast %get3A_597 : vector<1x64xf32> to vector<64xf32>
      %max3A = arith.maximumf %get3A_598, %reduce_max3A_594 : vector<64xf32>
      %swap3A_599 = arith.constant 2 : index
      %swap3A_600 = arith.constant 0 : index
      %swap3A_601 = vector.load %arg11[%swap3A_599, %swap3A_600] : memref<32x64xf32, #tpu.memory_space<vmem>>, vector<1x64xf32>
      %swap3A_602 = vector.shape_cast %swap3A_601 : vector<1x64xf32> to vector<64xf32>
      %swap3A_603 = vector.shape_cast %max3A : vector<64xf32> to vector<1x64xf32>
      tpu.vector_store %arg11[%swap3A_599, %swap3A_600], %swap3A_603 {strides = array<i32>} : memref<32x64xf32, #tpu.memory_space<vmem>>, vector<1x64xf32>,
    } else {
    }
    %le3A_56 = arith.constant 3 : i32
    %le3A_57 = arith.cmpi sle, %get3A_30, %le3A_56 : i32
    %ge3A_58 = arith.constant 3 : i32
    %ge3A_59 = arith.cmpi sge, %get3A_34, %ge3A_58 : i32
    %and3A_60 = arith.andi %le3A_57, %ge3A_59 : i1
    %convert_element_type3A_61 = arith.extui %and3A_60 : i1 to i32
    %cond3A_62 = arith.constant 0 : i32
    %cond3A_63 = arith.cmpi ne, %convert_element_type3A_61, %cond3A_62 : i32
    scf.if %cond3A_63 {
      %eq3A_588 = arith.constant 3 : i32
      %eq3A_589 = vector.broadcast %eq3A_588 : i32 to vector<2000x1xi32>
      %eq3A_590 = arith.cmpi eq, %get3A_13, %eq3A_589 : vector<2000x1xi32>
      %jit3A = arith.constant -3.000000e+38 : f32
      %broadcast_in_dim3A_591 = vector.shape_cast %eq3A_590 : vector<2000x1xi1> to vector<2000x1xi1>
      %broadcast_in_dim3A_592 = vector.broadcast %broadcast_in_dim3A_591 : vector<2000x1xi1> to vector<2000x64xi1>
      %broadcast_in_dim3A_593 = vector.broadcast %jit3A : f32 to vector<2000x64xf32>
      %select_n3A = arith.select %broadcast_in_dim3A_592, %concatenate3A, %broadcast_in_dim3A_593 : vector<2000x64xi1>, vector<2000x64xf32>
      %reduce_max3A = arith.constant dense<0xFF800000> : vector<64xf32>
      %reduce_max3A_594 = vector.multi_reduction <maximumf>, %select_n3A, %reduce_max3A [0] : vector<2000x64xf32> to vector<64xf32>
      %get3A_595 = arith.constant 3 : index
      %get3A_596 = arith.constant 0 : index
      %get3A_597 = vector.load %arg11[%get3A_595, %get3A_596] : memref<32x64xf32, #tpu.memory_space<vmem>>, vector<1x64xf32>
      %get3A_598 = vector.shape_cast %get3A_597 : vector<1x64xf32> to vector<64xf32>
      %max3A = arith.maximumf %get3A_598, %reduce_max3A_594 : vector<64xf32>
      %swap3A_599 = arith.constant 3 : index
      %swap3A_600 = arith.constant 0 : index
      %swap3A_601 = vector.load %arg11[%swap3A_599, %swap3A_600] : memref<32x64xf32, #tpu.memory_space<vmem>>, vector<1x64xf32>
      %swap3A_602 = vector.shape_cast %swap3A_601 : vector<1x64xf32> to vector<64xf32>
      %swap3A_603 = vector.shape_cast %max3A : vector<64xf32> to vector<1x64xf32>
      tpu.vector_store %arg11[%swap3A_599, %swap3A_600], %swap3A_603 {strides = array<i32>} : memref<32x64xf32, #tpu.memory_space<vmem>>, vector<1x64xf32>,
    } else {
    }
    %le3A_64 = arith.constant 4 : i32
    %le3A_65 = arith.cmpi sle, %get3A_30, %le3A_64 : i32
    %ge3A_66 = arith.constant 4 : i32
    %ge3A_67 = arith.cmpi sge, %get3A_34, %ge3A_66 : i32
    %and3A_68 = arith.andi %le3A_65, %ge3A_67 : i1
    %convert_element_type3A_69 = arith.extui %and3A_68 : i1 to i32
    %cond3A_70 = arith.constant 0 : i32
    %cond3A_71 = arith.cmpi ne, %convert_element_type3A_69, %cond3A_70 : i32
    scf.if %cond3A_71 {
      %eq3A_588 = arith.constant 4 : i32
      %eq3A_589 = vector.broadcast %eq3A_588 : i32 to vector<2000x1xi32>
      %eq3A_590 = arith.cmpi eq, %get3A_13, %eq3A_589 : vector<2000x1xi32>
      %jit3A = arith.constant -3.000000e+38 : f32
      %broadcast_in_dim3A_591 = vector.shape_cast %eq3A_590 : vector<2000x1xi1> to vector<2000x1xi1>
      %broadcast_in_dim3A_592 = vector.broadcast %broadcast_in_dim3A_591 : vector<2000x1xi1> to vector<2000x64xi1>
      %broadcast_in_dim3A_593 = vector.broadcast %jit3A : f32 to vector<2000x64xf32>
      %select_n3A = arith.select %broadcast_in_dim3A_592, %concatenate3A, %broadcast_in_dim3A_593 : vector<2000x64xi1>, vector<2000x64xf32>
      %reduce_max3A = arith.constant dense<0xFF800000> : vector<64xf32>
      %reduce_max3A_594 = vector.multi_reduction <maximumf>, %select_n3A, %reduce_max3A [0] : vector<2000x64xf32> to vector<64xf32>
      %get3A_595 = arith.constant 4 : index
      %get3A_596 = arith.constant 0 : index
      %get3A_597 = vector.load %arg11[%get3A_595, %get3A_596] : memref<32x64xf32, #tpu.memory_space<vmem>>, vector<1x64xf32>
      %get3A_598 = vector.shape_cast %get3A_597 : vector<1x64xf32> to vector<64xf32>
      %max3A = arith.maximumf %get3A_598, %reduce_max3A_594 : vector<64xf32>
      %swap3A_599 = arith.constant 4 : index
      %swap3A_600 = arith.constant 0 : index
      %swap3A_601 = vector.load %arg11[%swap3A_599, %swap3A_600] : memref<32x64xf32, #tpu.memory_space<vmem>>, vector<1x64xf32>
      %swap3A_602 = vector.shape_cast %swap3A_601 : vector<1x64xf32> to vector<64xf32>
      %swap3A_603 = vector.shape_cast %max3A : vector<64xf32> to vector<1x64xf32>
      tpu.vector_store %arg11[%swap3A_599, %swap3A_600], %swap3A_603 {strides = array<i32>} : memref<32x64xf32, #tpu.memory_space<vmem>>, vector<1x64xf32>,
    } else {
    }
    %le3A_72 = arith.constant 5 : i32
    %le3A_73 = arith.cmpi sle, %get3A_30, %le3A_72 : i32
    %ge3A_74 = arith.constant 5 : i32
    %ge3A_75 = arith.cmpi sge, %get3A_34, %ge3A_74 : i32
    %and3A_76 = arith.andi %le3A_73, %ge3A_75 : i1
    %convert_element_type3A_77 = arith.extui %and3A_76 : i1 to i32
    %cond3A_78 = arith.constant 0 : i32
    %cond3A_79 = arith.cmpi ne, %convert_element_type3A_77, %cond3A_78 : i32
    scf.if %cond3A_79 {
      %eq3A_588 = arith.constant 5 : i32
      %eq3A_589 = vector.broadcast %eq3A_588 : i32 to vector<2000x1xi32>
      %eq3A_590 = arith.cmpi eq, %get3A_13, %eq3A_589 : vector<2000x1xi32>
      %jit3A = arith.constant -3.000000e+38 : f32
      %broadcast_in_dim3A_591 = vector.shape_cast %eq3A_590 : vector<2000x1xi1> to vector<2000x1xi1>
      %broadcast_in_dim3A_592 = vector.broadcast %broadcast_in_dim3A_591 : vector<2000x1xi1> to vector<2000x64xi1>
      %broadcast_in_dim3A_593 = vector.broadcast %jit3A : f32 to vector<2000x64xf32>
      %select_n3A = arith.select %broadcast_in_dim3A_592, %concatenate3A, %broadcast_in_dim3A_593 : vector<2000x64xi1>, vector<2000x64xf32>
      %reduce_max3A = arith.constant dense<0xFF800000> : vector<64xf32>
      %reduce_max3A_594 = vector.multi_reduction <maximumf>, %select_n3A, %reduce_max3A [0] : vector<2000x64xf32> to vector<64xf32>
      %get3A_595 = arith.constant 5 : index
      %get3A_596 = arith.constant 0 : index
      %get3A_597 = vector.load %arg11[%get3A_595, %get3A_596] : memref<32x64xf32, #tpu.memory_space<vmem>>, vector<1x64xf32>
      %get3A_598 = vector.shape_cast %get3A_597 : vector<1x64xf32> to vector<64xf32>
      %max3A = arith.maximumf %get3A_598, %reduce_max3A_594 : vector<64xf32>
      %swap3A_599 = arith.constant 5 : index
      %swap3A_600 = arith.constant 0 : index
      %swap3A_601 = vector.load %arg11[%swap3A_599, %swap3A_600] : memref<32x64xf32, #tpu.memory_space<vmem>>, vector<1x64xf32>
      %swap3A_602 = vector.shape_cast %swap3A_601 : vector<1x64xf32> to vector<64xf32>
      %swap3A_603 = vector.shape_cast %max3A : vector<64xf32> to vector<1x64xf32>
      tpu.vector_store %arg11[%swap3A_599, %swap3A_600], %swap3A_603 {strides = array<i32>} : memref<32x64xf32, #tpu.memory_space<vmem>>, vector<1x64xf32>,
    } else {
    }
    %le3A_80 = arith.constant 6 : i32
    %le3A_81 = arith.cmpi sle, %get3A_30, %le3A_80 : i32
    %ge3A_82 = arith.constant 6 : i32
    %ge3A_83 = arith.cmpi sge, %get3A_34, %ge3A_82 : i32
    %and3A_84 = arith.andi %le3A_81, %ge3A_83 : i1
    %convert_element_type3A_85 = arith.extui %and3A_84 : i1 to i32
    %cond3A_86 = arith.constant 0 : i32
    %cond3A_87 = arith.cmpi ne, %convert_element_type3A_85, %cond3A_86 : i32
    scf.if %cond3A_87 {
      %eq3A_588 = arith.constant 6 : i32
      %eq3A_589 = vector.broadcast %eq3A_588 : i32 to vector<2000x1xi32>
      %eq3A_590 = arith.cmpi eq, %get3A_13, %eq3A_589 : vector<2000x1xi32>
      %jit3A = arith.constant -3.000000e+38 : f32
      %broadcast_in_dim3A_591 = vector.shape_cast %eq3A_590 : vector<2000x1xi1> to vector<2000x1xi1>
      %broadcast_in_dim3A_592 = vector.broadcast %broadcast_in_dim3A_591 : vector<2000x1xi1> to vector<2000x64xi1>
      %broadcast_in_dim3A_593 = vector.broadcast %jit3A : f32 to vector<2000x64xf32>
      %select_n3A = arith.select %broadcast_in_dim3A_592, %concatenate3A, %broadcast_in_dim3A_593 : vector<2000x64xi1>, vector<2000x64xf32>
      %reduce_max3A = arith.constant dense<0xFF800000> : vector<64xf32>
      %reduce_max3A_594 = vector.multi_reduction <maximumf>, %select_n3A, %reduce_max3A [0] : vector<2000x64xf32> to vector<64xf32>
      %get3A_595 = arith.constant 6 : index
      %get3A_596 = arith.constant 0 : index
      %get3A_597 = vector.load %arg11[%get3A_595, %get3A_596] : memref<32x64xf32, #tpu.memory_space<vmem>>, vector<1x64xf32>
      %get3A_598 = vector.shape_cast %get3A_597 : vector<1x64xf32> to vector<64xf32>
      %max3A = arith.maximumf %get3A_598, %reduce_max3A_594 : vector<64xf32>
      %swap3A_599 = arith.constant 6 : index
      %swap3A_600 = arith.constant 0 : index
      %swap3A_601 = vector.load %arg11[%swap3A_599, %swap3A_600] : memref<32x64xf32, #tpu.memory_space<vmem>>, vector<1x64xf32>
      %swap3A_602 = vector.shape_cast %swap3A_601 : vector<1x64xf32> to vector<64xf32>
      %swap3A_603 = vector.shape_cast %max3A : vector<64xf32> to vector<1x64xf32>
      tpu.vector_store %arg11[%swap3A_599, %swap3A_600], %swap3A_603 {strides = array<i32>} : memref<32x64xf32, #tpu.memory_space<vmem>>, vector<1x64xf32>,
    } else {
    }
    %le3A_88 = arith.constant 7 : i32
    %le3A_89 = arith.cmpi sle, %get3A_30, %le3A_88 : i32
    %ge3A_90 = arith.constant 7 : i32
    %ge3A_91 = arith.cmpi sge, %get3A_34, %ge3A_90 : i32
    %and3A_92 = arith.andi %le3A_89, %ge3A_91 : i1
    %convert_element_type3A_93 = arith.extui %and3A_92 : i1 to i32
    %cond3A_94 = arith.constant 0 : i32
    %cond3A_95 = arith.cmpi ne, %convert_element_type3A_93, %cond3A_94 : i32
    scf.if %cond3A_95 {
      %eq3A_588 = arith.constant 7 : i32
      %eq3A_589 = vector.broadcast %eq3A_588 : i32 to vector<2000x1xi32>
      %eq3A_590 = arith.cmpi eq, %get3A_13, %eq3A_589 : vector<2000x1xi32>
      %jit3A = arith.constant -3.000000e+38 : f32
      %broadcast_in_dim3A_591 = vector.shape_cast %eq3A_590 : vector<2000x1xi1> to vector<2000x1xi1>
      %broadcast_in_dim3A_592 = vector.broadcast %broadcast_in_dim3A_591 : vector<2000x1xi1> to vector<2000x64xi1>
      %broadcast_in_dim3A_593 = vector.broadcast %jit3A : f32 to vector<2000x64xf32>
      %select_n3A = arith.select %broadcast_in_dim3A_592, %concatenate3A, %broadcast_in_dim3A_593 : vector<2000x64xi1>, vector<2000x64xf32>
      %reduce_max3A = arith.constant dense<0xFF800000> : vector<64xf32>
      %reduce_max3A_594 = vector.multi_reduction <maximumf>, %select_n3A, %reduce_max3A [0] : vector<2000x64xf32> to vector<64xf32>
      %get3A_595 = arith.constant 7 : index
      %get3A_596 = arith.constant 0 : index
      %get3A_597 = vector.load %arg11[%get3A_595, %get3A_596] : memref<32x64xf32, #tpu.memory_space<vmem>>, vector<1x64xf32>
      %get3A_598 = vector.shape_cast %get3A_597 : vector<1x64xf32> to vector<64xf32>
      %max3A = arith.maximumf %get3A_598, %reduce_max3A_594 : vector<64xf32>
      %swap3A_599 = arith.constant 7 : index
      %swap3A_600 = arith.constant 0 : index
      %swap3A_601 = vector.load %arg11[%swap3A_599, %swap3A_600] : memref<32x64xf32, #tpu.memory_space<vmem>>, vector<1x64xf32>
      %swap3A_602 = vector.shape_cast %swap3A_601 : vector<1x64xf32> to vector<64xf32>
      %swap3A_603 = vector.shape_cast %max3A : vector<64xf32> to vector<1x64xf32>
      tpu.vector_store %arg11[%swap3A_599, %swap3A_600], %swap3A_603 {strides = array<i32>} : memref<32x64xf32, #tpu.memory_space<vmem>>, vector<1x64xf32>,
    } else {
    }
    %le3A_96 = arith.constant 8 : i32
    %le3A_97 = arith.cmpi sle, %get3A_30, %le3A_96 : i32
    %ge3A_98 = arith.constant 8 : i32
    %ge3A_99 = arith.cmpi sge, %get3A_34, %ge3A_98 : i32
    %and3A_100 = arith.andi %le3A_97, %ge3A_99 : i1
    %convert_element_type3A_101 = arith.extui %and3A_100 : i1 to i32
    %cond3A_102 = arith.constant 0 : i32
    %cond3A_103 = arith.cmpi ne, %convert_element_type3A_101, %cond3A_102 : i32
    scf.if %cond3A_103 {
      %eq3A_588 = arith.constant 8 : i32
      %eq3A_589 = vector.broadcast %eq3A_588 : i32 to vector<2000x1xi32>
      %eq3A_590 = arith.cmpi eq, %get3A_13, %eq3A_589 : vector<2000x1xi32>
      %jit3A = arith.constant -3.000000e+38 : f32
      %broadcast_in_dim3A_591 = vector.shape_cast %eq3A_590 : vector<2000x1xi1> to vector<2000x1xi1>
      %broadcast_in_dim3A_592 = vector.broadcast %broadcast_in_dim3A_591 : vector<2000x1xi1> to vector<2000x64xi1>
      %broadcast_in_dim3A_593 = vector.broadcast %jit3A : f32 to vector<2000x64xf32>
      %select_n3A = arith.select %broadcast_in_dim3A_592, %concatenate3A, %broadcast_in_dim3A_593 : vector<2000x64xi1>, vector<2000x64xf32>
      %reduce_max3A = arith.constant dense<0xFF800000> : vector<64xf32>
      %reduce_max3A_594 = vector.multi_reduction <maximumf>, %select_n3A, %reduce_max3A [0] : vector<2000x64xf32> to vector<64xf32>
      %get3A_595 = arith.constant 8 : index
      %get3A_596 = arith.constant 0 : index
      %get3A_597 = vector.load %arg11[%get3A_595, %get3A_596] : memref<32x64xf32, #tpu.memory_space<vmem>>, vector<1x64xf32>
      %get3A_598 = vector.shape_cast %get3A_597 : vector<1x64xf32> to vector<64xf32>
      %max3A = arith.maximumf %get3A_598, %reduce_max3A_594 : vector<64xf32>
      %swap3A_599 = arith.constant 8 : index
      %swap3A_600 = arith.constant 0 : index
      %swap3A_601 = vector.load %arg11[%swap3A_599, %swap3A_600] : memref<32x64xf32, #tpu.memory_space<vmem>>, vector<1x64xf32>
      %swap3A_602 = vector.shape_cast %swap3A_601 : vector<1x64xf32> to vector<64xf32>
      %swap3A_603 = vector.shape_cast %max3A : vector<64xf32> to vector<1x64xf32>
      tpu.vector_store %arg11[%swap3A_599, %swap3A_600], %swap3A_603 {strides = array<i32>} : memref<32x64xf32, #tpu.memory_space<vmem>>, vector<1x64xf32>,
    } else {
    }
    %le3A_104 = arith.constant 9 : i32
    %le3A_105 = arith.cmpi sle, %get3A_30, %le3A_104 : i32
    %ge3A_106 = arith.constant 9 : i32
    %ge3A_107 = arith.cmpi sge, %get3A_34, %ge3A_106 : i32
    %and3A_108 = arith.andi %le3A_105, %ge3A_107 : i1
    %convert_element_type3A_109 = arith.extui %and3A_108 : i1 to i32
    %cond3A_110 = arith.constant 0 : i32
    %cond3A_111 = arith.cmpi ne, %convert_element_type3A_109, %cond3A_110 : i32
    scf.if %cond3A_111 {
      %eq3A_588 = arith.constant 9 : i32
      %eq3A_589 = vector.broadcast %eq3A_588 : i32 to vector<2000x1xi32>
      %eq3A_590 = arith.cmpi eq, %get3A_13, %eq3A_589 : vector<2000x1xi32>
      %jit3A = arith.constant -3.000000e+38 : f32
      %broadcast_in_dim3A_591 = vector.shape_cast %eq3A_590 : vector<2000x1xi1> to vector<2000x1xi1>
      %broadcast_in_dim3A_592 = vector.broadcast %broadcast_in_dim3A_591 : vector<2000x1xi1> to vector<2000x64xi1>
      %broadcast_in_dim3A_593 = vector.broadcast %jit3A : f32 to vector<2000x64xf32>
      %select_n3A = arith.select %broadcast_in_dim3A_592, %concatenate3A, %broadcast_in_dim3A_593 : vector<2000x64xi1>, vector<2000x64xf32>
      %reduce_max3A = arith.constant dense<0xFF800000> : vector<64xf32>
      %reduce_max3A_594 = vector.multi_reduction <maximumf>, %select_n3A, %reduce_max3A [0] : vector<2000x64xf32> to vector<64xf32>
      %get3A_595 = arith.constant 9 : index
      %get3A_596 = arith.constant 0 : index
      %get3A_597 = vector.load %arg11[%get3A_595, %get3A_596] : memref<32x64xf32, #tpu.memory_space<vmem>>, vector<1x64xf32>
      %get3A_598 = vector.shape_cast %get3A_597 : vector<1x64xf32> to vector<64xf32>
      %max3A = arith.maximumf %get3A_598, %reduce_max3A_594 : vector<64xf32>
      %swap3A_599 = arith.constant 9 : index
      %swap3A_600 = arith.constant 0 : index
      %swap3A_601 = vector.load %arg11[%swap3A_599, %swap3A_600] : memref<32x64xf32, #tpu.memory_space<vmem>>, vector<1x64xf32>
      %swap3A_602 = vector.shape_cast %swap3A_601 : vector<1x64xf32> to vector<64xf32>
      %swap3A_603 = vector.shape_cast %max3A : vector<64xf32> to vector<1x64xf32>
      tpu.vector_store %arg11[%swap3A_599, %swap3A_600], %swap3A_603 {strides = array<i32>} : memref<32x64xf32, #tpu.memory_space<vmem>>, vector<1x64xf32>,
    } else {
    }
    %le3A_112 = arith.constant 10 : i32
    %le3A_113 = arith.cmpi sle, %get3A_30, %le3A_112 : i32
    %ge3A_114 = arith.constant 10 : i32
    %ge3A_115 = arith.cmpi sge, %get3A_34, %ge3A_114 : i32
    %and3A_116 = arith.andi %le3A_113, %ge3A_115 : i1
    %convert_element_type3A_117 = arith.extui %and3A_116 : i1 to i32
    %cond3A_118 = arith.constant 0 : i32
    %cond3A_119 = arith.cmpi ne, %convert_element_type3A_117, %cond3A_118 : i32
    scf.if %cond3A_119 {
      %eq3A_588 = arith.constant 10 : i32
      %eq3A_589 = vector.broadcast %eq3A_588 : i32 to vector<2000x1xi32>
      %eq3A_590 = arith.cmpi eq, %get3A_13, %eq3A_589 : vector<2000x1xi32>
      %jit3A = arith.constant -3.000000e+38 : f32
      %broadcast_in_dim3A_591 = vector.shape_cast %eq3A_590 : vector<2000x1xi1> to vector<2000x1xi1>
      %broadcast_in_dim3A_592 = vector.broadcast %broadcast_in_dim3A_591 : vector<2000x1xi1> to vector<2000x64xi1>
      %broadcast_in_dim3A_593 = vector.broadcast %jit3A : f32 to vector<2000x64xf32>
      %select_n3A = arith.select %broadcast_in_dim3A_592, %concatenate3A, %broadcast_in_dim3A_593 : vector<2000x64xi1>, vector<2000x64xf32>
      %reduce_max3A = arith.constant dense<0xFF800000> : vector<64xf32>
      %reduce_max3A_594 = vector.multi_reduction <maximumf>, %select_n3A, %reduce_max3A [0] : vector<2000x64xf32> to vector<64xf32>
      %get3A_595 = arith.constant 10 : index
      %get3A_596 = arith.constant 0 : index
      %get3A_597 = vector.load %arg11[%get3A_595, %get3A_596] : memref<32x64xf32, #tpu.memory_space<vmem>>, vector<1x64xf32>
      %get3A_598 = vector.shape_cast %get3A_597 : vector<1x64xf32> to vector<64xf32>
      %max3A = arith.maximumf %get3A_598, %reduce_max3A_594 : vector<64xf32>
      %swap3A_599 = arith.constant 10 : index
      %swap3A_600 = arith.constant 0 : index
      %swap3A_601 = vector.load %arg11[%swap3A_599, %swap3A_600] : memref<32x64xf32, #tpu.memory_space<vmem>>, vector<1x64xf32>
      %swap3A_602 = vector.shape_cast %swap3A_601 : vector<1x64xf32> to vector<64xf32>
      %swap3A_603 = vector.shape_cast %max3A : vector<64xf32> to vector<1x64xf32>
      tpu.vector_store %arg11[%swap3A_599, %swap3A_600], %swap3A_603 {strides = array<i32>} : memref<32x64xf32, #tpu.memory_space<vmem>>, vector<1x64xf32>,
    } else {
    }
    %le3A_120 = arith.constant 11 : i32
    %le3A_121 = arith.cmpi sle, %get3A_30, %le3A_120 : i32
    %ge3A_122 = arith.constant 11 : i32
    %ge3A_123 = arith.cmpi sge, %get3A_34, %ge3A_122 : i32
    %and3A_124 = arith.andi %le3A_121, %ge3A_123 : i1
    %convert_element_type3A_125 = arith.extui %and3A_124 : i1 to i32
    %cond3A_126 = arith.constant 0 : i32
    %cond3A_127 = arith.cmpi ne, %convert_element_type3A_125, %cond3A_126 : i32
    scf.if %cond3A_127 {
      %eq3A_588 = arith.constant 11 : i32
      %eq3A_589 = vector.broadcast %eq3A_588 : i32 to vector<2000x1xi32>
      %eq3A_590 = arith.cmpi eq, %get3A_13, %eq3A_589 : vector<2000x1xi32>
      %jit3A = arith.constant -3.000000e+38 : f32
      %broadcast_in_dim3A_591 = vector.shape_cast %eq3A_590 : vector<2000x1xi1> to vector<2000x1xi1>
      %broadcast_in_dim3A_592 = vector.broadcast %broadcast_in_dim3A_591 : vector<2000x1xi1> to vector<2000x64xi1>
      %broadcast_in_dim3A_593 = vector.broadcast %jit3A : f32 to vector<2000x64xf32>
      %select_n3A = arith.select %broadcast_in_dim3A_592, %concatenate3A, %broadcast_in_dim3A_593 : vector<2000x64xi1>, vector<2000x64xf32>
      %reduce_max3A = arith.constant dense<0xFF800000> : vector<64xf32>
      %reduce_max3A_594 = vector.multi_reduction <maximumf>, %select_n3A, %reduce_max3A [0] : vector<2000x64xf32> to vector<64xf32>
      %get3A_595 = arith.constant 11 : index
      %get3A_596 = arith.constant 0 : index
      %get3A_597 = vector.load %arg11[%get3A_595, %get3A_596] : memref<32x64xf32, #tpu.memory_space<vmem>>, vector<1x64xf32>
      %get3A_598 = vector.shape_cast %get3A_597 : vector<1x64xf32> to vector<64xf32>
      %max3A = arith.maximumf %get3A_598, %reduce_max3A_594 : vector<64xf32>
      %swap3A_599 = arith.constant 11 : index
      %swap3A_600 = arith.constant 0 : index
      %swap3A_601 = vector.load %arg11[%swap3A_599, %swap3A_600] : memref<32x64xf32, #tpu.memory_space<vmem>>, vector<1x64xf32>
      %swap3A_602 = vector.shape_cast %swap3A_601 : vector<1x64xf32> to vector<64xf32>
      %swap3A_603 = vector.shape_cast %max3A : vector<64xf32> to vector<1x64xf32>
      tpu.vector_store %arg11[%swap3A_599, %swap3A_600], %swap3A_603 {strides = array<i32>} : memref<32x64xf32, #tpu.memory_space<vmem>>, vector<1x64xf32>,
    } else {
    }
    %le3A_128 = arith.constant 12 : i32
    %le3A_129 = arith.cmpi sle, %get3A_30, %le3A_128 : i32
    %ge3A_130 = arith.constant 12 : i32
    %ge3A_131 = arith.cmpi sge, %get3A_34, %ge3A_130 : i32
    %and3A_132 = arith.andi %le3A_129, %ge3A_131 : i1
    %convert_element_type3A_133 = arith.extui %and3A_132 : i1 to i32
    %cond3A_134 = arith.constant 0 : i32
    %cond3A_135 = arith.cmpi ne, %convert_element_type3A_133, %cond3A_134 : i32
    scf.if %cond3A_135 {
      %eq3A_588 = arith.constant 12 : i32
      %eq3A_589 = vector.broadcast %eq3A_588 : i32 to vector<2000x1xi32>
      %eq3A_590 = arith.cmpi eq, %get3A_13, %eq3A_589 : vector<2000x1xi32>
      %jit3A = arith.constant -3.000000e+38 : f32
      %broadcast_in_dim3A_591 = vector.shape_cast %eq3A_590 : vector<2000x1xi1> to vector<2000x1xi1>
      %broadcast_in_dim3A_592 = vector.broadcast %broadcast_in_dim3A_591 : vector<2000x1xi1> to vector<2000x64xi1>
      %broadcast_in_dim3A_593 = vector.broadcast %jit3A : f32 to vector<2000x64xf32>
      %select_n3A = arith.select %broadcast_in_dim3A_592, %concatenate3A, %broadcast_in_dim3A_593 : vector<2000x64xi1>, vector<2000x64xf32>
      %reduce_max3A = arith.constant dense<0xFF800000> : vector<64xf32>
      %reduce_max3A_594 = vector.multi_reduction <maximumf>, %select_n3A, %reduce_max3A [0] : vector<2000x64xf32> to vector<64xf32>
      %get3A_595 = arith.constant 12 : index
      %get3A_596 = arith.constant 0 : index
      %get3A_597 = vector.load %arg11[%get3A_595, %get3A_596] : memref<32x64xf32, #tpu.memory_space<vmem>>, vector<1x64xf32>
      %get3A_598 = vector.shape_cast %get3A_597 : vector<1x64xf32> to vector<64xf32>
      %max3A = arith.maximumf %get3A_598, %reduce_max3A_594 : vector<64xf32>
      %swap3A_599 = arith.constant 12 : index
      %swap3A_600 = arith.constant 0 : index
      %swap3A_601 = vector.load %arg11[%swap3A_599, %swap3A_600] : memref<32x64xf32, #tpu.memory_space<vmem>>, vector<1x64xf32>
      %swap3A_602 = vector.shape_cast %swap3A_601 : vector<1x64xf32> to vector<64xf32>
      %swap3A_603 = vector.shape_cast %max3A : vector<64xf32> to vector<1x64xf32>
      tpu.vector_store %arg11[%swap3A_599, %swap3A_600], %swap3A_603 {strides = array<i32>} : memref<32x64xf32, #tpu.memory_space<vmem>>, vector<1x64xf32>,
    } else {
    }
    %le3A_136 = arith.constant 13 : i32
    %le3A_137 = arith.cmpi sle, %get3A_30, %le3A_136 : i32
    %ge3A_138 = arith.constant 13 : i32
    %ge3A_139 = arith.cmpi sge, %get3A_34, %ge3A_138 : i32
    %and3A_140 = arith.andi %le3A_137, %ge3A_139 : i1
    %convert_element_type3A_141 = arith.extui %and3A_140 : i1 to i32
    %cond3A_142 = arith.constant 0 : i32
    %cond3A_143 = arith.cmpi ne, %convert_element_type3A_141, %cond3A_142 : i32
    scf.if %cond3A_143 {
      %eq3A_588 = arith.constant 13 : i32
      %eq3A_589 = vector.broadcast %eq3A_588 : i32 to vector<2000x1xi32>
      %eq3A_590 = arith.cmpi eq, %get3A_13, %eq3A_589 : vector<2000x1xi32>
      %jit3A = arith.constant -3.000000e+38 : f32
      %broadcast_in_dim3A_591 = vector.shape_cast %eq3A_590 : vector<2000x1xi1> to vector<2000x1xi1>
      %broadcast_in_dim3A_592 = vector.broadcast %broadcast_in_dim3A_591 : vector<2000x1xi1> to vector<2000x64xi1>
      %broadcast_in_dim3A_593 = vector.broadcast %jit3A : f32 to vector<2000x64xf32>
      %select_n3A = arith.select %broadcast_in_dim3A_592, %concatenate3A, %broadcast_in_dim3A_593 : vector<2000x64xi1>, vector<2000x64xf32>
      %reduce_max3A = arith.constant dense<0xFF800000> : vector<64xf32>
      %reduce_max3A_594 = vector.multi_reduction <maximumf>, %select_n3A, %reduce_max3A [0] : vector<2000x64xf32> to vector<64xf32>
      %get3A_595 = arith.constant 13 : index
      %get3A_596 = arith.constant 0 : index
      %get3A_597 = vector.load %arg11[%get3A_595, %get3A_596] : memref<32x64xf32, #tpu.memory_space<vmem>>, vector<1x64xf32>
      %get3A_598 = vector.shape_cast %get3A_597 : vector<1x64xf32> to vector<64xf32>
      %max3A = arith.maximumf %get3A_598, %reduce_max3A_594 : vector<64xf32>
      %swap3A_599 = arith.constant 13 : index
      %swap3A_600 = arith.constant 0 : index
      %swap3A_601 = vector.load %arg11[%swap3A_599, %swap3A_600] : memref<32x64xf32, #tpu.memory_space<vmem>>, vector<1x64xf32>
      %swap3A_602 = vector.shape_cast %swap3A_601 : vector<1x64xf32> to vector<64xf32>
      %swap3A_603 = vector.shape_cast %max3A : vector<64xf32> to vector<1x64xf32>
      tpu.vector_store %arg11[%swap3A_599, %swap3A_600], %swap3A_603 {strides = array<i32>} : memref<32x64xf32, #tpu.memory_space<vmem>>, vector<1x64xf32>,
    } else {
    }
    %le3A_144 = arith.constant 14 : i32
    %le3A_145 = arith.cmpi sle, %get3A_30, %le3A_144 : i32
    %ge3A_146 = arith.constant 14 : i32
    %ge3A_147 = arith.cmpi sge, %get3A_34, %ge3A_146 : i32
    %and3A_148 = arith.andi %le3A_145, %ge3A_147 : i1
    %convert_element_type3A_149 = arith.extui %and3A_148 : i1 to i32
    %cond3A_150 = arith.constant 0 : i32
    %cond3A_151 = arith.cmpi ne, %convert_element_type3A_149, %cond3A_150 : i32
    scf.if %cond3A_151 {
      %eq3A_588 = arith.constant 14 : i32
      %eq3A_589 = vector.broadcast %eq3A_588 : i32 to vector<2000x1xi32>
      %eq3A_590 = arith.cmpi eq, %get3A_13, %eq3A_589 : vector<2000x1xi32>
      %jit3A = arith.constant -3.000000e+38 : f32
      %broadcast_in_dim3A_591 = vector.shape_cast %eq3A_590 : vector<2000x1xi1> to vector<2000x1xi1>
      %broadcast_in_dim3A_592 = vector.broadcast %broadcast_in_dim3A_591 : vector<2000x1xi1> to vector<2000x64xi1>
      %broadcast_in_dim3A_593 = vector.broadcast %jit3A : f32 to vector<2000x64xf32>
      %select_n3A = arith.select %broadcast_in_dim3A_592, %concatenate3A, %broadcast_in_dim3A_593 : vector<2000x64xi1>, vector<2000x64xf32>
      %reduce_max3A = arith.constant dense<0xFF800000> : vector<64xf32>
      %reduce_max3A_594 = vector.multi_reduction <maximumf>, %select_n3A, %reduce_max3A [0] : vector<2000x64xf32> to vector<64xf32>
      %get3A_595 = arith.constant 14 : index
      %get3A_596 = arith.constant 0 : index
      %get3A_597 = vector.load %arg11[%get3A_595, %get3A_596] : memref<32x64xf32, #tpu.memory_space<vmem>>, vector<1x64xf32>
      %get3A_598 = vector.shape_cast %get3A_597 : vector<1x64xf32> to vector<64xf32>
      %max3A = arith.maximumf %get3A_598, %reduce_max3A_594 : vector<64xf32>
      %swap3A_599 = arith.constant 14 : index
      %swap3A_600 = arith.constant 0 : index
      %swap3A_601 = vector.load %arg11[%swap3A_599, %swap3A_600] : memref<32x64xf32, #tpu.memory_space<vmem>>, vector<1x64xf32>
      %swap3A_602 = vector.shape_cast %swap3A_601 : vector<1x64xf32> to vector<64xf32>
      %swap3A_603 = vector.shape_cast %max3A : vector<64xf32> to vector<1x64xf32>
      tpu.vector_store %arg11[%swap3A_599, %swap3A_600], %swap3A_603 {strides = array<i32>} : memref<32x64xf32, #tpu.memory_space<vmem>>, vector<1x64xf32>,
    } else {
    }
    %le3A_152 = arith.constant 15 : i32
    %le3A_153 = arith.cmpi sle, %get3A_30, %le3A_152 : i32
    %ge3A_154 = arith.constant 15 : i32
    %ge3A_155 = arith.cmpi sge, %get3A_34, %ge3A_154 : i32
    %and3A_156 = arith.andi %le3A_153, %ge3A_155 : i1
    %convert_element_type3A_157 = arith.extui %and3A_156 : i1 to i32
    %cond3A_158 = arith.constant 0 : i32
    %cond3A_159 = arith.cmpi ne, %convert_element_type3A_157, %cond3A_158 : i32
    scf.if %cond3A_159 {
      %eq3A_588 = arith.constant 15 : i32
      %eq3A_589 = vector.broadcast %eq3A_588 : i32 to vector<2000x1xi32>
      %eq3A_590 = arith.cmpi eq, %get3A_13, %eq3A_589 : vector<2000x1xi32>
      %jit3A = arith.constant -3.000000e+38 : f32
      %broadcast_in_dim3A_591 = vector.shape_cast %eq3A_590 : vector<2000x1xi1> to vector<2000x1xi1>
      %broadcast_in_dim3A_592 = vector.broadcast %broadcast_in_dim3A_591 : vector<2000x1xi1> to vector<2000x64xi1>
      %broadcast_in_dim3A_593 = vector.broadcast %jit3A : f32 to vector<2000x64xf32>
      %select_n3A = arith.select %broadcast_in_dim3A_592, %concatenate3A, %broadcast_in_dim3A_593 : vector<2000x64xi1>, vector<2000x64xf32>
      %reduce_max3A = arith.constant dense<0xFF800000> : vector<64xf32>
      %reduce_max3A_594 = vector.multi_reduction <maximumf>, %select_n3A, %reduce_max3A [0] : vector<2000x64xf32> to vector<64xf32>
      %get3A_595 = arith.constant 15 : index
      %get3A_596 = arith.constant 0 : index
      %get3A_597 = vector.load %arg11[%get3A_595, %get3A_596] : memref<32x64xf32, #tpu.memory_space<vmem>>, vector<1x64xf32>
      %get3A_598 = vector.shape_cast %get3A_597 : vector<1x64xf32> to vector<64xf32>
      %max3A = arith.maximumf %get3A_598, %reduce_max3A_594 : vector<64xf32>
      %swap3A_599 = arith.constant 15 : index
      %swap3A_600 = arith.constant 0 : index
      %swap3A_601 = vector.load %arg11[%swap3A_599, %swap3A_600] : memref<32x64xf32, #tpu.memory_space<vmem>>, vector<1x64xf32>
      %swap3A_602 = vector.shape_cast %swap3A_601 : vector<1x64xf32> to vector<64xf32>
      %swap3A_603 = vector.shape_cast %max3A : vector<64xf32> to vector<1x64xf32>
      tpu.vector_store %arg11[%swap3A_599, %swap3A_600], %swap3A_603 {strides = array<i32>} : memref<32x64xf32, #tpu.memory_space<vmem>>, vector<1x64xf32>,
    } else {
    }
    %le3A_160 = arith.constant 16 : i32
    %le3A_161 = arith.cmpi sle, %get3A_30, %le3A_160 : i32
    %ge3A_162 = arith.constant 16 : i32
    %ge3A_163 = arith.cmpi sge, %get3A_34, %ge3A_162 : i32
    %and3A_164 = arith.andi %le3A_161, %ge3A_163 : i1
    %convert_element_type3A_165 = arith.extui %and3A_164 : i1 to i32
    %cond3A_166 = arith.constant 0 : i32
    %cond3A_167 = arith.cmpi ne, %convert_element_type3A_165, %cond3A_166 : i32
    scf.if %cond3A_167 {
      %eq3A_588 = arith.constant 16 : i32
      %eq3A_589 = vector.broadcast %eq3A_588 : i32 to vector<2000x1xi32>
      %eq3A_590 = arith.cmpi eq, %get3A_13, %eq3A_589 : vector<2000x1xi32>
      %jit3A = arith.constant -3.000000e+38 : f32
      %broadcast_in_dim3A_591 = vector.shape_cast %eq3A_590 : vector<2000x1xi1> to vector<2000x1xi1>
      %broadcast_in_dim3A_592 = vector.broadcast %broadcast_in_dim3A_591 : vector<2000x1xi1> to vector<2000x64xi1>
      %broadcast_in_dim3A_593 = vector.broadcast %jit3A : f32 to vector<2000x64xf32>
      %select_n3A = arith.select %broadcast_in_dim3A_592, %concatenate3A, %broadcast_in_dim3A_593 : vector<2000x64xi1>, vector<2000x64xf32>
      %reduce_max3A = arith.constant dense<0xFF800000> : vector<64xf32>
      %reduce_max3A_594 = vector.multi_reduction <maximumf>, %select_n3A, %reduce_max3A [0] : vector<2000x64xf32> to vector<64xf32>
      %get3A_595 = arith.constant 16 : index
      %get3A_596 = arith.constant 0 : index
      %get3A_597 = vector.load %arg11[%get3A_595, %get3A_596] : memref<32x64xf32, #tpu.memory_space<vmem>>, vector<1x64xf32>
      %get3A_598 = vector.shape_cast %get3A_597 : vector<1x64xf32> to vector<64xf32>
      %max3A = arith.maximumf %get3A_598, %reduce_max3A_594 : vector<64xf32>
      %swap3A_599 = arith.constant 16 : index
      %swap3A_600 = arith.constant 0 : index
      %swap3A_601 = vector.load %arg11[%swap3A_599, %swap3A_600] : memref<32x64xf32, #tpu.memory_space<vmem>>, vector<1x64xf32>
      %swap3A_602 = vector.shape_cast %swap3A_601 : vector<1x64xf32> to vector<64xf32>
      %swap3A_603 = vector.shape_cast %max3A : vector<64xf32> to vector<1x64xf32>
      tpu.vector_store %arg11[%swap3A_599, %swap3A_600], %swap3A_603 {strides = array<i32>} : memref<32x64xf32, #tpu.memory_space<vmem>>, vector<1x64xf32>,
    } else {
    }
    %le3A_168 = arith.constant 17 : i32
    %le3A_169 = arith.cmpi sle, %get3A_30, %le3A_168 : i32
    %ge3A_170 = arith.constant 17 : i32
    %ge3A_171 = arith.cmpi sge, %get3A_34, %ge3A_170 : i32
    %and3A_172 = arith.andi %le3A_169, %ge3A_171 : i1
    %convert_element_type3A_173 = arith.extui %and3A_172 : i1 to i32
    %cond3A_174 = arith.constant 0 : i32
    %cond3A_175 = arith.cmpi ne, %convert_element_type3A_173, %cond3A_174 : i32
    scf.if %cond3A_175 {
      %eq3A_588 = arith.constant 17 : i32
      %eq3A_589 = vector.broadcast %eq3A_588 : i32 to vector<2000x1xi32>
      %eq3A_590 = arith.cmpi eq, %get3A_13, %eq3A_589 : vector<2000x1xi32>
      %jit3A = arith.constant -3.000000e+38 : f32
      %broadcast_in_dim3A_591 = vector.shape_cast %eq3A_590 : vector<2000x1xi1> to vector<2000x1xi1>
      %broadcast_in_dim3A_592 = vector.broadcast %broadcast_in_dim3A_591 : vector<2000x1xi1> to vector<2000x64xi1>
      %broadcast_in_dim3A_593 = vector.broadcast %jit3A : f32 to vector<2000x64xf32>
      %select_n3A = arith.select %broadcast_in_dim3A_592, %concatenate3A, %broadcast_in_dim3A_593 : vector<2000x64xi1>, vector<2000x64xf32>
      %reduce_max3A = arith.constant dense<0xFF800000> : vector<64xf32>
      %reduce_max3A_594 = vector.multi_reduction <maximumf>, %select_n3A, %reduce_max3A [0] : vector<2000x64xf32> to vector<64xf32>
      %get3A_595 = arith.constant 17 : index
      %get3A_596 = arith.constant 0 : index
      %get3A_597 = vector.load %arg11[%get3A_595, %get3A_596] : memref<32x64xf32, #tpu.memory_space<vmem>>, vector<1x64xf32>
      %get3A_598 = vector.shape_cast %get3A_597 : vector<1x64xf32> to vector<64xf32>
      %max3A = arith.maximumf %get3A_598, %reduce_max3A_594 : vector<64xf32>
      %swap3A_599 = arith.constant 17 : index
      %swap3A_600 = arith.constant 0 : index
      %swap3A_601 = vector.load %arg11[%swap3A_599, %swap3A_600] : memref<32x64xf32, #tpu.memory_space<vmem>>, vector<1x64xf32>
      %swap3A_602 = vector.shape_cast %swap3A_601 : vector<1x64xf32> to vector<64xf32>
      %swap3A_603 = vector.shape_cast %max3A : vector<64xf32> to vector<1x64xf32>
      tpu.vector_store %arg11[%swap3A_599, %swap3A_600], %swap3A_603 {strides = array<i32>} : memref<32x64xf32, #tpu.memory_space<vmem>>, vector<1x64xf32>,
    } else {
    }
    %le3A_176 = arith.constant 18 : i32
    %le3A_177 = arith.cmpi sle, %get3A_30, %le3A_176 : i32
    %ge3A_178 = arith.constant 18 : i32
    %ge3A_179 = arith.cmpi sge, %get3A_34, %ge3A_178 : i32
    %and3A_180 = arith.andi %le3A_177, %ge3A_179 : i1
    %convert_element_type3A_181 = arith.extui %and3A_180 : i1 to i32
    %cond3A_182 = arith.constant 0 : i32
    %cond3A_183 = arith.cmpi ne, %convert_element_type3A_181, %cond3A_182 : i32
    scf.if %cond3A_183 {
      %eq3A_588 = arith.constant 18 : i32
      %eq3A_589 = vector.broadcast %eq3A_588 : i32 to vector<2000x1xi32>
      %eq3A_590 = arith.cmpi eq, %get3A_13, %eq3A_589 : vector<2000x1xi32>
      %jit3A = arith.constant -3.000000e+38 : f32
      %broadcast_in_dim3A_591 = vector.shape_cast %eq3A_590 : vector<2000x1xi1> to vector<2000x1xi1>
      %broadcast_in_dim3A_592 = vector.broadcast %broadcast_in_dim3A_591 : vector<2000x1xi1> to vector<2000x64xi1>
      %broadcast_in_dim3A_593 = vector.broadcast %jit3A : f32 to vector<2000x64xf32>
      %select_n3A = arith.select %broadcast_in_dim3A_592, %concatenate3A, %broadcast_in_dim3A_593 : vector<2000x64xi1>, vector<2000x64xf32>
      %reduce_max3A = arith.constant dense<0xFF800000> : vector<64xf32>
      %reduce_max3A_594 = vector.multi_reduction <maximumf>, %select_n3A, %reduce_max3A [0] : vector<2000x64xf32> to vector<64xf32>
      %get3A_595 = arith.constant 18 : index
      %get3A_596 = arith.constant 0 : index
      %get3A_597 = vector.load %arg11[%get3A_595, %get3A_596] : memref<32x64xf32, #tpu.memory_space<vmem>>, vector<1x64xf32>
      %get3A_598 = vector.shape_cast %get3A_597 : vector<1x64xf32> to vector<64xf32>
      %max3A = arith.maximumf %get3A_598, %reduce_max3A_594 : vector<64xf32>
      %swap3A_599 = arith.constant 18 : index
      %swap3A_600 = arith.constant 0 : index
      %swap3A_601 = vector.load %arg11[%swap3A_599, %swap3A_600] : memref<32x64xf32, #tpu.memory_space<vmem>>, vector<1x64xf32>
      %swap3A_602 = vector.shape_cast %swap3A_601 : vector<1x64xf32> to vector<64xf32>
      %swap3A_603 = vector.shape_cast %max3A : vector<64xf32> to vector<1x64xf32>
      tpu.vector_store %arg11[%swap3A_599, %swap3A_600], %swap3A_603 {strides = array<i32>} : memref<32x64xf32, #tpu.memory_space<vmem>>, vector<1x64xf32>,
    } else {
    }
    %le3A_184 = arith.constant 19 : i32
    %le3A_185 = arith.cmpi sle, %get3A_30, %le3A_184 : i32
    %ge3A_186 = arith.constant 19 : i32
    %ge3A_187 = arith.cmpi sge, %get3A_34, %ge3A_186 : i32
    %and3A_188 = arith.andi %le3A_185, %ge3A_187 : i1
    %convert_element_type3A_189 = arith.extui %and3A_188 : i1 to i32
    %cond3A_190 = arith.constant 0 : i32
    %cond3A_191 = arith.cmpi ne, %convert_element_type3A_189, %cond3A_190 : i32
    scf.if %cond3A_191 {
      %eq3A_588 = arith.constant 19 : i32
      %eq3A_589 = vector.broadcast %eq3A_588 : i32 to vector<2000x1xi32>
      %eq3A_590 = arith.cmpi eq, %get3A_13, %eq3A_589 : vector<2000x1xi32>
      %jit3A = arith.constant -3.000000e+38 : f32
      %broadcast_in_dim3A_591 = vector.shape_cast %eq3A_590 : vector<2000x1xi1> to vector<2000x1xi1>
      %broadcast_in_dim3A_592 = vector.broadcast %broadcast_in_dim3A_591 : vector<2000x1xi1> to vector<2000x64xi1>
      %broadcast_in_dim3A_593 = vector.broadcast %jit3A : f32 to vector<2000x64xf32>
      %select_n3A = arith.select %broadcast_in_dim3A_592, %concatenate3A, %broadcast_in_dim3A_593 : vector<2000x64xi1>, vector<2000x64xf32>
      %reduce_max3A = arith.constant dense<0xFF800000> : vector<64xf32>
      %reduce_max3A_594 = vector.multi_reduction <maximumf>, %select_n3A, %reduce_max3A [0] : vector<2000x64xf32> to vector<64xf32>
      %get3A_595 = arith.constant 19 : index
      %get3A_596 = arith.constant 0 : index
      %get3A_597 = vector.load %arg11[%get3A_595, %get3A_596] : memref<32x64xf32, #tpu.memory_space<vmem>>, vector<1x64xf32>
      %get3A_598 = vector.shape_cast %get3A_597 : vector<1x64xf32> to vector<64xf32>
      %max3A = arith.maximumf %get3A_598, %reduce_max3A_594 : vector<64xf32>
      %swap3A_599 = arith.constant 19 : index
      %swap3A_600 = arith.constant 0 : index
      %swap3A_601 = vector.load %arg11[%swap3A_599, %swap3A_600] : memref<32x64xf32, #tpu.memory_space<vmem>>, vector<1x64xf32>
      %swap3A_602 = vector.shape_cast %swap3A_601 : vector<1x64xf32> to vector<64xf32>
      %swap3A_603 = vector.shape_cast %max3A : vector<64xf32> to vector<1x64xf32>
      tpu.vector_store %arg11[%swap3A_599, %swap3A_600], %swap3A_603 {strides = array<i32>} : memref<32x64xf32, #tpu.memory_space<vmem>>, vector<1x64xf32>,
    } else {
    }
    %le3A_192 = arith.constant 20 : i32
    %le3A_193 = arith.cmpi sle, %get3A_30, %le3A_192 : i32
    %ge3A_194 = arith.constant 20 : i32
    %ge3A_195 = arith.cmpi sge, %get3A_34, %ge3A_194 : i32
    %and3A_196 = arith.andi %le3A_193, %ge3A_195 : i1
    %convert_element_type3A_197 = arith.extui %and3A_196 : i1 to i32
    %cond3A_198 = arith.constant 0 : i32
    %cond3A_199 = arith.cmpi ne, %convert_element_type3A_197, %cond3A_198 : i32
    scf.if %cond3A_199 {
      %eq3A_588 = arith.constant 20 : i32
      %eq3A_589 = vector.broadcast %eq3A_588 : i32 to vector<2000x1xi32>
      %eq3A_590 = arith.cmpi eq, %get3A_13, %eq3A_589 : vector<2000x1xi32>
      %jit3A = arith.constant -3.000000e+38 : f32
      %broadcast_in_dim3A_591 = vector.shape_cast %eq3A_590 : vector<2000x1xi1> to vector<2000x1xi1>
      %broadcast_in_dim3A_592 = vector.broadcast %broadcast_in_dim3A_591 : vector<2000x1xi1> to vector<2000x64xi1>
      %broadcast_in_dim3A_593 = vector.broadcast %jit3A : f32 to vector<2000x64xf32>
      %select_n3A = arith.select %broadcast_in_dim3A_592, %concatenate3A, %broadcast_in_dim3A_593 : vector<2000x64xi1>, vector<2000x64xf32>
      %reduce_max3A = arith.constant dense<0xFF800000> : vector<64xf32>
      %reduce_max3A_594 = vector.multi_reduction <maximumf>, %select_n3A, %reduce_max3A [0] : vector<2000x64xf32> to vector<64xf32>
      %get3A_595 = arith.constant 20 : index
      %get3A_596 = arith.constant 0 : index
      %get3A_597 = vector.load %arg11[%get3A_595, %get3A_596] : memref<32x64xf32, #tpu.memory_space<vmem>>, vector<1x64xf32>
      %get3A_598 = vector.shape_cast %get3A_597 : vector<1x64xf32> to vector<64xf32>
      %max3A = arith.maximumf %get3A_598, %reduce_max3A_594 : vector<64xf32>
      %swap3A_599 = arith.constant 20 : index
      %swap3A_600 = arith.constant 0 : index
      %swap3A_601 = vector.load %arg11[%swap3A_599, %swap3A_600] : memref<32x64xf32, #tpu.memory_space<vmem>>, vector<1x64xf32>
      %swap3A_602 = vector.shape_cast %swap3A_601 : vector<1x64xf32> to vector<64xf32>
      %swap3A_603 = vector.shape_cast %max3A : vector<64xf32> to vector<1x64xf32>
      tpu.vector_store %arg11[%swap3A_599, %swap3A_600], %swap3A_603 {strides = array<i32>} : memref<32x64xf32, #tpu.memory_space<vmem>>, vector<1x64xf32>,
    } else {
    }
    %le3A_200 = arith.constant 21 : i32
    %le3A_201 = arith.cmpi sle, %get3A_30, %le3A_200 : i32
    %ge3A_202 = arith.constant 21 : i32
    %ge3A_203 = arith.cmpi sge, %get3A_34, %ge3A_202 : i32
    %and3A_204 = arith.andi %le3A_201, %ge3A_203 : i1
    %convert_element_type3A_205 = arith.extui %and3A_204 : i1 to i32
    %cond3A_206 = arith.constant 0 : i32
    %cond3A_207 = arith.cmpi ne, %convert_element_type3A_205, %cond3A_206 : i32
    scf.if %cond3A_207 {
      %eq3A_588 = arith.constant 21 : i32
      %eq3A_589 = vector.broadcast %eq3A_588 : i32 to vector<2000x1xi32>
      %eq3A_590 = arith.cmpi eq, %get3A_13, %eq3A_589 : vector<2000x1xi32>
      %jit3A = arith.constant -3.000000e+38 : f32
      %broadcast_in_dim3A_591 = vector.shape_cast %eq3A_590 : vector<2000x1xi1> to vector<2000x1xi1>
      %broadcast_in_dim3A_592 = vector.broadcast %broadcast_in_dim3A_591 : vector<2000x1xi1> to vector<2000x64xi1>
      %broadcast_in_dim3A_593 = vector.broadcast %jit3A : f32 to vector<2000x64xf32>
      %select_n3A = arith.select %broadcast_in_dim3A_592, %concatenate3A, %broadcast_in_dim3A_593 : vector<2000x64xi1>, vector<2000x64xf32>
      %reduce_max3A = arith.constant dense<0xFF800000> : vector<64xf32>
      %reduce_max3A_594 = vector.multi_reduction <maximumf>, %select_n3A, %reduce_max3A [0] : vector<2000x64xf32> to vector<64xf32>
      %get3A_595 = arith.constant 21 : index
      %get3A_596 = arith.constant 0 : index
      %get3A_597 = vector.load %arg11[%get3A_595, %get3A_596] : memref<32x64xf32, #tpu.memory_space<vmem>>, vector<1x64xf32>
      %get3A_598 = vector.shape_cast %get3A_597 : vector<1x64xf32> to vector<64xf32>
      %max3A = arith.maximumf %get3A_598, %reduce_max3A_594 : vector<64xf32>
      %swap3A_599 = arith.constant 21 : index
      %swap3A_600 = arith.constant 0 : index
      %swap3A_601 = vector.load %arg11[%swap3A_599, %swap3A_600] : memref<32x64xf32, #tpu.memory_space<vmem>>, vector<1x64xf32>
      %swap3A_602 = vector.shape_cast %swap3A_601 : vector<1x64xf32> to vector<64xf32>
      %swap3A_603 = vector.shape_cast %max3A : vector<64xf32> to vector<1x64xf32>
      tpu.vector_store %arg11[%swap3A_599, %swap3A_600], %swap3A_603 {strides = array<i32>} : memref<32x64xf32, #tpu.memory_space<vmem>>, vector<1x64xf32>,
    } else {
    }
    %le3A_208 = arith.constant 22 : i32
    %le3A_209 = arith.cmpi sle, %get3A_30, %le3A_208 : i32
    %ge3A_210 = arith.constant 22 : i32
    %ge3A_211 = arith.cmpi sge, %get3A_34, %ge3A_210 : i32
    %and3A_212 = arith.andi %le3A_209, %ge3A_211 : i1
    %convert_element_type3A_213 = arith.extui %and3A_212 : i1 to i32
    %cond3A_214 = arith.constant 0 : i32
    %cond3A_215 = arith.cmpi ne, %convert_element_type3A_213, %cond3A_214 : i32
    scf.if %cond3A_215 {
      %eq3A_588 = arith.constant 22 : i32
      %eq3A_589 = vector.broadcast %eq3A_588 : i32 to vector<2000x1xi32>
      %eq3A_590 = arith.cmpi eq, %get3A_13, %eq3A_589 : vector<2000x1xi32>
      %jit3A = arith.constant -3.000000e+38 : f32
      %broadcast_in_dim3A_591 = vector.shape_cast %eq3A_590 : vector<2000x1xi1> to vector<2000x1xi1>
      %broadcast_in_dim3A_592 = vector.broadcast %broadcast_in_dim3A_591 : vector<2000x1xi1> to vector<2000x64xi1>
      %broadcast_in_dim3A_593 = vector.broadcast %jit3A : f32 to vector<2000x64xf32>
      %select_n3A = arith.select %broadcast_in_dim3A_592, %concatenate3A, %broadcast_in_dim3A_593 : vector<2000x64xi1>, vector<2000x64xf32>
      %reduce_max3A = arith.constant dense<0xFF800000> : vector<64xf32>
      %reduce_max3A_594 = vector.multi_reduction <maximumf>, %select_n3A, %reduce_max3A [0] : vector<2000x64xf32> to vector<64xf32>
      %get3A_595 = arith.constant 22 : index
      %get3A_596 = arith.constant 0 : index
      %get3A_597 = vector.load %arg11[%get3A_595, %get3A_596] : memref<32x64xf32, #tpu.memory_space<vmem>>, vector<1x64xf32>
      %get3A_598 = vector.shape_cast %get3A_597 : vector<1x64xf32> to vector<64xf32>
      %max3A = arith.maximumf %get3A_598, %reduce_max3A_594 : vector<64xf32>
      %swap3A_599 = arith.constant 22 : index
      %swap3A_600 = arith.constant 0 : index
      %swap3A_601 = vector.load %arg11[%swap3A_599, %swap3A_600] : memref<32x64xf32, #tpu.memory_space<vmem>>, vector<1x64xf32>
      %swap3A_602 = vector.shape_cast %swap3A_601 : vector<1x64xf32> to vector<64xf32>
      %swap3A_603 = vector.shape_cast %max3A : vector<64xf32> to vector<1x64xf32>
      tpu.vector_store %arg11[%swap3A_599, %swap3A_600], %swap3A_603 {strides = array<i32>} : memref<32x64xf32, #tpu.memory_space<vmem>>, vector<1x64xf32>,
    } else {
    }
    %le3A_216 = arith.constant 23 : i32
    %le3A_217 = arith.cmpi sle, %get3A_30, %le3A_216 : i32
    %ge3A_218 = arith.constant 23 : i32
    %ge3A_219 = arith.cmpi sge, %get3A_34, %ge3A_218 : i32
    %and3A_220 = arith.andi %le3A_217, %ge3A_219 : i1
    %convert_element_type3A_221 = arith.extui %and3A_220 : i1 to i32
    %cond3A_222 = arith.constant 0 : i32
    %cond3A_223 = arith.cmpi ne, %convert_element_type3A_221, %cond3A_222 : i32
    scf.if %cond3A_223 {
      %eq3A_588 = arith.constant 23 : i32
      %eq3A_589 = vector.broadcast %eq3A_588 : i32 to vector<2000x1xi32>
      %eq3A_590 = arith.cmpi eq, %get3A_13, %eq3A_589 : vector<2000x1xi32>
      %jit3A = arith.constant -3.000000e+38 : f32
      %broadcast_in_dim3A_591 = vector.shape_cast %eq3A_590 : vector<2000x1xi1> to vector<2000x1xi1>
      %broadcast_in_dim3A_592 = vector.broadcast %broadcast_in_dim3A_591 : vector<2000x1xi1> to vector<2000x64xi1>
      %broadcast_in_dim3A_593 = vector.broadcast %jit3A : f32 to vector<2000x64xf32>
      %select_n3A = arith.select %broadcast_in_dim3A_592, %concatenate3A, %broadcast_in_dim3A_593 : vector<2000x64xi1>, vector<2000x64xf32>
      %reduce_max3A = arith.constant dense<0xFF800000> : vector<64xf32>
      %reduce_max3A_594 = vector.multi_reduction <maximumf>, %select_n3A, %reduce_max3A [0] : vector<2000x64xf32> to vector<64xf32>
      %get3A_595 = arith.constant 23 : index
      %get3A_596 = arith.constant 0 : index
      %get3A_597 = vector.load %arg11[%get3A_595, %get3A_596] : memref<32x64xf32, #tpu.memory_space<vmem>>, vector<1x64xf32>
      %get3A_598 = vector.shape_cast %get3A_597 : vector<1x64xf32> to vector<64xf32>
      %max3A = arith.maximumf %get3A_598, %reduce_max3A_594 : vector<64xf32>
      %swap3A_599 = arith.constant 23 : index
      %swap3A_600 = arith.constant 0 : index
      %swap3A_601 = vector.load %arg11[%swap3A_599, %swap3A_600] : memref<32x64xf32, #tpu.memory_space<vmem>>, vector<1x64xf32>
      %swap3A_602 = vector.shape_cast %swap3A_601 : vector<1x64xf32> to vector<64xf32>
      %swap3A_603 = vector.shape_cast %max3A : vector<64xf32> to vector<1x64xf32>
      tpu.vector_store %arg11[%swap3A_599, %swap3A_600], %swap3A_603 {strides = array<i32>} : memref<32x64xf32, #tpu.memory_space<vmem>>, vector<1x64xf32>,
    } else {
    }
    %le3A_224 = arith.constant 24 : i32
    %le3A_225 = arith.cmpi sle, %get3A_30, %le3A_224 : i32
    %ge3A_226 = arith.constant 24 : i32
    %ge3A_227 = arith.cmpi sge, %get3A_34, %ge3A_226 : i32
    %and3A_228 = arith.andi %le3A_225, %ge3A_227 : i1
    %convert_element_type3A_229 = arith.extui %and3A_228 : i1 to i32
    %cond3A_230 = arith.constant 0 : i32
    %cond3A_231 = arith.cmpi ne, %convert_element_type3A_229, %cond3A_230 : i32
    scf.if %cond3A_231 {
      %eq3A_588 = arith.constant 24 : i32
      %eq3A_589 = vector.broadcast %eq3A_588 : i32 to vector<2000x1xi32>
      %eq3A_590 = arith.cmpi eq, %get3A_13, %eq3A_589 : vector<2000x1xi32>
      %jit3A = arith.constant -3.000000e+38 : f32
      %broadcast_in_dim3A_591 = vector.shape_cast %eq3A_590 : vector<2000x1xi1> to vector<2000x1xi1>
      %broadcast_in_dim3A_592 = vector.broadcast %broadcast_in_dim3A_591 : vector<2000x1xi1> to vector<2000x64xi1>
      %broadcast_in_dim3A_593 = vector.broadcast %jit3A : f32 to vector<2000x64xf32>
      %select_n3A = arith.select %broadcast_in_dim3A_592, %concatenate3A, %broadcast_in_dim3A_593 : vector<2000x64xi1>, vector<2000x64xf32>
      %reduce_max3A = arith.constant dense<0xFF800000> : vector<64xf32>
      %reduce_max3A_594 = vector.multi_reduction <maximumf>, %select_n3A, %reduce_max3A [0] : vector<2000x64xf32> to vector<64xf32>
      %get3A_595 = arith.constant 24 : index
      %get3A_596 = arith.constant 0 : index
      %get3A_597 = vector.load %arg11[%get3A_595, %get3A_596] : memref<32x64xf32, #tpu.memory_space<vmem>>, vector<1x64xf32>
      %get3A_598 = vector.shape_cast %get3A_597 : vector<1x64xf32> to vector<64xf32>
      %max3A = arith.maximumf %get3A_598, %reduce_max3A_594 : vector<64xf32>
      %swap3A_599 = arith.constant 24 : index
      %swap3A_600 = arith.constant 0 : index
      %swap3A_601 = vector.load %arg11[%swap3A_599, %swap3A_600] : memref<32x64xf32, #tpu.memory_space<vmem>>, vector<1x64xf32>
      %swap3A_602 = vector.shape_cast %swap3A_601 : vector<1x64xf32> to vector<64xf32>
      %swap3A_603 = vector.shape_cast %max3A : vector<64xf32> to vector<1x64xf32>
      tpu.vector_store %arg11[%swap3A_599, %swap3A_600], %swap3A_603 {strides = array<i32>} : memref<32x64xf32, #tpu.memory_space<vmem>>, vector<1x64xf32>,
    } else {
    }
    %le3A_232 = arith.constant 25 : i32
    %le3A_233 = arith.cmpi sle, %get3A_30, %le3A_232 : i32
    %ge3A_234 = arith.constant 25 : i32
    %ge3A_235 = arith.cmpi sge, %get3A_34, %ge3A_234 : i32
    %and3A_236 = arith.andi %le3A_233, %ge3A_235 : i1
    %convert_element_type3A_237 = arith.extui %and3A_236 : i1 to i32
    %cond3A_238 = arith.constant 0 : i32
    %cond3A_239 = arith.cmpi ne, %convert_element_type3A_237, %cond3A_238 : i32
    scf.if %cond3A_239 {
      %eq3A_588 = arith.constant 25 : i32
      %eq3A_589 = vector.broadcast %eq3A_588 : i32 to vector<2000x1xi32>
      %eq3A_590 = arith.cmpi eq, %get3A_13, %eq3A_589 : vector<2000x1xi32>
      %jit3A = arith.constant -3.000000e+38 : f32
      %broadcast_in_dim3A_591 = vector.shape_cast %eq3A_590 : vector<2000x1xi1> to vector<2000x1xi1>
      %broadcast_in_dim3A_592 = vector.broadcast %broadcast_in_dim3A_591 : vector<2000x1xi1> to vector<2000x64xi1>
      %broadcast_in_dim3A_593 = vector.broadcast %jit3A : f32 to vector<2000x64xf32>
      %select_n3A = arith.select %broadcast_in_dim3A_592, %concatenate3A, %broadcast_in_dim3A_593 : vector<2000x64xi1>, vector<2000x64xf32>
      %reduce_max3A = arith.constant dense<0xFF800000> : vector<64xf32>
      %reduce_max3A_594 = vector.multi_reduction <maximumf>, %select_n3A, %reduce_max3A [0] : vector<2000x64xf32> to vector<64xf32>
      %get3A_595 = arith.constant 25 : index
      %get3A_596 = arith.constant 0 : index
      %get3A_597 = vector.load %arg11[%get3A_595, %get3A_596] : memref<32x64xf32, #tpu.memory_space<vmem>>, vector<1x64xf32>
      %get3A_598 = vector.shape_cast %get3A_597 : vector<1x64xf32> to vector<64xf32>
      %max3A = arith.maximumf %get3A_598, %reduce_max3A_594 : vector<64xf32>
      %swap3A_599 = arith.constant 25 : index
      %swap3A_600 = arith.constant 0 : index
      %swap3A_601 = vector.load %arg11[%swap3A_599, %swap3A_600] : memref<32x64xf32, #tpu.memory_space<vmem>>, vector<1x64xf32>
      %swap3A_602 = vector.shape_cast %swap3A_601 : vector<1x64xf32> to vector<64xf32>
      %swap3A_603 = vector.shape_cast %max3A : vector<64xf32> to vector<1x64xf32>
      tpu.vector_store %arg11[%swap3A_599, %swap3A_600], %swap3A_603 {strides = array<i32>} : memref<32x64xf32, #tpu.memory_space<vmem>>, vector<1x64xf32>,
    } else {
    }
    %le3A_240 = arith.constant 26 : i32
    %le3A_241 = arith.cmpi sle, %get3A_30, %le3A_240 : i32
    %ge3A_242 = arith.constant 26 : i32
    %ge3A_243 = arith.cmpi sge, %get3A_34, %ge3A_242 : i32
    %and3A_244 = arith.andi %le3A_241, %ge3A_243 : i1
    %convert_element_type3A_245 = arith.extui %and3A_244 : i1 to i32
    %cond3A_246 = arith.constant 0 : i32
    %cond3A_247 = arith.cmpi ne, %convert_element_type3A_245, %cond3A_246 : i32
    scf.if %cond3A_247 {
      %eq3A_588 = arith.constant 26 : i32
      %eq3A_589 = vector.broadcast %eq3A_588 : i32 to vector<2000x1xi32>
      %eq3A_590 = arith.cmpi eq, %get3A_13, %eq3A_589 : vector<2000x1xi32>
      %jit3A = arith.constant -3.000000e+38 : f32
      %broadcast_in_dim3A_591 = vector.shape_cast %eq3A_590 : vector<2000x1xi1> to vector<2000x1xi1>
      %broadcast_in_dim3A_592 = vector.broadcast %broadcast_in_dim3A_591 : vector<2000x1xi1> to vector<2000x64xi1>
      %broadcast_in_dim3A_593 = vector.broadcast %jit3A : f32 to vector<2000x64xf32>
      %select_n3A = arith.select %broadcast_in_dim3A_592, %concatenate3A, %broadcast_in_dim3A_593 : vector<2000x64xi1>, vector<2000x64xf32>
      %reduce_max3A = arith.constant dense<0xFF800000> : vector<64xf32>
      %reduce_max3A_594 = vector.multi_reduction <maximumf>, %select_n3A, %reduce_max3A [0] : vector<2000x64xf32> to vector<64xf32>
      %get3A_595 = arith.constant 26 : index
      %get3A_596 = arith.constant 0 : index
      %get3A_597 = vector.load %arg11[%get3A_595, %get3A_596] : memref<32x64xf32, #tpu.memory_space<vmem>>, vector<1x64xf32>
      %get3A_598 = vector.shape_cast %get3A_597 : vector<1x64xf32> to vector<64xf32>
      %max3A = arith.maximumf %get3A_598, %reduce_max3A_594 : vector<64xf32>
      %swap3A_599 = arith.constant 26 : index
      %swap3A_600 = arith.constant 0 : index
      %swap3A_601 = vector.load %arg11[%swap3A_599, %swap3A_600] : memref<32x64xf32, #tpu.memory_space<vmem>>, vector<1x64xf32>
      %swap3A_602 = vector.shape_cast %swap3A_601 : vector<1x64xf32> to vector<64xf32>
      %swap3A_603 = vector.shape_cast %max3A : vector<64xf32> to vector<1x64xf32>
      tpu.vector_store %arg11[%swap3A_599, %swap3A_600], %swap3A_603 {strides = array<i32>} : memref<32x64xf32, #tpu.memory_space<vmem>>, vector<1x64xf32>,
    } else {
    }
    %le3A_248 = arith.constant 27 : i32
    %le3A_249 = arith.cmpi sle, %get3A_30, %le3A_248 : i32
    %ge3A_250 = arith.constant 27 : i32
    %ge3A_251 = arith.cmpi sge, %get3A_34, %ge3A_250 : i32
    %and3A_252 = arith.andi %le3A_249, %ge3A_251 : i1
    %convert_element_type3A_253 = arith.extui %and3A_252 : i1 to i32
    %cond3A_254 = arith.constant 0 : i32
    %cond3A_255 = arith.cmpi ne, %convert_element_type3A_253, %cond3A_254 : i32
    scf.if %cond3A_255 {
      %eq3A_588 = arith.constant 27 : i32
      %eq3A_589 = vector.broadcast %eq3A_588 : i32 to vector<2000x1xi32>
      %eq3A_590 = arith.cmpi eq, %get3A_13, %eq3A_589 : vector<2000x1xi32>
      %jit3A = arith.constant -3.000000e+38 : f32
      %broadcast_in_dim3A_591 = vector.shape_cast %eq3A_590 : vector<2000x1xi1> to vector<2000x1xi1>
      %broadcast_in_dim3A_592 = vector.broadcast %broadcast_in_dim3A_591 : vector<2000x1xi1> to vector<2000x64xi1>
      %broadcast_in_dim3A_593 = vector.broadcast %jit3A : f32 to vector<2000x64xf32>
      %select_n3A = arith.select %broadcast_in_dim3A_592, %concatenate3A, %broadcast_in_dim3A_593 : vector<2000x64xi1>, vector<2000x64xf32>
      %reduce_max3A = arith.constant dense<0xFF800000> : vector<64xf32>
      %reduce_max3A_594 = vector.multi_reduction <maximumf>, %select_n3A, %reduce_max3A [0] : vector<2000x64xf32> to vector<64xf32>
      %get3A_595 = arith.constant 27 : index
      %get3A_596 = arith.constant 0 : index
      %get3A_597 = vector.load %arg11[%get3A_595, %get3A_596] : memref<32x64xf32, #tpu.memory_space<vmem>>, vector<1x64xf32>
      %get3A_598 = vector.shape_cast %get3A_597 : vector<1x64xf32> to vector<64xf32>
      %max3A = arith.maximumf %get3A_598, %reduce_max3A_594 : vector<64xf32>
      %swap3A_599 = arith.constant 27 : index
      %swap3A_600 = arith.constant 0 : index
      %swap3A_601 = vector.load %arg11[%swap3A_599, %swap3A_600] : memref<32x64xf32, #tpu.memory_space<vmem>>, vector<1x64xf32>
      %swap3A_602 = vector.shape_cast %swap3A_601 : vector<1x64xf32> to vector<64xf32>
      %swap3A_603 = vector.shape_cast %max3A : vector<64xf32> to vector<1x64xf32>
      tpu.vector_store %arg11[%swap3A_599, %swap3A_600], %swap3A_603 {strides = array<i32>} : memref<32x64xf32, #tpu.memory_space<vmem>>, vector<1x64xf32>,
    } else {
    }
    %le3A_256 = arith.constant 28 : i32
    %le3A_257 = arith.cmpi sle, %get3A_30, %le3A_256 : i32
    %ge3A_258 = arith.constant 28 : i32
    %ge3A_259 = arith.cmpi sge, %get3A_34, %ge3A_258 : i32
    %and3A_260 = arith.andi %le3A_257, %ge3A_259 : i1
    %convert_element_type3A_261 = arith.extui %and3A_260 : i1 to i32
    %cond3A_262 = arith.constant 0 : i32
    %cond3A_263 = arith.cmpi ne, %convert_element_type3A_261, %cond3A_262 : i32
    scf.if %cond3A_263 {
      %eq3A_588 = arith.constant 28 : i32
      %eq3A_589 = vector.broadcast %eq3A_588 : i32 to vector<2000x1xi32>
      %eq3A_590 = arith.cmpi eq, %get3A_13, %eq3A_589 : vector<2000x1xi32>
      %jit3A = arith.constant -3.000000e+38 : f32
      %broadcast_in_dim3A_591 = vector.shape_cast %eq3A_590 : vector<2000x1xi1> to vector<2000x1xi1>
      %broadcast_in_dim3A_592 = vector.broadcast %broadcast_in_dim3A_591 : vector<2000x1xi1> to vector<2000x64xi1>
      %broadcast_in_dim3A_593 = vector.broadcast %jit3A : f32 to vector<2000x64xf32>
      %select_n3A = arith.select %broadcast_in_dim3A_592, %concatenate3A, %broadcast_in_dim3A_593 : vector<2000x64xi1>, vector<2000x64xf32>
      %reduce_max3A = arith.constant dense<0xFF800000> : vector<64xf32>
      %reduce_max3A_594 = vector.multi_reduction <maximumf>, %select_n3A, %reduce_max3A [0] : vector<2000x64xf32> to vector<64xf32>
      %get3A_595 = arith.constant 28 : index
      %get3A_596 = arith.constant 0 : index
      %get3A_597 = vector.load %arg11[%get3A_595, %get3A_596] : memref<32x64xf32, #tpu.memory_space<vmem>>, vector<1x64xf32>
      %get3A_598 = vector.shape_cast %get3A_597 : vector<1x64xf32> to vector<64xf32>
      %max3A = arith.maximumf %get3A_598, %reduce_max3A_594 : vector<64xf32>
      %swap3A_599 = arith.constant 28 : index
      %swap3A_600 = arith.constant 0 : index
      %swap3A_601 = vector.load %arg11[%swap3A_599, %swap3A_600] : memref<32x64xf32, #tpu.memory_space<vmem>>, vector<1x64xf32>
      %swap3A_602 = vector.shape_cast %swap3A_601 : vector<1x64xf32> to vector<64xf32>
      %swap3A_603 = vector.shape_cast %max3A : vector<64xf32> to vector<1x64xf32>
      tpu.vector_store %arg11[%swap3A_599, %swap3A_600], %swap3A_603 {strides = array<i32>} : memref<32x64xf32, #tpu.memory_space<vmem>>, vector<1x64xf32>,
    } else {
    }
    %le3A_264 = arith.constant 29 : i32
    %le3A_265 = arith.cmpi sle, %get3A_30, %le3A_264 : i32
    %ge3A_266 = arith.constant 29 : i32
    %ge3A_267 = arith.cmpi sge, %get3A_34, %ge3A_266 : i32
    %and3A_268 = arith.andi %le3A_265, %ge3A_267 : i1
    %convert_element_type3A_269 = arith.extui %and3A_268 : i1 to i32
    %cond3A_270 = arith.constant 0 : i32
    %cond3A_271 = arith.cmpi ne, %convert_element_type3A_269, %cond3A_270 : i32
    scf.if %cond3A_271 {
      %eq3A_588 = arith.constant 29 : i32
      %eq3A_589 = vector.broadcast %eq3A_588 : i32 to vector<2000x1xi32>
      %eq3A_590 = arith.cmpi eq, %get3A_13, %eq3A_589 : vector<2000x1xi32>
      %jit3A = arith.constant -3.000000e+38 : f32
      %broadcast_in_dim3A_591 = vector.shape_cast %eq3A_590 : vector<2000x1xi1> to vector<2000x1xi1>
      %broadcast_in_dim3A_592 = vector.broadcast %broadcast_in_dim3A_591 : vector<2000x1xi1> to vector<2000x64xi1>
      %broadcast_in_dim3A_593 = vector.broadcast %jit3A : f32 to vector<2000x64xf32>
      %select_n3A = arith.select %broadcast_in_dim3A_592, %concatenate3A, %broadcast_in_dim3A_593 : vector<2000x64xi1>, vector<2000x64xf32>
      %reduce_max3A = arith.constant dense<0xFF800000> : vector<64xf32>
      %reduce_max3A_594 = vector.multi_reduction <maximumf>, %select_n3A, %reduce_max3A [0] : vector<2000x64xf32> to vector<64xf32>
      %get3A_595 = arith.constant 29 : index
      %get3A_596 = arith.constant 0 : index
      %get3A_597 = vector.load %arg11[%get3A_595, %get3A_596] : memref<32x64xf32, #tpu.memory_space<vmem>>, vector<1x64xf32>
      %get3A_598 = vector.shape_cast %get3A_597 : vector<1x64xf32> to vector<64xf32>
      %max3A = arith.maximumf %get3A_598, %reduce_max3A_594 : vector<64xf32>
      %swap3A_599 = arith.constant 29 : index
      %swap3A_600 = arith.constant 0 : index
      %swap3A_601 = vector.load %arg11[%swap3A_599, %swap3A_600] : memref<32x64xf32, #tpu.memory_space<vmem>>, vector<1x64xf32>
      %swap3A_602 = vector.shape_cast %swap3A_601 : vector<1x64xf32> to vector<64xf32>
      %swap3A_603 = vector.shape_cast %max3A : vector<64xf32> to vector<1x64xf32>
      tpu.vector_store %arg11[%swap3A_599, %swap3A_600], %swap3A_603 {strides = array<i32>} : memref<32x64xf32, #tpu.memory_space<vmem>>, vector<1x64xf32>,
    } else {
    }
    %le3A_272 = arith.constant 30 : i32
    %le3A_273 = arith.cmpi sle, %get3A_30, %le3A_272 : i32
    %ge3A_274 = arith.constant 30 : i32
    %ge3A_275 = arith.cmpi sge, %get3A_34, %ge3A_274 : i32
    %and3A_276 = arith.andi %le3A_273, %ge3A_275 : i1
    %convert_element_type3A_277 = arith.extui %and3A_276 : i1 to i32
    %cond3A_278 = arith.constant 0 : i32
    %cond3A_279 = arith.cmpi ne, %convert_element_type3A_277, %cond3A_278 : i32
    scf.if %cond3A_279 {
      %eq3A_588 = arith.constant 30 : i32
      %eq3A_589 = vector.broadcast %eq3A_588 : i32 to vector<2000x1xi32>
      %eq3A_590 = arith.cmpi eq, %get3A_13, %eq3A_589 : vector<2000x1xi32>
      %jit3A = arith.constant -3.000000e+38 : f32
      %broadcast_in_dim3A_591 = vector.shape_cast %eq3A_590 : vector<2000x1xi1> to vector<2000x1xi1>
      %broadcast_in_dim3A_592 = vector.broadcast %broadcast_in_dim3A_591 : vector<2000x1xi1> to vector<2000x64xi1>
      %broadcast_in_dim3A_593 = vector.broadcast %jit3A : f32 to vector<2000x64xf32>
      %select_n3A = arith.select %broadcast_in_dim3A_592, %concatenate3A, %broadcast_in_dim3A_593 : vector<2000x64xi1>, vector<2000x64xf32>
      %reduce_max3A = arith.constant dense<0xFF800000> : vector<64xf32>
      %reduce_max3A_594 = vector.multi_reduction <maximumf>, %select_n3A, %reduce_max3A [0] : vector<2000x64xf32> to vector<64xf32>
      %get3A_595 = arith.constant 30 : index
      %get3A_596 = arith.constant 0 : index
      %get3A_597 = vector.load %arg11[%get3A_595, %get3A_596] : memref<32x64xf32, #tpu.memory_space<vmem>>, vector<1x64xf32>
      %get3A_598 = vector.shape_cast %get3A_597 : vector<1x64xf32> to vector<64xf32>
      %max3A = arith.maximumf %get3A_598, %reduce_max3A_594 : vector<64xf32>
      %swap3A_599 = arith.constant 30 : index
      %swap3A_600 = arith.constant 0 : index
      %swap3A_601 = vector.load %arg11[%swap3A_599, %swap3A_600] : memref<32x64xf32, #tpu.memory_space<vmem>>, vector<1x64xf32>
      %swap3A_602 = vector.shape_cast %swap3A_601 : vector<1x64xf32> to vector<64xf32>
      %swap3A_603 = vector.shape_cast %max3A : vector<64xf32> to vector<1x64xf32>
      tpu.vector_store %arg11[%swap3A_599, %swap3A_600], %swap3A_603 {strides = array<i32>} : memref<32x64xf32, #tpu.memory_space<vmem>>, vector<1x64xf32>,
    } else {
    }
    %le3A_280 = arith.constant 31 : i32
    %le3A_281 = arith.cmpi sle, %get3A_30, %le3A_280 : i32
    %ge3A_282 = arith.constant 31 : i32
    %ge3A_283 = arith.cmpi sge, %get3A_34, %ge3A_282 : i32
    %and3A_284 = arith.andi %le3A_281, %ge3A_283 : i1
    %convert_element_type3A_285 = arith.extui %and3A_284 : i1 to i32
    %cond3A_286 = arith.constant 0 : i32
    %cond3A_287 = arith.cmpi ne, %convert_element_type3A_285, %cond3A_286 : i32
    scf.if %cond3A_287 {
      %eq3A_588 = arith.constant 31 : i32
      %eq3A_589 = vector.broadcast %eq3A_588 : i32 to vector<2000x1xi32>
      %eq3A_590 = arith.cmpi eq, %get3A_13, %eq3A_589 : vector<2000x1xi32>
      %jit3A = arith.constant -3.000000e+38 : f32
      %broadcast_in_dim3A_591 = vector.shape_cast %eq3A_590 : vector<2000x1xi1> to vector<2000x1xi1>
      %broadcast_in_dim3A_592 = vector.broadcast %broadcast_in_dim3A_591 : vector<2000x1xi1> to vector<2000x64xi1>
      %broadcast_in_dim3A_593 = vector.broadcast %jit3A : f32 to vector<2000x64xf32>
      %select_n3A = arith.select %broadcast_in_dim3A_592, %concatenate3A, %broadcast_in_dim3A_593 : vector<2000x64xi1>, vector<2000x64xf32>
      %reduce_max3A = arith.constant dense<0xFF800000> : vector<64xf32>
      %reduce_max3A_594 = vector.multi_reduction <maximumf>, %select_n3A, %reduce_max3A [0] : vector<2000x64xf32> to vector<64xf32>
      %get3A_595 = arith.constant 31 : index
      %get3A_596 = arith.constant 0 : index
      %get3A_597 = vector.load %arg11[%get3A_595, %get3A_596] : memref<32x64xf32, #tpu.memory_space<vmem>>, vector<1x64xf32>
      %get3A_598 = vector.shape_cast %get3A_597 : vector<1x64xf32> to vector<64xf32>
      %max3A = arith.maximumf %get3A_598, %reduce_max3A_594 : vector<64xf32>
      %swap3A_599 = arith.constant 31 : index
      %swap3A_600 = arith.constant 0 : index
      %swap3A_601 = vector.load %arg11[%swap3A_599, %swap3A_600] : memref<32x64xf32, #tpu.memory_space<vmem>>, vector<1x64xf32>
      %swap3A_602 = vector.shape_cast %swap3A_601 : vector<1x64xf32> to vector<64xf32>
      %swap3A_603 = vector.shape_cast %max3A : vector<64xf32> to vector<1x64xf32>
      tpu.vector_store %arg11[%swap3A_599, %swap3A_600], %swap3A_603 {strides = array<i32>} : memref<32x64xf32, #tpu.memory_space<vmem>>, vector<1x64xf32>,
    } else {
    }
    %get3A_288 = arith.constant 0 : index
    %get3A_289 = arith.constant 0 : index
    %get3A_290 = arith.constant 0 : index
    %get3A_291 = vector.load %arg2[%get3A_288, %get3A_289, %get3A_290] : memref<2x2000x32xf32, #tpu.memory_space<vmem>>, vector<1x2000x32xf32>
    %get3A_292 = vector.shape_cast %get3A_291 : vector<1x2000x32xf32> to vector<2000x32xf32>
    %get3A_293 = arith.constant 1 : index
    %get3A_294 = arith.constant 0 : index
    %get3A_295 = arith.constant 0 : index
    %get3A_296 = vector.load %arg2[%get3A_293, %get3A_294, %get3A_295] : memref<2x2000x32xf32, #tpu.memory_space<vmem>>, vector<1x2000x32xf32>
    %get3A_297 = vector.shape_cast %get3A_296 : vector<1x2000x32xf32> to vector<2000x32xf32>
    %concatenate3A_298 = tpu.concatenate %get3A_292, %get3A_297 in 1 : vector<2000x32xf32>, vector<2000x32xf32> -> vector<2000x64xf32>
    %get3A_299 = arith.constant 0 : index
    %get3A_300 = arith.constant 0 : index
    %get3A_301 = vector.load %arg4[%get3A_299, %get3A_300] : memref<2000x1xi32, #tpu.memory_space<vmem>>, vector<2000x1xi32>
    %eq3A_302 = vector.broadcast %get3A_301 : vector<2000x1xi32> to vector<2000x32xi32>
    %eq3A_303 = vector.broadcast %iota3A : vector<1x32xi32> to vector<2000x32xi32>
    %eq3A_304 = arith.cmpi eq, %eq3A_302, %eq3A_303 : vector<2000x32xi32>
    %convert_element_type3A_305 = arith.extui %eq3A_304 : vector<2000x32xi1> to vector<2000x32xi32>
    %convert_element_type3A_306 = arith.sitofp %convert_element_type3A_305 : vector<2000x32xi32> to vector<2000x32xf32>
    %broadcast_in_dim3A_307 = arith.constant 1.000000e+00 : f32
    %broadcast_in_dim3A_308 = vector.broadcast %broadcast_in_dim3A_307 : f32 to vector<2000x8xf32>
    %concatenate3A_309 = tpu.concatenate %concatenate3A_298, %broadcast_in_dim3A_308 in 1 : vector<2000x64xf32>, vector<2000x8xf32> -> vector<2000x72xf32>
    %get3A_310 = arith.constant 0 : index
    %get3A_311 = arith.constant 0 : index
    %get3A_312 = vector.load %arg12[%get3A_310, %get3A_311] : memref<32x72xf32, #tpu.memory_space<vmem>>, vector<32x72xf32>
    %dot_general3A_313 = arith.constant dense<0.000000e+00> : vector<32x72xf32>
    %dot_general3A_314 = tpu.matmul %convert_element_type3A_306, %concatenate3A_309, %dot_general3A_313 {dimension_numbers = #tpu.dot_dimension_numbers<[0], [0], [1], [1], [0, 1, 1, 1], [], []>, precision = #tpu.contract_precision<fp32>, transpose_lhs_hint = false} : vector<2000x32xf32>, vector<2000x72xf32>, vector<32x72xf32> -> vector<32x72xf32>
    %add3A_315 = arith.addf %get3A_312, %dot_general3A_314 : vector<32x72xf32>
    %swap3A_316 = arith.constant 0 : index
    %swap3A_317 = arith.constant 0 : index
    %swap3A_318 = vector.load %arg12[%swap3A_316, %swap3A_317] : memref<32x72xf32, #tpu.memory_space<vmem>>, vector<32x72xf32>
    tpu.vector_store %arg12[%swap3A_316, %swap3A_317], %add3A_315 {strides = array<i32>} : memref<32x72xf32, #tpu.memory_space<vmem>>, vector<32x72xf32>,
    %get3A_319 = arith.constant 0 : index
    %get3A_320 = arith.constant 0 : index
    %get3A_321 = vector.load %arg4[%get3A_319, %get3A_320] : memref<2000x1xi32, #tpu.memory_space<vmem>>, vector<1x1xi32>
    %get3A_322 = vector.extract %get3A_321[0, 0] : i32 from vector<1x1xi32>
    %get3A_323 = arith.constant 1999 : index
    %get3A_324 = arith.constant 0 : index
    %get3A_325 = vector.load %arg4[%get3A_323, %get3A_324] : memref<2000x1xi32, #tpu.memory_space<vmem>>, vector<1x1xi32>
    %get3A_326 = vector.extract %get3A_325[0, 0] : i32 from vector<1x1xi32>
    %le3A_327 = arith.constant 0 : i32
    %le3A_328 = arith.cmpi sle, %get3A_322, %le3A_327 : i32
    %ge3A_329 = arith.constant 0 : i32
    %ge3A_330 = arith.cmpi sge, %get3A_326, %ge3A_329 : i32
    %and3A_331 = arith.andi %le3A_328, %ge3A_330 : i1
    %convert_element_type3A_332 = arith.extui %and3A_331 : i1 to i32
    %cond3A_333 = arith.constant 0 : i32
    %cond3A_334 = arith.cmpi ne, %convert_element_type3A_332, %cond3A_333 : i32
    scf.if %cond3A_334 {
      %eq3A_588 = arith.constant 0 : i32
      %eq3A_589 = vector.broadcast %eq3A_588 : i32 to vector<2000x1xi32>
      %eq3A_590 = arith.cmpi eq, %get3A_301, %eq3A_589 : vector<2000x1xi32>
      %jit3A = arith.constant -3.000000e+38 : f32
      %broadcast_in_dim3A_591 = vector.shape_cast %eq3A_590 : vector<2000x1xi1> to vector<2000x1xi1>
      %broadcast_in_dim3A_592 = vector.broadcast %broadcast_in_dim3A_591 : vector<2000x1xi1> to vector<2000x64xi1>
      %broadcast_in_dim3A_593 = vector.broadcast %jit3A : f32 to vector<2000x64xf32>
      %select_n3A = arith.select %broadcast_in_dim3A_592, %concatenate3A_298, %broadcast_in_dim3A_593 : vector<2000x64xi1>, vector<2000x64xf32>
      %reduce_max3A = arith.constant dense<0xFF800000> : vector<64xf32>
      %reduce_max3A_594 = vector.multi_reduction <maximumf>, %select_n3A, %reduce_max3A [0] : vector<2000x64xf32> to vector<64xf32>
      %get3A_595 = arith.constant 0 : index
      %get3A_596 = arith.constant 0 : index
      %get3A_597 = vector.load %arg13[%get3A_595, %get3A_596] : memref<32x64xf32, #tpu.memory_space<vmem>>, vector<1x64xf32>
      %get3A_598 = vector.shape_cast %get3A_597 : vector<1x64xf32> to vector<64xf32>
      %max3A = arith.maximumf %get3A_598, %reduce_max3A_594 : vector<64xf32>
      %swap3A_599 = arith.constant 0 : index
      %swap3A_600 = arith.constant 0 : index
      %swap3A_601 = vector.load %arg13[%swap3A_599, %swap3A_600] : memref<32x64xf32, #tpu.memory_space<vmem>>, vector<1x64xf32>
      %swap3A_602 = vector.shape_cast %swap3A_601 : vector<1x64xf32> to vector<64xf32>
      %swap3A_603 = vector.shape_cast %max3A : vector<64xf32> to vector<1x64xf32>
      tpu.vector_store %arg13[%swap3A_599, %swap3A_600], %swap3A_603 {strides = array<i32>} : memref<32x64xf32, #tpu.memory_space<vmem>>, vector<1x64xf32>,
    } else {
    }
    %le3A_335 = arith.constant 1 : i32
    %le3A_336 = arith.cmpi sle, %get3A_322, %le3A_335 : i32
    %ge3A_337 = arith.constant 1 : i32
    %ge3A_338 = arith.cmpi sge, %get3A_326, %ge3A_337 : i32
    %and3A_339 = arith.andi %le3A_336, %ge3A_338 : i1
    %convert_element_type3A_340 = arith.extui %and3A_339 : i1 to i32
    %cond3A_341 = arith.constant 0 : i32
    %cond3A_342 = arith.cmpi ne, %convert_element_type3A_340, %cond3A_341 : i32
    scf.if %cond3A_342 {
      %eq3A_588 = arith.constant 1 : i32
      %eq3A_589 = vector.broadcast %eq3A_588 : i32 to vector<2000x1xi32>
      %eq3A_590 = arith.cmpi eq, %get3A_301, %eq3A_589 : vector<2000x1xi32>
      %jit3A = arith.constant -3.000000e+38 : f32
      %broadcast_in_dim3A_591 = vector.shape_cast %eq3A_590 : vector<2000x1xi1> to vector<2000x1xi1>
      %broadcast_in_dim3A_592 = vector.broadcast %broadcast_in_dim3A_591 : vector<2000x1xi1> to vector<2000x64xi1>
      %broadcast_in_dim3A_593 = vector.broadcast %jit3A : f32 to vector<2000x64xf32>
      %select_n3A = arith.select %broadcast_in_dim3A_592, %concatenate3A_298, %broadcast_in_dim3A_593 : vector<2000x64xi1>, vector<2000x64xf32>
      %reduce_max3A = arith.constant dense<0xFF800000> : vector<64xf32>
      %reduce_max3A_594 = vector.multi_reduction <maximumf>, %select_n3A, %reduce_max3A [0] : vector<2000x64xf32> to vector<64xf32>
      %get3A_595 = arith.constant 1 : index
      %get3A_596 = arith.constant 0 : index
      %get3A_597 = vector.load %arg13[%get3A_595, %get3A_596] : memref<32x64xf32, #tpu.memory_space<vmem>>, vector<1x64xf32>
      %get3A_598 = vector.shape_cast %get3A_597 : vector<1x64xf32> to vector<64xf32>
      %max3A = arith.maximumf %get3A_598, %reduce_max3A_594 : vector<64xf32>
      %swap3A_599 = arith.constant 1 : index
      %swap3A_600 = arith.constant 0 : index
      %swap3A_601 = vector.load %arg13[%swap3A_599, %swap3A_600] : memref<32x64xf32, #tpu.memory_space<vmem>>, vector<1x64xf32>
      %swap3A_602 = vector.shape_cast %swap3A_601 : vector<1x64xf32> to vector<64xf32>
      %swap3A_603 = vector.shape_cast %max3A : vector<64xf32> to vector<1x64xf32>
      tpu.vector_store %arg13[%swap3A_599, %swap3A_600], %swap3A_603 {strides = array<i32>} : memref<32x64xf32, #tpu.memory_space<vmem>>, vector<1x64xf32>,
    } else {
    }
    %le3A_343 = arith.constant 2 : i32
    %le3A_344 = arith.cmpi sle, %get3A_322, %le3A_343 : i32
    %ge3A_345 = arith.constant 2 : i32
    %ge3A_346 = arith.cmpi sge, %get3A_326, %ge3A_345 : i32
    %and3A_347 = arith.andi %le3A_344, %ge3A_346 : i1
    %convert_element_type3A_348 = arith.extui %and3A_347 : i1 to i32
    %cond3A_349 = arith.constant 0 : i32
    %cond3A_350 = arith.cmpi ne, %convert_element_type3A_348, %cond3A_349 : i32
    scf.if %cond3A_350 {
      %eq3A_588 = arith.constant 2 : i32
      %eq3A_589 = vector.broadcast %eq3A_588 : i32 to vector<2000x1xi32>
      %eq3A_590 = arith.cmpi eq, %get3A_301, %eq3A_589 : vector<2000x1xi32>
      %jit3A = arith.constant -3.000000e+38 : f32
      %broadcast_in_dim3A_591 = vector.shape_cast %eq3A_590 : vector<2000x1xi1> to vector<2000x1xi1>
      %broadcast_in_dim3A_592 = vector.broadcast %broadcast_in_dim3A_591 : vector<2000x1xi1> to vector<2000x64xi1>
      %broadcast_in_dim3A_593 = vector.broadcast %jit3A : f32 to vector<2000x64xf32>
      %select_n3A = arith.select %broadcast_in_dim3A_592, %concatenate3A_298, %broadcast_in_dim3A_593 : vector<2000x64xi1>, vector<2000x64xf32>
      %reduce_max3A = arith.constant dense<0xFF800000> : vector<64xf32>
      %reduce_max3A_594 = vector.multi_reduction <maximumf>, %select_n3A, %reduce_max3A [0] : vector<2000x64xf32> to vector<64xf32>
      %get3A_595 = arith.constant 2 : index
      %get3A_596 = arith.constant 0 : index
      %get3A_597 = vector.load %arg13[%get3A_595, %get3A_596] : memref<32x64xf32, #tpu.memory_space<vmem>>, vector<1x64xf32>
      %get3A_598 = vector.shape_cast %get3A_597 : vector<1x64xf32> to vector<64xf32>
      %max3A = arith.maximumf %get3A_598, %reduce_max3A_594 : vector<64xf32>
      %swap3A_599 = arith.constant 2 : index
      %swap3A_600 = arith.constant 0 : index
      %swap3A_601 = vector.load %arg13[%swap3A_599, %swap3A_600] : memref<32x64xf32, #tpu.memory_space<vmem>>, vector<1x64xf32>
      %swap3A_602 = vector.shape_cast %swap3A_601 : vector<1x64xf32> to vector<64xf32>
      %swap3A_603 = vector.shape_cast %max3A : vector<64xf32> to vector<1x64xf32>
      tpu.vector_store %arg13[%swap3A_599, %swap3A_600], %swap3A_603 {strides = array<i32>} : memref<32x64xf32, #tpu.memory_space<vmem>>, vector<1x64xf32>,
    } else {
    }
    %le3A_351 = arith.constant 3 : i32
    %le3A_352 = arith.cmpi sle, %get3A_322, %le3A_351 : i32
    %ge3A_353 = arith.constant 3 : i32
    %ge3A_354 = arith.cmpi sge, %get3A_326, %ge3A_353 : i32
    %and3A_355 = arith.andi %le3A_352, %ge3A_354 : i1
    %convert_element_type3A_356 = arith.extui %and3A_355 : i1 to i32
    %cond3A_357 = arith.constant 0 : i32
    %cond3A_358 = arith.cmpi ne, %convert_element_type3A_356, %cond3A_357 : i32
    scf.if %cond3A_358 {
      %eq3A_588 = arith.constant 3 : i32
      %eq3A_589 = vector.broadcast %eq3A_588 : i32 to vector<2000x1xi32>
      %eq3A_590 = arith.cmpi eq, %get3A_301, %eq3A_589 : vector<2000x1xi32>
      %jit3A = arith.constant -3.000000e+38 : f32
      %broadcast_in_dim3A_591 = vector.shape_cast %eq3A_590 : vector<2000x1xi1> to vector<2000x1xi1>
      %broadcast_in_dim3A_592 = vector.broadcast %broadcast_in_dim3A_591 : vector<2000x1xi1> to vector<2000x64xi1>
      %broadcast_in_dim3A_593 = vector.broadcast %jit3A : f32 to vector<2000x64xf32>
      %select_n3A = arith.select %broadcast_in_dim3A_592, %concatenate3A_298, %broadcast_in_dim3A_593 : vector<2000x64xi1>, vector<2000x64xf32>
      %reduce_max3A = arith.constant dense<0xFF800000> : vector<64xf32>
      %reduce_max3A_594 = vector.multi_reduction <maximumf>, %select_n3A, %reduce_max3A [0] : vector<2000x64xf32> to vector<64xf32>
      %get3A_595 = arith.constant 3 : index
      %get3A_596 = arith.constant 0 : index
      %get3A_597 = vector.load %arg13[%get3A_595, %get3A_596] : memref<32x64xf32, #tpu.memory_space<vmem>>, vector<1x64xf32>
      %get3A_598 = vector.shape_cast %get3A_597 : vector<1x64xf32> to vector<64xf32>
      %max3A = arith.maximumf %get3A_598, %reduce_max3A_594 : vector<64xf32>
      %swap3A_599 = arith.constant 3 : index
      %swap3A_600 = arith.constant 0 : index
      %swap3A_601 = vector.load %arg13[%swap3A_599, %swap3A_600] : memref<32x64xf32, #tpu.memory_space<vmem>>, vector<1x64xf32>
      %swap3A_602 = vector.shape_cast %swap3A_601 : vector<1x64xf32> to vector<64xf32>
      %swap3A_603 = vector.shape_cast %max3A : vector<64xf32> to vector<1x64xf32>
      tpu.vector_store %arg13[%swap3A_599, %swap3A_600], %swap3A_603 {strides = array<i32>} : memref<32x64xf32, #tpu.memory_space<vmem>>, vector<1x64xf32>,
    } else {
    }
    %le3A_359 = arith.constant 4 : i32
    %le3A_360 = arith.cmpi sle, %get3A_322, %le3A_359 : i32
    %ge3A_361 = arith.constant 4 : i32
    %ge3A_362 = arith.cmpi sge, %get3A_326, %ge3A_361 : i32
    %and3A_363 = arith.andi %le3A_360, %ge3A_362 : i1
    %convert_element_type3A_364 = arith.extui %and3A_363 : i1 to i32
    %cond3A_365 = arith.constant 0 : i32
    %cond3A_366 = arith.cmpi ne, %convert_element_type3A_364, %cond3A_365 : i32
    scf.if %cond3A_366 {
      %eq3A_588 = arith.constant 4 : i32
      %eq3A_589 = vector.broadcast %eq3A_588 : i32 to vector<2000x1xi32>
      %eq3A_590 = arith.cmpi eq, %get3A_301, %eq3A_589 : vector<2000x1xi32>
      %jit3A = arith.constant -3.000000e+38 : f32
      %broadcast_in_dim3A_591 = vector.shape_cast %eq3A_590 : vector<2000x1xi1> to vector<2000x1xi1>
      %broadcast_in_dim3A_592 = vector.broadcast %broadcast_in_dim3A_591 : vector<2000x1xi1> to vector<2000x64xi1>
      %broadcast_in_dim3A_593 = vector.broadcast %jit3A : f32 to vector<2000x64xf32>
      %select_n3A = arith.select %broadcast_in_dim3A_592, %concatenate3A_298, %broadcast_in_dim3A_593 : vector<2000x64xi1>, vector<2000x64xf32>
      %reduce_max3A = arith.constant dense<0xFF800000> : vector<64xf32>
      %reduce_max3A_594 = vector.multi_reduction <maximumf>, %select_n3A, %reduce_max3A [0] : vector<2000x64xf32> to vector<64xf32>
      %get3A_595 = arith.constant 4 : index
      %get3A_596 = arith.constant 0 : index
      %get3A_597 = vector.load %arg13[%get3A_595, %get3A_596] : memref<32x64xf32, #tpu.memory_space<vmem>>, vector<1x64xf32>
      %get3A_598 = vector.shape_cast %get3A_597 : vector<1x64xf32> to vector<64xf32>
      %max3A = arith.maximumf %get3A_598, %reduce_max3A_594 : vector<64xf32>
      %swap3A_599 = arith.constant 4 : index
      %swap3A_600 = arith.constant 0 : index
      %swap3A_601 = vector.load %arg13[%swap3A_599, %swap3A_600] : memref<32x64xf32, #tpu.memory_space<vmem>>, vector<1x64xf32>
      %swap3A_602 = vector.shape_cast %swap3A_601 : vector<1x64xf32> to vector<64xf32>
      %swap3A_603 = vector.shape_cast %max3A : vector<64xf32> to vector<1x64xf32>
      tpu.vector_store %arg13[%swap3A_599, %swap3A_600], %swap3A_603 {strides = array<i32>} : memref<32x64xf32, #tpu.memory_space<vmem>>, vector<1x64xf32>,
    } else {
    }
    %le3A_367 = arith.constant 5 : i32
    %le3A_368 = arith.cmpi sle, %get3A_322, %le3A_367 : i32
    %ge3A_369 = arith.constant 5 : i32
    %ge3A_370 = arith.cmpi sge, %get3A_326, %ge3A_369 : i32
    %and3A_371 = arith.andi %le3A_368, %ge3A_370 : i1
    %convert_element_type3A_372 = arith.extui %and3A_371 : i1 to i32
    %cond3A_373 = arith.constant 0 : i32
    %cond3A_374 = arith.cmpi ne, %convert_element_type3A_372, %cond3A_373 : i32
    scf.if %cond3A_374 {
      %eq3A_588 = arith.constant 5 : i32
      %eq3A_589 = vector.broadcast %eq3A_588 : i32 to vector<2000x1xi32>
      %eq3A_590 = arith.cmpi eq, %get3A_301, %eq3A_589 : vector<2000x1xi32>
      %jit3A = arith.constant -3.000000e+38 : f32
      %broadcast_in_dim3A_591 = vector.shape_cast %eq3A_590 : vector<2000x1xi1> to vector<2000x1xi1>
      %broadcast_in_dim3A_592 = vector.broadcast %broadcast_in_dim3A_591 : vector<2000x1xi1> to vector<2000x64xi1>
      %broadcast_in_dim3A_593 = vector.broadcast %jit3A : f32 to vector<2000x64xf32>
      %select_n3A = arith.select %broadcast_in_dim3A_592, %concatenate3A_298, %broadcast_in_dim3A_593 : vector<2000x64xi1>, vector<2000x64xf32>
      %reduce_max3A = arith.constant dense<0xFF800000> : vector<64xf32>
      %reduce_max3A_594 = vector.multi_reduction <maximumf>, %select_n3A, %reduce_max3A [0] : vector<2000x64xf32> to vector<64xf32>
      %get3A_595 = arith.constant 5 : index
      %get3A_596 = arith.constant 0 : index
      %get3A_597 = vector.load %arg13[%get3A_595, %get3A_596] : memref<32x64xf32, #tpu.memory_space<vmem>>, vector<1x64xf32>
      %get3A_598 = vector.shape_cast %get3A_597 : vector<1x64xf32> to vector<64xf32>
      %max3A = arith.maximumf %get3A_598, %reduce_max3A_594 : vector<64xf32>
      %swap3A_599 = arith.constant 5 : index
      %swap3A_600 = arith.constant 0 : index
      %swap3A_601 = vector.load %arg13[%swap3A_599, %swap3A_600] : memref<32x64xf32, #tpu.memory_space<vmem>>, vector<1x64xf32>
      %swap3A_602 = vector.shape_cast %swap3A_601 : vector<1x64xf32> to vector<64xf32>
      %swap3A_603 = vector.shape_cast %max3A : vector<64xf32> to vector<1x64xf32>
      tpu.vector_store %arg13[%swap3A_599, %swap3A_600], %swap3A_603 {strides = array<i32>} : memref<32x64xf32, #tpu.memory_space<vmem>>, vector<1x64xf32>,
    } else {
    }
    %le3A_375 = arith.constant 6 : i32
    %le3A_376 = arith.cmpi sle, %get3A_322, %le3A_375 : i32
    %ge3A_377 = arith.constant 6 : i32
    %ge3A_378 = arith.cmpi sge, %get3A_326, %ge3A_377 : i32
    %and3A_379 = arith.andi %le3A_376, %ge3A_378 : i1
    %convert_element_type3A_380 = arith.extui %and3A_379 : i1 to i32
    %cond3A_381 = arith.constant 0 : i32
    %cond3A_382 = arith.cmpi ne, %convert_element_type3A_380, %cond3A_381 : i32
    scf.if %cond3A_382 {
      %eq3A_588 = arith.constant 6 : i32
      %eq3A_589 = vector.broadcast %eq3A_588 : i32 to vector<2000x1xi32>
      %eq3A_590 = arith.cmpi eq, %get3A_301, %eq3A_589 : vector<2000x1xi32>
      %jit3A = arith.constant -3.000000e+38 : f32
      %broadcast_in_dim3A_591 = vector.shape_cast %eq3A_590 : vector<2000x1xi1> to vector<2000x1xi1>
      %broadcast_in_dim3A_592 = vector.broadcast %broadcast_in_dim3A_591 : vector<2000x1xi1> to vector<2000x64xi1>
      %broadcast_in_dim3A_593 = vector.broadcast %jit3A : f32 to vector<2000x64xf32>
      %select_n3A = arith.select %broadcast_in_dim3A_592, %concatenate3A_298, %broadcast_in_dim3A_593 : vector<2000x64xi1>, vector<2000x64xf32>
      %reduce_max3A = arith.constant dense<0xFF800000> : vector<64xf32>
      %reduce_max3A_594 = vector.multi_reduction <maximumf>, %select_n3A, %reduce_max3A [0] : vector<2000x64xf32> to vector<64xf32>
      %get3A_595 = arith.constant 6 : index
      %get3A_596 = arith.constant 0 : index
      %get3A_597 = vector.load %arg13[%get3A_595, %get3A_596] : memref<32x64xf32, #tpu.memory_space<vmem>>, vector<1x64xf32>
      %get3A_598 = vector.shape_cast %get3A_597 : vector<1x64xf32> to vector<64xf32>
      %max3A = arith.maximumf %get3A_598, %reduce_max3A_594 : vector<64xf32>
      %swap3A_599 = arith.constant 6 : index
      %swap3A_600 = arith.constant 0 : index
      %swap3A_601 = vector.load %arg13[%swap3A_599, %swap3A_600] : memref<32x64xf32, #tpu.memory_space<vmem>>, vector<1x64xf32>
      %swap3A_602 = vector.shape_cast %swap3A_601 : vector<1x64xf32> to vector<64xf32>
      %swap3A_603 = vector.shape_cast %max3A : vector<64xf32> to vector<1x64xf32>
      tpu.vector_store %arg13[%swap3A_599, %swap3A_600], %swap3A_603 {strides = array<i32>} : memref<32x64xf32, #tpu.memory_space<vmem>>, vector<1x64xf32>,
    } else {
    }
    %le3A_383 = arith.constant 7 : i32
    %le3A_384 = arith.cmpi sle, %get3A_322, %le3A_383 : i32
    %ge3A_385 = arith.constant 7 : i32
    %ge3A_386 = arith.cmpi sge, %get3A_326, %ge3A_385 : i32
    %and3A_387 = arith.andi %le3A_384, %ge3A_386 : i1
    %convert_element_type3A_388 = arith.extui %and3A_387 : i1 to i32
    %cond3A_389 = arith.constant 0 : i32
    %cond3A_390 = arith.cmpi ne, %convert_element_type3A_388, %cond3A_389 : i32
    scf.if %cond3A_390 {
      %eq3A_588 = arith.constant 7 : i32
      %eq3A_589 = vector.broadcast %eq3A_588 : i32 to vector<2000x1xi32>
      %eq3A_590 = arith.cmpi eq, %get3A_301, %eq3A_589 : vector<2000x1xi32>
      %jit3A = arith.constant -3.000000e+38 : f32
      %broadcast_in_dim3A_591 = vector.shape_cast %eq3A_590 : vector<2000x1xi1> to vector<2000x1xi1>
      %broadcast_in_dim3A_592 = vector.broadcast %broadcast_in_dim3A_591 : vector<2000x1xi1> to vector<2000x64xi1>
      %broadcast_in_dim3A_593 = vector.broadcast %jit3A : f32 to vector<2000x64xf32>
      %select_n3A = arith.select %broadcast_in_dim3A_592, %concatenate3A_298, %broadcast_in_dim3A_593 : vector<2000x64xi1>, vector<2000x64xf32>
      %reduce_max3A = arith.constant dense<0xFF800000> : vector<64xf32>
      %reduce_max3A_594 = vector.multi_reduction <maximumf>, %select_n3A, %reduce_max3A [0] : vector<2000x64xf32> to vector<64xf32>
      %get3A_595 = arith.constant 7 : index
      %get3A_596 = arith.constant 0 : index
      %get3A_597 = vector.load %arg13[%get3A_595, %get3A_596] : memref<32x64xf32, #tpu.memory_space<vmem>>, vector<1x64xf32>
      %get3A_598 = vector.shape_cast %get3A_597 : vector<1x64xf32> to vector<64xf32>
      %max3A = arith.maximumf %get3A_598, %reduce_max3A_594 : vector<64xf32>
      %swap3A_599 = arith.constant 7 : index
      %swap3A_600 = arith.constant 0 : index
      %swap3A_601 = vector.load %arg13[%swap3A_599, %swap3A_600] : memref<32x64xf32, #tpu.memory_space<vmem>>, vector<1x64xf32>
      %swap3A_602 = vector.shape_cast %swap3A_601 : vector<1x64xf32> to vector<64xf32>
      %swap3A_603 = vector.shape_cast %max3A : vector<64xf32> to vector<1x64xf32>
      tpu.vector_store %arg13[%swap3A_599, %swap3A_600], %swap3A_603 {strides = array<i32>} : memref<32x64xf32, #tpu.memory_space<vmem>>, vector<1x64xf32>,
    } else {
    }
    %le3A_391 = arith.constant 8 : i32
    %le3A_392 = arith.cmpi sle, %get3A_322, %le3A_391 : i32
    %ge3A_393 = arith.constant 8 : i32
    %ge3A_394 = arith.cmpi sge, %get3A_326, %ge3A_393 : i32
    %and3A_395 = arith.andi %le3A_392, %ge3A_394 : i1
    %convert_element_type3A_396 = arith.extui %and3A_395 : i1 to i32
    %cond3A_397 = arith.constant 0 : i32
    %cond3A_398 = arith.cmpi ne, %convert_element_type3A_396, %cond3A_397 : i32
    scf.if %cond3A_398 {
      %eq3A_588 = arith.constant 8 : i32
      %eq3A_589 = vector.broadcast %eq3A_588 : i32 to vector<2000x1xi32>
      %eq3A_590 = arith.cmpi eq, %get3A_301, %eq3A_589 : vector<2000x1xi32>
      %jit3A = arith.constant -3.000000e+38 : f32
      %broadcast_in_dim3A_591 = vector.shape_cast %eq3A_590 : vector<2000x1xi1> to vector<2000x1xi1>
      %broadcast_in_dim3A_592 = vector.broadcast %broadcast_in_dim3A_591 : vector<2000x1xi1> to vector<2000x64xi1>
      %broadcast_in_dim3A_593 = vector.broadcast %jit3A : f32 to vector<2000x64xf32>
      %select_n3A = arith.select %broadcast_in_dim3A_592, %concatenate3A_298, %broadcast_in_dim3A_593 : vector<2000x64xi1>, vector<2000x64xf32>
      %reduce_max3A = arith.constant dense<0xFF800000> : vector<64xf32>
      %reduce_max3A_594 = vector.multi_reduction <maximumf>, %select_n3A, %reduce_max3A [0] : vector<2000x64xf32> to vector<64xf32>
      %get3A_595 = arith.constant 8 : index
      %get3A_596 = arith.constant 0 : index
      %get3A_597 = vector.load %arg13[%get3A_595, %get3A_596] : memref<32x64xf32, #tpu.memory_space<vmem>>, vector<1x64xf32>
      %get3A_598 = vector.shape_cast %get3A_597 : vector<1x64xf32> to vector<64xf32>
      %max3A = arith.maximumf %get3A_598, %reduce_max3A_594 : vector<64xf32>
      %swap3A_599 = arith.constant 8 : index
      %swap3A_600 = arith.constant 0 : index
      %swap3A_601 = vector.load %arg13[%swap3A_599, %swap3A_600] : memref<32x64xf32, #tpu.memory_space<vmem>>, vector<1x64xf32>
      %swap3A_602 = vector.shape_cast %swap3A_601 : vector<1x64xf32> to vector<64xf32>
      %swap3A_603 = vector.shape_cast %max3A : vector<64xf32> to vector<1x64xf32>
      tpu.vector_store %arg13[%swap3A_599, %swap3A_600], %swap3A_603 {strides = array<i32>} : memref<32x64xf32, #tpu.memory_space<vmem>>, vector<1x64xf32>,
    } else {
    }
    %le3A_399 = arith.constant 9 : i32
    %le3A_400 = arith.cmpi sle, %get3A_322, %le3A_399 : i32
    %ge3A_401 = arith.constant 9 : i32
    %ge3A_402 = arith.cmpi sge, %get3A_326, %ge3A_401 : i32
    %and3A_403 = arith.andi %le3A_400, %ge3A_402 : i1
    %convert_element_type3A_404 = arith.extui %and3A_403 : i1 to i32
    %cond3A_405 = arith.constant 0 : i32
    %cond3A_406 = arith.cmpi ne, %convert_element_type3A_404, %cond3A_405 : i32
    scf.if %cond3A_406 {
      %eq3A_588 = arith.constant 9 : i32
      %eq3A_589 = vector.broadcast %eq3A_588 : i32 to vector<2000x1xi32>
      %eq3A_590 = arith.cmpi eq, %get3A_301, %eq3A_589 : vector<2000x1xi32>
      %jit3A = arith.constant -3.000000e+38 : f32
      %broadcast_in_dim3A_591 = vector.shape_cast %eq3A_590 : vector<2000x1xi1> to vector<2000x1xi1>
      %broadcast_in_dim3A_592 = vector.broadcast %broadcast_in_dim3A_591 : vector<2000x1xi1> to vector<2000x64xi1>
      %broadcast_in_dim3A_593 = vector.broadcast %jit3A : f32 to vector<2000x64xf32>
      %select_n3A = arith.select %broadcast_in_dim3A_592, %concatenate3A_298, %broadcast_in_dim3A_593 : vector<2000x64xi1>, vector<2000x64xf32>
      %reduce_max3A = arith.constant dense<0xFF800000> : vector<64xf32>
      %reduce_max3A_594 = vector.multi_reduction <maximumf>, %select_n3A, %reduce_max3A [0] : vector<2000x64xf32> to vector<64xf32>
      %get3A_595 = arith.constant 9 : index
      %get3A_596 = arith.constant 0 : index
      %get3A_597 = vector.load %arg13[%get3A_595, %get3A_596] : memref<32x64xf32, #tpu.memory_space<vmem>>, vector<1x64xf32>
      %get3A_598 = vector.shape_cast %get3A_597 : vector<1x64xf32> to vector<64xf32>
      %max3A = arith.maximumf %get3A_598, %reduce_max3A_594 : vector<64xf32>
      %swap3A_599 = arith.constant 9 : index
      %swap3A_600 = arith.constant 0 : index
      %swap3A_601 = vector.load %arg13[%swap3A_599, %swap3A_600] : memref<32x64xf32, #tpu.memory_space<vmem>>, vector<1x64xf32>
      %swap3A_602 = vector.shape_cast %swap3A_601 : vector<1x64xf32> to vector<64xf32>
      %swap3A_603 = vector.shape_cast %max3A : vector<64xf32> to vector<1x64xf32>
      tpu.vector_store %arg13[%swap3A_599, %swap3A_600], %swap3A_603 {strides = array<i32>} : memref<32x64xf32, #tpu.memory_space<vmem>>, vector<1x64xf32>,
    } else {
    }
    %le3A_407 = arith.constant 10 : i32
    %le3A_408 = arith.cmpi sle, %get3A_322, %le3A_407 : i32
    %ge3A_409 = arith.constant 10 : i32
    %ge3A_410 = arith.cmpi sge, %get3A_326, %ge3A_409 : i32
    %and3A_411 = arith.andi %le3A_408, %ge3A_410 : i1
    %convert_element_type3A_412 = arith.extui %and3A_411 : i1 to i32
    %cond3A_413 = arith.constant 0 : i32
    %cond3A_414 = arith.cmpi ne, %convert_element_type3A_412, %cond3A_413 : i32
    scf.if %cond3A_414 {
      %eq3A_588 = arith.constant 10 : i32
      %eq3A_589 = vector.broadcast %eq3A_588 : i32 to vector<2000x1xi32>
      %eq3A_590 = arith.cmpi eq, %get3A_301, %eq3A_589 : vector<2000x1xi32>
      %jit3A = arith.constant -3.000000e+38 : f32
      %broadcast_in_dim3A_591 = vector.shape_cast %eq3A_590 : vector<2000x1xi1> to vector<2000x1xi1>
      %broadcast_in_dim3A_592 = vector.broadcast %broadcast_in_dim3A_591 : vector<2000x1xi1> to vector<2000x64xi1>
      %broadcast_in_dim3A_593 = vector.broadcast %jit3A : f32 to vector<2000x64xf32>
      %select_n3A = arith.select %broadcast_in_dim3A_592, %concatenate3A_298, %broadcast_in_dim3A_593 : vector<2000x64xi1>, vector<2000x64xf32>
      %reduce_max3A = arith.constant dense<0xFF800000> : vector<64xf32>
      %reduce_max3A_594 = vector.multi_reduction <maximumf>, %select_n3A, %reduce_max3A [0] : vector<2000x64xf32> to vector<64xf32>
      %get3A_595 = arith.constant 10 : index
      %get3A_596 = arith.constant 0 : index
      %get3A_597 = vector.load %arg13[%get3A_595, %get3A_596] : memref<32x64xf32, #tpu.memory_space<vmem>>, vector<1x64xf32>
      %get3A_598 = vector.shape_cast %get3A_597 : vector<1x64xf32> to vector<64xf32>
      %max3A = arith.maximumf %get3A_598, %reduce_max3A_594 : vector<64xf32>
      %swap3A_599 = arith.constant 10 : index
      %swap3A_600 = arith.constant 0 : index
      %swap3A_601 = vector.load %arg13[%swap3A_599, %swap3A_600] : memref<32x64xf32, #tpu.memory_space<vmem>>, vector<1x64xf32>
      %swap3A_602 = vector.shape_cast %swap3A_601 : vector<1x64xf32> to vector<64xf32>
      %swap3A_603 = vector.shape_cast %max3A : vector<64xf32> to vector<1x64xf32>
      tpu.vector_store %arg13[%swap3A_599, %swap3A_600], %swap3A_603 {strides = array<i32>} : memref<32x64xf32, #tpu.memory_space<vmem>>, vector<1x64xf32>,
    } else {
    }
    %le3A_415 = arith.constant 11 : i32
    %le3A_416 = arith.cmpi sle, %get3A_322, %le3A_415 : i32
    %ge3A_417 = arith.constant 11 : i32
    %ge3A_418 = arith.cmpi sge, %get3A_326, %ge3A_417 : i32
    %and3A_419 = arith.andi %le3A_416, %ge3A_418 : i1
    %convert_element_type3A_420 = arith.extui %and3A_419 : i1 to i32
    %cond3A_421 = arith.constant 0 : i32
    %cond3A_422 = arith.cmpi ne, %convert_element_type3A_420, %cond3A_421 : i32
    scf.if %cond3A_422 {
      %eq3A_588 = arith.constant 11 : i32
      %eq3A_589 = vector.broadcast %eq3A_588 : i32 to vector<2000x1xi32>
      %eq3A_590 = arith.cmpi eq, %get3A_301, %eq3A_589 : vector<2000x1xi32>
      %jit3A = arith.constant -3.000000e+38 : f32
      %broadcast_in_dim3A_591 = vector.shape_cast %eq3A_590 : vector<2000x1xi1> to vector<2000x1xi1>
      %broadcast_in_dim3A_592 = vector.broadcast %broadcast_in_dim3A_591 : vector<2000x1xi1> to vector<2000x64xi1>
      %broadcast_in_dim3A_593 = vector.broadcast %jit3A : f32 to vector<2000x64xf32>
      %select_n3A = arith.select %broadcast_in_dim3A_592, %concatenate3A_298, %broadcast_in_dim3A_593 : vector<2000x64xi1>, vector<2000x64xf32>
      %reduce_max3A = arith.constant dense<0xFF800000> : vector<64xf32>
      %reduce_max3A_594 = vector.multi_reduction <maximumf>, %select_n3A, %reduce_max3A [0] : vector<2000x64xf32> to vector<64xf32>
      %get3A_595 = arith.constant 11 : index
      %get3A_596 = arith.constant 0 : index
      %get3A_597 = vector.load %arg13[%get3A_595, %get3A_596] : memref<32x64xf32, #tpu.memory_space<vmem>>, vector<1x64xf32>
      %get3A_598 = vector.shape_cast %get3A_597 : vector<1x64xf32> to vector<64xf32>
      %max3A = arith.maximumf %get3A_598, %reduce_max3A_594 : vector<64xf32>
      %swap3A_599 = arith.constant 11 : index
      %swap3A_600 = arith.constant 0 : index
      %swap3A_601 = vector.load %arg13[%swap3A_599, %swap3A_600] : memref<32x64xf32, #tpu.memory_space<vmem>>, vector<1x64xf32>
      %swap3A_602 = vector.shape_cast %swap3A_601 : vector<1x64xf32> to vector<64xf32>
      %swap3A_603 = vector.shape_cast %max3A : vector<64xf32> to vector<1x64xf32>
      tpu.vector_store %arg13[%swap3A_599, %swap3A_600], %swap3A_603 {strides = array<i32>} : memref<32x64xf32, #tpu.memory_space<vmem>>, vector<1x64xf32>,
    } else {
    }
    %le3A_423 = arith.constant 12 : i32
    %le3A_424 = arith.cmpi sle, %get3A_322, %le3A_423 : i32
    %ge3A_425 = arith.constant 12 : i32
    %ge3A_426 = arith.cmpi sge, %get3A_326, %ge3A_425 : i32
    %and3A_427 = arith.andi %le3A_424, %ge3A_426 : i1
    %convert_element_type3A_428 = arith.extui %and3A_427 : i1 to i32
    %cond3A_429 = arith.constant 0 : i32
    %cond3A_430 = arith.cmpi ne, %convert_element_type3A_428, %cond3A_429 : i32
    scf.if %cond3A_430 {
      %eq3A_588 = arith.constant 12 : i32
      %eq3A_589 = vector.broadcast %eq3A_588 : i32 to vector<2000x1xi32>
      %eq3A_590 = arith.cmpi eq, %get3A_301, %eq3A_589 : vector<2000x1xi32>
      %jit3A = arith.constant -3.000000e+38 : f32
      %broadcast_in_dim3A_591 = vector.shape_cast %eq3A_590 : vector<2000x1xi1> to vector<2000x1xi1>
      %broadcast_in_dim3A_592 = vector.broadcast %broadcast_in_dim3A_591 : vector<2000x1xi1> to vector<2000x64xi1>
      %broadcast_in_dim3A_593 = vector.broadcast %jit3A : f32 to vector<2000x64xf32>
      %select_n3A = arith.select %broadcast_in_dim3A_592, %concatenate3A_298, %broadcast_in_dim3A_593 : vector<2000x64xi1>, vector<2000x64xf32>
      %reduce_max3A = arith.constant dense<0xFF800000> : vector<64xf32>
      %reduce_max3A_594 = vector.multi_reduction <maximumf>, %select_n3A, %reduce_max3A [0] : vector<2000x64xf32> to vector<64xf32>
      %get3A_595 = arith.constant 12 : index
      %get3A_596 = arith.constant 0 : index
      %get3A_597 = vector.load %arg13[%get3A_595, %get3A_596] : memref<32x64xf32, #tpu.memory_space<vmem>>, vector<1x64xf32>
      %get3A_598 = vector.shape_cast %get3A_597 : vector<1x64xf32> to vector<64xf32>
      %max3A = arith.maximumf %get3A_598, %reduce_max3A_594 : vector<64xf32>
      %swap3A_599 = arith.constant 12 : index
      %swap3A_600 = arith.constant 0 : index
      %swap3A_601 = vector.load %arg13[%swap3A_599, %swap3A_600] : memref<32x64xf32, #tpu.memory_space<vmem>>, vector<1x64xf32>
      %swap3A_602 = vector.shape_cast %swap3A_601 : vector<1x64xf32> to vector<64xf32>
      %swap3A_603 = vector.shape_cast %max3A : vector<64xf32> to vector<1x64xf32>
      tpu.vector_store %arg13[%swap3A_599, %swap3A_600], %swap3A_603 {strides = array<i32>} : memref<32x64xf32, #tpu.memory_space<vmem>>, vector<1x64xf32>,
    } else {
    }
    %le3A_431 = arith.constant 13 : i32
    %le3A_432 = arith.cmpi sle, %get3A_322, %le3A_431 : i32
    %ge3A_433 = arith.constant 13 : i32
    %ge3A_434 = arith.cmpi sge, %get3A_326, %ge3A_433 : i32
    %and3A_435 = arith.andi %le3A_432, %ge3A_434 : i1
    %convert_element_type3A_436 = arith.extui %and3A_435 : i1 to i32
    %cond3A_437 = arith.constant 0 : i32
    %cond3A_438 = arith.cmpi ne, %convert_element_type3A_436, %cond3A_437 : i32
    scf.if %cond3A_438 {
      %eq3A_588 = arith.constant 13 : i32
      %eq3A_589 = vector.broadcast %eq3A_588 : i32 to vector<2000x1xi32>
      %eq3A_590 = arith.cmpi eq, %get3A_301, %eq3A_589 : vector<2000x1xi32>
      %jit3A = arith.constant -3.000000e+38 : f32
      %broadcast_in_dim3A_591 = vector.shape_cast %eq3A_590 : vector<2000x1xi1> to vector<2000x1xi1>
      %broadcast_in_dim3A_592 = vector.broadcast %broadcast_in_dim3A_591 : vector<2000x1xi1> to vector<2000x64xi1>
      %broadcast_in_dim3A_593 = vector.broadcast %jit3A : f32 to vector<2000x64xf32>
      %select_n3A = arith.select %broadcast_in_dim3A_592, %concatenate3A_298, %broadcast_in_dim3A_593 : vector<2000x64xi1>, vector<2000x64xf32>
      %reduce_max3A = arith.constant dense<0xFF800000> : vector<64xf32>
      %reduce_max3A_594 = vector.multi_reduction <maximumf>, %select_n3A, %reduce_max3A [0] : vector<2000x64xf32> to vector<64xf32>
      %get3A_595 = arith.constant 13 : index
      %get3A_596 = arith.constant 0 : index
      %get3A_597 = vector.load %arg13[%get3A_595, %get3A_596] : memref<32x64xf32, #tpu.memory_space<vmem>>, vector<1x64xf32>
      %get3A_598 = vector.shape_cast %get3A_597 : vector<1x64xf32> to vector<64xf32>
      %max3A = arith.maximumf %get3A_598, %reduce_max3A_594 : vector<64xf32>
      %swap3A_599 = arith.constant 13 : index
      %swap3A_600 = arith.constant 0 : index
      %swap3A_601 = vector.load %arg13[%swap3A_599, %swap3A_600] : memref<32x64xf32, #tpu.memory_space<vmem>>, vector<1x64xf32>
      %swap3A_602 = vector.shape_cast %swap3A_601 : vector<1x64xf32> to vector<64xf32>
      %swap3A_603 = vector.shape_cast %max3A : vector<64xf32> to vector<1x64xf32>
      tpu.vector_store %arg13[%swap3A_599, %swap3A_600], %swap3A_603 {strides = array<i32>} : memref<32x64xf32, #tpu.memory_space<vmem>>, vector<1x64xf32>,
    } else {
    }
    %le3A_439 = arith.constant 14 : i32
    %le3A_440 = arith.cmpi sle, %get3A_322, %le3A_439 : i32
    %ge3A_441 = arith.constant 14 : i32
    %ge3A_442 = arith.cmpi sge, %get3A_326, %ge3A_441 : i32
    %and3A_443 = arith.andi %le3A_440, %ge3A_442 : i1
    %convert_element_type3A_444 = arith.extui %and3A_443 : i1 to i32
    %cond3A_445 = arith.constant 0 : i32
    %cond3A_446 = arith.cmpi ne, %convert_element_type3A_444, %cond3A_445 : i32
    scf.if %cond3A_446 {
      %eq3A_588 = arith.constant 14 : i32
      %eq3A_589 = vector.broadcast %eq3A_588 : i32 to vector<2000x1xi32>
      %eq3A_590 = arith.cmpi eq, %get3A_301, %eq3A_589 : vector<2000x1xi32>
      %jit3A = arith.constant -3.000000e+38 : f32
      %broadcast_in_dim3A_591 = vector.shape_cast %eq3A_590 : vector<2000x1xi1> to vector<2000x1xi1>
      %broadcast_in_dim3A_592 = vector.broadcast %broadcast_in_dim3A_591 : vector<2000x1xi1> to vector<2000x64xi1>
      %broadcast_in_dim3A_593 = vector.broadcast %jit3A : f32 to vector<2000x64xf32>
      %select_n3A = arith.select %broadcast_in_dim3A_592, %concatenate3A_298, %broadcast_in_dim3A_593 : vector<2000x64xi1>, vector<2000x64xf32>
      %reduce_max3A = arith.constant dense<0xFF800000> : vector<64xf32>
      %reduce_max3A_594 = vector.multi_reduction <maximumf>, %select_n3A, %reduce_max3A [0] : vector<2000x64xf32> to vector<64xf32>
      %get3A_595 = arith.constant 14 : index
      %get3A_596 = arith.constant 0 : index
      %get3A_597 = vector.load %arg13[%get3A_595, %get3A_596] : memref<32x64xf32, #tpu.memory_space<vmem>>, vector<1x64xf32>
      %get3A_598 = vector.shape_cast %get3A_597 : vector<1x64xf32> to vector<64xf32>
      %max3A = arith.maximumf %get3A_598, %reduce_max3A_594 : vector<64xf32>
      %swap3A_599 = arith.constant 14 : index
      %swap3A_600 = arith.constant 0 : index
      %swap3A_601 = vector.load %arg13[%swap3A_599, %swap3A_600] : memref<32x64xf32, #tpu.memory_space<vmem>>, vector<1x64xf32>
      %swap3A_602 = vector.shape_cast %swap3A_601 : vector<1x64xf32> to vector<64xf32>
      %swap3A_603 = vector.shape_cast %max3A : vector<64xf32> to vector<1x64xf32>
      tpu.vector_store %arg13[%swap3A_599, %swap3A_600], %swap3A_603 {strides = array<i32>} : memref<32x64xf32, #tpu.memory_space<vmem>>, vector<1x64xf32>,
    } else {
    }
    %le3A_447 = arith.constant 15 : i32
    %le3A_448 = arith.cmpi sle, %get3A_322, %le3A_447 : i32
    %ge3A_449 = arith.constant 15 : i32
    %ge3A_450 = arith.cmpi sge, %get3A_326, %ge3A_449 : i32
    %and3A_451 = arith.andi %le3A_448, %ge3A_450 : i1
    %convert_element_type3A_452 = arith.extui %and3A_451 : i1 to i32
    %cond3A_453 = arith.constant 0 : i32
    %cond3A_454 = arith.cmpi ne, %convert_element_type3A_452, %cond3A_453 : i32
    scf.if %cond3A_454 {
      %eq3A_588 = arith.constant 15 : i32
      %eq3A_589 = vector.broadcast %eq3A_588 : i32 to vector<2000x1xi32>
      %eq3A_590 = arith.cmpi eq, %get3A_301, %eq3A_589 : vector<2000x1xi32>
      %jit3A = arith.constant -3.000000e+38 : f32
      %broadcast_in_dim3A_591 = vector.shape_cast %eq3A_590 : vector<2000x1xi1> to vector<2000x1xi1>
      %broadcast_in_dim3A_592 = vector.broadcast %broadcast_in_dim3A_591 : vector<2000x1xi1> to vector<2000x64xi1>
      %broadcast_in_dim3A_593 = vector.broadcast %jit3A : f32 to vector<2000x64xf32>
      %select_n3A = arith.select %broadcast_in_dim3A_592, %concatenate3A_298, %broadcast_in_dim3A_593 : vector<2000x64xi1>, vector<2000x64xf32>
      %reduce_max3A = arith.constant dense<0xFF800000> : vector<64xf32>
      %reduce_max3A_594 = vector.multi_reduction <maximumf>, %select_n3A, %reduce_max3A [0] : vector<2000x64xf32> to vector<64xf32>
      %get3A_595 = arith.constant 15 : index
      %get3A_596 = arith.constant 0 : index
      %get3A_597 = vector.load %arg13[%get3A_595, %get3A_596] : memref<32x64xf32, #tpu.memory_space<vmem>>, vector<1x64xf32>
      %get3A_598 = vector.shape_cast %get3A_597 : vector<1x64xf32> to vector<64xf32>
      %max3A = arith.maximumf %get3A_598, %reduce_max3A_594 : vector<64xf32>
      %swap3A_599 = arith.constant 15 : index
      %swap3A_600 = arith.constant 0 : index
      %swap3A_601 = vector.load %arg13[%swap3A_599, %swap3A_600] : memref<32x64xf32, #tpu.memory_space<vmem>>, vector<1x64xf32>
      %swap3A_602 = vector.shape_cast %swap3A_601 : vector<1x64xf32> to vector<64xf32>
      %swap3A_603 = vector.shape_cast %max3A : vector<64xf32> to vector<1x64xf32>
      tpu.vector_store %arg13[%swap3A_599, %swap3A_600], %swap3A_603 {strides = array<i32>} : memref<32x64xf32, #tpu.memory_space<vmem>>, vector<1x64xf32>,
    } else {
    }
    %le3A_455 = arith.constant 16 : i32
    %le3A_456 = arith.cmpi sle, %get3A_322, %le3A_455 : i32
    %ge3A_457 = arith.constant 16 : i32
    %ge3A_458 = arith.cmpi sge, %get3A_326, %ge3A_457 : i32
    %and3A_459 = arith.andi %le3A_456, %ge3A_458 : i1
    %convert_element_type3A_460 = arith.extui %and3A_459 : i1 to i32
    %cond3A_461 = arith.constant 0 : i32
    %cond3A_462 = arith.cmpi ne, %convert_element_type3A_460, %cond3A_461 : i32
    scf.if %cond3A_462 {
      %eq3A_588 = arith.constant 16 : i32
      %eq3A_589 = vector.broadcast %eq3A_588 : i32 to vector<2000x1xi32>
      %eq3A_590 = arith.cmpi eq, %get3A_301, %eq3A_589 : vector<2000x1xi32>
      %jit3A = arith.constant -3.000000e+38 : f32
      %broadcast_in_dim3A_591 = vector.shape_cast %eq3A_590 : vector<2000x1xi1> to vector<2000x1xi1>
      %broadcast_in_dim3A_592 = vector.broadcast %broadcast_in_dim3A_591 : vector<2000x1xi1> to vector<2000x64xi1>
      %broadcast_in_dim3A_593 = vector.broadcast %jit3A : f32 to vector<2000x64xf32>
      %select_n3A = arith.select %broadcast_in_dim3A_592, %concatenate3A_298, %broadcast_in_dim3A_593 : vector<2000x64xi1>, vector<2000x64xf32>
      %reduce_max3A = arith.constant dense<0xFF800000> : vector<64xf32>
      %reduce_max3A_594 = vector.multi_reduction <maximumf>, %select_n3A, %reduce_max3A [0] : vector<2000x64xf32> to vector<64xf32>
      %get3A_595 = arith.constant 16 : index
      %get3A_596 = arith.constant 0 : index
      %get3A_597 = vector.load %arg13[%get3A_595, %get3A_596] : memref<32x64xf32, #tpu.memory_space<vmem>>, vector<1x64xf32>
      %get3A_598 = vector.shape_cast %get3A_597 : vector<1x64xf32> to vector<64xf32>
      %max3A = arith.maximumf %get3A_598, %reduce_max3A_594 : vector<64xf32>
      %swap3A_599 = arith.constant 16 : index
      %swap3A_600 = arith.constant 0 : index
      %swap3A_601 = vector.load %arg13[%swap3A_599, %swap3A_600] : memref<32x64xf32, #tpu.memory_space<vmem>>, vector<1x64xf32>
      %swap3A_602 = vector.shape_cast %swap3A_601 : vector<1x64xf32> to vector<64xf32>
      %swap3A_603 = vector.shape_cast %max3A : vector<64xf32> to vector<1x64xf32>
      tpu.vector_store %arg13[%swap3A_599, %swap3A_600], %swap3A_603 {strides = array<i32>} : memref<32x64xf32, #tpu.memory_space<vmem>>, vector<1x64xf32>,
    } else {
    }
    %le3A_463 = arith.constant 17 : i32
    %le3A_464 = arith.cmpi sle, %get3A_322, %le3A_463 : i32
    %ge3A_465 = arith.constant 17 : i32
    %ge3A_466 = arith.cmpi sge, %get3A_326, %ge3A_465 : i32
    %and3A_467 = arith.andi %le3A_464, %ge3A_466 : i1
    %convert_element_type3A_468 = arith.extui %and3A_467 : i1 to i32
    %cond3A_469 = arith.constant 0 : i32
    %cond3A_470 = arith.cmpi ne, %convert_element_type3A_468, %cond3A_469 : i32
    scf.if %cond3A_470 {
      %eq3A_588 = arith.constant 17 : i32
      %eq3A_589 = vector.broadcast %eq3A_588 : i32 to vector<2000x1xi32>
      %eq3A_590 = arith.cmpi eq, %get3A_301, %eq3A_589 : vector<2000x1xi32>
      %jit3A = arith.constant -3.000000e+38 : f32
      %broadcast_in_dim3A_591 = vector.shape_cast %eq3A_590 : vector<2000x1xi1> to vector<2000x1xi1>
      %broadcast_in_dim3A_592 = vector.broadcast %broadcast_in_dim3A_591 : vector<2000x1xi1> to vector<2000x64xi1>
      %broadcast_in_dim3A_593 = vector.broadcast %jit3A : f32 to vector<2000x64xf32>
      %select_n3A = arith.select %broadcast_in_dim3A_592, %concatenate3A_298, %broadcast_in_dim3A_593 : vector<2000x64xi1>, vector<2000x64xf32>
      %reduce_max3A = arith.constant dense<0xFF800000> : vector<64xf32>
      %reduce_max3A_594 = vector.multi_reduction <maximumf>, %select_n3A, %reduce_max3A [0] : vector<2000x64xf32> to vector<64xf32>
      %get3A_595 = arith.constant 17 : index
      %get3A_596 = arith.constant 0 : index
      %get3A_597 = vector.load %arg13[%get3A_595, %get3A_596] : memref<32x64xf32, #tpu.memory_space<vmem>>, vector<1x64xf32>
      %get3A_598 = vector.shape_cast %get3A_597 : vector<1x64xf32> to vector<64xf32>
      %max3A = arith.maximumf %get3A_598, %reduce_max3A_594 : vector<64xf32>
      %swap3A_599 = arith.constant 17 : index
      %swap3A_600 = arith.constant 0 : index
      %swap3A_601 = vector.load %arg13[%swap3A_599, %swap3A_600] : memref<32x64xf32, #tpu.memory_space<vmem>>, vector<1x64xf32>
      %swap3A_602 = vector.shape_cast %swap3A_601 : vector<1x64xf32> to vector<64xf32>
      %swap3A_603 = vector.shape_cast %max3A : vector<64xf32> to vector<1x64xf32>
      tpu.vector_store %arg13[%swap3A_599, %swap3A_600], %swap3A_603 {strides = array<i32>} : memref<32x64xf32, #tpu.memory_space<vmem>>, vector<1x64xf32>,
    } else {
    }
    %le3A_471 = arith.constant 18 : i32
    %le3A_472 = arith.cmpi sle, %get3A_322, %le3A_471 : i32
    %ge3A_473 = arith.constant 18 : i32
    %ge3A_474 = arith.cmpi sge, %get3A_326, %ge3A_473 : i32
    %and3A_475 = arith.andi %le3A_472, %ge3A_474 : i1
    %convert_element_type3A_476 = arith.extui %and3A_475 : i1 to i32
    %cond3A_477 = arith.constant 0 : i32
    %cond3A_478 = arith.cmpi ne, %convert_element_type3A_476, %cond3A_477 : i32
    scf.if %cond3A_478 {
      %eq3A_588 = arith.constant 18 : i32
      %eq3A_589 = vector.broadcast %eq3A_588 : i32 to vector<2000x1xi32>
      %eq3A_590 = arith.cmpi eq, %get3A_301, %eq3A_589 : vector<2000x1xi32>
      %jit3A = arith.constant -3.000000e+38 : f32
      %broadcast_in_dim3A_591 = vector.shape_cast %eq3A_590 : vector<2000x1xi1> to vector<2000x1xi1>
      %broadcast_in_dim3A_592 = vector.broadcast %broadcast_in_dim3A_591 : vector<2000x1xi1> to vector<2000x64xi1>
      %broadcast_in_dim3A_593 = vector.broadcast %jit3A : f32 to vector<2000x64xf32>
      %select_n3A = arith.select %broadcast_in_dim3A_592, %concatenate3A_298, %broadcast_in_dim3A_593 : vector<2000x64xi1>, vector<2000x64xf32>
      %reduce_max3A = arith.constant dense<0xFF800000> : vector<64xf32>
      %reduce_max3A_594 = vector.multi_reduction <maximumf>, %select_n3A, %reduce_max3A [0] : vector<2000x64xf32> to vector<64xf32>
      %get3A_595 = arith.constant 18 : index
      %get3A_596 = arith.constant 0 : index
      %get3A_597 = vector.load %arg13[%get3A_595, %get3A_596] : memref<32x64xf32, #tpu.memory_space<vmem>>, vector<1x64xf32>
      %get3A_598 = vector.shape_cast %get3A_597 : vector<1x64xf32> to vector<64xf32>
      %max3A = arith.maximumf %get3A_598, %reduce_max3A_594 : vector<64xf32>
      %swap3A_599 = arith.constant 18 : index
      %swap3A_600 = arith.constant 0 : index
      %swap3A_601 = vector.load %arg13[%swap3A_599, %swap3A_600] : memref<32x64xf32, #tpu.memory_space<vmem>>, vector<1x64xf32>
      %swap3A_602 = vector.shape_cast %swap3A_601 : vector<1x64xf32> to vector<64xf32>
      %swap3A_603 = vector.shape_cast %max3A : vector<64xf32> to vector<1x64xf32>
      tpu.vector_store %arg13[%swap3A_599, %swap3A_600], %swap3A_603 {strides = array<i32>} : memref<32x64xf32, #tpu.memory_space<vmem>>, vector<1x64xf32>,
    } else {
    }
    %le3A_479 = arith.constant 19 : i32
    %le3A_480 = arith.cmpi sle, %get3A_322, %le3A_479 : i32
    %ge3A_481 = arith.constant 19 : i32
    %ge3A_482 = arith.cmpi sge, %get3A_326, %ge3A_481 : i32
    %and3A_483 = arith.andi %le3A_480, %ge3A_482 : i1
    %convert_element_type3A_484 = arith.extui %and3A_483 : i1 to i32
    %cond3A_485 = arith.constant 0 : i32
    %cond3A_486 = arith.cmpi ne, %convert_element_type3A_484, %cond3A_485 : i32
    scf.if %cond3A_486 {
      %eq3A_588 = arith.constant 19 : i32
      %eq3A_589 = vector.broadcast %eq3A_588 : i32 to vector<2000x1xi32>
      %eq3A_590 = arith.cmpi eq, %get3A_301, %eq3A_589 : vector<2000x1xi32>
      %jit3A = arith.constant -3.000000e+38 : f32
      %broadcast_in_dim3A_591 = vector.shape_cast %eq3A_590 : vector<2000x1xi1> to vector<2000x1xi1>
      %broadcast_in_dim3A_592 = vector.broadcast %broadcast_in_dim3A_591 : vector<2000x1xi1> to vector<2000x64xi1>
      %broadcast_in_dim3A_593 = vector.broadcast %jit3A : f32 to vector<2000x64xf32>
      %select_n3A = arith.select %broadcast_in_dim3A_592, %concatenate3A_298, %broadcast_in_dim3A_593 : vector<2000x64xi1>, vector<2000x64xf32>
      %reduce_max3A = arith.constant dense<0xFF800000> : vector<64xf32>
      %reduce_max3A_594 = vector.multi_reduction <maximumf>, %select_n3A, %reduce_max3A [0] : vector<2000x64xf32> to vector<64xf32>
      %get3A_595 = arith.constant 19 : index
      %get3A_596 = arith.constant 0 : index
      %get3A_597 = vector.load %arg13[%get3A_595, %get3A_596] : memref<32x64xf32, #tpu.memory_space<vmem>>, vector<1x64xf32>
      %get3A_598 = vector.shape_cast %get3A_597 : vector<1x64xf32> to vector<64xf32>
      %max3A = arith.maximumf %get3A_598, %reduce_max3A_594 : vector<64xf32>
      %swap3A_599 = arith.constant 19 : index
      %swap3A_600 = arith.constant 0 : index
      %swap3A_601 = vector.load %arg13[%swap3A_599, %swap3A_600] : memref<32x64xf32, #tpu.memory_space<vmem>>, vector<1x64xf32>
      %swap3A_602 = vector.shape_cast %swap3A_601 : vector<1x64xf32> to vector<64xf32>
      %swap3A_603 = vector.shape_cast %max3A : vector<64xf32> to vector<1x64xf32>
      tpu.vector_store %arg13[%swap3A_599, %swap3A_600], %swap3A_603 {strides = array<i32>} : memref<32x64xf32, #tpu.memory_space<vmem>>, vector<1x64xf32>,
    } else {
    }
    %le3A_487 = arith.constant 20 : i32
    %le3A_488 = arith.cmpi sle, %get3A_322, %le3A_487 : i32
    %ge3A_489 = arith.constant 20 : i32
    %ge3A_490 = arith.cmpi sge, %get3A_326, %ge3A_489 : i32
    %and3A_491 = arith.andi %le3A_488, %ge3A_490 : i1
    %convert_element_type3A_492 = arith.extui %and3A_491 : i1 to i32
    %cond3A_493 = arith.constant 0 : i32
    %cond3A_494 = arith.cmpi ne, %convert_element_type3A_492, %cond3A_493 : i32
    scf.if %cond3A_494 {
      %eq3A_588 = arith.constant 20 : i32
      %eq3A_589 = vector.broadcast %eq3A_588 : i32 to vector<2000x1xi32>
      %eq3A_590 = arith.cmpi eq, %get3A_301, %eq3A_589 : vector<2000x1xi32>
      %jit3A = arith.constant -3.000000e+38 : f32
      %broadcast_in_dim3A_591 = vector.shape_cast %eq3A_590 : vector<2000x1xi1> to vector<2000x1xi1>
      %broadcast_in_dim3A_592 = vector.broadcast %broadcast_in_dim3A_591 : vector<2000x1xi1> to vector<2000x64xi1>
      %broadcast_in_dim3A_593 = vector.broadcast %jit3A : f32 to vector<2000x64xf32>
      %select_n3A = arith.select %broadcast_in_dim3A_592, %concatenate3A_298, %broadcast_in_dim3A_593 : vector<2000x64xi1>, vector<2000x64xf32>
      %reduce_max3A = arith.constant dense<0xFF800000> : vector<64xf32>
      %reduce_max3A_594 = vector.multi_reduction <maximumf>, %select_n3A, %reduce_max3A [0] : vector<2000x64xf32> to vector<64xf32>
      %get3A_595 = arith.constant 20 : index
      %get3A_596 = arith.constant 0 : index
      %get3A_597 = vector.load %arg13[%get3A_595, %get3A_596] : memref<32x64xf32, #tpu.memory_space<vmem>>, vector<1x64xf32>
      %get3A_598 = vector.shape_cast %get3A_597 : vector<1x64xf32> to vector<64xf32>
      %max3A = arith.maximumf %get3A_598, %reduce_max3A_594 : vector<64xf32>
      %swap3A_599 = arith.constant 20 : index
      %swap3A_600 = arith.constant 0 : index
      %swap3A_601 = vector.load %arg13[%swap3A_599, %swap3A_600] : memref<32x64xf32, #tpu.memory_space<vmem>>, vector<1x64xf32>
      %swap3A_602 = vector.shape_cast %swap3A_601 : vector<1x64xf32> to vector<64xf32>
      %swap3A_603 = vector.shape_cast %max3A : vector<64xf32> to vector<1x64xf32>
      tpu.vector_store %arg13[%swap3A_599, %swap3A_600], %swap3A_603 {strides = array<i32>} : memref<32x64xf32, #tpu.memory_space<vmem>>, vector<1x64xf32>,
    } else {
    }
    %le3A_495 = arith.constant 21 : i32
    %le3A_496 = arith.cmpi sle, %get3A_322, %le3A_495 : i32
    %ge3A_497 = arith.constant 21 : i32
    %ge3A_498 = arith.cmpi sge, %get3A_326, %ge3A_497 : i32
    %and3A_499 = arith.andi %le3A_496, %ge3A_498 : i1
    %convert_element_type3A_500 = arith.extui %and3A_499 : i1 to i32
    %cond3A_501 = arith.constant 0 : i32
    %cond3A_502 = arith.cmpi ne, %convert_element_type3A_500, %cond3A_501 : i32
    scf.if %cond3A_502 {
      %eq3A_588 = arith.constant 21 : i32
      %eq3A_589 = vector.broadcast %eq3A_588 : i32 to vector<2000x1xi32>
      %eq3A_590 = arith.cmpi eq, %get3A_301, %eq3A_589 : vector<2000x1xi32>
      %jit3A = arith.constant -3.000000e+38 : f32
      %broadcast_in_dim3A_591 = vector.shape_cast %eq3A_590 : vector<2000x1xi1> to vector<2000x1xi1>
      %broadcast_in_dim3A_592 = vector.broadcast %broadcast_in_dim3A_591 : vector<2000x1xi1> to vector<2000x64xi1>
      %broadcast_in_dim3A_593 = vector.broadcast %jit3A : f32 to vector<2000x64xf32>
      %select_n3A = arith.select %broadcast_in_dim3A_592, %concatenate3A_298, %broadcast_in_dim3A_593 : vector<2000x64xi1>, vector<2000x64xf32>
      %reduce_max3A = arith.constant dense<0xFF800000> : vector<64xf32>
      %reduce_max3A_594 = vector.multi_reduction <maximumf>, %select_n3A, %reduce_max3A [0] : vector<2000x64xf32> to vector<64xf32>
      %get3A_595 = arith.constant 21 : index
      %get3A_596 = arith.constant 0 : index
      %get3A_597 = vector.load %arg13[%get3A_595, %get3A_596] : memref<32x64xf32, #tpu.memory_space<vmem>>, vector<1x64xf32>
      %get3A_598 = vector.shape_cast %get3A_597 : vector<1x64xf32> to vector<64xf32>
      %max3A = arith.maximumf %get3A_598, %reduce_max3A_594 : vector<64xf32>
      %swap3A_599 = arith.constant 21 : index
      %swap3A_600 = arith.constant 0 : index
      %swap3A_601 = vector.load %arg13[%swap3A_599, %swap3A_600] : memref<32x64xf32, #tpu.memory_space<vmem>>, vector<1x64xf32>
      %swap3A_602 = vector.shape_cast %swap3A_601 : vector<1x64xf32> to vector<64xf32>
      %swap3A_603 = vector.shape_cast %max3A : vector<64xf32> to vector<1x64xf32>
      tpu.vector_store %arg13[%swap3A_599, %swap3A_600], %swap3A_603 {strides = array<i32>} : memref<32x64xf32, #tpu.memory_space<vmem>>, vector<1x64xf32>,
    } else {
    }
    %le3A_503 = arith.constant 22 : i32
    %le3A_504 = arith.cmpi sle, %get3A_322, %le3A_503 : i32
    %ge3A_505 = arith.constant 22 : i32
    %ge3A_506 = arith.cmpi sge, %get3A_326, %ge3A_505 : i32
    %and3A_507 = arith.andi %le3A_504, %ge3A_506 : i1
    %convert_element_type3A_508 = arith.extui %and3A_507 : i1 to i32
    %cond3A_509 = arith.constant 0 : i32
    %cond3A_510 = arith.cmpi ne, %convert_element_type3A_508, %cond3A_509 : i32
    scf.if %cond3A_510 {
      %eq3A_588 = arith.constant 22 : i32
      %eq3A_589 = vector.broadcast %eq3A_588 : i32 to vector<2000x1xi32>
      %eq3A_590 = arith.cmpi eq, %get3A_301, %eq3A_589 : vector<2000x1xi32>
      %jit3A = arith.constant -3.000000e+38 : f32
      %broadcast_in_dim3A_591 = vector.shape_cast %eq3A_590 : vector<2000x1xi1> to vector<2000x1xi1>
      %broadcast_in_dim3A_592 = vector.broadcast %broadcast_in_dim3A_591 : vector<2000x1xi1> to vector<2000x64xi1>
      %broadcast_in_dim3A_593 = vector.broadcast %jit3A : f32 to vector<2000x64xf32>
      %select_n3A = arith.select %broadcast_in_dim3A_592, %concatenate3A_298, %broadcast_in_dim3A_593 : vector<2000x64xi1>, vector<2000x64xf32>
      %reduce_max3A = arith.constant dense<0xFF800000> : vector<64xf32>
      %reduce_max3A_594 = vector.multi_reduction <maximumf>, %select_n3A, %reduce_max3A [0] : vector<2000x64xf32> to vector<64xf32>
      %get3A_595 = arith.constant 22 : index
      %get3A_596 = arith.constant 0 : index
      %get3A_597 = vector.load %arg13[%get3A_595, %get3A_596] : memref<32x64xf32, #tpu.memory_space<vmem>>, vector<1x64xf32>
      %get3A_598 = vector.shape_cast %get3A_597 : vector<1x64xf32> to vector<64xf32>
      %max3A = arith.maximumf %get3A_598, %reduce_max3A_594 : vector<64xf32>
      %swap3A_599 = arith.constant 22 : index
      %swap3A_600 = arith.constant 0 : index
      %swap3A_601 = vector.load %arg13[%swap3A_599, %swap3A_600] : memref<32x64xf32, #tpu.memory_space<vmem>>, vector<1x64xf32>
      %swap3A_602 = vector.shape_cast %swap3A_601 : vector<1x64xf32> to vector<64xf32>
      %swap3A_603 = vector.shape_cast %max3A : vector<64xf32> to vector<1x64xf32>
      tpu.vector_store %arg13[%swap3A_599, %swap3A_600], %swap3A_603 {strides = array<i32>} : memref<32x64xf32, #tpu.memory_space<vmem>>, vector<1x64xf32>,
    } else {
    }
    %le3A_511 = arith.constant 23 : i32
    %le3A_512 = arith.cmpi sle, %get3A_322, %le3A_511 : i32
    %ge3A_513 = arith.constant 23 : i32
    %ge3A_514 = arith.cmpi sge, %get3A_326, %ge3A_513 : i32
    %and3A_515 = arith.andi %le3A_512, %ge3A_514 : i1
    %convert_element_type3A_516 = arith.extui %and3A_515 : i1 to i32
    %cond3A_517 = arith.constant 0 : i32
    %cond3A_518 = arith.cmpi ne, %convert_element_type3A_516, %cond3A_517 : i32
    scf.if %cond3A_518 {
      %eq3A_588 = arith.constant 23 : i32
      %eq3A_589 = vector.broadcast %eq3A_588 : i32 to vector<2000x1xi32>
      %eq3A_590 = arith.cmpi eq, %get3A_301, %eq3A_589 : vector<2000x1xi32>
      %jit3A = arith.constant -3.000000e+38 : f32
      %broadcast_in_dim3A_591 = vector.shape_cast %eq3A_590 : vector<2000x1xi1> to vector<2000x1xi1>
      %broadcast_in_dim3A_592 = vector.broadcast %broadcast_in_dim3A_591 : vector<2000x1xi1> to vector<2000x64xi1>
      %broadcast_in_dim3A_593 = vector.broadcast %jit3A : f32 to vector<2000x64xf32>
      %select_n3A = arith.select %broadcast_in_dim3A_592, %concatenate3A_298, %broadcast_in_dim3A_593 : vector<2000x64xi1>, vector<2000x64xf32>
      %reduce_max3A = arith.constant dense<0xFF800000> : vector<64xf32>
      %reduce_max3A_594 = vector.multi_reduction <maximumf>, %select_n3A, %reduce_max3A [0] : vector<2000x64xf32> to vector<64xf32>
      %get3A_595 = arith.constant 23 : index
      %get3A_596 = arith.constant 0 : index
      %get3A_597 = vector.load %arg13[%get3A_595, %get3A_596] : memref<32x64xf32, #tpu.memory_space<vmem>>, vector<1x64xf32>
      %get3A_598 = vector.shape_cast %get3A_597 : vector<1x64xf32> to vector<64xf32>
      %max3A = arith.maximumf %get3A_598, %reduce_max3A_594 : vector<64xf32>
      %swap3A_599 = arith.constant 23 : index
      %swap3A_600 = arith.constant 0 : index
      %swap3A_601 = vector.load %arg13[%swap3A_599, %swap3A_600] : memref<32x64xf32, #tpu.memory_space<vmem>>, vector<1x64xf32>
      %swap3A_602 = vector.shape_cast %swap3A_601 : vector<1x64xf32> to vector<64xf32>
      %swap3A_603 = vector.shape_cast %max3A : vector<64xf32> to vector<1x64xf32>
      tpu.vector_store %arg13[%swap3A_599, %swap3A_600], %swap3A_603 {strides = array<i32>} : memref<32x64xf32, #tpu.memory_space<vmem>>, vector<1x64xf32>,
    } else {
    }
    %le3A_519 = arith.constant 24 : i32
    %le3A_520 = arith.cmpi sle, %get3A_322, %le3A_519 : i32
    %ge3A_521 = arith.constant 24 : i32
    %ge3A_522 = arith.cmpi sge, %get3A_326, %ge3A_521 : i32
    %and3A_523 = arith.andi %le3A_520, %ge3A_522 : i1
    %convert_element_type3A_524 = arith.extui %and3A_523 : i1 to i32
    %cond3A_525 = arith.constant 0 : i32
    %cond3A_526 = arith.cmpi ne, %convert_element_type3A_524, %cond3A_525 : i32
    scf.if %cond3A_526 {
      %eq3A_588 = arith.constant 24 : i32
      %eq3A_589 = vector.broadcast %eq3A_588 : i32 to vector<2000x1xi32>
      %eq3A_590 = arith.cmpi eq, %get3A_301, %eq3A_589 : vector<2000x1xi32>
      %jit3A = arith.constant -3.000000e+38 : f32
      %broadcast_in_dim3A_591 = vector.shape_cast %eq3A_590 : vector<2000x1xi1> to vector<2000x1xi1>
      %broadcast_in_dim3A_592 = vector.broadcast %broadcast_in_dim3A_591 : vector<2000x1xi1> to vector<2000x64xi1>
      %broadcast_in_dim3A_593 = vector.broadcast %jit3A : f32 to vector<2000x64xf32>
      %select_n3A = arith.select %broadcast_in_dim3A_592, %concatenate3A_298, %broadcast_in_dim3A_593 : vector<2000x64xi1>, vector<2000x64xf32>
      %reduce_max3A = arith.constant dense<0xFF800000> : vector<64xf32>
      %reduce_max3A_594 = vector.multi_reduction <maximumf>, %select_n3A, %reduce_max3A [0] : vector<2000x64xf32> to vector<64xf32>
      %get3A_595 = arith.constant 24 : index
      %get3A_596 = arith.constant 0 : index
      %get3A_597 = vector.load %arg13[%get3A_595, %get3A_596] : memref<32x64xf32, #tpu.memory_space<vmem>>, vector<1x64xf32>
      %get3A_598 = vector.shape_cast %get3A_597 : vector<1x64xf32> to vector<64xf32>
      %max3A = arith.maximumf %get3A_598, %reduce_max3A_594 : vector<64xf32>
      %swap3A_599 = arith.constant 24 : index
      %swap3A_600 = arith.constant 0 : index
      %swap3A_601 = vector.load %arg13[%swap3A_599, %swap3A_600] : memref<32x64xf32, #tpu.memory_space<vmem>>, vector<1x64xf32>
      %swap3A_602 = vector.shape_cast %swap3A_601 : vector<1x64xf32> to vector<64xf32>
      %swap3A_603 = vector.shape_cast %max3A : vector<64xf32> to vector<1x64xf32>
      tpu.vector_store %arg13[%swap3A_599, %swap3A_600], %swap3A_603 {strides = array<i32>} : memref<32x64xf32, #tpu.memory_space<vmem>>, vector<1x64xf32>,
    } else {
    }
    %le3A_527 = arith.constant 25 : i32
    %le3A_528 = arith.cmpi sle, %get3A_322, %le3A_527 : i32
    %ge3A_529 = arith.constant 25 : i32
    %ge3A_530 = arith.cmpi sge, %get3A_326, %ge3A_529 : i32
    %and3A_531 = arith.andi %le3A_528, %ge3A_530 : i1
    %convert_element_type3A_532 = arith.extui %and3A_531 : i1 to i32
    %cond3A_533 = arith.constant 0 : i32
    %cond3A_534 = arith.cmpi ne, %convert_element_type3A_532, %cond3A_533 : i32
    scf.if %cond3A_534 {
      %eq3A_588 = arith.constant 25 : i32
      %eq3A_589 = vector.broadcast %eq3A_588 : i32 to vector<2000x1xi32>
      %eq3A_590 = arith.cmpi eq, %get3A_301, %eq3A_589 : vector<2000x1xi32>
      %jit3A = arith.constant -3.000000e+38 : f32
      %broadcast_in_dim3A_591 = vector.shape_cast %eq3A_590 : vector<2000x1xi1> to vector<2000x1xi1>
      %broadcast_in_dim3A_592 = vector.broadcast %broadcast_in_dim3A_591 : vector<2000x1xi1> to vector<2000x64xi1>
      %broadcast_in_dim3A_593 = vector.broadcast %jit3A : f32 to vector<2000x64xf32>
      %select_n3A = arith.select %broadcast_in_dim3A_592, %concatenate3A_298, %broadcast_in_dim3A_593 : vector<2000x64xi1>, vector<2000x64xf32>
      %reduce_max3A = arith.constant dense<0xFF800000> : vector<64xf32>
      %reduce_max3A_594 = vector.multi_reduction <maximumf>, %select_n3A, %reduce_max3A [0] : vector<2000x64xf32> to vector<64xf32>
      %get3A_595 = arith.constant 25 : index
      %get3A_596 = arith.constant 0 : index
      %get3A_597 = vector.load %arg13[%get3A_595, %get3A_596] : memref<32x64xf32, #tpu.memory_space<vmem>>, vector<1x64xf32>
      %get3A_598 = vector.shape_cast %get3A_597 : vector<1x64xf32> to vector<64xf32>
      %max3A = arith.maximumf %get3A_598, %reduce_max3A_594 : vector<64xf32>
      %swap3A_599 = arith.constant 25 : index
      %swap3A_600 = arith.constant 0 : index
      %swap3A_601 = vector.load %arg13[%swap3A_599, %swap3A_600] : memref<32x64xf32, #tpu.memory_space<vmem>>, vector<1x64xf32>
      %swap3A_602 = vector.shape_cast %swap3A_601 : vector<1x64xf32> to vector<64xf32>
      %swap3A_603 = vector.shape_cast %max3A : vector<64xf32> to vector<1x64xf32>
      tpu.vector_store %arg13[%swap3A_599, %swap3A_600], %swap3A_603 {strides = array<i32>} : memref<32x64xf32, #tpu.memory_space<vmem>>, vector<1x64xf32>,
    } else {
    }
    %le3A_535 = arith.constant 26 : i32
    %le3A_536 = arith.cmpi sle, %get3A_322, %le3A_535 : i32
    %ge3A_537 = arith.constant 26 : i32
    %ge3A_538 = arith.cmpi sge, %get3A_326, %ge3A_537 : i32
    %and3A_539 = arith.andi %le3A_536, %ge3A_538 : i1
    %convert_element_type3A_540 = arith.extui %and3A_539 : i1 to i32
    %cond3A_541 = arith.constant 0 : i32
    %cond3A_542 = arith.cmpi ne, %convert_element_type3A_540, %cond3A_541 : i32
    scf.if %cond3A_542 {
      %eq3A_588 = arith.constant 26 : i32
      %eq3A_589 = vector.broadcast %eq3A_588 : i32 to vector<2000x1xi32>
      %eq3A_590 = arith.cmpi eq, %get3A_301, %eq3A_589 : vector<2000x1xi32>
      %jit3A = arith.constant -3.000000e+38 : f32
      %broadcast_in_dim3A_591 = vector.shape_cast %eq3A_590 : vector<2000x1xi1> to vector<2000x1xi1>
      %broadcast_in_dim3A_592 = vector.broadcast %broadcast_in_dim3A_591 : vector<2000x1xi1> to vector<2000x64xi1>
      %broadcast_in_dim3A_593 = vector.broadcast %jit3A : f32 to vector<2000x64xf32>
      %select_n3A = arith.select %broadcast_in_dim3A_592, %concatenate3A_298, %broadcast_in_dim3A_593 : vector<2000x64xi1>, vector<2000x64xf32>
      %reduce_max3A = arith.constant dense<0xFF800000> : vector<64xf32>
      %reduce_max3A_594 = vector.multi_reduction <maximumf>, %select_n3A, %reduce_max3A [0] : vector<2000x64xf32> to vector<64xf32>
      %get3A_595 = arith.constant 26 : index
      %get3A_596 = arith.constant 0 : index
      %get3A_597 = vector.load %arg13[%get3A_595, %get3A_596] : memref<32x64xf32, #tpu.memory_space<vmem>>, vector<1x64xf32>
      %get3A_598 = vector.shape_cast %get3A_597 : vector<1x64xf32> to vector<64xf32>
      %max3A = arith.maximumf %get3A_598, %reduce_max3A_594 : vector<64xf32>
      %swap3A_599 = arith.constant 26 : index
      %swap3A_600 = arith.constant 0 : index
      %swap3A_601 = vector.load %arg13[%swap3A_599, %swap3A_600] : memref<32x64xf32, #tpu.memory_space<vmem>>, vector<1x64xf32>
      %swap3A_602 = vector.shape_cast %swap3A_601 : vector<1x64xf32> to vector<64xf32>
      %swap3A_603 = vector.shape_cast %max3A : vector<64xf32> to vector<1x64xf32>
      tpu.vector_store %arg13[%swap3A_599, %swap3A_600], %swap3A_603 {strides = array<i32>} : memref<32x64xf32, #tpu.memory_space<vmem>>, vector<1x64xf32>,
    } else {
    }
    %le3A_543 = arith.constant 27 : i32
    %le3A_544 = arith.cmpi sle, %get3A_322, %le3A_543 : i32
    %ge3A_545 = arith.constant 27 : i32
    %ge3A_546 = arith.cmpi sge, %get3A_326, %ge3A_545 : i32
    %and3A_547 = arith.andi %le3A_544, %ge3A_546 : i1
    %convert_element_type3A_548 = arith.extui %and3A_547 : i1 to i32
    %cond3A_549 = arith.constant 0 : i32
    %cond3A_550 = arith.cmpi ne, %convert_element_type3A_548, %cond3A_549 : i32
    scf.if %cond3A_550 {
      %eq3A_588 = arith.constant 27 : i32
      %eq3A_589 = vector.broadcast %eq3A_588 : i32 to vector<2000x1xi32>
      %eq3A_590 = arith.cmpi eq, %get3A_301, %eq3A_589 : vector<2000x1xi32>
      %jit3A = arith.constant -3.000000e+38 : f32
      %broadcast_in_dim3A_591 = vector.shape_cast %eq3A_590 : vector<2000x1xi1> to vector<2000x1xi1>
      %broadcast_in_dim3A_592 = vector.broadcast %broadcast_in_dim3A_591 : vector<2000x1xi1> to vector<2000x64xi1>
      %broadcast_in_dim3A_593 = vector.broadcast %jit3A : f32 to vector<2000x64xf32>
      %select_n3A = arith.select %broadcast_in_dim3A_592, %concatenate3A_298, %broadcast_in_dim3A_593 : vector<2000x64xi1>, vector<2000x64xf32>
      %reduce_max3A = arith.constant dense<0xFF800000> : vector<64xf32>
      %reduce_max3A_594 = vector.multi_reduction <maximumf>, %select_n3A, %reduce_max3A [0] : vector<2000x64xf32> to vector<64xf32>
      %get3A_595 = arith.constant 27 : index
      %get3A_596 = arith.constant 0 : index
      %get3A_597 = vector.load %arg13[%get3A_595, %get3A_596] : memref<32x64xf32, #tpu.memory_space<vmem>>, vector<1x64xf32>
      %get3A_598 = vector.shape_cast %get3A_597 : vector<1x64xf32> to vector<64xf32>
      %max3A = arith.maximumf %get3A_598, %reduce_max3A_594 : vector<64xf32>
      %swap3A_599 = arith.constant 27 : index
      %swap3A_600 = arith.constant 0 : index
      %swap3A_601 = vector.load %arg13[%swap3A_599, %swap3A_600] : memref<32x64xf32, #tpu.memory_space<vmem>>, vector<1x64xf32>
      %swap3A_602 = vector.shape_cast %swap3A_601 : vector<1x64xf32> to vector<64xf32>
      %swap3A_603 = vector.shape_cast %max3A : vector<64xf32> to vector<1x64xf32>
      tpu.vector_store %arg13[%swap3A_599, %swap3A_600], %swap3A_603 {strides = array<i32>} : memref<32x64xf32, #tpu.memory_space<vmem>>, vector<1x64xf32>,
    } else {
    }
    %le3A_551 = arith.constant 28 : i32
    %le3A_552 = arith.cmpi sle, %get3A_322, %le3A_551 : i32
    %ge3A_553 = arith.constant 28 : i32
    %ge3A_554 = arith.cmpi sge, %get3A_326, %ge3A_553 : i32
    %and3A_555 = arith.andi %le3A_552, %ge3A_554 : i1
    %convert_element_type3A_556 = arith.extui %and3A_555 : i1 to i32
    %cond3A_557 = arith.constant 0 : i32
    %cond3A_558 = arith.cmpi ne, %convert_element_type3A_556, %cond3A_557 : i32
    scf.if %cond3A_558 {
      %eq3A_588 = arith.constant 28 : i32
      %eq3A_589 = vector.broadcast %eq3A_588 : i32 to vector<2000x1xi32>
      %eq3A_590 = arith.cmpi eq, %get3A_301, %eq3A_589 : vector<2000x1xi32>
      %jit3A = arith.constant -3.000000e+38 : f32
      %broadcast_in_dim3A_591 = vector.shape_cast %eq3A_590 : vector<2000x1xi1> to vector<2000x1xi1>
      %broadcast_in_dim3A_592 = vector.broadcast %broadcast_in_dim3A_591 : vector<2000x1xi1> to vector<2000x64xi1>
      %broadcast_in_dim3A_593 = vector.broadcast %jit3A : f32 to vector<2000x64xf32>
      %select_n3A = arith.select %broadcast_in_dim3A_592, %concatenate3A_298, %broadcast_in_dim3A_593 : vector<2000x64xi1>, vector<2000x64xf32>
      %reduce_max3A = arith.constant dense<0xFF800000> : vector<64xf32>
      %reduce_max3A_594 = vector.multi_reduction <maximumf>, %select_n3A, %reduce_max3A [0] : vector<2000x64xf32> to vector<64xf32>
      %get3A_595 = arith.constant 28 : index
      %get3A_596 = arith.constant 0 : index
      %get3A_597 = vector.load %arg13[%get3A_595, %get3A_596] : memref<32x64xf32, #tpu.memory_space<vmem>>, vector<1x64xf32>
      %get3A_598 = vector.shape_cast %get3A_597 : vector<1x64xf32> to vector<64xf32>
      %max3A = arith.maximumf %get3A_598, %reduce_max3A_594 : vector<64xf32>
      %swap3A_599 = arith.constant 28 : index
      %swap3A_600 = arith.constant 0 : index
      %swap3A_601 = vector.load %arg13[%swap3A_599, %swap3A_600] : memref<32x64xf32, #tpu.memory_space<vmem>>, vector<1x64xf32>
      %swap3A_602 = vector.shape_cast %swap3A_601 : vector<1x64xf32> to vector<64xf32>
      %swap3A_603 = vector.shape_cast %max3A : vector<64xf32> to vector<1x64xf32>
      tpu.vector_store %arg13[%swap3A_599, %swap3A_600], %swap3A_603 {strides = array<i32>} : memref<32x64xf32, #tpu.memory_space<vmem>>, vector<1x64xf32>,
    } else {
    }
    %le3A_559 = arith.constant 29 : i32
    %le3A_560 = arith.cmpi sle, %get3A_322, %le3A_559 : i32
    %ge3A_561 = arith.constant 29 : i32
    %ge3A_562 = arith.cmpi sge, %get3A_326, %ge3A_561 : i32
    %and3A_563 = arith.andi %le3A_560, %ge3A_562 : i1
    %convert_element_type3A_564 = arith.extui %and3A_563 : i1 to i32
    %cond3A_565 = arith.constant 0 : i32
    %cond3A_566 = arith.cmpi ne, %convert_element_type3A_564, %cond3A_565 : i32
    scf.if %cond3A_566 {
      %eq3A_588 = arith.constant 29 : i32
      %eq3A_589 = vector.broadcast %eq3A_588 : i32 to vector<2000x1xi32>
      %eq3A_590 = arith.cmpi eq, %get3A_301, %eq3A_589 : vector<2000x1xi32>
      %jit3A = arith.constant -3.000000e+38 : f32
      %broadcast_in_dim3A_591 = vector.shape_cast %eq3A_590 : vector<2000x1xi1> to vector<2000x1xi1>
      %broadcast_in_dim3A_592 = vector.broadcast %broadcast_in_dim3A_591 : vector<2000x1xi1> to vector<2000x64xi1>
      %broadcast_in_dim3A_593 = vector.broadcast %jit3A : f32 to vector<2000x64xf32>
      %select_n3A = arith.select %broadcast_in_dim3A_592, %concatenate3A_298, %broadcast_in_dim3A_593 : vector<2000x64xi1>, vector<2000x64xf32>
      %reduce_max3A = arith.constant dense<0xFF800000> : vector<64xf32>
      %reduce_max3A_594 = vector.multi_reduction <maximumf>, %select_n3A, %reduce_max3A [0] : vector<2000x64xf32> to vector<64xf32>
      %get3A_595 = arith.constant 29 : index
      %get3A_596 = arith.constant 0 : index
      %get3A_597 = vector.load %arg13[%get3A_595, %get3A_596] : memref<32x64xf32, #tpu.memory_space<vmem>>, vector<1x64xf32>
      %get3A_598 = vector.shape_cast %get3A_597 : vector<1x64xf32> to vector<64xf32>
      %max3A = arith.maximumf %get3A_598, %reduce_max3A_594 : vector<64xf32>
      %swap3A_599 = arith.constant 29 : index
      %swap3A_600 = arith.constant 0 : index
      %swap3A_601 = vector.load %arg13[%swap3A_599, %swap3A_600] : memref<32x64xf32, #tpu.memory_space<vmem>>, vector<1x64xf32>
      %swap3A_602 = vector.shape_cast %swap3A_601 : vector<1x64xf32> to vector<64xf32>
      %swap3A_603 = vector.shape_cast %max3A : vector<64xf32> to vector<1x64xf32>
      tpu.vector_store %arg13[%swap3A_599, %swap3A_600], %swap3A_603 {strides = array<i32>} : memref<32x64xf32, #tpu.memory_space<vmem>>, vector<1x64xf32>,
    } else {
    }
    %le3A_567 = arith.constant 30 : i32
    %le3A_568 = arith.cmpi sle, %get3A_322, %le3A_567 : i32
    %ge3A_569 = arith.constant 30 : i32
    %ge3A_570 = arith.cmpi sge, %get3A_326, %ge3A_569 : i32
    %and3A_571 = arith.andi %le3A_568, %ge3A_570 : i1
    %convert_element_type3A_572 = arith.extui %and3A_571 : i1 to i32
    %cond3A_573 = arith.constant 0 : i32
    %cond3A_574 = arith.cmpi ne, %convert_element_type3A_572, %cond3A_573 : i32
    scf.if %cond3A_574 {
      %eq3A_588 = arith.constant 30 : i32
      %eq3A_589 = vector.broadcast %eq3A_588 : i32 to vector<2000x1xi32>
      %eq3A_590 = arith.cmpi eq, %get3A_301, %eq3A_589 : vector<2000x1xi32>
      %jit3A = arith.constant -3.000000e+38 : f32
      %broadcast_in_dim3A_591 = vector.shape_cast %eq3A_590 : vector<2000x1xi1> to vector<2000x1xi1>
      %broadcast_in_dim3A_592 = vector.broadcast %broadcast_in_dim3A_591 : vector<2000x1xi1> to vector<2000x64xi1>
      %broadcast_in_dim3A_593 = vector.broadcast %jit3A : f32 to vector<2000x64xf32>
      %select_n3A = arith.select %broadcast_in_dim3A_592, %concatenate3A_298, %broadcast_in_dim3A_593 : vector<2000x64xi1>, vector<2000x64xf32>
      %reduce_max3A = arith.constant dense<0xFF800000> : vector<64xf32>
      %reduce_max3A_594 = vector.multi_reduction <maximumf>, %select_n3A, %reduce_max3A [0] : vector<2000x64xf32> to vector<64xf32>
      %get3A_595 = arith.constant 30 : index
      %get3A_596 = arith.constant 0 : index
      %get3A_597 = vector.load %arg13[%get3A_595, %get3A_596] : memref<32x64xf32, #tpu.memory_space<vmem>>, vector<1x64xf32>
      %get3A_598 = vector.shape_cast %get3A_597 : vector<1x64xf32> to vector<64xf32>
      %max3A = arith.maximumf %get3A_598, %reduce_max3A_594 : vector<64xf32>
      %swap3A_599 = arith.constant 30 : index
      %swap3A_600 = arith.constant 0 : index
      %swap3A_601 = vector.load %arg13[%swap3A_599, %swap3A_600] : memref<32x64xf32, #tpu.memory_space<vmem>>, vector<1x64xf32>
      %swap3A_602 = vector.shape_cast %swap3A_601 : vector<1x64xf32> to vector<64xf32>
      %swap3A_603 = vector.shape_cast %max3A : vector<64xf32> to vector<1x64xf32>
      tpu.vector_store %arg13[%swap3A_599, %swap3A_600], %swap3A_603 {strides = array<i32>} : memref<32x64xf32, #tpu.memory_space<vmem>>, vector<1x64xf32>,
    } else {
    }
    %le3A_575 = arith.constant 31 : i32
    %le3A_576 = arith.cmpi sle, %get3A_322, %le3A_575 : i32
    %ge3A_577 = arith.constant 31 : i32
    %ge3A_578 = arith.cmpi sge, %get3A_326, %ge3A_577 : i32
    %and3A_579 = arith.andi %le3A_576, %ge3A_578 : i1
    %convert_element_type3A_580 = arith.extui %and3A_579 : i1 to i32
    %cond3A_581 = arith.constant 0 : i32
    %cond3A_582 = arith.cmpi ne, %convert_element_type3A_580, %cond3A_581 : i32
    scf.if %cond3A_582 {
      %eq3A_588 = arith.constant 31 : i32
      %eq3A_589 = vector.broadcast %eq3A_588 : i32 to vector<2000x1xi32>
      %eq3A_590 = arith.cmpi eq, %get3A_301, %eq3A_589 : vector<2000x1xi32>
      %jit3A = arith.constant -3.000000e+38 : f32
      %broadcast_in_dim3A_591 = vector.shape_cast %eq3A_590 : vector<2000x1xi1> to vector<2000x1xi1>
      %broadcast_in_dim3A_592 = vector.broadcast %broadcast_in_dim3A_591 : vector<2000x1xi1> to vector<2000x64xi1>
      %broadcast_in_dim3A_593 = vector.broadcast %jit3A : f32 to vector<2000x64xf32>
      %select_n3A = arith.select %broadcast_in_dim3A_592, %concatenate3A_298, %broadcast_in_dim3A_593 : vector<2000x64xi1>, vector<2000x64xf32>
      %reduce_max3A = arith.constant dense<0xFF800000> : vector<64xf32>
      %reduce_max3A_594 = vector.multi_reduction <maximumf>, %select_n3A, %reduce_max3A [0] : vector<2000x64xf32> to vector<64xf32>
      %get3A_595 = arith.constant 31 : index
      %get3A_596 = arith.constant 0 : index
      %get3A_597 = vector.load %arg13[%get3A_595, %get3A_596] : memref<32x64xf32, #tpu.memory_space<vmem>>, vector<1x64xf32>
      %get3A_598 = vector.shape_cast %get3A_597 : vector<1x64xf32> to vector<64xf32>
      %max3A = arith.maximumf %get3A_598, %reduce_max3A_594 : vector<64xf32>
      %swap3A_599 = arith.constant 31 : index
      %swap3A_600 = arith.constant 0 : index
      %swap3A_601 = vector.load %arg13[%swap3A_599, %swap3A_600] : memref<32x64xf32, #tpu.memory_space<vmem>>, vector<1x64xf32>
      %swap3A_602 = vector.shape_cast %swap3A_601 : vector<1x64xf32> to vector<64xf32>
      %swap3A_603 = vector.shape_cast %max3A : vector<64xf32> to vector<1x64xf32>
      tpu.vector_store %arg13[%swap3A_599, %swap3A_600], %swap3A_603 {strides = array<i32>} : memref<32x64xf32, #tpu.memory_space<vmem>>, vector<1x64xf32>,
    } else {
    }
    %eq3A_583 = arith.constant 24 : i32
    %eq3A_584 = arith.cmpi eq, %arg0, %eq3A_583 : i32
    %convert_element_type3A_585 = arith.extui %eq3A_584 : i1 to i32
    %cond3A_586 = arith.constant 0 : i32
    %cond3A_587 = arith.cmpi ne, %convert_element_type3A_585, %cond3A_586 : i32
    scf.if %cond3A_587 {
      %get3A_588 = arith.constant 0 : index
      %get3A_589 = arith.constant 64 : index
      %get3A_590 = vector.load %arg10[%get3A_588, %get3A_589] : memref<32x72xf32, #tpu.memory_space<vmem>>, vector<32x1xf32>
      %get3A_591 = arith.constant 0 : index
      %get3A_592 = arith.constant 0 : index
      %get3A_593 = vector.load %arg10[%get3A_591, %get3A_592] : memref<32x72xf32, #tpu.memory_space<vmem>>, vector<32x64xf32>
      %max3A = arith.constant 1.000000e+00 : f32
      %max3A_594 = vector.broadcast %max3A : f32 to vector<32x1xf32>
      %max3A_595 = arith.maximumf %get3A_590, %max3A_594 : vector<32x1xf32>
      %div3A = vector.broadcast %max3A_595 : vector<32x1xf32> to vector<32x64xf32>
      %div3A_596 = arith.divf %get3A_593, %div3A : vector<32x64xf32>
      %gt3A = arith.constant 0.000000e+00 : f32
      %gt3A_597 = vector.broadcast %gt3A : f32 to vector<32x1xf32>
      %gt3A_598 = arith.cmpf ogt, %get3A_590, %gt3A_597 : vector<32x1xf32>
      %jit3A = arith.constant 0.000000e+00 : f32
      %broadcast_in_dim3A_599 = vector.shape_cast %gt3A_598 : vector<32x1xi1> to vector<32x1xi1>
      %broadcast_in_dim3A_600 = vector.broadcast %broadcast_in_dim3A_599 : vector<32x1xi1> to vector<32x64xi1>
      %broadcast_in_dim3A_601 = vector.broadcast %jit3A : f32 to vector<32x64xf32>
      %select_n3A = arith.select %broadcast_in_dim3A_600, %div3A_596, %broadcast_in_dim3A_601 : vector<32x64xi1>, vector<32x64xf32>
      %gt3A_602 = arith.constant 0.000000e+00 : f32
      %gt3A_603 = vector.broadcast %gt3A_602 : f32 to vector<32x1xf32>
      %gt3A_604 = arith.cmpf ogt, %get3A_590, %gt3A_603 : vector<32x1xf32>
      %get3A_605 = arith.constant 0 : index
      %get3A_606 = arith.constant 0 : index
      %get3A_607 = vector.load %arg11[%get3A_605, %get3A_606] : memref<32x64xf32, #tpu.memory_space<vmem>>, vector<32x64xf32>
      %jit3A_608 = arith.constant 0.000000e+00 : f32
      %broadcast_in_dim3A_609 = vector.shape_cast %gt3A_604 : vector<32x1xi1> to vector<32x1xi1>
      %broadcast_in_dim3A_610 = vector.broadcast %broadcast_in_dim3A_609 : vector<32x1xi1> to vector<32x64xi1>
      %broadcast_in_dim3A_611 = vector.broadcast %jit3A_608 : f32 to vector<32x64xf32>
      %select_n3A_612 = arith.select %broadcast_in_dim3A_610, %get3A_607, %broadcast_in_dim3A_611 : vector<32x64xi1>, vector<32x64xf32>
      %get3A_613 = arith.constant 0 : index
      %get3A_614 = arith.constant 64 : index
      %get3A_615 = vector.load %arg12[%get3A_613, %get3A_614] : memref<32x72xf32, #tpu.memory_space<vmem>>, vector<32x1xf32>
      %get3A_616 = arith.constant 0 : index
      %get3A_617 = arith.constant 0 : index
      %get3A_618 = vector.load %arg12[%get3A_616, %get3A_617] : memref<32x72xf32, #tpu.memory_space<vmem>>, vector<32x64xf32>
      %max3A_619 = arith.constant 1.000000e+00 : f32
      %max3A_620 = vector.broadcast %max3A_619 : f32 to vector<32x1xf32>
      %max3A_621 = arith.maximumf %get3A_615, %max3A_620 : vector<32x1xf32>
      %div3A_622 = vector.broadcast %max3A_621 : vector<32x1xf32> to vector<32x64xf32>
      %div3A_623 = arith.divf %get3A_618, %div3A_622 : vector<32x64xf32>
      %gt3A_624 = arith.constant 0.000000e+00 : f32
      %gt3A_625 = vector.broadcast %gt3A_624 : f32 to vector<32x1xf32>
      %gt3A_626 = arith.cmpf ogt, %get3A_615, %gt3A_625 : vector<32x1xf32>
      %jit3A_627 = arith.constant 0.000000e+00 : f32
      %broadcast_in_dim3A_628 = vector.shape_cast %gt3A_626 : vector<32x1xi1> to vector<32x1xi1>
      %broadcast_in_dim3A_629 = vector.broadcast %broadcast_in_dim3A_628 : vector<32x1xi1> to vector<32x64xi1>
      %broadcast_in_dim3A_630 = vector.broadcast %jit3A_627 : f32 to vector<32x64xf32>
      %select_n3A_631 = arith.select %broadcast_in_dim3A_629, %div3A_623, %broadcast_in_dim3A_630 : vector<32x64xi1>, vector<32x64xf32>
      %gt3A_632 = arith.constant 0.000000e+00 : f32
      %gt3A_633 = vector.broadcast %gt3A_632 : f32 to vector<32x1xf32>
      %gt3A_634 = arith.cmpf ogt, %get3A_615, %gt3A_633 : vector<32x1xf32>
      %get3A_635 = arith.constant 0 : index
      %get3A_636 = arith.constant 0 : index
      %get3A_637 = vector.load %arg13[%get3A_635, %get3A_636] : memref<32x64xf32, #tpu.memory_space<vmem>>, vector<32x64xf32>
      %jit3A_638 = arith.constant 0.000000e+00 : f32
      %broadcast_in_dim3A_639 = vector.shape_cast %gt3A_634 : vector<32x1xi1> to vector<32x1xi1>
      %broadcast_in_dim3A_640 = vector.broadcast %broadcast_in_dim3A_639 : vector<32x1xi1> to vector<32x64xi1>
      %broadcast_in_dim3A_641 = vector.broadcast %jit3A_638 : f32 to vector<32x64xf32>
      %select_n3A_642 = arith.select %broadcast_in_dim3A_640, %get3A_637, %broadcast_in_dim3A_641 : vector<32x64xi1>, vector<32x64xf32>
      %concatenate3A_643 = tpu.concatenate %select_n3A, %select_n3A_612, %select_n3A_631, %select_n3A_642 in 1 : vector<32x64xf32>, vector<32x64xf32>, vector<32x64xf32>, vector<32x64xf32> -> vector<32x256xf32>
      %get3A_644 = arith.constant 0 : index
      %get3A_645 = arith.constant 0 : index
      %get3A_646 = vector.load %arg5[%get3A_644, %get3A_645] : memref<256x64xf32, #tpu.memory_space<vmem>>, vector<256x64xf32>
      %dot_general3A_647 = arith.constant dense<0.000000e+00> : vector<32x64xf32>
      %dot_general3A_648 = tpu.matmul %concatenate3A_643, %get3A_646, %dot_general3A_647 {dimension_numbers = #tpu.dot_dimension_numbers<[1], [0], [0], [1], [0, 0, 1, 1], [], []>, transpose_lhs_hint = false} : vector<32x256xf32>, vector<256x64xf32>, vector<32x64xf32> -> vector<32x64xf32>
      %get3A_649 = arith.constant 0 : index
      %get3A_650 = vector.load %arg6[%get3A_649] : memref<64xf32, #tpu.memory_space<vmem>>, vector<64xf32>
      %broadcast_in_dim3A_651 = vector.shape_cast %get3A_650 : vector<64xf32> to vector<1x64xf32>
      %add3A_652 = vector.broadcast %broadcast_in_dim3A_651 : vector<1x64xf32> to vector<32x64xf32>
      %add3A_653 = arith.addf %dot_general3A_648, %add3A_652 : vector<32x64xf32>
      %get3A_654 = arith.constant 0 : index
      %get3A_655 = arith.constant 0 : index
      %get3A_656 = vector.load %arg7[%get3A_654, %get3A_655] : memref<64x1xf32, #tpu.memory_space<vmem>>, vector<64x1xf32>
      %dot_general3A_657 = arith.constant dense<0.000000e+00> : vector<32x1xf32>
      %dot_general3A_658 = tpu.matmul %add3A_653, %get3A_656, %dot_general3A_657 {dimension_numbers = #tpu.dot_dimension_numbers<[1], [0], [0], [1], [0, 0, 1, 1], [], []>, transpose_lhs_hint = false} : vector<32x64xf32>, vector<64x1xf32>, vector<32x1xf32> -> vector<32x1xf32>
      %get3A_659 = arith.constant 0 : index
      %get3A_660 = vector.load %arg8[%get3A_659] : memref<1xf32, #tpu.memory_space<vmem>>, vector<1xf32>
      %broadcast_in_dim3A_661 = vector.shape_cast %get3A_660 : vector<1xf32> to vector<1x1xf32>
      %add3A_662 = vector.broadcast %broadcast_in_dim3A_661 : vector<1x1xf32> to vector<32x1xf32>
      %add3A_663 = arith.addf %dot_general3A_658, %add3A_662 : vector<32x1xf32>
      %swap3A_664 = arith.constant 0 : index
      %swap3A_665 = arith.constant 0 : index
      %swap3A_666 = vector.load %arg9[%swap3A_664, %swap3A_665] : memref<32x1xf32, #tpu.memory_space<vmem>>, vector<32x1xf32>
      tpu.vector_store %arg9[%swap3A_664, %swap3A_665], %add3A_663 {strides = array<i32>} : memref<32x1xf32, #tpu.memory_space<vmem>>, vector<32x1xf32>,
    } else {
    }
    return
  }
  func.func @transform_0(%arg0: i32) -> (i32, i32, i32) {
    %c0_i32 = arith.constant 0 : i32
    %c0_i32_0 = arith.constant 0 : i32
    %c0_i32_1 = arith.constant 0 : i32
    return %c0_i32, %arg0, %c0_i32_0 : i32, i32, i32
  }
  func.func @transform_1(%arg0: i32) -> (i32, i32, i32) {
    %c0_i32 = arith.constant 0 : i32
    %c0_i32_0 = arith.constant 0 : i32
    %c0_i32_1 = arith.constant 0 : i32
    return %c0_i32, %arg0, %c0_i32_0 : i32, i32, i32
  }
  func.func @transform_2(%arg0: i32) -> (i32, i32) {
    %c0_i32 = arith.constant 0 : i32
    %c0_i32_0 = arith.constant 0 : i32
    return %arg0, %c0_i32 : i32, i32
  }
  func.func @transform_3(%arg0: i32) -> (i32, i32) {
    %c0_i32 = arith.constant 0 : i32
    %c0_i32_0 = arith.constant 0 : i32
    return %arg0, %c0_i32 : i32, i32
  }
  func.func @transform_4(%arg0: i32) -> (i32, i32) {
    %c0_i32 = arith.constant 0 : i32
    %c0_i32_0 = arith.constant 0 : i32
    %c0_i32_1 = arith.constant 0 : i32
    return %c0_i32, %c0_i32_0 : i32, i32
  }
  func.func @transform_5(%arg0: i32) -> i32 {
    %c0_i32 = arith.constant 0 : i32
    %c0_i32_0 = arith.constant 0 : i32
    return %c0_i32 : i32
  }
  func.func @transform_6(%arg0: i32) -> (i32, i32) {
    %c0_i32 = arith.constant 0 : i32
    %c0_i32_0 = arith.constant 0 : i32
    %c0_i32_1 = arith.constant 0 : i32
    return %c0_i32, %c0_i32_0 : i32, i32
  }
  func.func @transform_7(%arg0: i32) -> i32 {
    %c0_i32 = arith.constant 0 : i32
    %c0_i32_0 = arith.constant 0 : i32
    return %c0_i32 : i32
  }
  func.func @transform_8(%arg0: i32) -> (i32, i32) {
    %c0_i32 = arith.constant 0 : i32
    %c0_i32_0 = arith.constant 0 : i32
    %c0_i32_1 = arith.constant 0 : i32
    return %c0_i32, %c0_i32_0 : i32, i32
  }
}

</mosaic_0001>

<sc_bundles>
// kernel: kernel.11.cloned.1.call-start
scs
__scs_entry_jumppad:
0x0: {  	(pc) =	sbr.rel $0x88, $3  }
0x1: {  	(tag) =	ssettag $0x0;
	lr =	simm.s32 $0x1  }
0x2: {  	[smem:$0x3F89] =	sst lr;
	_ =	strace $0xD0000000  }
0x3: {  	_ = 	snop  }
0x4: {  	_ = 	snop  }
0x5: {  	_ = 	snop  }
0x6: {  	_ = 	snop  }
0x7: {  	_ = 	snop  }
__scs_overlays_trampoline_lowered:
0x8: {  	[smem:$0x3F98] =	sst s0  }
0x9: {  	[smem:$0x3F99] =	sst s1  }
0xa: {  	[smem:$0x3F9A] =	sst s2  }
0xb: {  	[smem:$0x3F9B] =	sst s3  }
0xc: {  	[smem:$0x3F9C] =	sst s4  }
0xd: {  	[smem:$0x3F9D] =	sst s5  }
0xe: {  	[smem:$0x3F9E] =	sst s6  }
0xf: {  	[smem:$0x3F9F] =	sst s7  }
0x10: {  	[smem:$0x3FA0] =	sst s8  }
0x11: {  	[smem:$0x3FA1] =	sst s9;
	s0 =	simm.s32 @!p0 $0x0  }
0x12: {  	s1 =	sld [smem:$0x3F87];
	s0 =	simm.s32 @p0 $0x1  }
0x13: {  	[smem:$0x3FA2] =	sst s0;
	s0 =	simm.s32 @!p1 $0x0  }
0x14: {  	s2 =	sld [smem:$0x3F86];
	s0 =	simm.s32 @p1 $0x1  }
0x15: {  	[smem:$0x3FA3] =	sst s0;
	s0 =	simm.s32 @!p2 $0x0  }
0x16: {  	s3 =	sld [smem:$0x3FDB];
	s0 =	simm.s32 @p2 $0x1  }
0x17: {  	s4 =	simm.s32 $0x1BF5;
	[smem:$0x3FA5] =	sst s0  }
0x18: {  	s0 =	sld [smem:$0x3F88];
	_ =	swait.ge [sflag:s4], $0x0  }
0x19: {  	s7 =	sld [smem:$0x3F89]  }
0x1a: {  	s8 =	sadd.s32 $0xFFFFE003, lr  }
0x1b: {  	s9 =	sadd.s32 $0xFFFFFEF7, lr;
	s5 =	simm.s32 $0xFFFFFFFF;
	p2 =	slt.u32 s8, $0xFFFFF086  }
0x1c: {  	p1 =	slt.u32 s9, $0xF7A;
	s5 =	simm.s32 @!p2 $0x0  }
0x1d: {  	s5 =	simm.s32 @p1 $0x1;
	p0 =	seq.s32 s7, s2  }
0x1e: {  	s7 =	smul.u32 @!p0 $0xF7A, s2;
	p2 =	seq.s32 @!p0 s5, $0x0  }
0x1f: {  	s9 =	smul.u32 $0xF7A, s1;
	s8 =	simm.s32 @!p0 $0x1BF5;
	p2 =	por !p2, p0  }
0x20: {  	[sflag:s8] =	ssyncset.s32 @!p0 $0xFFFFF086;
	s6 =	sadd.s32 @!p0 s3, s7;
	s7 =	simm.s32 @!p0 $0x108  }
0x21: {  	s3 =	sadd.s32 s3, s9;
	s6 =	sadd.s32 @!p0 $0x88, s6;
	s7 =	simm.s32 @p2 $0x1082  }
0x22: {  	[simem:s7], [sflag:s8] =	dma.local @!p0 [hbm:s6], $0xF7A  }
0x23: {  	s9 =	sor.u32 $0xD0000000, s2;
	s6 =	simm.s32 $0x108;
	_ =	swait.ge @!p0 [sflag:s8], $0x0  }
0x24: {  	s3 =	sadd.s32 $0x88, s3;
	s6 =	simm.s32 @!p1 $0x1082;
	[sflag:s4] =	ssyncset.s32 $0xFFFFF086  }
0x25: {  	[simem:s6], [sflag:s4] =	dma.local [hbm:s3], $0xF7A  }
0x26: {  	[smem:$0x3F89] =	sst s1;
	(tag) =	ssettag s2;
	_ =	strace s9  }
0x27: {  	s1 =	sld [smem:$0x3F99]  }
0x28: {  	s2 =	sld [smem:$0x3F9A]  }
0x29: {  	s4 =	sld [smem:$0x3F9C]  }
0x2a: {  	p0 =	seq.s32 s5, $0x0;
	s5 =	sld [smem:$0x3F9D]  }
0x2b: {  	s6 =	sld [smem:$0x3F9E]  }
0x2c: {  	s7 =	sld [smem:$0x3F9F]  }
0x2d: {  	s3 =	simm.s32 $0x108;
	s8 =	sld [smem:$0x3FA0]  }
0x2e: {  	s3 =	simm.s32 @!p0 $0x1082;
	s9 =	sld [smem:$0x3FA1]  }
0x2f: {  	lr =	sadd.s32 s0, s3;
	s0 =	sld [smem:$0x3F98]  }
0x30: {  	s3 =	sld [smem:$0x3F9B]  }
0x31: {  	[smem:$0x3FA4] =	sst s10  }
0x32: {  	s10 =	sld [smem:$0x3FA2];
	_ =	sdelay $0x3  }
0x33: {  	p0 =	seq.s32 s10, $0x1;
	s10 =	sld [smem:$0x3FA4];
	_ =	sdelay $0x3  }
0x34: {  	[smem:$0x3FA4] =	sst s10  }
0x35: {  	s10 =	sld [smem:$0x3FA3];
	_ =	sdelay $0x3  }
0x36: {  	p1 =	seq.s32 s10, $0x1;
	s10 =	sld [smem:$0x3FA4];
	_ =	sdelay $0x3  }
0x37: {  	[smem:$0x3FA4] =	sst s10  }
0x38: {  	s10 =	sld [smem:$0x3FA5]  }
0x39: {  	_ = 	snop;
	(pc) =	sbr.ind lr, $3  }
0x3a: {  	_ = 	snop  }
0x3b: {  	_ = 	snop  }
0x3c: {  	p2 =	seq.s32 s10, $0x1;
	s10 =	sld [smem:$0x3FA4]  }
0x3d: {  	_ =	shalt  }
0x3e: {  	_ =	shalt  }
0x3f: {  	_ =	shalt  }
0x40: {  	_ =	shalt  }
0x41: {  	_ =	shalt  }
0x42: {  	_ =	shalt  }
0x43: {  	_ =	shalt  }
0x44: {  	_ =	shalt  }
0x45: {  	_ =	shalt  }
0x46: {  	_ =	shalt  }
0x47: {  	_ =	shalt  }
0x48: {  	_ =	shalt  }
0x49: {  	_ =	shalt  }
0x4a: {  	_ =	shalt  }
0x4b: {  	_ =	shalt  }
0x4c: {  	_ =	shalt  }
0x4d: {  	_ =	shalt  }
0x4e: {  	_ =	shalt  }
0x4f: {  	_ =	shalt  }
0x50: {  	_ =	shalt  }
0x51: {  	_ =	shalt  }
0x52: {  	_ =	shalt  }
0x53: {  	_ =	shalt  }
0x54: {  	_ =	shalt  }
0x55: {  	_ =	shalt  }
0x56: {  	_ =	shalt  }
0x57: {  	_ =	shalt  }
0x58: {  	_ =	shalt  }
0x59: {  	_ =	shalt  }
0x5a: {  	_ =	shalt  }
0x5b: {  	_ =	shalt  }
0x5c: {  	_ =	shalt  }
0x5d: {  	_ =	shalt  }
0x5e: {  	_ =	shalt  }
0x5f: {  	_ =	shalt  }
0x60: {  	_ =	shalt  }
0x61: {  	_ =	shalt  }
0x62: {  	_ =	shalt  }
0x63: {  	_ =	shalt  }
0x64: {  	_ =	shalt  }
0x65: {  	_ =	shalt  }
0x66: {  	_ =	shalt  }
0x67: {  	_ =	shalt  }
0x68: {  	_ =	shalt  }
0x69: {  	_ =	shalt  }
0x6a: {  	_ =	shalt  }
0x6b: {  	_ =	shalt  }
0x6c: {  	_ =	shalt  }
0x6d: {  	_ =	shalt  }
0x6e: {  	_ =	shalt  }
0x6f: {  	_ =	shalt  }
0x70: {  	_ =	shalt  }
0x71: {  	_ =	shalt  }
0x72: {  	_ =	shalt  }
0x73: {  	_ =	shalt  }
0x74: {  	_ =	shalt  }
0x75: {  	_ =	shalt  }
0x76: {  	_ =	shalt  }
0x77: {  	_ =	shalt  }
0x78: {  	_ =	shalt  }
0x79: {  	_ =	shalt  }
0x7a: {  	_ =	shalt  }
0x7b: {  	_ =	shalt  }
0x7c: {  	_ =	shalt  }
0x7d: {  	_ =	shalt  }
0x7e: {  	_ =	shalt  }
0x7f: {  	_ =	shalt  }
0x80: {  	_ =	shalt  }
0x81: {  	_ =	shalt  }
0x82: {  	_ =	shalt  }
0x83: {  	_ =	shalt  }
0x84: {  	_ =	shalt  }
0x85: {  	_ =	shalt  }
0x86: {  	_ =	shalt  }
0x87: {  	_ =	shalt  }
.Lfunc_end0:
.L_simem_size_0:
called_computation.1_lowered:
.L_overlay_start_0:
0x88: {  	s2 =	sld [smem:$0x3FD9]  }
0x89: {  	s3 =	sld [smem:$0x3FFE];
	_ =	sdelay $0x1  }
0x8a: {  	s1 =	srdreg.scid  }
0x8b: {  	s0 =	sand.u32 $0x1, s1  }
0x8c: {  	s16 =	sshll.u32 s0, $0xA;
	s2 =	sadd.s32 s3, s2  }
0x8d: {  	s2 =	sadd.s32 s2, s16  }
0x8e: {  	[smem:$0x3FB0] =	sst s2  }
0x8f: {  	_ = 	snop  }
0x90: {  	(tm) =	ssettm $0x1  }
0x91: {  	s17 =	sld [smem:$0x3FFB];
	_ =	sdelay $0x3  }
0x92: {  	_ =	strace s17  }
0x93: {  	s2 =	sld [smem:$0x3FFC];
	_ =	sdelay $0x3  }
0x94: {  	_ =	strace s2  }
0x95: {  	s2 =	sld [smem:$0x3FFD];
	_ =	sdelay $0x3  }
0x96: {  	_ =	strace s2  }
0x97: {  	_ =	strace $0x8FFFFFFF  }
0x98: {  	s18 =	sld [smem:$0x3FDB];
	_ =	sdelay $0x1  }
0x99: {  	s19 =	simm.s32 $_scs_section_size  }
0x9a: {  	s4 =	simm.s32 $_size__tile_overlayer_lowered;
	s5 =	simm.s32 $_tile_overlayer_lowered  }
0x9b: {  	s22 =	simm.s32 $0x1BFF;
	s21 =	sshll.u32 s5, $0x1;
	s2 =	sadd.s32 s19, s18  }
0x9c: {  	s6 =	simm.s32 $0x0;
	s20 =	sshll.u32 s4, $0x1;
	s4 =	sadd.s32 s21, s2  }
0x9d: {  	[timem:s6], [sflag:s22] =	dma.local [hbm:s4], s20  }
0x9e: {  	_ =	swait.ge [sflag:s22], s20  }
0x9f: {  	s3 =	ssub.s32 $0x0, s20;
	[sflag:s22] =	ssyncset.done $0x0  }
0xa0: {  	[sflag:s22] =	ssyncadd.s32 s3;
	_ =	sdelay $0x1  }
0xa1: {  	s23 =	simm.s32 $0x1B8B  }
0xa2: {  	_ =	swait.ge [sflag:s23], $0x1  }
0xa3: {  	[sflag:s23] =	ssyncset.done $0x0  }
0xa4: {  	s25 =	simm.s32 $0x1B8E;
	s24 =	sld [smem:$0x3FFE];
	[sflag:s23] =	ssyncadd.s32 $0xFFFFFFFF  }
0xa5: {  	s26 =	simm.s32 $execute0_lowered;
	[smem:$0x3FD2] =	sst s25  }
0xa6: {  	s4 =	sshll.u32 s26, $0x1;
	_ =	strace $0x80000049;
	[dreg:$0x1] =	wrdreg $0xFFFFFFFF  }
0xa7: {  	s28 =	simm.s32 $_size_execute0_lowered;
	s2 =	sadd.s32 s2, s4;
	[dreg:$0x0] =	wrdreg $0x0  }
0xa8: {  	s4 =	sshll.u32 s28, $0x1;
	[dreg:$0x2] =	wrdreg s2  }
0xa9: {  	[dreg:$0x3] =	wrdreg s4  }
0xaa: {  	[dreg:$0x4] =	wrdreg $0xC0  }
0xab: {  	_ =	task [dreg:s6], $0x5FFFF  }
0xac: {  	[dreg:$0x1] =	wrdreg $0xFFFFFFFF  }
0xad: {  	[dreg:$0x0] =	wrdreg $0x60  }
0xae: {  	[dreg:$0x2] =	wrdreg s24  }
0xaf: {  	[dreg:$0x3] =	wrdreg $0x6C000  }
0xb0: {  	[dreg:$0x4] =	wrdreg $0x9  }
0xb1: {  	_ =	task.clear_ibuf [dreg:s6], $0x5FFFF;
	_ =	strace $0x90000049  }
0xb2: {  	s29 =	simm.s32 $0x9;
	_ =	strace $0x8000004B  }
0xb3: {  	_ =	swait.ge [sflag:s29], $0x1  }
0xb4: {  	[sflag:s29] =	ssyncadd.s32 $0xFFFFFFFF  }
0xb5: {  	_ =	strace $0x9000004B  }
0xb6: {  	_ =	sfence  }
0xb7: {  	s30 =	sld [smem:$0x0];
	_ =	sdelay $0x2  }
0xb8: {  	s31 =	sshll.u32 s1, $0xD;
	s1 =	sshrl.u32 s1, $0x2  }
0xb9: {  	s3 =	sand.u32 $0x4000, s31;
	s1 =	sadd.s32 s1, s30  }
0xba: {  	s0 =	sor.u32 s3, s0;
	s1 =	sshll.u32 s1, $0x11  }
0xbb: {  	s0 =	sor.u32 s1, s0  }
0xbc: {  	s0 =	sadd.s32 $0x8F2B, s0  }
0xbd: {  	[sflag:s0] =	ssyncadd.remote.s32 $0x1  }
0xbe: {  	_ =	sfence.sel $0xFFFF  }
0xbf: {  	[dreg:$0x0] =	wrdreg $0xFFFFFFFF;
	(pc) =	sbr.abs _section_cstart, $3  }
0xc0: {  	[dreg:$0x1] =	wrdreg $0xFFFFFFFF  }
0xc1: {  	_ =	task.clear_ibuf [dreg:s6], $0x2FFFF;
	_ =	strace $0x9FFFFFFF  }
0xc2: {  	(tm) =	ssettm $0x7FFFFFFF  }
0xc3: {  	_ =	shalt  }
tec
execute0_lowered:
.L_overlay_start_1:
0x0: {  	(tag) =	ssettag $0x1  }
0x1: {  	s0 =	rddreg [dreg:$0x0]  }
0x2: {  	s2 =	srdreg.scid;
	s1 =	rddreg [dreg:$0x1];
	s3 =	simm.s32 $0x0  }
0x3: {  	s8 =	stileid.u32;
	s14 =	simm.s32 $0x5C00;
	s15 =	simm.s32 $0x5  }
0x4: {  	s16 =	simm.s32 $0xE00;
	s17 =	simm.s32 $0x80;
	s18 =	simm.s32 $0x1C00  }
0x5: {  	s19 =	simm.s32 $0x2C00;
	s20 =	simm.s32 $0x100;
	s21 =	simm.s32 $0x3C00  }
0x6: {  	s22 =	simm.s32 $0x180;
	s23 =	simm.s32 $0x4C00;
	s24 =	simm.s32 $0x1  }
0x7: {  	s28 =	simm.s32 $0x4;
	s29 =	simm.s32 $0x1A00;
	s9 =	smul.u32 $0x19000, s8  }
0x8: {  	s30 =	simm.s32 $0x1A80;
	s2 =	sand.u32 $0x1, s2;
	s7 =	smul.u32 $0x64000, s8  }
0x9: {  	s31 =	simm.s32 $0x1B00;
	[smem:$0x7FF] =	sst s3;
	s4 =	smul.u32 $0x30D40, s2  }
0xa: {  	s5 =	smul.u32 $0x190000, s2;
	_ =	strace $0x8000004A;
	s2 =	ssub.s32 $0x2, s2  }
0xb: {  	s25 =	sshrl.u32 s2, $0x1;
	s7 =	sshrl.u32 s7, $0x2;
	s10 =	sadd.s32 s4, s0  }
0xc: {  	s4 =	sadd.s32 $0x406400, s0;
	s6 =	sadd.s32 s9, s5;
	s5 =	sadd.s32 $0x3D5400, s0  }
0xd: {  	s2 =	ssub.s32 s2, s25;
	s9 =	sadd.s32 s9, s1;
	s25 =	simm.s32 $0x2  }
0xe: {  	s6 =	sshrl.u32 s6, $0x3;
	[dreg:$0x4] =	wrdreg s9;
	s26 =	smax.u32 s2, $0x1  }
0xf: {  	s0 =	sadd.s32 s6, s0;
	s6 =	sadd.s32 s7, s1;
	s7 =	smul.u32 $0xC400, s8  }
0x10: {  	s8 =	sadd.s32 $0x499000, s10;
	[dreg:$0x6] =	wrdreg s26;
	s11 =	sadd.s32 $0x564600, s0  }
0x11: {  	s26 =	simm.s32 $0x3;
	s0 =	sadd.s32 $0x500600, s0;
	[dreg:$0x3] =	wrdreg s11  }
0x12: {  	v0 =	vimm.f32 $0.0e+00;
	s11 =	sadd.s32 $0x437400, s10;
	[dreg:$0x5] =	wrdreg s0;
	s0 =	simm.s32 $0x1B80  }
.LBB2_1:
0x13: {  	s2 =	simm.s32 $0x0  }
.LBB2_2:
0x14: {  	p0 =	sne.s32 s2, $0x3F80  }
.Ltmp0:
0x15: {  	_ = 	snop;
	(pc) =	sbr.rel @p0 .LBB2_2-.Ltmp0, $4  }
0x16: {  	_ = 	snop  }
0x17: {  	s9 =	sshra.s32 s2, $0x2  }
0x18: {  	[tilespmem:s9+$0x5C00] =	vst v0  }
0x19: {  	s2 =	sadd.s32 $0x80, s2;
	[tilespmem:s9+$0x5C10] =	vst v0  }
0x1a: {  	s2 =	sadd.s32 $0x0, s6  }
0x1b: {  	[spmem:s2] =	stream.linear.scatter [tilespmem:s14], [sflag:$0x5], $0x1000, $0x38;
	[tilespmem:$0x1FC00] =	vst v63  }
0x1c: {  	s2 =	simm.s32 $0x4000;
	_ =	swait.ge [sflag:s15], $0x1000  }
.LBB2_4:
0x1d: {  	s9 =	sshra.s32 s2, $0x2;
	[sflag:s15] =	ssyncset.done $0x0;
	p0 =	sne.s32 s2, $0x60000  }
.Ltmp1:
0x1e: {  	s9 =	sadd.s32 s9, s6;
	[sflag:s15] =	ssyncadd.s32 $0xFFFFF000;
	(pc) =	sbr.rel @p0 .LBB2_4-.Ltmp1, $3  }
0x1f: {  	[spmem:s9] =	stream.linear.scatter [tilespmem:s14], [sflag:$0x5], $0x1000, $0x38;
	[tilespmem:$0x1FC00] =	vst v63  }
0x20: {  	s2 =	sadd.s32 $0x4000, s2;
	_ =	sdelay $0x1  }
0x21: {  	_ =	swait.ge [sflag:s15], $0x1000  }
0x22: {  	[sflag:s15] =	ssyncset.done $0x0  }
0x23: {  	[sflag:s15] =	ssyncadd.s32 $0xFFFFF000  }
0x24: {  	s2 =	simm.s32 $0x0;
	s9 =	simm.s32 $0x0;
	[bflag:$0x0] =	sbarrier.arrive $0xFFFF  }
.LBB2_6:
0x25: {  	s10 =	smul.u32 $0xE00, s9;
	_ =	sdelay $0x1  }
0x26: {  	s10 =	sadd.s32 s7, s10  }
0x27: {  	s10 =	sshrl.u32 s10, $0x3  }
0x28: {  	s10 =	sadd.s32 s4, s10  }
0x29: {  	[tilespmem:s2], [sflag:$0x5] =	stream.linear.gather [hbm4b:s10+s2], $0xE00, $0x38;
	[tilespmem:$0x1FC00] =	vst v63  }
0x2a: {  	_ =	swait.ge [sflag:s15], $0xE00  }
0x2b: {  	[sflag:s15] =	ssyncset.done $0x0  }
0x2c: {  	s10 =	sadd.s32 $0x18800, s10;
	[sflag:s15] =	ssyncadd.s32 $0xFFFFF200  }
0x2d: {  	[tilespmem:s16], [sflag:$0x5] =	stream.linear.gather [hbm4b:s10+s2], $0xE00, $0x38;
	[tilespmem:$0x1FC00] =	vst v63  }
0x2e: {  	_ =	swait.ge [sflag:s15], $0xE00  }
0x2f: {  	[sflag:s15] =	ssyncset.done $0x0  }
0x30: {  	[sflag:s15] =	ssyncadd.s32 $0xFFFFF200  }
0x31: {  	[tilespmem:s18], [sflag:$0x1] =	stream.indirect.gather [hbm4b:s8+s17], $0x20, s2, s17, $0xb8;
	[tilespmem:$0x1FC00] =	vst v63  }
0x32: {  	_ = 	snop  }
0x33: {  	[tilespmem:s19], [sflag:$0x2] =	stream.indirect.gather [hbm4b:s8+s17], $0x20, s17, s17, $0xb8;
	[tilespmem:$0x1FC00] =	vst v63  }
0x34: {  	_ = 	snop  }
0x35: {  	[tilespmem:s21], [sflag:$0x3] =	stream.indirect.gather [hbm4b:s8+s17], $0x20, s20, s17, $0xb8;
	[tilespmem:$0x1FC00] =	vst v63  }
0x36: {  	_ = 	snop  }
0x37: {  	[tilespmem:s23], [sflag:$0x4] =	stream.indirect.gather [hbm4b:s8+s17], $0x20, s22, s17, $0xb8;
	[tilespmem:$0x1FC00] =	vst v63  }
0x38: {  	_ =	swait.ge [sflag:s24], $0x1000  }
0x39: {  	[sflag:s24] =	ssyncset.done $0x0  }
0x3a: {  	s13 =	simm.s32 $0xE00;
	[sflag:s24] =	ssyncadd.s32 $0xFFFFF000  }
0x3b: {  	[spmem:s1] =	stream.indirect.scatter.add.f32 [tilespmem:s18], [sflag:$0x5], $0x20, s13, s17, $0xb8;
	[tilespmem:$0x1FC00] =	vst v63  }
0x3c: {  	_ =	swait.ge [sflag:s15], $0x1000  }
0x3d: {  	[sflag:s15] =	ssyncset.done $0x0  }
0x3e: {  	s12 =	simm.s32 $0x200;
	[sflag:s15] =	ssyncadd.s32 $0xFFFFF000  }
0x3f: {  	[tilespmem:s18], [sflag:$0x1] =	stream.indirect.gather [hbm4b:s8+s17], $0x20, s12, s17, $0xb8;
	[tilespmem:$0x1FC00] =	vst v63  }
0x40: {  	_ =	swait.ge [sflag:s25], $0x1000  }
0x41: {  	[sflag:s25] =	ssyncset.done $0x0  }
0x42: {  	s13 =	simm.s32 $0xE80;
	[sflag:s25] =	ssyncadd.s32 $0xFFFFF000  }
0x43: {  	[spmem:s1] =	stream.indirect.scatter.add.f32 [tilespmem:s19], [sflag:$0x5], $0x20, s13, s17, $0xb8;
	[tilespmem:$0x1FC00] =	vst v63  }
0x44: {  	_ =	swait.ge [sflag:s15], $0x1000  }
0x45: {  	[sflag:s15] =	ssyncset.done $0x0  }
0x46: {  	s12 =	simm.s32 $0x280;
	[sflag:s15] =	ssyncadd.s32 $0xFFFFF000  }
0x47: {  	[tilespmem:s19], [sflag:$0x2] =	stream.indirect.gather [hbm4b:s8+s17], $0x20, s12, s17, $0xb8;
	[tilespmem:$0x1FC00] =	vst v63  }
0x48: {  	_ =	swait.ge [sflag:s26], $0x1000  }
0x49: {  	[sflag:s26] =	ssyncset.done $0x0  }
0x4a: {  	s13 =	simm.s32 $0xF00;
	[sflag:s26] =	ssyncadd.s32 $0xFFFFF000  }
0x4b: {  	[spmem:s1] =	stream.indirect.scatter.add.f32 [tilespmem:s21], [sflag:$0x5], $0x20, s13, s17, $0xb8;
	[tilespmem:$0x1FC00] =	vst v63  }
0x4c: {  	_ =	swait.ge [sflag:s15], $0x1000  }
0x4d: {  	[sflag:s15] =	ssyncset.done $0x0  }
0x4e: {  	s12 =	simm.s32 $0x300;
	[sflag:s15] =	ssyncadd.s32 $0xFFFFF000  }
0x4f: {  	[tilespmem:s21], [sflag:$0x3] =	stream.indirect.gather [hbm4b:s8+s17], $0x20, s12, s17, $0xb8;
	[tilespmem:$0x1FC00] =	vst v63  }
0x50: {  	_ =	swait.ge [sflag:s28], $0x1000  }
0x51: {  	[sflag:s28] =	ssyncset.done $0x0  }
0x52: {  	s13 =	simm.s32 $0xF80;
	[sflag:s28] =	ssyncadd.s32 $0xFFFFF000  }
0x53: {  	[spmem:s1] =	stream.indirect.scatter.add.f32 [tilespmem:s23], [sflag:$0x5], $0x20, s13, s17, $0xb8;
	[tilespmem:$0x1FC00] =	vst v63  }
0x54: {  	_ =	swait.ge [sflag:s15], $0x1000  }
0x55: {  	[sflag:s15] =	ssyncset.done $0x0  }
0x56: {  	s10 =	simm.s32 $0x800;
	s12 =	simm.s32 $0x380;
	[sflag:s15] =	ssyncadd.s32 $0xFFFFF000  }
.LBB2_7:
0x57: {  	[tilespmem:s23], [sflag:$0x4] =	stream.indirect.gather [hbm4b:s8+s17], $0x20, s12, s17, $0xb8;
	[tilespmem:$0x1FC00] =	vst v63  }
0x58: {  	s12 =	smov.u32 s10  }
0x59: {  	p0 =	sne.s32 s10, $0x2800;
	s10 =	sadd.s32 $0x800, s10;
	_ =	swait.ge [sflag:s24], $0x1000  }
0x5a: {  	s12 =	sshra.s32 s12, $0x2;
	[sflag:s24] =	ssyncset.done $0x0  }
0x5b: {  	s13 =	sadd.s32 $0xE00, s12;
	[sflag:s24] =	ssyncadd.s32 $0xFFFFF000  }
0x5c: {  	[spmem:s1] =	stream.indirect.scatter.add.f32 [tilespmem:s18], [sflag:$0x5], $0x20, s13, s17, $0xb8;
	[tilespmem:$0x1FC00] =	vst v63  }
0x5d: {  	_ =	swait.ge [sflag:s15], $0x1000  }
0x5e: {  	[sflag:s15] =	ssyncset.done $0x0  }
0x5f: {  	s13 =	sadd.s32 $0x200, s12;
	[sflag:s15] =	ssyncadd.s32 $0xFFFFF000  }
0x60: {  	[tilespmem:s18], [sflag:$0x1] =	stream.indirect.gather [hbm4b:s8+s17], $0x20, s13, s17, $0xb8;
	[tilespmem:$0x1FC00] =	vst v63  }
0x61: {  	_ =	swait.ge [sflag:s25], $0x1000  }
0x62: {  	[sflag:s25] =	ssyncset.done $0x0  }
0x63: {  	s13 =	sadd.s32 $0xE80, s12;
	[sflag:s25] =	ssyncadd.s32 $0xFFFFF000  }
0x64: {  	[spmem:s1] =	stream.indirect.scatter.add.f32 [tilespmem:s19], [sflag:$0x5], $0x20, s13, s17, $0xb8;
	[tilespmem:$0x1FC00] =	vst v63  }
0x65: {  	_ =	swait.ge [sflag:s15], $0x1000  }
0x66: {  	[sflag:s15] =	ssyncset.done $0x0  }
0x67: {  	s13 =	sadd.s32 $0x280, s12;
	[sflag:s15] =	ssyncadd.s32 $0xFFFFF000  }
0x68: {  	[tilespmem:s19], [sflag:$0x2] =	stream.indirect.gather [hbm4b:s8+s17], $0x20, s13, s17, $0xb8;
	[tilespmem:$0x1FC00] =	vst v63  }
0x69: {  	_ =	swait.ge [sflag:s26], $0x1000  }
0x6a: {  	[sflag:s26] =	ssyncset.done $0x0  }
0x6b: {  	s13 =	sadd.s32 $0xF00, s12;
	[sflag:s26] =	ssyncadd.s32 $0xFFFFF000  }
0x6c: {  	[spmem:s1] =	stream.indirect.scatter.add.f32 [tilespmem:s21], [sflag:$0x5], $0x20, s13, s17, $0xb8;
	[tilespmem:$0x1FC00] =	vst v63  }
0x6d: {  	_ =	swait.ge [sflag:s15], $0x1000  }
0x6e: {  	[sflag:s15] =	ssyncset.done $0x0  }
0x6f: {  	s13 =	sadd.s32 $0x300, s12;
	[sflag:s15] =	ssyncadd.s32 $0xFFFFF000  }
0x70: {  	[tilespmem:s21], [sflag:$0x3] =	stream.indirect.gather [hbm4b:s8+s17], $0x20, s13, s17, $0xb8;
	[tilespmem:$0x1FC00] =	vst v63  }
0x71: {  	_ =	swait.ge [sflag:s28], $0x1000  }
0x72: {  	[sflag:s28] =	ssyncset.done $0x0  }
.Ltmp2:
0x73: {  	s13 =	sadd.s32 $0xF80, s12;
	[sflag:s28] =	ssyncadd.s32 $0xFFFFF000;
	(pc) =	sbr.rel @p0 .LBB2_7-.Ltmp2, $4  }
0x74: {  	[spmem:s1] =	stream.indirect.scatter.add.f32 [tilespmem:s23], [sflag:$0x5], $0x20, s13, s17, $0xb8;
	[tilespmem:$0x1FC00] =	vst v63  }
0x75: {  	_ =	swait.ge [sflag:s15], $0x1000  }
0x76: {  	[sflag:s15] =	ssyncset.done $0x0  }
0x77: {  	s12 =	sadd.s32 $0x380, s12;
	[sflag:s15] =	ssyncadd.s32 $0xFFFFF000  }
0x78: {  	[tilespmem:s23], [sflag:$0x4] =	stream.indirect.gather [hbm4b:s8+s17], $0x20, s12, s17, $0xb8;
	[tilespmem:$0x1FC00] =	vst v63  }
0x79: {  	_ =	swait.ge [sflag:s24], $0x1000  }
0x7a: {  	[sflag:s24] =	ssyncset.done $0x0  }
0x7b: {  	[sflag:s24] =	ssyncadd.s32 $0xFFFFF000  }
0x7c: {  	[spmem:s1] =	stream.indirect.scatter.add.f32 [tilespmem:s18], [sflag:$0x5], $0x20, s29, s17, $0xb8;
	[tilespmem:$0x1FC00] =	vst v63  }
0x7d: {  	_ =	swait.ge [sflag:s15], $0x1000  }
0x7e: {  	[sflag:s15] =	ssyncset.done $0x0  }
0x7f: {  	[sflag:s15] =	ssyncadd.s32 $0xFFFFF000  }
0x80: {  	_ =	swait.ge [sflag:s25], $0x1000  }
0x81: {  	[sflag:s25] =	ssyncset.done $0x0  }
0x82: {  	[sflag:s25] =	ssyncadd.s32 $0xFFFFF000  }
0x83: {  	[spmem:s1] =	stream.indirect.scatter.add.f32 [tilespmem:s19], [sflag:$0x5], $0x20, s30, s17, $0xb8;
	[tilespmem:$0x1FC00] =	vst v63  }
0x84: {  	_ =	swait.ge [sflag:s15], $0x1000  }
0x85: {  	[sflag:s15] =	ssyncset.done $0x0  }
0x86: {  	[sflag:s15] =	ssyncadd.s32 $0xFFFFF000  }
0x87: {  	_ =	swait.ge [sflag:s26], $0x1000  }
0x88: {  	[sflag:s26] =	ssyncset.done $0x0  }
0x89: {  	[sflag:s26] =	ssyncadd.s32 $0xFFFFF000  }
0x8a: {  	[spmem:s1] =	stream.indirect.scatter.add.f32 [tilespmem:s21], [sflag:$0x5], $0x20, s31, s17, $0xb8;
	[tilespmem:$0x1FC00] =	vst v63  }
0x8b: {  	_ =	swait.ge [sflag:s15], $0x1000  }
0x8c: {  	[sflag:s15] =	ssyncset.done $0x0  }
0x8d: {  	[sflag:s15] =	ssyncadd.s32 $0xFFFFF000  }
0x8e: {  	s9 =	sadd.s32 $0x1, s9;
	_ =	swait.ge [sflag:s28], $0x1000  }
0x8f: {  	p0 =	sne.s32 s9, $0xE;
	[sflag:s28] =	ssyncset.done $0x0  }
.Ltmp3:
0x90: {  	[sflag:s28] =	ssyncadd.s32 $0xFFFFF000;
	(pc) =	sbr.rel @p0 .LBB2_6-.Ltmp3, $4  }
0x91: {  	[spmem:s1] =	stream.indirect.scatter.add.f32 [tilespmem:s23], [sflag:$0x5], $0x20, s0, s17, $0xb8;
	[tilespmem:$0x1FC00] =	vst v63  }
0x92: {  	_ =	swait.ge [sflag:s15], $0x1000  }
0x93: {  	[sflag:s15] =	ssyncset.done $0x0  }
0x94: {  	[sflag:s15] =	ssyncadd.s32 $0xFFFFF000  }
0x95: {  	s2 =	stileid.u32;
	[bflag:$0x0] =	sbarrier.arrive $0xFFFF  }
0x96: {  	s2 =	sshll.u32 s2, $0x6;
	s10 =	rddreg [dreg:$0x4]  }
0x97: {  	s12 =	rddreg [dreg:$0x3];
	s9 =	sor.u32 $0x1C05, s2  }
0x98: {  	s10 =	sshrl.u32 s10, $0x3;
	[dreg:$0x7] =	wrdreg s9  }
0x99: {  	[dreg:$0x8] =	wrdreg s10  }
0x9a: {  	[hbm:s12], [sflag:s9] =	dma.local [spmem:s10], $0x3200  }
0x9b: {  	_ =	swait.ge [sflag:s15], $0x3200  }
0x9c: {  	[sflag:s15] =	ssyncset.done $0x0  }
0x9d: {  	[sflag:s15] =	ssyncadd.s32 $0xFFFFCE00  }
0x9e: {  	s13 =	sadd.s32 $0x0, s6;
	[bflag:$0x0] =	sbarrier.arrive $0xFFFF  }
0x9f: {  	[spmem:s13] =	stream.linear.scatter [tilespmem:s14], [sflag:$0x5], $0x1000, $0x38;
	[tilespmem:$0x1FC00] =	vst v63  }
0xa0: {  	s2 =	simm.s32 $0x4000;
	_ =	swait.ge [sflag:s15], $0x1000  }
.LBB2_10:
0xa1: {  	s10 =	sshra.s32 s2, $0x2;
	[sflag:s15] =	ssyncset.done $0x0;
	p0 =	sne.s32 s2, $0x60000  }
.Ltmp4:
0xa2: {  	s10 =	sadd.s32 s10, s6;
	[sflag:s15] =	ssyncadd.s32 $0xFFFFF000;
	(pc) =	sbr.rel @p0 .LBB2_10-.Ltmp4, $3  }
0xa3: {  	[spmem:s10] =	stream.linear.scatter [tilespmem:s14], [sflag:$0x5], $0x1000, $0x38;
	[tilespmem:$0x1FC00] =	vst v63  }
0xa4: {  	s2 =	sadd.s32 $0x4000, s2;
	_ =	sdelay $0x1  }
0xa5: {  	_ =	swait.ge [sflag:s15], $0x1000  }
0xa6: {  	[sflag:s15] =	ssyncset.done $0x0  }
0xa7: {  	[sflag:s15] =	ssyncadd.s32 $0xFFFFF000  }
0xa8: {  	s10 =	simm.s32 $0x0;
	s12 =	simm.s32 $0x0;
	[bflag:$0x0] =	sbarrier.arrive $0xFFFF  }
.LBB2_12:
0xa9: {  	s2 =	smul.u32 $0xE00, s12;
	_ =	sdelay $0x1  }
0xaa: {  	s2 =	sadd.s32 s7, s2  }
0xab: {  	s2 =	sshrl.u32 s2, $0x3  }
0xac: {  	s2 =	sadd.s32 s5, s2  }
0xad: {  	[tilespmem:s10], [sflag:$0x5] =	stream.linear.gather [hbm4b:s2+s10], $0xE00, $0x38;
	[tilespmem:$0x1FC00] =	vst v63  }
0xae: {  	_ =	swait.ge [sflag:s15], $0xE00  }
0xaf: {  	[sflag:s15] =	ssyncset.done $0x0  }
0xb0: {  	s2 =	sadd.s32 $0x18800, s2;
	[sflag:s15] =	ssyncadd.s32 $0xFFFFF200  }
0xb1: {  	[tilespmem:s16], [sflag:$0x5] =	stream.linear.gather [hbm4b:s2+s10], $0xE00, $0x38;
	[tilespmem:$0x1FC00] =	vst v63  }
0xb2: {  	_ =	swait.ge [sflag:s15], $0xE00  }
0xb3: {  	[sflag:s15] =	ssyncset.done $0x0  }
0xb4: {  	[sflag:s15] =	ssyncadd.s32 $0xFFFFF200  }
0xb5: {  	[tilespmem:s18], [sflag:$0x1] =	stream.indirect.gather [hbm4b:s11+s17], $0x20, s10, s17, $0xb8;
	[tilespmem:$0x1FC00] =	vst v63  }
0xb6: {  	_ = 	snop  }
0xb7: {  	[tilespmem:s19], [sflag:$0x2] =	stream.indirect.gather [hbm4b:s11+s17], $0x20, s17, s17, $0xb8;
	[tilespmem:$0x1FC00] =	vst v63  }
0xb8: {  	_ = 	snop  }
0xb9: {  	[tilespmem:s21], [sflag:$0x3] =	stream.indirect.gather [hbm4b:s11+s17], $0x20, s20, s17, $0xb8;
	[tilespmem:$0x1FC00] =	vst v63  }
0xba: {  	_ = 	snop  }
0xbb: {  	[tilespmem:s23], [sflag:$0x4] =	stream.indirect.gather [hbm4b:s11+s17], $0x20, s22, s17, $0xb8;
	[tilespmem:$0x1FC00] =	vst v63  }
0xbc: {  	_ =	swait.ge [sflag:s24], $0x1000  }
0xbd: {  	[sflag:s24] =	ssyncset.done $0x0  }
0xbe: {  	s13 =	simm.s32 $0xE00;
	[sflag:s24] =	ssyncadd.s32 $0xFFFFF000  }
0xbf: {  	[spmem:s1] =	stream.indirect.scatter.add.f32 [tilespmem:s18], [sflag:$0x5], $0x20, s13, s17, $0xb8;
	[tilespmem:$0x1FC00] =	vst v63  }
0xc0: {  	_ =	swait.ge [sflag:s15], $0x1000  }
0xc1: {  	[sflag:s15] =	ssyncset.done $0x0  }
0xc2: {  	s9 =	simm.s32 $0x200;
	[sflag:s15] =	ssyncadd.s32 $0xFFFFF000  }
0xc3: {  	[tilespmem:s18], [sflag:$0x1] =	stream.indirect.gather [hbm4b:s11+s17], $0x20, s9, s17, $0xb8;
	[tilespmem:$0x1FC00] =	vst v63  }
0xc4: {  	_ =	swait.ge [sflag:s25], $0x1000  }
0xc5: {  	[sflag:s25] =	ssyncset.done $0x0  }
0xc6: {  	s13 =	simm.s32 $0xE80;
	[sflag:s25] =	ssyncadd.s32 $0xFFFFF000  }
0xc7: {  	[spmem:s1] =	stream.indirect.scatter.add.f32 [tilespmem:s19], [sflag:$0x5], $0x20, s13, s17, $0xb8;
	[tilespmem:$0x1FC00] =	vst v63  }
0xc8: {  	_ =	swait.ge [sflag:s15], $0x1000  }
0xc9: {  	[sflag:s15] =	ssyncset.done $0x0  }
0xca: {  	s9 =	simm.s32 $0x280;
	[sflag:s15] =	ssyncadd.s32 $0xFFFFF000  }
0xcb: {  	[tilespmem:s19], [sflag:$0x2] =	stream.indirect.gather [hbm4b:s11+s17], $0x20, s9, s17, $0xb8;
	[tilespmem:$0x1FC00] =	vst v63  }
0xcc: {  	_ =	swait.ge [sflag:s26], $0x1000  }
0xcd: {  	[sflag:s26] =	ssyncset.done $0x0  }
0xce: {  	s13 =	simm.s32 $0xF00;
	[sflag:s26] =	ssyncadd.s32 $0xFFFFF000  }
0xcf: {  	[spmem:s1] =	stream.indirect.scatter.add.f32 [tilespmem:s21], [sflag:$0x5], $0x20, s13, s17, $0xb8;
	[tilespmem:$0x1FC00] =	vst v63  }
0xd0: {  	_ =	swait.ge [sflag:s15], $0x1000  }
0xd1: {  	[sflag:s15] =	ssyncset.done $0x0  }
0xd2: {  	s9 =	simm.s32 $0x300;
	[sflag:s15] =	ssyncadd.s32 $0xFFFFF000  }
0xd3: {  	[tilespmem:s21], [sflag:$0x3] =	stream.indirect.gather [hbm4b:s11+s17], $0x20, s9, s17, $0xb8;
	[tilespmem:$0x1FC00] =	vst v63  }
0xd4: {  	_ =	swait.ge [sflag:s28], $0x1000  }
0xd5: {  	[sflag:s28] =	ssyncset.done $0x0  }
0xd6: {  	s13 =	simm.s32 $0xF80;
	[sflag:s28] =	ssyncadd.s32 $0xFFFFF000  }
0xd7: {  	[spmem:s1] =	stream.indirect.scatter.add.f32 [tilespmem:s23], [sflag:$0x5], $0x20, s13, s17, $0xb8;
	[tilespmem:$0x1FC00] =	vst v63  }
0xd8: {  	_ =	swait.ge [sflag:s15], $0x1000  }
0xd9: {  	[sflag:s15] =	ssyncset.done $0x0  }
0xda: {  	s2 =	simm.s32 $0x380;
	s13 =	simm.s32 $0x800;
	[sflag:s15] =	ssyncadd.s32 $0xFFFFF000  }
.LBB2_13:
0xdb: {  	[tilespmem:s23], [sflag:$0x4] =	stream.indirect.gather [hbm4b:s11+s17], $0x20, s2, s17, $0xb8;
	[tilespmem:$0x1FC00] =	vst v63  }
0xdc: {  	s2 =	smov.u32 s13  }
0xdd: {  	p0 =	sne.s32 s13, $0x2800;
	s13 =	sadd.s32 $0x800, s13;
	_ =	swait.ge [sflag:s24], $0x1000  }
0xde: {  	s2 =	sshra.s32 s2, $0x2;
	[sflag:s24] =	ssyncset.done $0x0  }
0xdf: {  	s9 =	sadd.s32 $0xE00, s2;
	[sflag:s24] =	ssyncadd.s32 $0xFFFFF000  }
0xe0: {  	[spmem:s1] =	stream.indirect.scatter.add.f32 [tilespmem:s18], [sflag:$0x5], $0x20, s9, s17, $0xb8;
	[tilespmem:$0x1FC00] =	vst v63  }
0xe1: {  	_ =	swait.ge [sflag:s15], $0x1000  }
0xe2: {  	[sflag:s15] =	ssyncset.done $0x0  }
0xe3: {  	s9 =	sadd.s32 $0x200, s2;
	[sflag:s15] =	ssyncadd.s32 $0xFFFFF000  }
0xe4: {  	[tilespmem:s18], [sflag:$0x1] =	stream.indirect.gather [hbm4b:s11+s17], $0x20, s9, s17, $0xb8;
	[tilespmem:$0x1FC00] =	vst v63  }
0xe5: {  	_ =	swait.ge [sflag:s25], $0x1000  }
0xe6: {  	[sflag:s25] =	ssyncset.done $0x0  }
0xe7: {  	s9 =	sadd.s32 $0xE80, s2;
	[sflag:s25] =	ssyncadd.s32 $0xFFFFF000  }
0xe8: {  	[spmem:s1] =	stream.indirect.scatter.add.f32 [tilespmem:s19], [sflag:$0x5], $0x20, s9, s17, $0xb8;
	[tilespmem:$0x1FC00] =	vst v63  }
0xe9: {  	_ =	swait.ge [sflag:s15], $0x1000  }
0xea: {  	[sflag:s15] =	ssyncset.done $0x0  }
0xeb: {  	s9 =	sadd.s32 $0x280, s2;
	[sflag:s15] =	ssyncadd.s32 $0xFFFFF000  }
0xec: {  	[tilespmem:s19], [sflag:$0x2] =	stream.indirect.gather [hbm4b:s11+s17], $0x20, s9, s17, $0xb8;
	[tilespmem:$0x1FC00] =	vst v63  }
0xed: {  	_ =	swait.ge [sflag:s26], $0x1000  }
0xee: {  	[sflag:s26] =	ssyncset.done $0x0  }
0xef: {  	s9 =	sadd.s32 $0xF00, s2;
	[sflag:s26] =	ssyncadd.s32 $0xFFFFF000  }
0xf0: {  	[spmem:s1] =	stream.indirect.scatter.add.f32 [tilespmem:s21], [sflag:$0x5], $0x20, s9, s17, $0xb8;
	[tilespmem:$0x1FC00] =	vst v63  }
0xf1: {  	_ =	swait.ge [sflag:s15], $0x1000  }
0xf2: {  	[sflag:s15] =	ssyncset.done $0x0  }
0xf3: {  	s9 =	sadd.s32 $0x300, s2;
	[sflag:s15] =	ssyncadd.s32 $0xFFFFF000  }
0xf4: {  	[tilespmem:s21], [sflag:$0x3] =	stream.indirect.gather [hbm4b:s11+s17], $0x20, s9, s17, $0xb8;
	[tilespmem:$0x1FC00] =	vst v63  }
0xf5: {  	_ =	swait.ge [sflag:s28], $0x1000  }
0xf6: {  	[sflag:s28] =	ssyncset.done $0x0  }
.Ltmp5:
0xf7: {  	s9 =	sadd.s32 $0xF80, s2;
	[sflag:s28] =	ssyncadd.s32 $0xFFFFF000;
	(pc) =	sbr.rel @p0 .LBB2_13-.Ltmp5, $4  }
0xf8: {  	[spmem:s1] =	stream.indirect.scatter.add.f32 [tilespmem:s23], [sflag:$0x5], $0x20, s9, s17, $0xb8;
	[tilespmem:$0x1FC00] =	vst v63  }
0xf9: {  	_ =	swait.ge [sflag:s15], $0x1000  }
0xfa: {  	[sflag:s15] =	ssyncset.done $0x0  }
0xfb: {  	s2 =	sadd.s32 $0x380, s2;
	[sflag:s15] =	ssyncadd.s32 $0xFFFFF000  }
0xfc: {  	[tilespmem:s23], [sflag:$0x4] =	stream.indirect.gather [hbm4b:s11+s17], $0x20, s2, s17, $0xb8;
	[tilespmem:$0x1FC00] =	vst v63  }
0xfd: {  	_ =	swait.ge [sflag:s24], $0x1000  }
0xfe: {  	[sflag:s24] =	ssyncset.done $0x0  }
0xff: {  	[sflag:s24] =	ssyncadd.s32 $0xFFFFF000  }
0x100: {  	[spmem:s1] =	stream.indirect.scatter.add.f32 [tilespmem:s18], [sflag:$0x5], $0x20, s29, s17, $0xb8;
	[tilespmem:$0x1FC00] =	vst v63  }
0x101: {  	_ =	swait.ge [sflag:s15], $0x1000  }
0x102: {  	[sflag:s15] =	ssyncset.done $0x0  }
0x103: {  	[sflag:s15] =	ssyncadd.s32 $0xFFFFF000  }
0x104: {  	_ =	swait.ge [sflag:s25], $0x1000  }
0x105: {  	[sflag:s25] =	ssyncset.done $0x0  }
0x106: {  	[sflag:s25] =	ssyncadd.s32 $0xFFFFF000  }
0x107: {  	[spmem:s1] =	stream.indirect.scatter.add.f32 [tilespmem:s19], [sflag:$0x5], $0x20, s30, s17, $0xb8;
	[tilespmem:$0x1FC00] =	vst v63  }
0x108: {  	_ =	swait.ge [sflag:s15], $0x1000  }
0x109: {  	[sflag:s15] =	ssyncset.done $0x0  }
0x10a: {  	[sflag:s15] =	ssyncadd.s32 $0xFFFFF000  }
0x10b: {  	_ =	swait.ge [sflag:s26], $0x1000  }
0x10c: {  	[sflag:s26] =	ssyncset.done $0x0  }
0x10d: {  	[sflag:s26] =	ssyncadd.s32 $0xFFFFF000  }
0x10e: {  	[spmem:s1] =	stream.indirect.scatter.add.f32 [tilespmem:s21], [sflag:$0x5], $0x20, s31, s17, $0xb8;
	[tilespmem:$0x1FC00] =	vst v63  }
0x10f: {  	_ =	swait.ge [sflag:s15], $0x1000  }
0x110: {  	[sflag:s15] =	ssyncset.done $0x0  }
0x111: {  	[sflag:s15] =	ssyncadd.s32 $0xFFFFF000  }
0x112: {  	s12 =	sadd.s32 $0x1, s12;
	_ =	swait.ge [sflag:s28], $0x1000  }
0x113: {  	p0 =	sne.s32 s12, $0xE;
	[sflag:s28] =	ssyncset.done $0x0  }
.Ltmp6:
0x114: {  	[sflag:s28] =	ssyncadd.s32 $0xFFFFF000;
	(pc) =	sbr.rel @p0 .LBB2_12-.Ltmp6, $4  }
0x115: {  	[spmem:s1] =	stream.indirect.scatter.add.f32 [tilespmem:s23], [sflag:$0x5], $0x20, s0, s17, $0xb8;
	[tilespmem:$0x1FC00] =	vst v63  }
0x116: {  	_ =	swait.ge [sflag:s15], $0x1000  }
0x117: {  	[sflag:s15] =	ssyncset.done $0x0  }
0x118: {  	[sflag:s15] =	ssyncadd.s32 $0xFFFFF000  }
0x119: {  	[bflag:$0x0] =	sbarrier.arrive $0xFFFF  }
0x11a: {  	s2 =	rddreg [dreg:$0x5]  }
0x11b: {  	s9 =	rddreg [dreg:$0x7]  }
0x11c: {  	s10 =	rddreg [dreg:$0x8]  }
0x11d: {  	[hbm:s2], [sflag:s9] =	dma.local [spmem:s10], $0x3200  }
0x11e: {  	_ =	swait.ge [sflag:s15], $0x3200  }
0x11f: {  	s3 =	sadd.s32 $0x1, s3;
	s13 =	rddreg [dreg:$0x6]  }
0x120: {  	p0 =	sne.s32 s3, s13  }
.Ltmp7:
0x121: {  	_ = 	snop;
	(pc) =	sbr.rel @p0 .LBB2_1-.Ltmp7, $3  }
0x122: {  	[sflag:s15] =	ssyncset.done $0x0  }
0x123: {  	[sflag:s15] =	ssyncadd.s32 $0xFFFFCE00  }
0x124: {  	[bflag:$0x0] =	sbarrier.arrive $0xFFFF;
	_ =	sdelay $0x1  }
0x125: {  	_ =	sfence.sel $0x180000  }
0x126: {  	[bflag:$0x0] =	sbarrier.arrive $0xFFFF  }
0x127: {  	_ =	strace $0x9000004A  }
0x128: {  	s0 =	stileid.u32;
	[bflag:$0x2] =	sbarrier.arrive $0xFFFF  }
0x129: {  	p0 =	sne.s32 s0, $0x0;
	s0 =	rddreg [dreg:$0x2]  }
0x12a: {  	s0 =	sadd.s32 @!p0 $0x100000, s0  }
0x12b: {  	[sflag:s0] =	ssyncadd.tile.s32 @!p0 $0x1;
	_ =	shalt  }
.Lfunc_end2:
_tile_overlayer_lowered:
.L_overlay_start_2:
0x12c: {  	(tag) =	ssettag $0x2  }
0x12d: {  	s0 =	rddreg [dreg:$0x0];
	s2 =	stileid.u32  }
0x12e: {  	s1 =	rddreg [dreg:$0x1];
	p0 =	sne.s32 s2, $0x0  }
0x12f: {  	s3 =	rddreg [dreg:$0x2];
	[bflag:$0x3] =	sbarrier.arrive $0xFFFF;
	s2 =	simm.s32 @!p0 $0x1C05  }
0x130: {  	[timem:s3], [sflag:s2] =	dma.local @!p0 [hbm:s0], s1  }
0x131: {  	s0 =	simm.s32 @!p0 $0x5  }
0x132: {  	_ =	swait.ge @!p0 [sflag:s0], s1  }
0x133: {  	s1 =	ssub.s32 @!p0 $0x0, s1;
	[sflag:s0] =	ssyncset.done @!p0 $0x0  }
0x134: {  	[sflag:s0] =	ssyncadd.s32 @!p0 s1  }
0x135: {  	[bflag:$0x3] =	sbarrier.arrive $0xFFFF  }
0x136: {  	_ =	shalt  }

// kernel: kernel.8.cloned.1.call-start
scs
__scs_entry_jumppad:
0x0: {  	(pc) =	sbr.rel $0x88, $3  }
0x1: {  	(tag) =	ssettag $0x0;
	lr =	simm.s32 $0x1  }
0x2: {  	[smem:$0x3F89] =	sst lr;
	_ =	strace $0xD0000000  }
0x3: {  	_ = 	snop  }
0x4: {  	_ = 	snop  }
0x5: {  	_ = 	snop  }
0x6: {  	_ = 	snop  }
0x7: {  	_ = 	snop  }
__scs_overlays_trampoline_lowered:
0x8: {  	[smem:$0x3F98] =	sst s0  }
0x9: {  	[smem:$0x3F99] =	sst s1  }
0xa: {  	[smem:$0x3F9A] =	sst s2  }
0xb: {  	[smem:$0x3F9B] =	sst s3  }
0xc: {  	[smem:$0x3F9C] =	sst s4  }
0xd: {  	[smem:$0x3F9D] =	sst s5  }
0xe: {  	[smem:$0x3F9E] =	sst s6  }
0xf: {  	[smem:$0x3F9F] =	sst s7  }
0x10: {  	[smem:$0x3FA0] =	sst s8  }
0x11: {  	[smem:$0x3FA1] =	sst s9;
	s0 =	simm.s32 @!p0 $0x0  }
0x12: {  	s1 =	sld [smem:$0x3F87];
	s0 =	simm.s32 @p0 $0x1  }
0x13: {  	[smem:$0x3FA2] =	sst s0;
	s0 =	simm.s32 @!p1 $0x0  }
0x14: {  	s2 =	sld [smem:$0x3F86];
	s0 =	simm.s32 @p1 $0x1  }
0x15: {  	[smem:$0x3FA3] =	sst s0;
	s0 =	simm.s32 @!p2 $0x0  }
0x16: {  	s3 =	sld [smem:$0x3FDB];
	s0 =	simm.s32 @p2 $0x1  }
0x17: {  	s4 =	simm.s32 $0x1BF5;
	[smem:$0x3FA5] =	sst s0  }
0x18: {  	s0 =	sld [smem:$0x3F88];
	_ =	swait.ge [sflag:s4], $0x0  }
0x19: {  	s7 =	sld [smem:$0x3F89]  }
0x1a: {  	s8 =	sadd.s32 $0xFFFFE003, lr  }
0x1b: {  	s9 =	sadd.s32 $0xFFFFFEF7, lr;
	s5 =	simm.s32 $0xFFFFFFFF;
	p2 =	slt.u32 s8, $0xFFFFF086  }
0x1c: {  	p1 =	slt.u32 s9, $0xF7A;
	s5 =	simm.s32 @!p2 $0x0  }
0x1d: {  	s5 =	simm.s32 @p1 $0x1;
	p0 =	seq.s32 s7, s2  }
0x1e: {  	s7 =	smul.u32 @!p0 $0xF7A, s2;
	p2 =	seq.s32 @!p0 s5, $0x0  }
0x1f: {  	s9 =	smul.u32 $0xF7A, s1;
	s8 =	simm.s32 @!p0 $0x1BF5;
	p2 =	por !p2, p0  }
0x20: {  	[sflag:s8] =	ssyncset.s32 @!p0 $0xFFFFF086;
	s6 =	sadd.s32 @!p0 s3, s7;
	s7 =	simm.s32 @!p0 $0x108  }
0x21: {  	s3 =	sadd.s32 s3, s9;
	s6 =	sadd.s32 @!p0 $0x88, s6;
	s7 =	simm.s32 @p2 $0x1082  }
0x22: {  	[simem:s7], [sflag:s8] =	dma.local @!p0 [hbm:s6], $0xF7A  }
0x23: {  	s9 =	sor.u32 $0xD0000000, s2;
	s6 =	simm.s32 $0x108;
	_ =	swait.ge @!p0 [sflag:s8], $0x0  }
0x24: {  	s3 =	sadd.s32 $0x88, s3;
	s6 =	simm.s32 @!p1 $0x1082;
	[sflag:s4] =	ssyncset.s32 $0xFFFFF086  }
0x25: {  	[simem:s6], [sflag:s4] =	dma.local [hbm:s3], $0xF7A  }
0x26: {  	[smem:$0x3F89] =	sst s1;
	(tag) =	ssettag s2;
	_ =	strace s9  }
0x27: {  	s1 =	sld [smem:$0x3F99]  }
0x28: {  	s2 =	sld [smem:$0x3F9A]  }
0x29: {  	s4 =	sld [smem:$0x3F9C]  }
0x2a: {  	p0 =	seq.s32 s5, $0x0;
	s5 =	sld [smem:$0x3F9D]  }
0x2b: {  	s6 =	sld [smem:$0x3F9E]  }
0x2c: {  	s7 =	sld [smem:$0x3F9F]  }
0x2d: {  	s3 =	simm.s32 $0x108;
	s8 =	sld [smem:$0x3FA0]  }
0x2e: {  	s3 =	simm.s32 @!p0 $0x1082;
	s9 =	sld [smem:$0x3FA1]  }
0x2f: {  	lr =	sadd.s32 s0, s3;
	s0 =	sld [smem:$0x3F98]  }
0x30: {  	s3 =	sld [smem:$0x3F9B]  }
0x31: {  	[smem:$0x3FA4] =	sst s10  }
0x32: {  	s10 =	sld [smem:$0x3FA2];
	_ =	sdelay $0x3  }
0x33: {  	p0 =	seq.s32 s10, $0x1;
	s10 =	sld [smem:$0x3FA4];
	_ =	sdelay $0x3  }
0x34: {  	[smem:$0x3FA4] =	sst s10  }
0x35: {  	s10 =	sld [smem:$0x3FA3];
	_ =	sdelay $0x3  }
0x36: {  	p1 =	seq.s32 s10, $0x1;
	s10 =	sld [smem:$0x3FA4];
	_ =	sdelay $0x3  }
0x37: {  	[smem:$0x3FA4] =	sst s10  }
0x38: {  	s10 =	sld [smem:$0x3FA5]  }
0x39: {  	_ = 	snop;
	(pc) =	sbr.ind lr, $3  }
0x3a: {  	_ = 	snop  }
0x3b: {  	_ = 	snop  }
0x3c: {  	p2 =	seq.s32 s10, $0x1;
	s10 =	sld [smem:$0x3FA4]  }
0x3d: {  	_ =	shalt  }
0x3e: {  	_ =	shalt  }
0x3f: {  	_ =	shalt  }
0x40: {  	_ =	shalt  }
0x41: {  	_ =	shalt  }
0x42: {  	_ =	shalt  }
0x43: {  	_ =	shalt  }
0x44: {  	_ =	shalt  }
0x45: {  	_ =	shalt  }
0x46: {  	_ =	shalt  }
0x47: {  	_ =	shalt  }
0x48: {  	_ =	shalt  }
0x49: {  	_ =	shalt  }
0x4a: {  	_ =	shalt  }
0x4b: {  	_ =	shalt  }
0x4c: {  	_ =	shalt  }
0x4d: {  	_ =	shalt  }
0x4e: {  	_ =	shalt  }
0x4f: {  	_ =	shalt  }
0x50: {  	_ =	shalt  }
0x51: {  	_ =	shalt  }
0x52: {  	_ =	shalt  }
0x53: {  	_ =	shalt  }
0x54: {  	_ =	shalt  }
0x55: {  	_ =	shalt  }
0x56: {  	_ =	shalt  }
0x57: {  	_ =	shalt  }
0x58: {  	_ =	shalt  }
0x59: {  	_ =	shalt  }
0x5a: {  	_ =	shalt  }
0x5b: {  	_ =	shalt  }
0x5c: {  	_ =	shalt  }
0x5d: {  	_ =	shalt  }
0x5e: {  	_ =	shalt  }
0x5f: {  	_ =	shalt  }
0x60: {  	_ =	shalt  }
0x61: {  	_ =	shalt  }
0x62: {  	_ =	shalt  }
0x63: {  	_ =	shalt  }
0x64: {  	_ =	shalt  }
0x65: {  	_ =	shalt  }
0x66: {  	_ =	shalt  }
0x67: {  	_ =	shalt  }
0x68: {  	_ =	shalt  }
0x69: {  	_ =	shalt  }
0x6a: {  	_ =	shalt  }
0x6b: {  	_ =	shalt  }
0x6c: {  	_ =	shalt  }
0x6d: {  	_ =	shalt  }
0x6e: {  	_ =	shalt  }
0x6f: {  	_ =	shalt  }
0x70: {  	_ =	shalt  }
0x71: {  	_ =	shalt  }
0x72: {  	_ =	shalt  }
0x73: {  	_ =	shalt  }
0x74: {  	_ =	shalt  }
0x75: {  	_ =	shalt  }
0x76: {  	_ =	shalt  }
0x77: {  	_ =	shalt  }
0x78: {  	_ =	shalt  }
0x79: {  	_ =	shalt  }
0x7a: {  	_ =	shalt  }
0x7b: {  	_ =	shalt  }
0x7c: {  	_ =	shalt  }
0x7d: {  	_ =	shalt  }
0x7e: {  	_ =	shalt  }
0x7f: {  	_ =	shalt  }
0x80: {  	_ =	shalt  }
0x81: {  	_ =	shalt  }
0x82: {  	_ =	shalt  }
0x83: {  	_ =	shalt  }
0x84: {  	_ =	shalt  }
0x85: {  	_ =	shalt  }
0x86: {  	_ =	shalt  }
0x87: {  	_ =	shalt  }
.Lfunc_end0:
.L_simem_size_0:
called_computation_lowered:
.L_overlay_start_0:
0x88: {  	s2 =	sld [smem:$0x3FD9]  }
0x89: {  	s3 =	sld [smem:$0x3FFE];
	_ =	sdelay $0x1  }
0x8a: {  	s1 =	srdreg.scid  }
0x8b: {  	s0 =	sand.u32 $0x1, s1  }
0x8c: {  	s16 =	sshll.u32 s0, $0xA;
	s2 =	sadd.s32 s3, s2  }
0x8d: {  	s2 =	sadd.s32 s2, s16  }
0x8e: {  	[smem:$0x3FB0] =	sst s2  }
0x8f: {  	_ = 	snop  }
0x90: {  	(tm) =	ssettm $0x1  }
0x91: {  	s17 =	sld [smem:$0x3FFB];
	_ =	sdelay $0x3  }
0x92: {  	_ =	strace s17  }
0x93: {  	s2 =	sld [smem:$0x3FFC];
	_ =	sdelay $0x3  }
0x94: {  	_ =	strace s2  }
0x95: {  	s2 =	sld [smem:$0x3FFD];
	_ =	sdelay $0x3  }
0x96: {  	_ =	strace s2  }
0x97: {  	_ =	strace $0x8FFFFFFF  }
0x98: {  	s18 =	sld [smem:$0x3FDB];
	_ =	sdelay $0x1  }
0x99: {  	s19 =	simm.s32 $_scs_section_size  }
0x9a: {  	s4 =	simm.s32 $_size__tile_overlayer_lowered;
	s5 =	simm.s32 $_tile_overlayer_lowered  }
0x9b: {  	s22 =	simm.s32 $0x1BFF;
	s21 =	sshll.u32 s5, $0x1;
	s2 =	sadd.s32 s19, s18  }
0x9c: {  	s6 =	simm.s32 $0x0;
	s20 =	sshll.u32 s4, $0x1;
	s4 =	sadd.s32 s21, s2  }
0x9d: {  	[timem:s6], [sflag:s22] =	dma.local [hbm:s4], s20  }
0x9e: {  	_ =	swait.ge [sflag:s22], s20  }
0x9f: {  	s3 =	ssub.s32 $0x0, s20;
	[sflag:s22] =	ssyncset.done $0x0  }
0xa0: {  	[sflag:s22] =	ssyncadd.s32 s3;
	_ =	sdelay $0x1  }
0xa1: {  	s23 =	simm.s32 $0x1B8B  }
0xa2: {  	_ =	swait.ge [sflag:s23], $0x1  }
0xa3: {  	[sflag:s23] =	ssyncset.done $0x0  }
0xa4: {  	s25 =	simm.s32 $0x1B8E;
	s24 =	sld [smem:$0x3FFE];
	[sflag:s23] =	ssyncadd.s32 $0xFFFFFFFF  }
0xa5: {  	s26 =	simm.s32 $execute0_lowered;
	[smem:$0x3FD2] =	sst s25  }
0xa6: {  	s4 =	sshll.u32 s26, $0x1;
	_ =	strace $0x80000046;
	[dreg:$0x1] =	wrdreg $0xFFFFFFFF  }
0xa7: {  	s28 =	simm.s32 $_size_execute0_lowered;
	s2 =	sadd.s32 s2, s4;
	[dreg:$0x0] =	wrdreg $0x0  }
0xa8: {  	s4 =	sshll.u32 s28, $0x1;
	[dreg:$0x2] =	wrdreg s2  }
0xa9: {  	[dreg:$0x3] =	wrdreg s4  }
0xaa: {  	[dreg:$0x4] =	wrdreg $0xC0  }
0xab: {  	_ =	task [dreg:s6], $0x5FFFF  }
0xac: {  	[dreg:$0x1] =	wrdreg $0xFFFFFFFF  }
0xad: {  	[dreg:$0x0] =	wrdreg $0x60  }
0xae: {  	[dreg:$0x2] =	wrdreg s24  }
0xaf: {  	[dreg:$0x3] =	wrdreg $0x6C000  }
0xb0: {  	[dreg:$0x4] =	wrdreg $0x9  }
0xb1: {  	_ =	task.clear_ibuf [dreg:s6], $0x5FFFF;
	_ =	strace $0x90000046  }
0xb2: {  	s29 =	simm.s32 $0x9;
	_ =	strace $0x80000048  }
0xb3: {  	_ =	swait.ge [sflag:s29], $0x1  }
0xb4: {  	[sflag:s29] =	ssyncadd.s32 $0xFFFFFFFF  }
0xb5: {  	_ =	strace $0x90000048  }
0xb6: {  	_ =	sfence  }
0xb7: {  	s30 =	sld [smem:$0x0];
	_ =	sdelay $0x2  }
0xb8: {  	s31 =	sshll.u32 s1, $0xD;
	s1 =	sshrl.u32 s1, $0x2  }
0xb9: {  	s3 =	sand.u32 $0x4000, s31;
	s1 =	sadd.s32 s1, s30  }
0xba: {  	s0 =	sor.u32 s3, s0;
	s1 =	sshll.u32 s1, $0x11  }
0xbb: {  	s0 =	sor.u32 s1, s0  }
0xbc: {  	s0 =	sadd.s32 $0x8F2B, s0  }
0xbd: {  	[sflag:s0] =	ssyncadd.remote.s32 $0x1  }
0xbe: {  	_ =	sfence.sel $0xFFFF  }
0xbf: {  	[dreg:$0x0] =	wrdreg $0xFFFFFFFF;
	(pc) =	sbr.abs _section_cstart, $3  }
0xc0: {  	[dreg:$0x1] =	wrdreg $0xFFFFFFFF  }
0xc1: {  	_ =	task.clear_ibuf [dreg:s6], $0x2FFFF;
	_ =	strace $0x9FFFFFFF  }
0xc2: {  	(tm) =	ssettm $0x7FFFFFFF  }
0xc3: {  	_ =	shalt  }
tec
execute0_lowered:
.L_overlay_start_1:
0x0: {  	(tag) =	ssettag $0x1  }
0x1: {  	s0 =	rddreg [dreg:$0x0]  }
0x2: {  	s2 =	srdreg.scid;
	s1 =	rddreg [dreg:$0x1];
	s3 =	simm.s32 $0x0  }
0x3: {  	s8 =	stileid.u32;
	s14 =	simm.s32 $0x5C00;
	s15 =	simm.s32 $0x5  }
0x4: {  	s16 =	simm.s32 $0xE00;
	s17 =	simm.s32 $0x80;
	s18 =	simm.s32 $0x1C00  }
0x5: {  	s19 =	simm.s32 $0x2C00;
	s20 =	simm.s32 $0x100;
	s21 =	simm.s32 $0x3C00  }
0x6: {  	s22 =	simm.s32 $0x180;
	s23 =	simm.s32 $0x4C00;
	s24 =	simm.s32 $0x1  }
0x7: {  	s28 =	simm.s32 $0x4;
	s29 =	simm.s32 $0x1A00;
	s9 =	smul.u32 $0x19000, s8  }
0x8: {  	s30 =	simm.s32 $0x1A80;
	s2 =	sand.u32 $0x1, s2;
	s7 =	smul.u32 $0x64000, s8  }
0x9: {  	s31 =	simm.s32 $0x1B00;
	[smem:$0x7FF] =	sst s3;
	s4 =	smul.u32 $0x30D40, s2  }
0xa: {  	s5 =	smul.u32 $0x190000, s2;
	_ =	strace $0x80000047;
	s2 =	ssub.s32 $0x2, s2  }
0xb: {  	s25 =	sshrl.u32 s2, $0x1;
	s7 =	sshrl.u32 s7, $0x2;
	s10 =	sadd.s32 s4, s0  }
0xc: {  	s4 =	sadd.s32 $0x406400, s0;
	s6 =	sadd.s32 s9, s5;
	s5 =	sadd.s32 $0x3D5400, s0  }
0xd: {  	s2 =	ssub.s32 s2, s25;
	s9 =	sadd.s32 s9, s1;
	s25 =	simm.s32 $0x2  }
0xe: {  	s6 =	sshrl.u32 s6, $0x3;
	[dreg:$0x4] =	wrdreg s9;
	s26 =	smax.u32 s2, $0x1  }
0xf: {  	s0 =	sadd.s32 s6, s0;
	s6 =	sadd.s32 s7, s1;
	s7 =	smul.u32 $0xC400, s8  }
0x10: {  	s8 =	sadd.s32 $0x373800, s10;
	[dreg:$0x6] =	wrdreg s26;
	s11 =	sadd.s32 $0x49B400, s0  }
0x11: {  	s26 =	simm.s32 $0x3;
	s0 =	sadd.s32 $0x437400, s0;
	[dreg:$0x3] =	wrdreg s11  }
0x12: {  	v0 =	vimm.f32 $0.0e+00;
	s11 =	sadd.s32 $0x311C00, s10;
	[dreg:$0x5] =	wrdreg s0;
	s0 =	simm.s32 $0x1B80  }
.LBB2_1:
0x13: {  	s2 =	simm.s32 $0x0  }
.LBB2_2:
0x14: {  	p0 =	sne.s32 s2, $0x3F80  }
.Ltmp0:
0x15: {  	_ = 	snop;
	(pc) =	sbr.rel @p0 .LBB2_2-.Ltmp0, $4  }
0x16: {  	_ = 	snop  }
0x17: {  	s9 =	sshra.s32 s2, $0x2  }
0x18: {  	[tilespmem:s9+$0x5C00] =	vst v0  }
0x19: {  	s2 =	sadd.s32 $0x80, s2;
	[tilespmem:s9+$0x5C10] =	vst v0  }
0x1a: {  	s2 =	sadd.s32 $0x0, s6  }
0x1b: {  	[spmem:s2] =	stream.linear.scatter [tilespmem:s14], [sflag:$0x5], $0x1000, $0x38;
	[tilespmem:$0x1FC00] =	vst v63  }
0x1c: {  	s2 =	simm.s32 $0x4000;
	_ =	swait.ge [sflag:s15], $0x1000  }
.LBB2_4:
0x1d: {  	s9 =	sshra.s32 s2, $0x2;
	[sflag:s15] =	ssyncset.done $0x0;
	p0 =	sne.s32 s2, $0x60000  }
.Ltmp1:
0x1e: {  	s9 =	sadd.s32 s9, s6;
	[sflag:s15] =	ssyncadd.s32 $0xFFFFF000;
	(pc) =	sbr.rel @p0 .LBB2_4-.Ltmp1, $3  }
0x1f: {  	[spmem:s9] =	stream.linear.scatter [tilespmem:s14], [sflag:$0x5], $0x1000, $0x38;
	[tilespmem:$0x1FC00] =	vst v63  }
0x20: {  	s2 =	sadd.s32 $0x4000, s2;
	_ =	sdelay $0x1  }
0x21: {  	_ =	swait.ge [sflag:s15], $0x1000  }
0x22: {  	[sflag:s15] =	ssyncset.done $0x0  }
0x23: {  	[sflag:s15] =	ssyncadd.s32 $0xFFFFF000  }
0x24: {  	s2 =	simm.s32 $0x0;
	s9 =	simm.s32 $0x0;
	[bflag:$0x0] =	sbarrier.arrive $0xFFFF  }
.LBB2_6:
0x25: {  	s10 =	smul.u32 $0xE00, s9;
	_ =	sdelay $0x1  }
0x26: {  	s10 =	sadd.s32 s7, s10  }
0x27: {  	s10 =	sshrl.u32 s10, $0x3  }
0x28: {  	s10 =	sadd.s32 s4, s10  }
0x29: {  	[tilespmem:s2], [sflag:$0x5] =	stream.linear.gather [hbm4b:s10+s2], $0xE00, $0x38;
	[tilespmem:$0x1FC00] =	vst v63  }
0x2a: {  	_ =	swait.ge [sflag:s15], $0xE00  }
0x2b: {  	[sflag:s15] =	ssyncset.done $0x0  }
0x2c: {  	s10 =	sadd.s32 $0x18800, s10;
	[sflag:s15] =	ssyncadd.s32 $0xFFFFF200  }
0x2d: {  	[tilespmem:s16], [sflag:$0x5] =	stream.linear.gather [hbm4b:s10+s2], $0xE00, $0x38;
	[tilespmem:$0x1FC00] =	vst v63  }
0x2e: {  	_ =	swait.ge [sflag:s15], $0xE00  }
0x2f: {  	[sflag:s15] =	ssyncset.done $0x0  }
0x30: {  	[sflag:s15] =	ssyncadd.s32 $0xFFFFF200  }
0x31: {  	[tilespmem:s18], [sflag:$0x1] =	stream.indirect.gather [hbm4b:s8+s17], $0x20, s2, s17, $0xb8;
	[tilespmem:$0x1FC00] =	vst v63  }
0x32: {  	_ = 	snop  }
0x33: {  	[tilespmem:s19], [sflag:$0x2] =	stream.indirect.gather [hbm4b:s8+s17], $0x20, s17, s17, $0xb8;
	[tilespmem:$0x1FC00] =	vst v63  }
0x34: {  	_ = 	snop  }
0x35: {  	[tilespmem:s21], [sflag:$0x3] =	stream.indirect.gather [hbm4b:s8+s17], $0x20, s20, s17, $0xb8;
	[tilespmem:$0x1FC00] =	vst v63  }
0x36: {  	_ = 	snop  }
0x37: {  	[tilespmem:s23], [sflag:$0x4] =	stream.indirect.gather [hbm4b:s8+s17], $0x20, s22, s17, $0xb8;
	[tilespmem:$0x1FC00] =	vst v63  }
0x38: {  	_ =	swait.ge [sflag:s24], $0x1000  }
0x39: {  	[sflag:s24] =	ssyncset.done $0x0  }
0x3a: {  	s13 =	simm.s32 $0xE00;
	[sflag:s24] =	ssyncadd.s32 $0xFFFFF000  }
0x3b: {  	[spmem:s1] =	stream.indirect.scatter.add.f32 [tilespmem:s18], [sflag:$0x5], $0x20, s13, s17, $0xb8;
	[tilespmem:$0x1FC00] =	vst v63  }
0x3c: {  	_ =	swait.ge [sflag:s15], $0x1000  }
0x3d: {  	[sflag:s15] =	ssyncset.done $0x0  }
0x3e: {  	s12 =	simm.s32 $0x200;
	[sflag:s15] =	ssyncadd.s32 $0xFFFFF000  }
0x3f: {  	[tilespmem:s18], [sflag:$0x1] =	stream.indirect.gather [hbm4b:s8+s17], $0x20, s12, s17, $0xb8;
	[tilespmem:$0x1FC00] =	vst v63  }
0x40: {  	_ =	swait.ge [sflag:s25], $0x1000  }
0x41: {  	[sflag:s25] =	ssyncset.done $0x0  }
0x42: {  	s13 =	simm.s32 $0xE80;
	[sflag:s25] =	ssyncadd.s32 $0xFFFFF000  }
0x43: {  	[spmem:s1] =	stream.indirect.scatter.add.f32 [tilespmem:s19], [sflag:$0x5], $0x20, s13, s17, $0xb8;
	[tilespmem:$0x1FC00] =	vst v63  }
0x44: {  	_ =	swait.ge [sflag:s15], $0x1000  }
0x45: {  	[sflag:s15] =	ssyncset.done $0x0  }
0x46: {  	s12 =	simm.s32 $0x280;
	[sflag:s15] =	ssyncadd.s32 $0xFFFFF000  }
0x47: {  	[tilespmem:s19], [sflag:$0x2] =	stream.indirect.gather [hbm4b:s8+s17], $0x20, s12, s17, $0xb8;
	[tilespmem:$0x1FC00] =	vst v63  }
0x48: {  	_ =	swait.ge [sflag:s26], $0x1000  }
0x49: {  	[sflag:s26] =	ssyncset.done $0x0  }
0x4a: {  	s13 =	simm.s32 $0xF00;
	[sflag:s26] =	ssyncadd.s32 $0xFFFFF000  }
0x4b: {  	[spmem:s1] =	stream.indirect.scatter.add.f32 [tilespmem:s21], [sflag:$0x5], $0x20, s13, s17, $0xb8;
	[tilespmem:$0x1FC00] =	vst v63  }
0x4c: {  	_ =	swait.ge [sflag:s15], $0x1000  }
0x4d: {  	[sflag:s15] =	ssyncset.done $0x0  }
0x4e: {  	s12 =	simm.s32 $0x300;
	[sflag:s15] =	ssyncadd.s32 $0xFFFFF000  }
0x4f: {  	[tilespmem:s21], [sflag:$0x3] =	stream.indirect.gather [hbm4b:s8+s17], $0x20, s12, s17, $0xb8;
	[tilespmem:$0x1FC00] =	vst v63  }
0x50: {  	_ =	swait.ge [sflag:s28], $0x1000  }
0x51: {  	[sflag:s28] =	ssyncset.done $0x0  }
0x52: {  	s13 =	simm.s32 $0xF80;
	[sflag:s28] =	ssyncadd.s32 $0xFFFFF000  }
0x53: {  	[spmem:s1] =	stream.indirect.scatter.add.f32 [tilespmem:s23], [sflag:$0x5], $0x20, s13, s17, $0xb8;
	[tilespmem:$0x1FC00] =	vst v63  }
0x54: {  	_ =	swait.ge [sflag:s15], $0x1000  }
0x55: {  	[sflag:s15] =	ssyncset.done $0x0  }
0x56: {  	s10 =	simm.s32 $0x800;
	s12 =	simm.s32 $0x380;
	[sflag:s15] =	ssyncadd.s32 $0xFFFFF000  }
.LBB2_7:
0x57: {  	[tilespmem:s23], [sflag:$0x4] =	stream.indirect.gather [hbm4b:s8+s17], $0x20, s12, s17, $0xb8;
	[tilespmem:$0x1FC00] =	vst v63  }
0x58: {  	s12 =	smov.u32 s10  }
0x59: {  	p0 =	sne.s32 s10, $0x2800;
	s10 =	sadd.s32 $0x800, s10;
	_ =	swait.ge [sflag:s24], $0x1000  }
0x5a: {  	s12 =	sshra.s32 s12, $0x2;
	[sflag:s24] =	ssyncset.done $0x0  }
0x5b: {  	s13 =	sadd.s32 $0xE00, s12;
	[sflag:s24] =	ssyncadd.s32 $0xFFFFF000  }
0x5c: {  	[spmem:s1] =	stream.indirect.scatter.add.f32 [tilespmem:s18], [sflag:$0x5], $0x20, s13, s17, $0xb8;
	[tilespmem:$0x1FC00] =	vst v63  }
0x5d: {  	_ =	swait.ge [sflag:s15], $0x1000  }
0x5e: {  	[sflag:s15] =	ssyncset.done $0x0  }
0x5f: {  	s13 =	sadd.s32 $0x200, s12;
	[sflag:s15] =	ssyncadd.s32 $0xFFFFF000  }
0x60: {  	[tilespmem:s18], [sflag:$0x1] =	stream.indirect.gather [hbm4b:s8+s17], $0x20, s13, s17, $0xb8;
	[tilespmem:$0x1FC00] =	vst v63  }
0x61: {  	_ =	swait.ge [sflag:s25], $0x1000  }
0x62: {  	[sflag:s25] =	ssyncset.done $0x0  }
0x63: {  	s13 =	sadd.s32 $0xE80, s12;
	[sflag:s25] =	ssyncadd.s32 $0xFFFFF000  }
0x64: {  	[spmem:s1] =	stream.indirect.scatter.add.f32 [tilespmem:s19], [sflag:$0x5], $0x20, s13, s17, $0xb8;
	[tilespmem:$0x1FC00] =	vst v63  }
0x65: {  	_ =	swait.ge [sflag:s15], $0x1000  }
0x66: {  	[sflag:s15] =	ssyncset.done $0x0  }
0x67: {  	s13 =	sadd.s32 $0x280, s12;
	[sflag:s15] =	ssyncadd.s32 $0xFFFFF000  }
0x68: {  	[tilespmem:s19], [sflag:$0x2] =	stream.indirect.gather [hbm4b:s8+s17], $0x20, s13, s17, $0xb8;
	[tilespmem:$0x1FC00] =	vst v63  }
0x69: {  	_ =	swait.ge [sflag:s26], $0x1000  }
0x6a: {  	[sflag:s26] =	ssyncset.done $0x0  }
0x6b: {  	s13 =	sadd.s32 $0xF00, s12;
	[sflag:s26] =	ssyncadd.s32 $0xFFFFF000  }
0x6c: {  	[spmem:s1] =	stream.indirect.scatter.add.f32 [tilespmem:s21], [sflag:$0x5], $0x20, s13, s17, $0xb8;
	[tilespmem:$0x1FC00] =	vst v63  }
0x6d: {  	_ =	swait.ge [sflag:s15], $0x1000  }
0x6e: {  	[sflag:s15] =	ssyncset.done $0x0  }
0x6f: {  	s13 =	sadd.s32 $0x300, s12;
	[sflag:s15] =	ssyncadd.s32 $0xFFFFF000  }
0x70: {  	[tilespmem:s21], [sflag:$0x3] =	stream.indirect.gather [hbm4b:s8+s17], $0x20, s13, s17, $0xb8;
	[tilespmem:$0x1FC00] =	vst v63  }
0x71: {  	_ =	swait.ge [sflag:s28], $0x1000  }
0x72: {  	[sflag:s28] =	ssyncset.done $0x0  }
.Ltmp2:
0x73: {  	s13 =	sadd.s32 $0xF80, s12;
	[sflag:s28] =	ssyncadd.s32 $0xFFFFF000;
	(pc) =	sbr.rel @p0 .LBB2_7-.Ltmp2, $4  }
0x74: {  	[spmem:s1] =	stream.indirect.scatter.add.f32 [tilespmem:s23], [sflag:$0x5], $0x20, s13, s17, $0xb8;
	[tilespmem:$0x1FC00] =	vst v63  }
0x75: {  	_ =	swait.ge [sflag:s15], $0x1000  }
0x76: {  	[sflag:s15] =	ssyncset.done $0x0  }
0x77: {  	s12 =	sadd.s32 $0x380, s12;
	[sflag:s15] =	ssyncadd.s32 $0xFFFFF000  }
0x78: {  	[tilespmem:s23], [sflag:$0x4] =	stream.indirect.gather [hbm4b:s8+s17], $0x20, s12, s17, $0xb8;
	[tilespmem:$0x1FC00] =	vst v63  }
0x79: {  	_ =	swait.ge [sflag:s24], $0x1000  }
0x7a: {  	[sflag:s24] =	ssyncset.done $0x0  }
0x7b: {  	[sflag:s24] =	ssyncadd.s32 $0xFFFFF000  }
0x7c: {  	[spmem:s1] =	stream.indirect.scatter.add.f32 [tilespmem:s18], [sflag:$0x5], $0x20, s29, s17, $0xb8;
	[tilespmem:$0x1FC00] =	vst v63  }
0x7d: {  	_ =	swait.ge [sflag:s15], $0x1000  }
0x7e: {  	[sflag:s15] =	ssyncset.done $0x0  }
0x7f: {  	[sflag:s15] =	ssyncadd.s32 $0xFFFFF000  }
0x80: {  	_ =	swait.ge [sflag:s25], $0x1000  }
0x81: {  	[sflag:s25] =	ssyncset.done $0x0  }
0x82: {  	[sflag:s25] =	ssyncadd.s32 $0xFFFFF000  }
0x83: {  	[spmem:s1] =	stream.indirect.scatter.add.f32 [tilespmem:s19], [sflag:$0x5], $0x20, s30, s17, $0xb8;
	[tilespmem:$0x1FC00] =	vst v63  }
0x84: {  	_ =	swait.ge [sflag:s15], $0x1000  }
0x85: {  	[sflag:s15] =	ssyncset.done $0x0  }
0x86: {  	[sflag:s15] =	ssyncadd.s32 $0xFFFFF000  }
0x87: {  	_ =	swait.ge [sflag:s26], $0x1000  }
0x88: {  	[sflag:s26] =	ssyncset.done $0x0  }
0x89: {  	[sflag:s26] =	ssyncadd.s32 $0xFFFFF000  }
0x8a: {  	[spmem:s1] =	stream.indirect.scatter.add.f32 [tilespmem:s21], [sflag:$0x5], $0x20, s31, s17, $0xb8;
	[tilespmem:$0x1FC00] =	vst v63  }
0x8b: {  	_ =	swait.ge [sflag:s15], $0x1000  }
0x8c: {  	[sflag:s15] =	ssyncset.done $0x0  }
0x8d: {  	[sflag:s15] =	ssyncadd.s32 $0xFFFFF000  }
0x8e: {  	s9 =	sadd.s32 $0x1, s9;
	_ =	swait.ge [sflag:s28], $0x1000  }
0x8f: {  	p0 =	sne.s32 s9, $0xE;
	[sflag:s28] =	ssyncset.done $0x0  }
.Ltmp3:
0x90: {  	[sflag:s28] =	ssyncadd.s32 $0xFFFFF000;
	(pc) =	sbr.rel @p0 .LBB2_6-.Ltmp3, $4  }
0x91: {  	[spmem:s1] =	stream.indirect.scatter.add.f32 [tilespmem:s23], [sflag:$0x5], $0x20, s0, s17, $0xb8;
	[tilespmem:$0x1FC00] =	vst v63  }
0x92: {  	_ =	swait.ge [sflag:s15], $0x1000  }
0x93: {  	[sflag:s15] =	ssyncset.done $0x0  }
0x94: {  	[sflag:s15] =	ssyncadd.s32 $0xFFFFF000  }
0x95: {  	s2 =	stileid.u32;
	[bflag:$0x0] =	sbarrier.arrive $0xFFFF  }
0x96: {  	s2 =	sshll.u32 s2, $0x6;
	s10 =	rddreg [dreg:$0x4]  }
0x97: {  	s12 =	rddreg [dreg:$0x3];
	s9 =	sor.u32 $0x1C05, s2  }
0x98: {  	s10 =	sshrl.u32 s10, $0x3;
	[dreg:$0x7] =	wrdreg s9  }
0x99: {  	[dreg:$0x8] =	wrdreg s10  }
0x9a: {  	[hbm:s12], [sflag:s9] =	dma.local [spmem:s10], $0x3200  }
0x9b: {  	_ =	swait.ge [sflag:s15], $0x3200  }
0x9c: {  	[sflag:s15] =	ssyncset.done $0x0  }
0x9d: {  	[sflag:s15] =	ssyncadd.s32 $0xFFFFCE00  }
0x9e: {  	s13 =	sadd.s32 $0x0, s6;
	[bflag:$0x0] =	sbarrier.arrive $0xFFFF  }
0x9f: {  	[spmem:s13] =	stream.linear.scatter [tilespmem:s14], [sflag:$0x5], $0x1000, $0x38;
	[tilespmem:$0x1FC00] =	vst v63  }
0xa0: {  	s2 =	simm.s32 $0x4000;
	_ =	swait.ge [sflag:s15], $0x1000  }
.LBB2_10:
0xa1: {  	s10 =	sshra.s32 s2, $0x2;
	[sflag:s15] =	ssyncset.done $0x0;
	p0 =	sne.s32 s2, $0x60000  }
.Ltmp4:
0xa2: {  	s10 =	sadd.s32 s10, s6;
	[sflag:s15] =	ssyncadd.s32 $0xFFFFF000;
	(pc) =	sbr.rel @p0 .LBB2_10-.Ltmp4, $3  }
0xa3: {  	[spmem:s10] =	stream.linear.scatter [tilespmem:s14], [sflag:$0x5], $0x1000, $0x38;
	[tilespmem:$0x1FC00] =	vst v63  }
0xa4: {  	s2 =	sadd.s32 $0x4000, s2;
	_ =	sdelay $0x1  }
0xa5: {  	_ =	swait.ge [sflag:s15], $0x1000  }
0xa6: {  	[sflag:s15] =	ssyncset.done $0x0  }
0xa7: {  	[sflag:s15] =	ssyncadd.s32 $0xFFFFF000  }
0xa8: {  	s10 =	simm.s32 $0x0;
	s12 =	simm.s32 $0x0;
	[bflag:$0x0] =	sbarrier.arrive $0xFFFF  }
.LBB2_12:
0xa9: {  	s2 =	smul.u32 $0xE00, s12;
	_ =	sdelay $0x1  }
0xaa: {  	s2 =	sadd.s32 s7, s2  }
0xab: {  	s2 =	sshrl.u32 s2, $0x3  }
0xac: {  	s2 =	sadd.s32 s5, s2  }
0xad: {  	[tilespmem:s10], [sflag:$0x5] =	stream.linear.gather [hbm4b:s2+s10], $0xE00, $0x38;
	[tilespmem:$0x1FC00] =	vst v63  }
0xae: {  	_ =	swait.ge [sflag:s15], $0xE00  }
0xaf: {  	[sflag:s15] =	ssyncset.done $0x0  }
0xb0: {  	s2 =	sadd.s32 $0x18800, s2;
	[sflag:s15] =	ssyncadd.s32 $0xFFFFF200  }
0xb1: {  	[tilespmem:s16], [sflag:$0x5] =	stream.linear.gather [hbm4b:s2+s10], $0xE00, $0x38;
	[tilespmem:$0x1FC00] =	vst v63  }
0xb2: {  	_ =	swait.ge [sflag:s15], $0xE00  }
0xb3: {  	[sflag:s15] =	ssyncset.done $0x0  }
0xb4: {  	[sflag:s15] =	ssyncadd.s32 $0xFFFFF200  }
0xb5: {  	[tilespmem:s18], [sflag:$0x1] =	stream.indirect.gather [hbm4b:s11+s17], $0x20, s10, s17, $0xb8;
	[tilespmem:$0x1FC00] =	vst v63  }
0xb6: {  	_ = 	snop  }
0xb7: {  	[tilespmem:s19], [sflag:$0x2] =	stream.indirect.gather [hbm4b:s11+s17], $0x20, s17, s17, $0xb8;
	[tilespmem:$0x1FC00] =	vst v63  }
0xb8: {  	_ = 	snop  }
0xb9: {  	[tilespmem:s21], [sflag:$0x3] =	stream.indirect.gather [hbm4b:s11+s17], $0x20, s20, s17, $0xb8;
	[tilespmem:$0x1FC00] =	vst v63  }
0xba: {  	_ = 	snop  }
0xbb: {  	[tilespmem:s23], [sflag:$0x4] =	stream.indirect.gather [hbm4b:s11+s17], $0x20, s22, s17, $0xb8;
	[tilespmem:$0x1FC00] =	vst v63  }
0xbc: {  	_ =	swait.ge [sflag:s24], $0x1000  }
0xbd: {  	[sflag:s24] =	ssyncset.done $0x0  }
0xbe: {  	s13 =	simm.s32 $0xE00;
	[sflag:s24] =	ssyncadd.s32 $0xFFFFF000  }
0xbf: {  	[spmem:s1] =	stream.indirect.scatter.add.f32 [tilespmem:s18], [sflag:$0x5], $0x20, s13, s17, $0xb8;
	[tilespmem:$0x1FC00] =	vst v63  }
0xc0: {  	_ =	swait.ge [sflag:s15], $0x1000  }
0xc1: {  	[sflag:s15] =	ssyncset.done $0x0  }
0xc2: {  	s9 =	simm.s32 $0x200;
	[sflag:s15] =	ssyncadd.s32 $0xFFFFF000  }
0xc3: {  	[tilespmem:s18], [sflag:$0x1] =	stream.indirect.gather [hbm4b:s11+s17], $0x20, s9, s17, $0xb8;
	[tilespmem:$0x1FC00] =	vst v63  }
0xc4: {  	_ =	swait.ge [sflag:s25], $0x1000  }
0xc5: {  	[sflag:s25] =	ssyncset.done $0x0  }
0xc6: {  	s13 =	simm.s32 $0xE80;
	[sflag:s25] =	ssyncadd.s32 $0xFFFFF000  }
0xc7: {  	[spmem:s1] =	stream.indirect.scatter.add.f32 [tilespmem:s19], [sflag:$0x5], $0x20, s13, s17, $0xb8;
	[tilespmem:$0x1FC00] =	vst v63  }
0xc8: {  	_ =	swait.ge [sflag:s15], $0x1000  }
0xc9: {  	[sflag:s15] =	ssyncset.done $0x0  }
0xca: {  	s9 =	simm.s32 $0x280;
	[sflag:s15] =	ssyncadd.s32 $0xFFFFF000  }
0xcb: {  	[tilespmem:s19], [sflag:$0x2] =	stream.indirect.gather [hbm4b:s11+s17], $0x20, s9, s17, $0xb8;
	[tilespmem:$0x1FC00] =	vst v63  }
0xcc: {  	_ =	swait.ge [sflag:s26], $0x1000  }
0xcd: {  	[sflag:s26] =	ssyncset.done $0x0  }
0xce: {  	s13 =	simm.s32 $0xF00;
	[sflag:s26] =	ssyncadd.s32 $0xFFFFF000  }
0xcf: {  	[spmem:s1] =	stream.indirect.scatter.add.f32 [tilespmem:s21], [sflag:$0x5], $0x20, s13, s17, $0xb8;
	[tilespmem:$0x1FC00] =	vst v63  }
0xd0: {  	_ =	swait.ge [sflag:s15], $0x1000  }
0xd1: {  	[sflag:s15] =	ssyncset.done $0x0  }
0xd2: {  	s9 =	simm.s32 $0x300;
	[sflag:s15] =	ssyncadd.s32 $0xFFFFF000  }
0xd3: {  	[tilespmem:s21], [sflag:$0x3] =	stream.indirect.gather [hbm4b:s11+s17], $0x20, s9, s17, $0xb8;
	[tilespmem:$0x1FC00] =	vst v63  }
0xd4: {  	_ =	swait.ge [sflag:s28], $0x1000  }
0xd5: {  	[sflag:s28] =	ssyncset.done $0x0  }
0xd6: {  	s13 =	simm.s32 $0xF80;
	[sflag:s28] =	ssyncadd.s32 $0xFFFFF000  }
0xd7: {  	[spmem:s1] =	stream.indirect.scatter.add.f32 [tilespmem:s23], [sflag:$0x5], $0x20, s13, s17, $0xb8;
	[tilespmem:$0x1FC00] =	vst v63  }
0xd8: {  	_ =	swait.ge [sflag:s15], $0x1000  }
0xd9: {  	[sflag:s15] =	ssyncset.done $0x0  }
0xda: {  	s2 =	simm.s32 $0x380;
	s13 =	simm.s32 $0x800;
	[sflag:s15] =	ssyncadd.s32 $0xFFFFF000  }
.LBB2_13:
0xdb: {  	[tilespmem:s23], [sflag:$0x4] =	stream.indirect.gather [hbm4b:s11+s17], $0x20, s2, s17, $0xb8;
	[tilespmem:$0x1FC00] =	vst v63  }
0xdc: {  	s2 =	smov.u32 s13  }
0xdd: {  	p0 =	sne.s32 s13, $0x2800;
	s13 =	sadd.s32 $0x800, s13;
	_ =	swait.ge [sflag:s24], $0x1000  }
0xde: {  	s2 =	sshra.s32 s2, $0x2;
	[sflag:s24] =	ssyncset.done $0x0  }
0xdf: {  	s9 =	sadd.s32 $0xE00, s2;
	[sflag:s24] =	ssyncadd.s32 $0xFFFFF000  }
0xe0: {  	[spmem:s1] =	stream.indirect.scatter.add.f32 [tilespmem:s18], [sflag:$0x5], $0x20, s9, s17, $0xb8;
	[tilespmem:$0x1FC00] =	vst v63  }
0xe1: {  	_ =	swait.ge [sflag:s15], $0x1000  }
0xe2: {  	[sflag:s15] =	ssyncset.done $0x0  }
0xe3: {  	s9 =	sadd.s32 $0x200, s2;
	[sflag:s15] =	ssyncadd.s32 $0xFFFFF000  }
0xe4: {  	[tilespmem:s18], [sflag:$0x1] =	stream.indirect.gather [hbm4b:s11+s17], $0x20, s9, s17, $0xb8;
	[tilespmem:$0x1FC00] =	vst v63  }
0xe5: {  	_ =	swait.ge [sflag:s25], $0x1000  }
0xe6: {  	[sflag:s25] =	ssyncset.done $0x0  }
0xe7: {  	s9 =	sadd.s32 $0xE80, s2;
	[sflag:s25] =	ssyncadd.s32 $0xFFFFF000  }
0xe8: {  	[spmem:s1] =	stream.indirect.scatter.add.f32 [tilespmem:s19], [sflag:$0x5], $0x20, s9, s17, $0xb8;
	[tilespmem:$0x1FC00] =	vst v63  }
0xe9: {  	_ =	swait.ge [sflag:s15], $0x1000  }
0xea: {  	[sflag:s15] =	ssyncset.done $0x0  }
0xeb: {  	s9 =	sadd.s32 $0x280, s2;
	[sflag:s15] =	ssyncadd.s32 $0xFFFFF000  }
0xec: {  	[tilespmem:s19], [sflag:$0x2] =	stream.indirect.gather [hbm4b:s11+s17], $0x20, s9, s17, $0xb8;
	[tilespmem:$0x1FC00] =	vst v63  }
0xed: {  	_ =	swait.ge [sflag:s26], $0x1000  }
0xee: {  	[sflag:s26] =	ssyncset.done $0x0  }
0xef: {  	s9 =	sadd.s32 $0xF00, s2;
	[sflag:s26] =	ssyncadd.s32 $0xFFFFF000  }
0xf0: {  	[spmem:s1] =	stream.indirect.scatter.add.f32 [tilespmem:s21], [sflag:$0x5], $0x20, s9, s17, $0xb8;
	[tilespmem:$0x1FC00] =	vst v63  }
0xf1: {  	_ =	swait.ge [sflag:s15], $0x1000  }
0xf2: {  	[sflag:s15] =	ssyncset.done $0x0  }
0xf3: {  	s9 =	sadd.s32 $0x300, s2;
	[sflag:s15] =	ssyncadd.s32 $0xFFFFF000  }
0xf4: {  	[tilespmem:s21], [sflag:$0x3] =	stream.indirect.gather [hbm4b:s11+s17], $0x20, s9, s17, $0xb8;
	[tilespmem:$0x1FC00] =	vst v63  }
0xf5: {  	_ =	swait.ge [sflag:s28], $0x1000  }
0xf6: {  	[sflag:s28] =	ssyncset.done $0x0  }
.Ltmp5:
0xf7: {  	s9 =	sadd.s32 $0xF80, s2;
	[sflag:s28] =	ssyncadd.s32 $0xFFFFF000;
	(pc) =	sbr.rel @p0 .LBB2_13-.Ltmp5, $4  }
0xf8: {  	[spmem:s1] =	stream.indirect.scatter.add.f32 [tilespmem:s23], [sflag:$0x5], $0x20, s9, s17, $0xb8;
	[tilespmem:$0x1FC00] =	vst v63  }
0xf9: {  	_ =	swait.ge [sflag:s15], $0x1000  }
0xfa: {  	[sflag:s15] =	ssyncset.done $0x0  }
0xfb: {  	s2 =	sadd.s32 $0x380, s2;
	[sflag:s15] =	ssyncadd.s32 $0xFFFFF000  }
0xfc: {  	[tilespmem:s23], [sflag:$0x4] =	stream.indirect.gather [hbm4b:s11+s17], $0x20, s2, s17, $0xb8;
	[tilespmem:$0x1FC00] =	vst v63  }
0xfd: {  	_ =	swait.ge [sflag:s24], $0x1000  }
0xfe: {  	[sflag:s24] =	ssyncset.done $0x0  }
0xff: {  	[sflag:s24] =	ssyncadd.s32 $0xFFFFF000  }
0x100: {  	[spmem:s1] =	stream.indirect.scatter.add.f32 [tilespmem:s18], [sflag:$0x5], $0x20, s29, s17, $0xb8;
	[tilespmem:$0x1FC00] =	vst v63  }
0x101: {  	_ =	swait.ge [sflag:s15], $0x1000  }
0x102: {  	[sflag:s15] =	ssyncset.done $0x0  }
0x103: {  	[sflag:s15] =	ssyncadd.s32 $0xFFFFF000  }
0x104: {  	_ =	swait.ge [sflag:s25], $0x1000  }
0x105: {  	[sflag:s25] =	ssyncset.done $0x0  }
0x106: {  	[sflag:s25] =	ssyncadd.s32 $0xFFFFF000  }
0x107: {  	[spmem:s1] =	stream.indirect.scatter.add.f32 [tilespmem:s19], [sflag:$0x5], $0x20, s30, s17, $0xb8;
	[tilespmem:$0x1FC00] =	vst v63  }
0x108: {  	_ =	swait.ge [sflag:s15], $0x1000  }
0x109: {  	[sflag:s15] =	ssyncset.done $0x0  }
0x10a: {  	[sflag:s15] =	ssyncadd.s32 $0xFFFFF000  }
0x10b: {  	_ =	swait.ge [sflag:s26], $0x1000  }
0x10c: {  	[sflag:s26] =	ssyncset.done $0x0  }
0x10d: {  	[sflag:s26] =	ssyncadd.s32 $0xFFFFF000  }
0x10e: {  	[spmem:s1] =	stream.indirect.scatter.add.f32 [tilespmem:s21], [sflag:$0x5], $0x20, s31, s17, $0xb8;
	[tilespmem:$0x1FC00] =	vst v63  }
0x10f: {  	_ =	swait.ge [sflag:s15], $0x1000  }
0x110: {  	[sflag:s15] =	ssyncset.done $0x0  }
0x111: {  	[sflag:s15] =	ssyncadd.s32 $0xFFFFF000  }
0x112: {  	s12 =	sadd.s32 $0x1, s12;
	_ =	swait.ge [sflag:s28], $0x1000  }
0x113: {  	p0 =	sne.s32 s12, $0xE;
	[sflag:s28] =	ssyncset.done $0x0  }
.Ltmp6:
0x114: {  	[sflag:s28] =	ssyncadd.s32 $0xFFFFF000;
	(pc) =	sbr.rel @p0 .LBB2_12-.Ltmp6, $4  }
0x115: {  	[spmem:s1] =	stream.indirect.scatter.add.f32 [tilespmem:s23], [sflag:$0x5], $0x20, s0, s17, $0xb8;
	[tilespmem:$0x1FC00] =	vst v63  }
0x116: {  	_ =	swait.ge [sflag:s15], $0x1000  }
0x117: {  	[sflag:s15] =	ssyncset.done $0x0  }
0x118: {  	[sflag:s15] =	ssyncadd.s32 $0xFFFFF000  }
0x119: {  	[bflag:$0x0] =	sbarrier.arrive $0xFFFF  }
0x11a: {  	s2 =	rddreg [dreg:$0x5]  }
0x11b: {  	s9 =	rddreg [dreg:$0x7]  }
0x11c: {  	s10 =	rddreg [dreg:$0x8]  }
0x11d: {  	[hbm:s2], [sflag:s9] =	dma.local [spmem:s10], $0x3200  }
0x11e: {  	_ =	swait.ge [sflag:s15], $0x3200  }
0x11f: {  	s3 =	sadd.s32 $0x1, s3;
	s13 =	rddreg [dreg:$0x6]  }
0x120: {  	p0 =	sne.s32 s3, s13  }
.Ltmp7:
0x121: {  	_ = 	snop;
	(pc) =	sbr.rel @p0 .LBB2_1-.Ltmp7, $3  }
0x122: {  	[sflag:s15] =	ssyncset.done $0x0  }
0x123: {  	[sflag:s15] =	ssyncadd.s32 $0xFFFFCE00  }
0x124: {  	[bflag:$0x0] =	sbarrier.arrive $0xFFFF;
	_ =	sdelay $0x1  }
0x125: {  	_ =	sfence.sel $0x180000  }
0x126: {  	[bflag:$0x0] =	sbarrier.arrive $0xFFFF  }
0x127: {  	_ =	strace $0x90000047  }
0x128: {  	s0 =	stileid.u32;
	[bflag:$0x2] =	sbarrier.arrive $0xFFFF  }
0x129: {  	p0 =	sne.s32 s0, $0x0;
	s0 =	rddreg [dreg:$0x2]  }
0x12a: {  	s0 =	sadd.s32 @!p0 $0x100000, s0  }
0x12b: {  	[sflag:s0] =	ssyncadd.tile.s32 @!p0 $0x1;
	_ =	shalt  }
.Lfunc_end2:
_tile_overlayer_lowered:
.L_overlay_start_2:
0x12c: {  	(tag) =	ssettag $0x2  }
0x12d: {  	s0 =	rddreg [dreg:$0x0];
	s2 =	stileid.u32  }
0x12e: {  	s1 =	rddreg [dreg:$0x1];
	p0 =	sne.s32 s2, $0x0  }
0x12f: {  	s3 =	rddreg [dreg:$0x2];
	[bflag:$0x3] =	sbarrier.arrive $0xFFFF;
	s2 =	simm.s32 @!p0 $0x1C05  }
0x130: {  	[timem:s3], [sflag:s2] =	dma.local @!p0 [hbm:s0], s1  }
0x131: {  	s0 =	simm.s32 @!p0 $0x5  }
0x132: {  	_ =	swait.ge @!p0 [sflag:s0], s1  }
0x133: {  	s1 =	ssub.s32 @!p0 $0x0, s1;
	[sflag:s0] =	ssyncset.done @!p0 $0x0  }
0x134: {  	[sflag:s0] =	ssyncadd.s32 @!p0 s1  }
0x135: {  	[bflag:$0x3] =	sbarrier.arrive $0xFFFF  }
0x136: {  	_ =	shalt  }

</sc_bundles>
